<compile_context>
chip_gen: v7x
topology: tpu7x:2x2x1
jax: 0.10.2.dev20260603
libtpu: 0.0.44.dev20260713+nightly
codegen_flags: <defaults>
</compile_context>

<pallas_src>
import functools

import jax
import jax.numpy as jnp
from jax import lax
from jax.experimental import pallas as pl
from jax.experimental.pallas import tpu as pltpu
from jax.experimental.pallas import tpu_sc as plsc

N = 100000
E = 6400000
IN_DIM = 4
HID = 64
OUT = 128
G = 128

NC = 2
NS = 16
NW = NC * NS
DP = 8
OPW = 128
OPS = E // OPW
R = 16
OPS_W = 1568
OPS_LAST = OPS - 31 * OPS_W
RPT = 6256
NP = RPT * NS


def _edge_agg(x, edges, zeros):
    mesh = plsc.VectorSubcoreMesh(core_axis_name="c", subcore_axis_name="s")

    @functools.partial(
        pl.kernel,
        mesh=mesh,
        compiler_params=pltpu.CompilerParams(use_tc_tiling_on_sc=False),
        out_type=jax.ShapeDtypeStruct((NC, NP, DP), jnp.float32),
        scratch_types=[
            pltpu.VMEM((2, R, OPW), jnp.int32),
            pltpu.VMEM((2, R, OPW), jnp.int32),
            pltpu.VMEM((2, R, OPW, DP), jnp.float32),
            pltpu.VMEM_SHARED((NP, DP), jnp.float32),
            pltpu.SemaphoreType.DMA,
            pltpu.SemaphoreType.DMA,
            pltpu.SemaphoreType.DMA,
        ],
    )
    def k(x_hbm, edges_hbm, z_hbm, out_hbm, sidx, didx, rows, agg_sh,
          semi, semg, sems):
        cid = lax.axis_index("c")
        sid = lax.axis_index("s")
        wid = sid * NC + cid
        pltpu.sync_copy(
            z_hbm.at[pl.ds(sid * RPT, RPT)],
            agg_sh.at[pl.ds(sid * RPT, RPT)],
        )
        plsc.subcore_barrier()

        wop0 = wid * OPS_W
        nchunks = jnp.where(wid == NW - 1, OPS_LAST // R, OPS_W // R)

        def drain(buf_b, sem):
            for r in range(R):
                pltpu.make_async_copy(
                    z_hbm.at[pl.ds(0, OPW)], rows.at[buf_b, r], sem,
                ).wait()

        def fire_gathers(b, c):
            cop = wop0 + c * R
            i1 = pltpu.async_copy(edges_hbm.at[0, pl.ds(cop, R)],
                                  sidx.at[b], semi)
            i2 = pltpu.async_copy(edges_hbm.at[1, pl.ds(cop, R)],
                                  didx.at[b], semi)
            i1.wait()
            i2.wait()
            for r in range(R):
                pltpu.async_copy(x_hbm.at[sidx.at[b, r]], rows.at[b, r], semg)

        def fire_scatters(b):
            for r in range(R):
                pltpu.async_copy(rows.at[b, r], agg_sh.at[didx.at[b, r]],
                                 sems, add=True)

        def body(c, carry):
            b = lax.rem(c, 2)
            pb = 1 - b

            @pl.when(c >= 2)
            def _():
                drain(b, sems)

            @pl.when(c >= 1)
            def _():
                drain(pb, semg)
                fire_scatters(pb)

            fire_gathers(b, c)
            return carry

        lax.fori_loop(0, nchunks, body, 0)
        lb = lax.rem(nchunks - 1, 2)

        @pl.when(nchunks >= 2)
        def _():
            drain(1 - lb, sems)
        drain(lb, semg)
        fire_scatters(lb)
        drain(lb, sems)
        plsc.subcore_barrier()
        pltpu.sync_copy(
            agg_sh.at[pl.ds(sid * RPT, RPT)],
            out_hbm.at[cid, pl.ds(sid * RPT, RPT)],
        )

    return k(x, edges, zeros)


BN = 2000
STEPS = N // BN


def _mlp_pool_body(x_r, a0_r, a1_r, b_r, w1_r, b1_r, w2_r, b2_r, w3_r, b3_r,
                   out_r, acc_r):
    i = pl.program_id(0)

    @pl.when(i == 0)
    def _():
        acc_r[...] = jnp.zeros_like(acc_r)

    z = x_r[...] + a0_r[0][:, :IN_DIM] + a1_r[0][:, :IN_DIM]
    h = jnp.maximum(jnp.dot(z, w1_r[...], preferred_element_type=jnp.float32)
                    + b1_r[...], 0.0)
    h = jnp.dot(h, w2_r[...], preferred_element_type=jnp.float32) + b2_r[...]
    bb = b_r[0, 0, :]
    onehot = (bb[:, None] == lax.broadcasted_iota(jnp.int32, (BN, G), 1)
              ).astype(jnp.float32)
    hc = jnp.concatenate([h, jnp.ones((BN, 1), jnp.float32)], axis=1)
    acc_r[...] += lax.dot_general(onehot, hc, (((0,), (0,)), ((), ())),
                                  preferred_element_type=jnp.float32)

    @pl.when(i == STEPS - 1)
    def _():
        acc = acc_r[...]
        cnt = jnp.clip(acc[:, HID:HID + 1], 1.0, None)
        pooled = acc[:, :HID] / cnt
        out_r[...] = (jnp.dot(pooled, w3_r[...],
                              preferred_element_type=jnp.float32) + b3_r[...])


def _mlp_pool(x, partials, batch3, W1, b1, W2, b2, W3, b3):
    return pl.pallas_call(
        _mlp_pool_body,
        grid=(STEPS,),
        in_specs=[
            pl.BlockSpec((BN, IN_DIM), lambda i: (i, 0)),
            pl.BlockSpec((1, BN, DP), lambda i: (0, i, 0)),
            pl.BlockSpec((1, BN, DP), lambda i: (1, i, 0)),
            pl.BlockSpec((1, 1, BN), lambda i: (i, 0, 0)),
            pl.BlockSpec((IN_DIM, HID), lambda i: (0, 0)),
            pl.BlockSpec((1, HID), lambda i: (0, 0)),
            pl.BlockSpec((HID, HID), lambda i: (0, 0)),
            pl.BlockSpec((1, HID), lambda i: (0, 0)),
            pl.BlockSpec((HID, OUT), lambda i: (0, 0)),
            pl.BlockSpec((1, OUT), lambda i: (0, 0)),
        ],
        out_specs=pl.BlockSpec((G, OUT), lambda i: (0, 0)),
        out_shape=jax.ShapeDtypeStruct((G, OUT), jnp.float32),
        scratch_shapes=[pltpu.VMEM((G, HID + 1), jnp.float32)],
    )(x, partials, partials, batch3, W1, b1[None], W2, b2[None], W3, b3[None])


def kernel(x, edge_index, batch, W1, b1, W2, b2, W3, b3):
    edges = edge_index.reshape(2, OPS, OPW)
    x16 = jnp.pad(x, ((0, 0), (0, DP - IN_DIM)))
    zeros = jnp.zeros((NP, DP), jnp.float32)
    partials = _edge_agg(x16, edges, zeros)
    batch3 = batch.reshape(STEPS, 1, BN)
    return _mlp_pool(x, partials, batch3, W1, b1, W2, b2, W3, b3)

# --- scband reference (transcript-rebuilt; emitter-appended) ---
"""Pipeline reference for scband-graph-encoder-8297876816596 (READ-ONLY COPY).

The authoritative reference and input builder live on the scoring server;
editing this copy changes nothing except your own understanding.
"""

import jax, jax.numpy as jnp
import numpy as np

N = 100000
E = 6400000
IN_DIM = 4
HID = 64
OUT = 128
NUM_GRAPHS = 128


def setup_inputs(seed: int = 0) -> dict:
    key = jax.random.key(seed)
    ks = jax.random.split(key, 9)
    x = jax.random.normal(ks[0], (N, IN_DIM), dtype=jnp.float32)
    edge_index = jax.random.randint(ks[1], (2, E), 0, N, dtype=jnp.int32)
    batch = jnp.sort(jax.random.randint(ks[2], (N,), 0, NUM_GRAPHS, dtype=jnp.int32))
    # GIN MLP params: Linear(in, hid) -> ReLU -> Linear(hid, hid)
    W1 = jax.random.normal(ks[3], (IN_DIM, HID), dtype=jnp.float32) * (1.0 / np.sqrt(IN_DIM))
    b1 = jnp.zeros((HID,), dtype=jnp.float32)
    W2 = jax.random.normal(ks[4], (HID, HID), dtype=jnp.float32) * (1.0 / np.sqrt(HID))
    b2 = jnp.zeros((HID,), dtype=jnp.float32)
    # final projection Linear(hid, out)
    W3 = jax.random.normal(ks[5], (HID, OUT), dtype=jnp.float32) * (1.0 / np.sqrt(HID))
    b3 = jnp.zeros((OUT,), dtype=jnp.float32)
    return {"x": x, "edge_index": edge_index, "batch": batch,
            "W1": W1, "b1": b1, "W2": W2, "b2": b2, "W3": W3, "b3": b3}


def reference(x, edge_index, batch, W1, b1, W2, b2, W3, b3):
    # GINConv (eps=0, train_eps=False): out_i = MLP((1+eps)*x_i + sum_{j in N(i)} x_j)
    src = edge_index[0]
    dst = edge_index[1]
    msgs = jnp.take(x, src, axis=0)
    agg = jax.ops.segment_sum(msgs, dst, num_segments=N)
    z = x + agg  # eps = 0
    h = jnp.maximum(z @ W1 + b1, 0.0) @ W2 + b2
    # global_mean_pool over graph ids
    sums = jax.ops.segment_sum(h, batch, num_segments=NUM_GRAPHS)
    counts = jax.ops.segment_sum(jnp.ones((N, 1), dtype=h.dtype), batch, num_segments=NUM_GRAPHS)
    pooled = sums / jnp.clip(counts, 1.0, None)
    return pooled @ W3 + b3

if __name__ == "__main__":
    import jax
    _d = setup_inputs()
    print(jax.jit(kernel)(*tuple(_d.values())))

</pallas_src>

<mosaic_0001>
#map = affine_map<(d0, d1) -> (0, 0)>
#map1 = affine_map<(d0, d1) -> (0, 0, 0)>
module attributes {stable_mosaic.version = 14 : i64} {
  func.func @k(%arg0: i32, %arg1: i32, %arg2: memref<100000x8xf32, #tpu.memory_space<hbm>>, %arg3: memref<2x50000x128xi32, #tpu.memory_space<hbm>>, %arg4: memref<100096x8xf32, #tpu.memory_space<hbm>>, %arg5: memref<2x100096x8xf32, #tpu.memory_space<hbm>>, %arg6: memref<2x16x128xi32, #tpu.memory_space<vmem>>, %arg7: memref<2x16x128xi32, #tpu.memory_space<vmem>>, %arg8: memref<2x16x128x8xf32, #tpu.memory_space<vmem>>, %arg9: memref<100096x8xf32, #tpu.memory_space<vmem_shared>>, %arg10: memref<!tpu.dma_semaphore, #tpu.memory_space<semaphore_mem>>, %arg11: memref<!tpu.dma_semaphore, #tpu.memory_space<semaphore_mem>>, %arg12: memref<!tpu.dma_semaphore, #tpu.memory_space<semaphore_mem>>) attributes {dimension_semantics = [#tpu.dimension_semantics<core_parallel>, #tpu.dimension_semantics<subcore_parallel>], iteration_bounds = array<i64: 2, 16>, scalar_prefetch = 0 : i64, scratch_operands = 7 : i64, tpu.core_type = #tpu.core_type<sc_vector_subcore>, window_params = [{transform_indices = #map}, {transform_indices = #map1}, {transform_indices = #map}, {transform_indices = #map1}]} {
    %mul3A = arith.constant 2 : i32
    %mul3A_0 = arith.muli %arg1, %mul3A : i32
    %add3A = arith.addi %mul3A_0, %arg0 : i32
    %mul3A_1 = arith.constant 6256 : i32
    %mul3A_2 = arith.muli %arg1, %mul3A_1 : i32
    %mul3A_3 = arith.constant 6256 : i32
    %mul3A_4 = arith.muli %arg1, %mul3A_3 : i32
    "tpu.region"() ({
      %run_scoped3A = tpu.sem_alloc : memref<!tpu.dma_semaphore, #tpu.memory_space<semaphore_mem>>
      %dma_start3A_697 = arith.constant 0 : i32
      %dma_start3A_698 = tpu.memref_slice %arg9[%mul3A_4, %dma_start3A_697] : memref<100096x8xf32, #tpu.memory_space<vmem_shared>> -> memref<6256x8xf32, #tpu.memory_space<vmem_shared>>
      %dma_start3A_699 = arith.constant 0 : i32
      %dma_start3A_700 = tpu.memref_slice %arg4[%mul3A_2, %dma_start3A_699] : memref<100096x8xf32, #tpu.memory_space<hbm>> -> memref<6256x8xf32, #tpu.memory_space<hbm>>
      tpu.enqueue_dma source(%dma_start3A_700 : memref<6256x8xf32, #tpu.memory_space<hbm>>) target(%dma_start3A_698 : memref<6256x8xf32, #tpu.memory_space<vmem_shared>>) target_semaphore(%run_scoped3A : memref<!tpu.dma_semaphore, #tpu.memory_space<semaphore_mem>>)
      %dma_wait3A_701 = arith.constant 0 : i32
      %dma_wait3A_702 = tpu.memref_slice %arg9[%mul3A_4, %dma_wait3A_701] : memref<100096x8xf32, #tpu.memory_space<vmem_shared>> -> memref<6256x8xf32, #tpu.memory_space<vmem_shared>>
      %dma_wait3A_703 = arith.constant 0 : i32
      %dma_wait3A_704 = tpu.memref_slice %arg4[%mul3A_2, %dma_wait3A_703] : memref<100096x8xf32, #tpu.memory_space<hbm>> -> memref<6256x8xf32, #tpu.memory_space<hbm>>
      tpu.wait_dma2 semaphore(%run_scoped3A : memref<!tpu.dma_semaphore, #tpu.memory_space<semaphore_mem>>) src(%dma_wait3A_704 : memref<6256x8xf32, #tpu.memory_space<hbm>>) dst(%dma_wait3A_702 : memref<6256x8xf32, #tpu.memory_space<vmem_shared>>)
      tpu.yield
    }) : () -> ()
    %barrier3A = arith.constant 0 : index
    tpu.barrier barrier_id(%barrier3A)
    %mul3A_5 = arith.constant 1568 : i32
    %mul3A_6 = arith.muli %add3A, %mul3A_5 : i32
    %eq3A = arith.constant 31 : i32
    %eq3A_7 = arith.cmpi eq, %add3A, %eq3A : i32
    %jit3A = arith.constant 87 : i32
    %jit3A_8 = arith.constant 98 : i32
    %select_n3A = arith.select %eq3A_7, %jit3A, %jit3A_8 : i32
    %while3A = arith.constant 0 : i32
    %while3A_9 = arith.constant 0 : i32
    %while3A_10 = arith.subi %select_n3A, %while3A_9 : i32
    %while3A_11 = arith.addi %while3A_9, %while3A_10 : i32
    %while3A_12 = arith.constant 1 : i32
    %while3A_13 = arith.divsi %while3A_10, %while3A_12 : i32
    %while3A_14 = arith.muli %while3A_13, %while3A_12 : i32
    %while3A_15 = arith.addi %while3A_9, %while3A_14 : i32
    %while3A_16 = arith.constant 1 : i32
    scf.for %while3A_697 = %while3A_9 to %while3A_15 step %while3A_16  : i32 {
      %rem3A_698 = arith.constant 2 : i32
      %rem3A_699 = arith.remsi %while3A_697, %rem3A_698 : i32
      %sub3A_700 = arith.constant 1 : i32
      %sub3A_701 = arith.subi %sub3A_700, %rem3A_699 : i32
      %ge3A_702 = arith.constant 2 : i32
      %ge3A_703 = arith.cmpi sge, %while3A_697, %ge3A_702 : i32
      %convert_element_type3A_704 = arith.extui %ge3A_703 : i1 to i32
      %cond3A_705 = arith.constant 0 : i32
      %cond3A_706 = arith.cmpi ne, %convert_element_type3A_704, %cond3A_705 : i32
      scf.if %cond3A_706 {
        %dma_wait3A_967 = arith.constant 0 : i32
        %dma_wait3A_968 = arith.constant 0 : i32
        %dma_wait3A_969 = arith.constant 0 : i32
        %dma_wait3A_970 = tpu.memref_slice %arg8[%rem3A_699, %dma_wait3A_967, %dma_wait3A_968, %dma_wait3A_969] : memref<2x16x128x8xf32, #tpu.memory_space<vmem>> -> memref<1x1x128x8xf32, #tpu.memory_space<vmem>>
        %dma_wait3A_971 = tpu.memref_squeeze %dma_wait3A_970 : memref<1x1x128x8xf32, #tpu.memory_space<vmem>> -> memref<128x8xf32, #tpu.memory_space<vmem>>
        %dma_wait3A_972 = arith.constant 0 : i32
        %dma_wait3A_973 = arith.constant 0 : i32
        %dma_wait3A_974 = tpu.memref_slice %arg4[%dma_wait3A_972, %dma_wait3A_973] : memref<100096x8xf32, #tpu.memory_space<hbm>> -> memref<128x8xf32, #tpu.memory_space<hbm>>
        %dma_wait3A_975 = arith.constant 0 : i32
        %dma_wait3A_976 = arith.constant 0 : i32
        %dma_wait3A_977 = tpu.memref_slice %arg8[%rem3A_699, %dma_wait3A_967, %dma_wait3A_975, %dma_wait3A_976] : memref<2x16x128x8xf32, #tpu.memory_space<vmem>> -> memref<1x1x128x8xf32, #tpu.memory_space<vmem>>
        %dma_wait3A_978 = tpu.memref_squeeze %dma_wait3A_977 : memref<1x1x128x8xf32, #tpu.memory_space<vmem>> -> memref<128x8xf32, #tpu.memory_space<vmem>>
        %dma_wait3A_979 = arith.constant 0 : i32
        %dma_wait3A_980 = arith.constant 0 : i32
        %dma_wait3A_981 = tpu.memref_slice %arg4[%dma_wait3A_979, %dma_wait3A_980] : memref<100096x8xf32, #tpu.memory_space<hbm>> -> memref<128x8xf32, #tpu.memory_space<hbm>>
        tpu.wait_dma2 semaphore(%arg12 : memref<!tpu.dma_semaphore, #tpu.memory_space<semaphore_mem>>) src(%dma_wait3A_981 : memref<128x8xf32, #tpu.memory_space<hbm>>) dst(%dma_wait3A_978 : memref<128x8xf32, #tpu.memory_space<vmem>>)
        %dma_wait3A_982 = arith.constant 1 : i32
        %dma_wait3A_983 = arith.constant 0 : i32
        %dma_wait3A_984 = arith.constant 0 : i32
        %dma_wait3A_985 = tpu.memref_slice %arg8[%rem3A_699, %dma_wait3A_982, %dma_wait3A_983, %dma_wait3A_984] : memref<2x16x128x8xf32, #tpu.memory_space<vmem>> -> memref<1x1x128x8xf32, #tpu.memory_space<vmem>>
        %dma_wait3A_986 = tpu.memref_squeeze %dma_wait3A_985 : memref<1x1x128x8xf32, #tpu.memory_space<vmem>> -> memref<128x8xf32, #tpu.memory_space<vmem>>
        %dma_wait3A_987 = arith.constant 0 : i32
        %dma_wait3A_988 = arith.constant 0 : i32
        %dma_wait3A_989 = tpu.memref_slice %arg4[%dma_wait3A_987, %dma_wait3A_988] : memref<100096x8xf32, #tpu.memory_space<hbm>> -> memref<128x8xf32, #tpu.memory_space<hbm>>
        %dma_wait3A_990 = arith.constant 0 : i32
        %dma_wait3A_991 = arith.constant 0 : i32
        %dma_wait3A_992 = tpu.memref_slice %arg8[%rem3A_699, %dma_wait3A_982, %dma_wait3A_990, %dma_wait3A_991] : memref<2x16x128x8xf32, #tpu.memory_space<vmem>> -> memref<1x1x128x8xf32, #tpu.memory_space<vmem>>
        %dma_wait3A_993 = tpu.memref_squeeze %dma_wait3A_992 : memref<1x1x128x8xf32, #tpu.memory_space<vmem>> -> memref<128x8xf32, #tpu.memory_space<vmem>>
        %dma_wait3A_994 = arith.constant 0 : i32
        %dma_wait3A_995 = arith.constant 0 : i32
        %dma_wait3A_996 = tpu.memref_slice %arg4[%dma_wait3A_994, %dma_wait3A_995] : memref<100096x8xf32, #tpu.memory_space<hbm>> -> memref<128x8xf32, #tpu.memory_space<hbm>>
        tpu.wait_dma2 semaphore(%arg12 : memref<!tpu.dma_semaphore, #tpu.memory_space<semaphore_mem>>) src(%dma_wait3A_996 : memref<128x8xf32, #tpu.memory_space<hbm>>) dst(%dma_wait3A_993 : memref<128x8xf32, #tpu.memory_space<vmem>>)
        %dma_wait3A_997 = arith.constant 2 : i32
        %dma_wait3A_998 = arith.constant 0 : i32
        %dma_wait3A_999 = arith.constant 0 : i32
        %dma_wait3A_1000 = tpu.memref_slice %arg8[%rem3A_699, %dma_wait3A_997, %dma_wait3A_998, %dma_wait3A_999] : memref<2x16x128x8xf32, #tpu.memory_space<vmem>> -> memref<1x1x128x8xf32, #tpu.memory_space<vmem>>
        %dma_wait3A_1001 = tpu.memref_squeeze %dma_wait3A_1000 : memref<1x1x128x8xf32, #tpu.memory_space<vmem>> -> memref<128x8xf32, #tpu.memory_space<vmem>>
        %dma_wait3A_1002 = arith.constant 0 : i32
        %dma_wait3A_1003 = arith.constant 0 : i32
        %dma_wait3A_1004 = tpu.memref_slice %arg4[%dma_wait3A_1002, %dma_wait3A_1003] : memref<100096x8xf32, #tpu.memory_space<hbm>> -> memref<128x8xf32, #tpu.memory_space<hbm>>
        %dma_wait3A_1005 = arith.constant 0 : i32
        %dma_wait3A_1006 = arith.constant 0 : i32
        %dma_wait3A_1007 = tpu.memref_slice %arg8[%rem3A_699, %dma_wait3A_997, %dma_wait3A_1005, %dma_wait3A_1006] : memref<2x16x128x8xf32, #tpu.memory_space<vmem>> -> memref<1x1x128x8xf32, #tpu.memory_space<vmem>>
        %dma_wait3A_1008 = tpu.memref_squeeze %dma_wait3A_1007 : memref<1x1x128x8xf32, #tpu.memory_space<vmem>> -> memref<128x8xf32, #tpu.memory_space<vmem>>
        %dma_wait3A_1009 = arith.constant 0 : i32
        %dma_wait3A_1010 = arith.constant 0 : i32
        %dma_wait3A_1011 = tpu.memref_slice %arg4[%dma_wait3A_1009, %dma_wait3A_1010] : memref<100096x8xf32, #tpu.memory_space<hbm>> -> memref<128x8xf32, #tpu.memory_space<hbm>>
        tpu.wait_dma2 semaphore(%arg12 : memref<!tpu.dma_semaphore, #tpu.memory_space<semaphore_mem>>) src(%dma_wait3A_1011 : memref<128x8xf32, #tpu.memory_space<hbm>>) dst(%dma_wait3A_1008 : memref<128x8xf32, #tpu.memory_space<vmem>>)
        %dma_wait3A_1012 = arith.constant 3 : i32
        %dma_wait3A_1013 = arith.constant 0 : i32
        %dma_wait3A_1014 = arith.constant 0 : i32
        %dma_wait3A_1015 = tpu.memref_slice %arg8[%rem3A_699, %dma_wait3A_1012, %dma_wait3A_1013, %dma_wait3A_1014] : memref<2x16x128x8xf32, #tpu.memory_space<vmem>> -> memref<1x1x128x8xf32, #tpu.memory_space<vmem>>
        %dma_wait3A_1016 = tpu.memref_squeeze %dma_wait3A_1015 : memref<1x1x128x8xf32, #tpu.memory_space<vmem>> -> memref<128x8xf32, #tpu.memory_space<vmem>>
        %dma_wait3A_1017 = arith.constant 0 : i32
        %dma_wait3A_1018 = arith.constant 0 : i32
        %dma_wait3A_1019 = tpu.memref_slice %arg4[%dma_wait3A_1017, %dma_wait3A_1018] : memref<100096x8xf32, #tpu.memory_space<hbm>> -> memref<128x8xf32, #tpu.memory_space<hbm>>
        %dma_wait3A_1020 = arith.constant 0 : i32
        %dma_wait3A_1021 = arith.constant 0 : i32
        %dma_wait3A_1022 = tpu.memref_slice %arg8[%rem3A_699, %dma_wait3A_1012, %dma_wait3A_1020, %dma_wait3A_1021] : memref<2x16x128x8xf32, #tpu.memory_space<vmem>> -> memref<1x1x128x8xf32, #tpu.memory_space<vmem>>
        %dma_wait3A_1023 = tpu.memref_squeeze %dma_wait3A_1022 : memref<1x1x128x8xf32, #tpu.memory_space<vmem>> -> memref<128x8xf32, #tpu.memory_space<vmem>>
        %dma_wait3A_1024 = arith.constant 0 : i32
        %dma_wait3A_1025 = arith.constant 0 : i32
        %dma_wait3A_1026 = tpu.memref_slice %arg4[%dma_wait3A_1024, %dma_wait3A_1025] : memref<100096x8xf32, #tpu.memory_space<hbm>> -> memref<128x8xf32, #tpu.memory_space<hbm>>
        tpu.wait_dma2 semaphore(%arg12 : memref<!tpu.dma_semaphore, #tpu.memory_space<semaphore_mem>>) src(%dma_wait3A_1026 : memref<128x8xf32, #tpu.memory_space<hbm>>) dst(%dma_wait3A_1023 : memref<128x8xf32, #tpu.memory_space<vmem>>)
        %dma_wait3A_1027 = arith.constant 4 : i32
        %dma_wait3A_1028 = arith.constant 0 : i32
        %dma_wait3A_1029 = arith.constant 0 : i32
        %dma_wait3A_1030 = tpu.memref_slice %arg8[%rem3A_699, %dma_wait3A_1027, %dma_wait3A_1028, %dma_wait3A_1029] : memref<2x16x128x8xf32, #tpu.memory_space<vmem>> -> memref<1x1x128x8xf32, #tpu.memory_space<vmem>>
        %dma_wait3A_1031 = tpu.memref_squeeze %dma_wait3A_1030 : memref<1x1x128x8xf32, #tpu.memory_space<vmem>> -> memref<128x8xf32, #tpu.memory_space<vmem>>
        %dma_wait3A_1032 = arith.constant 0 : i32
        %dma_wait3A_1033 = arith.constant 0 : i32
        %dma_wait3A_1034 = tpu.memref_slice %arg4[%dma_wait3A_1032, %dma_wait3A_1033] : memref<100096x8xf32, #tpu.memory_space<hbm>> -> memref<128x8xf32, #tpu.memory_space<hbm>>
        %dma_wait3A_1035 = arith.constant 0 : i32
        %dma_wait3A_1036 = arith.constant 0 : i32
        %dma_wait3A_1037 = tpu.memref_slice %arg8[%rem3A_699, %dma_wait3A_1027, %dma_wait3A_1035, %dma_wait3A_1036] : memref<2x16x128x8xf32, #tpu.memory_space<vmem>> -> memref<1x1x128x8xf32, #tpu.memory_space<vmem>>
        %dma_wait3A_1038 = tpu.memref_squeeze %dma_wait3A_1037 : memref<1x1x128x8xf32, #tpu.memory_space<vmem>> -> memref<128x8xf32, #tpu.memory_space<vmem>>
        %dma_wait3A_1039 = arith.constant 0 : i32
        %dma_wait3A_1040 = arith.constant 0 : i32
        %dma_wait3A_1041 = tpu.memref_slice %arg4[%dma_wait3A_1039, %dma_wait3A_1040] : memref<100096x8xf32, #tpu.memory_space<hbm>> -> memref<128x8xf32, #tpu.memory_space<hbm>>
        tpu.wait_dma2 semaphore(%arg12 : memref<!tpu.dma_semaphore, #tpu.memory_space<semaphore_mem>>) src(%dma_wait3A_1041 : memref<128x8xf32, #tpu.memory_space<hbm>>) dst(%dma_wait3A_1038 : memref<128x8xf32, #tpu.memory_space<vmem>>)
        %dma_wait3A_1042 = arith.constant 5 : i32
        %dma_wait3A_1043 = arith.constant 0 : i32
        %dma_wait3A_1044 = arith.constant 0 : i32
        %dma_wait3A_1045 = tpu.memref_slice %arg8[%rem3A_699, %dma_wait3A_1042, %dma_wait3A_1043, %dma_wait3A_1044] : memref<2x16x128x8xf32, #tpu.memory_space<vmem>> -> memref<1x1x128x8xf32, #tpu.memory_space<vmem>>
        %dma_wait3A_1046 = tpu.memref_squeeze %dma_wait3A_1045 : memref<1x1x128x8xf32, #tpu.memory_space<vmem>> -> memref<128x8xf32, #tpu.memory_space<vmem>>
        %dma_wait3A_1047 = arith.constant 0 : i32
        %dma_wait3A_1048 = arith.constant 0 : i32
        %dma_wait3A_1049 = tpu.memref_slice %arg4[%dma_wait3A_1047, %dma_wait3A_1048] : memref<100096x8xf32, #tpu.memory_space<hbm>> -> memref<128x8xf32, #tpu.memory_space<hbm>>
        %dma_wait3A_1050 = arith.constant 0 : i32
        %dma_wait3A_1051 = arith.constant 0 : i32
        %dma_wait3A_1052 = tpu.memref_slice %arg8[%rem3A_699, %dma_wait3A_1042, %dma_wait3A_1050, %dma_wait3A_1051] : memref<2x16x128x8xf32, #tpu.memory_space<vmem>> -> memref<1x1x128x8xf32, #tpu.memory_space<vmem>>
        %dma_wait3A_1053 = tpu.memref_squeeze %dma_wait3A_1052 : memref<1x1x128x8xf32, #tpu.memory_space<vmem>> -> memref<128x8xf32, #tpu.memory_space<vmem>>
        %dma_wait3A_1054 = arith.constant 0 : i32
        %dma_wait3A_1055 = arith.constant 0 : i32
        %dma_wait3A_1056 = tpu.memref_slice %arg4[%dma_wait3A_1054, %dma_wait3A_1055] : memref<100096x8xf32, #tpu.memory_space<hbm>> -> memref<128x8xf32, #tpu.memory_space<hbm>>
        tpu.wait_dma2 semaphore(%arg12 : memref<!tpu.dma_semaphore, #tpu.memory_space<semaphore_mem>>) src(%dma_wait3A_1056 : memref<128x8xf32, #tpu.memory_space<hbm>>) dst(%dma_wait3A_1053 : memref<128x8xf32, #tpu.memory_space<vmem>>)
        %dma_wait3A_1057 = arith.constant 6 : i32
        %dma_wait3A_1058 = arith.constant 0 : i32
        %dma_wait3A_1059 = arith.constant 0 : i32
        %dma_wait3A_1060 = tpu.memref_slice %arg8[%rem3A_699, %dma_wait3A_1057, %dma_wait3A_1058, %dma_wait3A_1059] : memref<2x16x128x8xf32, #tpu.memory_space<vmem>> -> memref<1x1x128x8xf32, #tpu.memory_space<vmem>>
        %dma_wait3A_1061 = tpu.memref_squeeze %dma_wait3A_1060 : memref<1x1x128x8xf32, #tpu.memory_space<vmem>> -> memref<128x8xf32, #tpu.memory_space<vmem>>
        %dma_wait3A_1062 = arith.constant 0 : i32
        %dma_wait3A_1063 = arith.constant 0 : i32
        %dma_wait3A_1064 = tpu.memref_slice %arg4[%dma_wait3A_1062, %dma_wait3A_1063] : memref<100096x8xf32, #tpu.memory_space<hbm>> -> memref<128x8xf32, #tpu.memory_space<hbm>>
        %dma_wait3A_1065 = arith.constant 0 : i32
        %dma_wait3A_1066 = arith.constant 0 : i32
        %dma_wait3A_1067 = tpu.memref_slice %arg8[%rem3A_699, %dma_wait3A_1057, %dma_wait3A_1065, %dma_wait3A_1066] : memref<2x16x128x8xf32, #tpu.memory_space<vmem>> -> memref<1x1x128x8xf32, #tpu.memory_space<vmem>>
        %dma_wait3A_1068 = tpu.memref_squeeze %dma_wait3A_1067 : memref<1x1x128x8xf32, #tpu.memory_space<vmem>> -> memref<128x8xf32, #tpu.memory_space<vmem>>
        %dma_wait3A_1069 = arith.constant 0 : i32
        %dma_wait3A_1070 = arith.constant 0 : i32
        %dma_wait3A_1071 = tpu.memref_slice %arg4[%dma_wait3A_1069, %dma_wait3A_1070] : memref<100096x8xf32, #tpu.memory_space<hbm>> -> memref<128x8xf32, #tpu.memory_space<hbm>>
        tpu.wait_dma2 semaphore(%arg12 : memref<!tpu.dma_semaphore, #tpu.memory_space<semaphore_mem>>) src(%dma_wait3A_1071 : memref<128x8xf32, #tpu.memory_space<hbm>>) dst(%dma_wait3A_1068 : memref<128x8xf32, #tpu.memory_space<vmem>>)
        %dma_wait3A_1072 = arith.constant 7 : i32
        %dma_wait3A_1073 = arith.constant 0 : i32
        %dma_wait3A_1074 = arith.constant 0 : i32
        %dma_wait3A_1075 = tpu.memref_slice %arg8[%rem3A_699, %dma_wait3A_1072, %dma_wait3A_1073, %dma_wait3A_1074] : memref<2x16x128x8xf32, #tpu.memory_space<vmem>> -> memref<1x1x128x8xf32, #tpu.memory_space<vmem>>
        %dma_wait3A_1076 = tpu.memref_squeeze %dma_wait3A_1075 : memref<1x1x128x8xf32, #tpu.memory_space<vmem>> -> memref<128x8xf32, #tpu.memory_space<vmem>>
        %dma_wait3A_1077 = arith.constant 0 : i32
        %dma_wait3A_1078 = arith.constant 0 : i32
        %dma_wait3A_1079 = tpu.memref_slice %arg4[%dma_wait3A_1077, %dma_wait3A_1078] : memref<100096x8xf32, #tpu.memory_space<hbm>> -> memref<128x8xf32, #tpu.memory_space<hbm>>
        %dma_wait3A_1080 = arith.constant 0 : i32
        %dma_wait3A_1081 = arith.constant 0 : i32
        %dma_wait3A_1082 = tpu.memref_slice %arg8[%rem3A_699, %dma_wait3A_1072, %dma_wait3A_1080, %dma_wait3A_1081] : memref<2x16x128x8xf32, #tpu.memory_space<vmem>> -> memref<1x1x128x8xf32, #tpu.memory_space<vmem>>
        %dma_wait3A_1083 = tpu.memref_squeeze %dma_wait3A_1082 : memref<1x1x128x8xf32, #tpu.memory_space<vmem>> -> memref<128x8xf32, #tpu.memory_space<vmem>>
        %dma_wait3A_1084 = arith.constant 0 : i32
        %dma_wait3A_1085 = arith.constant 0 : i32
        %dma_wait3A_1086 = tpu.memref_slice %arg4[%dma_wait3A_1084, %dma_wait3A_1085] : memref<100096x8xf32, #tpu.memory_space<hbm>> -> memref<128x8xf32, #tpu.memory_space<hbm>>
        tpu.wait_dma2 semaphore(%arg12 : memref<!tpu.dma_semaphore, #tpu.memory_space<semaphore_mem>>) src(%dma_wait3A_1086 : memref<128x8xf32, #tpu.memory_space<hbm>>) dst(%dma_wait3A_1083 : memref<128x8xf32, #tpu.memory_space<vmem>>)
        %dma_wait3A_1087 = arith.constant 8 : i32
        %dma_wait3A_1088 = arith.constant 0 : i32
        %dma_wait3A_1089 = arith.constant 0 : i32
        %dma_wait3A_1090 = tpu.memref_slice %arg8[%rem3A_699, %dma_wait3A_1087, %dma_wait3A_1088, %dma_wait3A_1089] : memref<2x16x128x8xf32, #tpu.memory_space<vmem>> -> memref<1x1x128x8xf32, #tpu.memory_space<vmem>>
        %dma_wait3A_1091 = tpu.memref_squeeze %dma_wait3A_1090 : memref<1x1x128x8xf32, #tpu.memory_space<vmem>> -> memref<128x8xf32, #tpu.memory_space<vmem>>
        %dma_wait3A_1092 = arith.constant 0 : i32
        %dma_wait3A_1093 = arith.constant 0 : i32
        %dma_wait3A_1094 = tpu.memref_slice %arg4[%dma_wait3A_1092, %dma_wait3A_1093] : memref<100096x8xf32, #tpu.memory_space<hbm>> -> memref<128x8xf32, #tpu.memory_space<hbm>>
        %dma_wait3A_1095 = arith.constant 0 : i32
        %dma_wait3A_1096 = arith.constant 0 : i32
        %dma_wait3A_1097 = tpu.memref_slice %arg8[%rem3A_699, %dma_wait3A_1087, %dma_wait3A_1095, %dma_wait3A_1096] : memref<2x16x128x8xf32, #tpu.memory_space<vmem>> -> memref<1x1x128x8xf32, #tpu.memory_space<vmem>>
        %dma_wait3A_1098 = tpu.memref_squeeze %dma_wait3A_1097 : memref<1x1x128x8xf32, #tpu.memory_space<vmem>> -> memref<128x8xf32, #tpu.memory_space<vmem>>
        %dma_wait3A_1099 = arith.constant 0 : i32
        %dma_wait3A_1100 = arith.constant 0 : i32
        %dma_wait3A_1101 = tpu.memref_slice %arg4[%dma_wait3A_1099, %dma_wait3A_1100] : memref<100096x8xf32, #tpu.memory_space<hbm>> -> memref<128x8xf32, #tpu.memory_space<hbm>>
        tpu.wait_dma2 semaphore(%arg12 : memref<!tpu.dma_semaphore, #tpu.memory_space<semaphore_mem>>) src(%dma_wait3A_1101 : memref<128x8xf32, #tpu.memory_space<hbm>>) dst(%dma_wait3A_1098 : memref<128x8xf32, #tpu.memory_space<vmem>>)
        %dma_wait3A_1102 = arith.constant 9 : i32
        %dma_wait3A_1103 = arith.constant 0 : i32
        %dma_wait3A_1104 = arith.constant 0 : i32
        %dma_wait3A_1105 = tpu.memref_slice %arg8[%rem3A_699, %dma_wait3A_1102, %dma_wait3A_1103, %dma_wait3A_1104] : memref<2x16x128x8xf32, #tpu.memory_space<vmem>> -> memref<1x1x128x8xf32, #tpu.memory_space<vmem>>
        %dma_wait3A_1106 = tpu.memref_squeeze %dma_wait3A_1105 : memref<1x1x128x8xf32, #tpu.memory_space<vmem>> -> memref<128x8xf32, #tpu.memory_space<vmem>>
        %dma_wait3A_1107 = arith.constant 0 : i32
        %dma_wait3A_1108 = arith.constant 0 : i32
        %dma_wait3A_1109 = tpu.memref_slice %arg4[%dma_wait3A_1107, %dma_wait3A_1108] : memref<100096x8xf32, #tpu.memory_space<hbm>> -> memref<128x8xf32, #tpu.memory_space<hbm>>
        %dma_wait3A_1110 = arith.constant 0 : i32
        %dma_wait3A_1111 = arith.constant 0 : i32
        %dma_wait3A_1112 = tpu.memref_slice %arg8[%rem3A_699, %dma_wait3A_1102, %dma_wait3A_1110, %dma_wait3A_1111] : memref<2x16x128x8xf32, #tpu.memory_space<vmem>> -> memref<1x1x128x8xf32, #tpu.memory_space<vmem>>
        %dma_wait3A_1113 = tpu.memref_squeeze %dma_wait3A_1112 : memref<1x1x128x8xf32, #tpu.memory_space<vmem>> -> memref<128x8xf32, #tpu.memory_space<vmem>>
        %dma_wait3A_1114 = arith.constant 0 : i32
        %dma_wait3A_1115 = arith.constant 0 : i32
        %dma_wait3A_1116 = tpu.memref_slice %arg4[%dma_wait3A_1114, %dma_wait3A_1115] : memref<100096x8xf32, #tpu.memory_space<hbm>> -> memref<128x8xf32, #tpu.memory_space<hbm>>
        tpu.wait_dma2 semaphore(%arg12 : memref<!tpu.dma_semaphore, #tpu.memory_space<semaphore_mem>>) src(%dma_wait3A_1116 : memref<128x8xf32, #tpu.memory_space<hbm>>) dst(%dma_wait3A_1113 : memref<128x8xf32, #tpu.memory_space<vmem>>)
        %dma_wait3A_1117 = arith.constant 10 : i32
        %dma_wait3A_1118 = arith.constant 0 : i32
        %dma_wait3A_1119 = arith.constant 0 : i32
        %dma_wait3A_1120 = tpu.memref_slice %arg8[%rem3A_699, %dma_wait3A_1117, %dma_wait3A_1118, %dma_wait3A_1119] : memref<2x16x128x8xf32, #tpu.memory_space<vmem>> -> memref<1x1x128x8xf32, #tpu.memory_space<vmem>>
        %dma_wait3A_1121 = tpu.memref_squeeze %dma_wait3A_1120 : memref<1x1x128x8xf32, #tpu.memory_space<vmem>> -> memref<128x8xf32, #tpu.memory_space<vmem>>
        %dma_wait3A_1122 = arith.constant 0 : i32
        %dma_wait3A_1123 = arith.constant 0 : i32
        %dma_wait3A_1124 = tpu.memref_slice %arg4[%dma_wait3A_1122, %dma_wait3A_1123] : memref<100096x8xf32, #tpu.memory_space<hbm>> -> memref<128x8xf32, #tpu.memory_space<hbm>>
        %dma_wait3A_1125 = arith.constant 0 : i32
        %dma_wait3A_1126 = arith.constant 0 : i32
        %dma_wait3A_1127 = tpu.memref_slice %arg8[%rem3A_699, %dma_wait3A_1117, %dma_wait3A_1125, %dma_wait3A_1126] : memref<2x16x128x8xf32, #tpu.memory_space<vmem>> -> memref<1x1x128x8xf32, #tpu.memory_space<vmem>>
        %dma_wait3A_1128 = tpu.memref_squeeze %dma_wait3A_1127 : memref<1x1x128x8xf32, #tpu.memory_space<vmem>> -> memref<128x8xf32, #tpu.memory_space<vmem>>
        %dma_wait3A_1129 = arith.constant 0 : i32
        %dma_wait3A_1130 = arith.constant 0 : i32
        %dma_wait3A_1131 = tpu.memref_slice %arg4[%dma_wait3A_1129, %dma_wait3A_1130] : memref<100096x8xf32, #tpu.memory_space<hbm>> -> memref<128x8xf32, #tpu.memory_space<hbm>>
        tpu.wait_dma2 semaphore(%arg12 : memref<!tpu.dma_semaphore, #tpu.memory_space<semaphore_mem>>) src(%dma_wait3A_1131 : memref<128x8xf32, #tpu.memory_space<hbm>>) dst(%dma_wait3A_1128 : memref<128x8xf32, #tpu.memory_space<vmem>>)
        %dma_wait3A_1132 = arith.constant 11 : i32
        %dma_wait3A_1133 = arith.constant 0 : i32
        %dma_wait3A_1134 = arith.constant 0 : i32
        %dma_wait3A_1135 = tpu.memref_slice %arg8[%rem3A_699, %dma_wait3A_1132, %dma_wait3A_1133, %dma_wait3A_1134] : memref<2x16x128x8xf32, #tpu.memory_space<vmem>> -> memref<1x1x128x8xf32, #tpu.memory_space<vmem>>
        %dma_wait3A_1136 = tpu.memref_squeeze %dma_wait3A_1135 : memref<1x1x128x8xf32, #tpu.memory_space<vmem>> -> memref<128x8xf32, #tpu.memory_space<vmem>>
        %dma_wait3A_1137 = arith.constant 0 : i32
        %dma_wait3A_1138 = arith.constant 0 : i32
        %dma_wait3A_1139 = tpu.memref_slice %arg4[%dma_wait3A_1137, %dma_wait3A_1138] : memref<100096x8xf32, #tpu.memory_space<hbm>> -> memref<128x8xf32, #tpu.memory_space<hbm>>
        %dma_wait3A_1140 = arith.constant 0 : i32
        %dma_wait3A_1141 = arith.constant 0 : i32
        %dma_wait3A_1142 = tpu.memref_slice %arg8[%rem3A_699, %dma_wait3A_1132, %dma_wait3A_1140, %dma_wait3A_1141] : memref<2x16x128x8xf32, #tpu.memory_space<vmem>> -> memref<1x1x128x8xf32, #tpu.memory_space<vmem>>
        %dma_wait3A_1143 = tpu.memref_squeeze %dma_wait3A_1142 : memref<1x1x128x8xf32, #tpu.memory_space<vmem>> -> memref<128x8xf32, #tpu.memory_space<vmem>>
        %dma_wait3A_1144 = arith.constant 0 : i32
        %dma_wait3A_1145 = arith.constant 0 : i32
        %dma_wait3A_1146 = tpu.memref_slice %arg4[%dma_wait3A_1144, %dma_wait3A_1145] : memref<100096x8xf32, #tpu.memory_space<hbm>> -> memref<128x8xf32, #tpu.memory_space<hbm>>
        tpu.wait_dma2 semaphore(%arg12 : memref<!tpu.dma_semaphore, #tpu.memory_space<semaphore_mem>>) src(%dma_wait3A_1146 : memref<128x8xf32, #tpu.memory_space<hbm>>) dst(%dma_wait3A_1143 : memref<128x8xf32, #tpu.memory_space<vmem>>)
        %dma_wait3A_1147 = arith.constant 12 : i32
        %dma_wait3A_1148 = arith.constant 0 : i32
        %dma_wait3A_1149 = arith.constant 0 : i32
        %dma_wait3A_1150 = tpu.memref_slice %arg8[%rem3A_699, %dma_wait3A_1147, %dma_wait3A_1148, %dma_wait3A_1149] : memref<2x16x128x8xf32, #tpu.memory_space<vmem>> -> memref<1x1x128x8xf32, #tpu.memory_space<vmem>>
        %dma_wait3A_1151 = tpu.memref_squeeze %dma_wait3A_1150 : memref<1x1x128x8xf32, #tpu.memory_space<vmem>> -> memref<128x8xf32, #tpu.memory_space<vmem>>
        %dma_wait3A_1152 = arith.constant 0 : i32
        %dma_wait3A_1153 = arith.constant 0 : i32
        %dma_wait3A_1154 = tpu.memref_slice %arg4[%dma_wait3A_1152, %dma_wait3A_1153] : memref<100096x8xf32, #tpu.memory_space<hbm>> -> memref<128x8xf32, #tpu.memory_space<hbm>>
        %dma_wait3A_1155 = arith.constant 0 : i32
        %dma_wait3A_1156 = arith.constant 0 : i32
        %dma_wait3A_1157 = tpu.memref_slice %arg8[%rem3A_699, %dma_wait3A_1147, %dma_wait3A_1155, %dma_wait3A_1156] : memref<2x16x128x8xf32, #tpu.memory_space<vmem>> -> memref<1x1x128x8xf32, #tpu.memory_space<vmem>>
        %dma_wait3A_1158 = tpu.memref_squeeze %dma_wait3A_1157 : memref<1x1x128x8xf32, #tpu.memory_space<vmem>> -> memref<128x8xf32, #tpu.memory_space<vmem>>
        %dma_wait3A_1159 = arith.constant 0 : i32
        %dma_wait3A_1160 = arith.constant 0 : i32
        %dma_wait3A_1161 = tpu.memref_slice %arg4[%dma_wait3A_1159, %dma_wait3A_1160] : memref<100096x8xf32, #tpu.memory_space<hbm>> -> memref<128x8xf32, #tpu.memory_space<hbm>>
        tpu.wait_dma2 semaphore(%arg12 : memref<!tpu.dma_semaphore, #tpu.memory_space<semaphore_mem>>) src(%dma_wait3A_1161 : memref<128x8xf32, #tpu.memory_space<hbm>>) dst(%dma_wait3A_1158 : memref<128x8xf32, #tpu.memory_space<vmem>>)
        %dma_wait3A_1162 = arith.constant 13 : i32
        %dma_wait3A_1163 = arith.constant 0 : i32
        %dma_wait3A_1164 = arith.constant 0 : i32
        %dma_wait3A_1165 = tpu.memref_slice %arg8[%rem3A_699, %dma_wait3A_1162, %dma_wait3A_1163, %dma_wait3A_1164] : memref<2x16x128x8xf32, #tpu.memory_space<vmem>> -> memref<1x1x128x8xf32, #tpu.memory_space<vmem>>
        %dma_wait3A_1166 = tpu.memref_squeeze %dma_wait3A_1165 : memref<1x1x128x8xf32, #tpu.memory_space<vmem>> -> memref<128x8xf32, #tpu.memory_space<vmem>>
        %dma_wait3A_1167 = arith.constant 0 : i32
        %dma_wait3A_1168 = arith.constant 0 : i32
        %dma_wait3A_1169 = tpu.memref_slice %arg4[%dma_wait3A_1167, %dma_wait3A_1168] : memref<100096x8xf32, #tpu.memory_space<hbm>> -> memref<128x8xf32, #tpu.memory_space<hbm>>
        %dma_wait3A_1170 = arith.constant 0 : i32
        %dma_wait3A_1171 = arith.constant 0 : i32
        %dma_wait3A_1172 = tpu.memref_slice %arg8[%rem3A_699, %dma_wait3A_1162, %dma_wait3A_1170, %dma_wait3A_1171] : memref<2x16x128x8xf32, #tpu.memory_space<vmem>> -> memref<1x1x128x8xf32, #tpu.memory_space<vmem>>
        %dma_wait3A_1173 = tpu.memref_squeeze %dma_wait3A_1172 : memref<1x1x128x8xf32, #tpu.memory_space<vmem>> -> memref<128x8xf32, #tpu.memory_space<vmem>>
        %dma_wait3A_1174 = arith.constant 0 : i32
        %dma_wait3A_1175 = arith.constant 0 : i32
        %dma_wait3A_1176 = tpu.memref_slice %arg4[%dma_wait3A_1174, %dma_wait3A_1175] : memref<100096x8xf32, #tpu.memory_space<hbm>> -> memref<128x8xf32, #tpu.memory_space<hbm>>
        tpu.wait_dma2 semaphore(%arg12 : memref<!tpu.dma_semaphore, #tpu.memory_space<semaphore_mem>>) src(%dma_wait3A_1176 : memref<128x8xf32, #tpu.memory_space<hbm>>) dst(%dma_wait3A_1173 : memref<128x8xf32, #tpu.memory_space<vmem>>)
        %dma_wait3A_1177 = arith.constant 14 : i32
        %dma_wait3A_1178 = arith.constant 0 : i32
        %dma_wait3A_1179 = arith.constant 0 : i32
        %dma_wait3A_1180 = tpu.memref_slice %arg8[%rem3A_699, %dma_wait3A_1177, %dma_wait3A_1178, %dma_wait3A_1179] : memref<2x16x128x8xf32, #tpu.memory_space<vmem>> -> memref<1x1x128x8xf32, #tpu.memory_space<vmem>>
        %dma_wait3A_1181 = tpu.memref_squeeze %dma_wait3A_1180 : memref<1x1x128x8xf32, #tpu.memory_space<vmem>> -> memref<128x8xf32, #tpu.memory_space<vmem>>
        %dma_wait3A_1182 = arith.constant 0 : i32
        %dma_wait3A_1183 = arith.constant 0 : i32
        %dma_wait3A_1184 = tpu.memref_slice %arg4[%dma_wait3A_1182, %dma_wait3A_1183] : memref<100096x8xf32, #tpu.memory_space<hbm>> -> memref<128x8xf32, #tpu.memory_space<hbm>>
        %dma_wait3A_1185 = arith.constant 0 : i32
        %dma_wait3A_1186 = arith.constant 0 : i32
        %dma_wait3A_1187 = tpu.memref_slice %arg8[%rem3A_699, %dma_wait3A_1177, %dma_wait3A_1185, %dma_wait3A_1186] : memref<2x16x128x8xf32, #tpu.memory_space<vmem>> -> memref<1x1x128x8xf32, #tpu.memory_space<vmem>>
        %dma_wait3A_1188 = tpu.memref_squeeze %dma_wait3A_1187 : memref<1x1x128x8xf32, #tpu.memory_space<vmem>> -> memref<128x8xf32, #tpu.memory_space<vmem>>
        %dma_wait3A_1189 = arith.constant 0 : i32
        %dma_wait3A_1190 = arith.constant 0 : i32
        %dma_wait3A_1191 = tpu.memref_slice %arg4[%dma_wait3A_1189, %dma_wait3A_1190] : memref<100096x8xf32, #tpu.memory_space<hbm>> -> memref<128x8xf32, #tpu.memory_space<hbm>>
        tpu.wait_dma2 semaphore(%arg12 : memref<!tpu.dma_semaphore, #tpu.memory_space<semaphore_mem>>) src(%dma_wait3A_1191 : memref<128x8xf32, #tpu.memory_space<hbm>>) dst(%dma_wait3A_1188 : memref<128x8xf32, #tpu.memory_space<vmem>>)
        %dma_wait3A_1192 = arith.constant 15 : i32
        %dma_wait3A_1193 = arith.constant 0 : i32
        %dma_wait3A_1194 = arith.constant 0 : i32
        %dma_wait3A_1195 = tpu.memref_slice %arg8[%rem3A_699, %dma_wait3A_1192, %dma_wait3A_1193, %dma_wait3A_1194] : memref<2x16x128x8xf32, #tpu.memory_space<vmem>> -> memref<1x1x128x8xf32, #tpu.memory_space<vmem>>
        %dma_wait3A_1196 = tpu.memref_squeeze %dma_wait3A_1195 : memref<1x1x128x8xf32, #tpu.memory_space<vmem>> -> memref<128x8xf32, #tpu.memory_space<vmem>>
        %dma_wait3A_1197 = arith.constant 0 : i32
        %dma_wait3A_1198 = arith.constant 0 : i32
        %dma_wait3A_1199 = tpu.memref_slice %arg4[%dma_wait3A_1197, %dma_wait3A_1198] : memref<100096x8xf32, #tpu.memory_space<hbm>> -> memref<128x8xf32, #tpu.memory_space<hbm>>
        %dma_wait3A_1200 = arith.constant 0 : i32
        %dma_wait3A_1201 = arith.constant 0 : i32
        %dma_wait3A_1202 = tpu.memref_slice %arg8[%rem3A_699, %dma_wait3A_1192, %dma_wait3A_1200, %dma_wait3A_1201] : memref<2x16x128x8xf32, #tpu.memory_space<vmem>> -> memref<1x1x128x8xf32, #tpu.memory_space<vmem>>
        %dma_wait3A_1203 = tpu.memref_squeeze %dma_wait3A_1202 : memref<1x1x128x8xf32, #tpu.memory_space<vmem>> -> memref<128x8xf32, #tpu.memory_space<vmem>>
        %dma_wait3A_1204 = arith.constant 0 : i32
        %dma_wait3A_1205 = arith.constant 0 : i32
        %dma_wait3A_1206 = tpu.memref_slice %arg4[%dma_wait3A_1204, %dma_wait3A_1205] : memref<100096x8xf32, #tpu.memory_space<hbm>> -> memref<128x8xf32, #tpu.memory_space<hbm>>
        tpu.wait_dma2 semaphore(%arg12 : memref<!tpu.dma_semaphore, #tpu.memory_space<semaphore_mem>>) src(%dma_wait3A_1206 : memref<128x8xf32, #tpu.memory_space<hbm>>) dst(%dma_wait3A_1203 : memref<128x8xf32, #tpu.memory_space<vmem>>)
      } else {
      }
      %ge3A_707 = arith.constant 1 : i32
      %ge3A_708 = arith.cmpi sge, %while3A_697, %ge3A_707 : i32
      %convert_element_type3A_709 = arith.extui %ge3A_708 : i1 to i32
      %cond3A_710 = arith.constant 0 : i32
      %cond3A_711 = arith.cmpi ne, %convert_element_type3A_709, %cond3A_710 : i32
      scf.if %cond3A_711 {
        %dma_wait3A_967 = arith.constant 0 : i32
        %dma_wait3A_968 = arith.constant 0 : i32
        %dma_wait3A_969 = arith.constant 0 : i32
        %dma_wait3A_970 = tpu.memref_slice %arg8[%sub3A_701, %dma_wait3A_967, %dma_wait3A_968, %dma_wait3A_969] : memref<2x16x128x8xf32, #tpu.memory_space<vmem>> -> memref<1x1x128x8xf32, #tpu.memory_space<vmem>>
        %dma_wait3A_971 = tpu.memref_squeeze %dma_wait3A_970 : memref<1x1x128x8xf32, #tpu.memory_space<vmem>> -> memref<128x8xf32, #tpu.memory_space<vmem>>
        %dma_wait3A_972 = arith.constant 0 : i32
        %dma_wait3A_973 = arith.constant 0 : i32
        %dma_wait3A_974 = tpu.memref_slice %arg4[%dma_wait3A_972, %dma_wait3A_973] : memref<100096x8xf32, #tpu.memory_space<hbm>> -> memref<128x8xf32, #tpu.memory_space<hbm>>
        %dma_wait3A_975 = arith.constant 0 : i32
        %dma_wait3A_976 = arith.constant 0 : i32
        %dma_wait3A_977 = tpu.memref_slice %arg8[%sub3A_701, %dma_wait3A_967, %dma_wait3A_975, %dma_wait3A_976] : memref<2x16x128x8xf32, #tpu.memory_space<vmem>> -> memref<1x1x128x8xf32, #tpu.memory_space<vmem>>
        %dma_wait3A_978 = tpu.memref_squeeze %dma_wait3A_977 : memref<1x1x128x8xf32, #tpu.memory_space<vmem>> -> memref<128x8xf32, #tpu.memory_space<vmem>>
        %dma_wait3A_979 = arith.constant 0 : i32
        %dma_wait3A_980 = arith.constant 0 : i32
        %dma_wait3A_981 = tpu.memref_slice %arg4[%dma_wait3A_979, %dma_wait3A_980] : memref<100096x8xf32, #tpu.memory_space<hbm>> -> memref<128x8xf32, #tpu.memory_space<hbm>>
        tpu.wait_dma2 semaphore(%arg11 : memref<!tpu.dma_semaphore, #tpu.memory_space<semaphore_mem>>) src(%dma_wait3A_981 : memref<128x8xf32, #tpu.memory_space<hbm>>) dst(%dma_wait3A_978 : memref<128x8xf32, #tpu.memory_space<vmem>>)
        %dma_wait3A_982 = arith.constant 1 : i32
        %dma_wait3A_983 = arith.constant 0 : i32
        %dma_wait3A_984 = arith.constant 0 : i32
        %dma_wait3A_985 = tpu.memref_slice %arg8[%sub3A_701, %dma_wait3A_982, %dma_wait3A_983, %dma_wait3A_984] : memref<2x16x128x8xf32, #tpu.memory_space<vmem>> -> memref<1x1x128x8xf32, #tpu.memory_space<vmem>>
        %dma_wait3A_986 = tpu.memref_squeeze %dma_wait3A_985 : memref<1x1x128x8xf32, #tpu.memory_space<vmem>> -> memref<128x8xf32, #tpu.memory_space<vmem>>
        %dma_wait3A_987 = arith.constant 0 : i32
        %dma_wait3A_988 = arith.constant 0 : i32
        %dma_wait3A_989 = tpu.memref_slice %arg4[%dma_wait3A_987, %dma_wait3A_988] : memref<100096x8xf32, #tpu.memory_space<hbm>> -> memref<128x8xf32, #tpu.memory_space<hbm>>
        %dma_wait3A_990 = arith.constant 0 : i32
        %dma_wait3A_991 = arith.constant 0 : i32
        %dma_wait3A_992 = tpu.memref_slice %arg8[%sub3A_701, %dma_wait3A_982, %dma_wait3A_990, %dma_wait3A_991] : memref<2x16x128x8xf32, #tpu.memory_space<vmem>> -> memref<1x1x128x8xf32, #tpu.memory_space<vmem>>
        %dma_wait3A_993 = tpu.memref_squeeze %dma_wait3A_992 : memref<1x1x128x8xf32, #tpu.memory_space<vmem>> -> memref<128x8xf32, #tpu.memory_space<vmem>>
        %dma_wait3A_994 = arith.constant 0 : i32
        %dma_wait3A_995 = arith.constant 0 : i32
        %dma_wait3A_996 = tpu.memref_slice %arg4[%dma_wait3A_994, %dma_wait3A_995] : memref<100096x8xf32, #tpu.memory_space<hbm>> -> memref<128x8xf32, #tpu.memory_space<hbm>>
        tpu.wait_dma2 semaphore(%arg11 : memref<!tpu.dma_semaphore, #tpu.memory_space<semaphore_mem>>) src(%dma_wait3A_996 : memref<128x8xf32, #tpu.memory_space<hbm>>) dst(%dma_wait3A_993 : memref<128x8xf32, #tpu.memory_space<vmem>>)
        %dma_wait3A_997 = arith.constant 2 : i32
        %dma_wait3A_998 = arith.constant 0 : i32
        %dma_wait3A_999 = arith.constant 0 : i32
        %dma_wait3A_1000 = tpu.memref_slice %arg8[%sub3A_701, %dma_wait3A_997, %dma_wait3A_998, %dma_wait3A_999] : memref<2x16x128x8xf32, #tpu.memory_space<vmem>> -> memref<1x1x128x8xf32, #tpu.memory_space<vmem>>
        %dma_wait3A_1001 = tpu.memref_squeeze %dma_wait3A_1000 : memref<1x1x128x8xf32, #tpu.memory_space<vmem>> -> memref<128x8xf32, #tpu.memory_space<vmem>>
        %dma_wait3A_1002 = arith.constant 0 : i32
        %dma_wait3A_1003 = arith.constant 0 : i32
        %dma_wait3A_1004 = tpu.memref_slice %arg4[%dma_wait3A_1002, %dma_wait3A_1003] : memref<100096x8xf32, #tpu.memory_space<hbm>> -> memref<128x8xf32, #tpu.memory_space<hbm>>
        %dma_wait3A_1005 = arith.constant 0 : i32
        %dma_wait3A_1006 = arith.constant 0 : i32
        %dma_wait3A_1007 = tpu.memref_slice %arg8[%sub3A_701, %dma_wait3A_997, %dma_wait3A_1005, %dma_wait3A_1006] : memref<2x16x128x8xf32, #tpu.memory_space<vmem>> -> memref<1x1x128x8xf32, #tpu.memory_space<vmem>>
        %dma_wait3A_1008 = tpu.memref_squeeze %dma_wait3A_1007 : memref<1x1x128x8xf32, #tpu.memory_space<vmem>> -> memref<128x8xf32, #tpu.memory_space<vmem>>
        %dma_wait3A_1009 = arith.constant 0 : i32
        %dma_wait3A_1010 = arith.constant 0 : i32
        %dma_wait3A_1011 = tpu.memref_slice %arg4[%dma_wait3A_1009, %dma_wait3A_1010] : memref<100096x8xf32, #tpu.memory_space<hbm>> -> memref<128x8xf32, #tpu.memory_space<hbm>>
        tpu.wait_dma2 semaphore(%arg11 : memref<!tpu.dma_semaphore, #tpu.memory_space<semaphore_mem>>) src(%dma_wait3A_1011 : memref<128x8xf32, #tpu.memory_space<hbm>>) dst(%dma_wait3A_1008 : memref<128x8xf32, #tpu.memory_space<vmem>>)
        %dma_wait3A_1012 = arith.constant 3 : i32
        %dma_wait3A_1013 = arith.constant 0 : i32
        %dma_wait3A_1014 = arith.constant 0 : i32
        %dma_wait3A_1015 = tpu.memref_slice %arg8[%sub3A_701, %dma_wait3A_1012, %dma_wait3A_1013, %dma_wait3A_1014] : memref<2x16x128x8xf32, #tpu.memory_space<vmem>> -> memref<1x1x128x8xf32, #tpu.memory_space<vmem>>
        %dma_wait3A_1016 = tpu.memref_squeeze %dma_wait3A_1015 : memref<1x1x128x8xf32, #tpu.memory_space<vmem>> -> memref<128x8xf32, #tpu.memory_space<vmem>>
        %dma_wait3A_1017 = arith.constant 0 : i32
        %dma_wait3A_1018 = arith.constant 0 : i32
        %dma_wait3A_1019 = tpu.memref_slice %arg4[%dma_wait3A_1017, %dma_wait3A_1018] : memref<100096x8xf32, #tpu.memory_space<hbm>> -> memref<128x8xf32, #tpu.memory_space<hbm>>
        %dma_wait3A_1020 = arith.constant 0 : i32
        %dma_wait3A_1021 = arith.constant 0 : i32
        %dma_wait3A_1022 = tpu.memref_slice %arg8[%sub3A_701, %dma_wait3A_1012, %dma_wait3A_1020, %dma_wait3A_1021] : memref<2x16x128x8xf32, #tpu.memory_space<vmem>> -> memref<1x1x128x8xf32, #tpu.memory_space<vmem>>
        %dma_wait3A_1023 = tpu.memref_squeeze %dma_wait3A_1022 : memref<1x1x128x8xf32, #tpu.memory_space<vmem>> -> memref<128x8xf32, #tpu.memory_space<vmem>>
        %dma_wait3A_1024 = arith.constant 0 : i32
        %dma_wait3A_1025 = arith.constant 0 : i32
        %dma_wait3A_1026 = tpu.memref_slice %arg4[%dma_wait3A_1024, %dma_wait3A_1025] : memref<100096x8xf32, #tpu.memory_space<hbm>> -> memref<128x8xf32, #tpu.memory_space<hbm>>
        tpu.wait_dma2 semaphore(%arg11 : memref<!tpu.dma_semaphore, #tpu.memory_space<semaphore_mem>>) src(%dma_wait3A_1026 : memref<128x8xf32, #tpu.memory_space<hbm>>) dst(%dma_wait3A_1023 : memref<128x8xf32, #tpu.memory_space<vmem>>)
        %dma_wait3A_1027 = arith.constant 4 : i32
        %dma_wait3A_1028 = arith.constant 0 : i32
        %dma_wait3A_1029 = arith.constant 0 : i32
        %dma_wait3A_1030 = tpu.memref_slice %arg8[%sub3A_701, %dma_wait3A_1027, %dma_wait3A_1028, %dma_wait3A_1029] : memref<2x16x128x8xf32, #tpu.memory_space<vmem>> -> memref<1x1x128x8xf32, #tpu.memory_space<vmem>>
        %dma_wait3A_1031 = tpu.memref_squeeze %dma_wait3A_1030 : memref<1x1x128x8xf32, #tpu.memory_space<vmem>> -> memref<128x8xf32, #tpu.memory_space<vmem>>
        %dma_wait3A_1032 = arith.constant 0 : i32
        %dma_wait3A_1033 = arith.constant 0 : i32
        %dma_wait3A_1034 = tpu.memref_slice %arg4[%dma_wait3A_1032, %dma_wait3A_1033] : memref<100096x8xf32, #tpu.memory_space<hbm>> -> memref<128x8xf32, #tpu.memory_space<hbm>>
        %dma_wait3A_1035 = arith.constant 0 : i32
        %dma_wait3A_1036 = arith.constant 0 : i32
        %dma_wait3A_1037 = tpu.memref_slice %arg8[%sub3A_701, %dma_wait3A_1027, %dma_wait3A_1035, %dma_wait3A_1036] : memref<2x16x128x8xf32, #tpu.memory_space<vmem>> -> memref<1x1x128x8xf32, #tpu.memory_space<vmem>>
        %dma_wait3A_1038 = tpu.memref_squeeze %dma_wait3A_1037 : memref<1x1x128x8xf32, #tpu.memory_space<vmem>> -> memref<128x8xf32, #tpu.memory_space<vmem>>
        %dma_wait3A_1039 = arith.constant 0 : i32
        %dma_wait3A_1040 = arith.constant 0 : i32
        %dma_wait3A_1041 = tpu.memref_slice %arg4[%dma_wait3A_1039, %dma_wait3A_1040] : memref<100096x8xf32, #tpu.memory_space<hbm>> -> memref<128x8xf32, #tpu.memory_space<hbm>>
        tpu.wait_dma2 semaphore(%arg11 : memref<!tpu.dma_semaphore, #tpu.memory_space<semaphore_mem>>) src(%dma_wait3A_1041 : memref<128x8xf32, #tpu.memory_space<hbm>>) dst(%dma_wait3A_1038 : memref<128x8xf32, #tpu.memory_space<vmem>>)
        %dma_wait3A_1042 = arith.constant 5 : i32
        %dma_wait3A_1043 = arith.constant 0 : i32
        %dma_wait3A_1044 = arith.constant 0 : i32
        %dma_wait3A_1045 = tpu.memref_slice %arg8[%sub3A_701, %dma_wait3A_1042, %dma_wait3A_1043, %dma_wait3A_1044] : memref<2x16x128x8xf32, #tpu.memory_space<vmem>> -> memref<1x1x128x8xf32, #tpu.memory_space<vmem>>
        %dma_wait3A_1046 = tpu.memref_squeeze %dma_wait3A_1045 : memref<1x1x128x8xf32, #tpu.memory_space<vmem>> -> memref<128x8xf32, #tpu.memory_space<vmem>>
        %dma_wait3A_1047 = arith.constant 0 : i32
        %dma_wait3A_1048 = arith.constant 0 : i32
        %dma_wait3A_1049 = tpu.memref_slice %arg4[%dma_wait3A_1047, %dma_wait3A_1048] : memref<100096x8xf32, #tpu.memory_space<hbm>> -> memref<128x8xf32, #tpu.memory_space<hbm>>
        %dma_wait3A_1050 = arith.constant 0 : i32
        %dma_wait3A_1051 = arith.constant 0 : i32
        %dma_wait3A_1052 = tpu.memref_slice %arg8[%sub3A_701, %dma_wait3A_1042, %dma_wait3A_1050, %dma_wait3A_1051] : memref<2x16x128x8xf32, #tpu.memory_space<vmem>> -> memref<1x1x128x8xf32, #tpu.memory_space<vmem>>
        %dma_wait3A_1053 = tpu.memref_squeeze %dma_wait3A_1052 : memref<1x1x128x8xf32, #tpu.memory_space<vmem>> -> memref<128x8xf32, #tpu.memory_space<vmem>>
        %dma_wait3A_1054 = arith.constant 0 : i32
        %dma_wait3A_1055 = arith.constant 0 : i32
        %dma_wait3A_1056 = tpu.memref_slice %arg4[%dma_wait3A_1054, %dma_wait3A_1055] : memref<100096x8xf32, #tpu.memory_space<hbm>> -> memref<128x8xf32, #tpu.memory_space<hbm>>
        tpu.wait_dma2 semaphore(%arg11 : memref<!tpu.dma_semaphore, #tpu.memory_space<semaphore_mem>>) src(%dma_wait3A_1056 : memref<128x8xf32, #tpu.memory_space<hbm>>) dst(%dma_wait3A_1053 : memref<128x8xf32, #tpu.memory_space<vmem>>)
        %dma_wait3A_1057 = arith.constant 6 : i32
        %dma_wait3A_1058 = arith.constant 0 : i32
        %dma_wait3A_1059 = arith.constant 0 : i32
        %dma_wait3A_1060 = tpu.memref_slice %arg8[%sub3A_701, %dma_wait3A_1057, %dma_wait3A_1058, %dma_wait3A_1059] : memref<2x16x128x8xf32, #tpu.memory_space<vmem>> -> memref<1x1x128x8xf32, #tpu.memory_space<vmem>>
        %dma_wait3A_1061 = tpu.memref_squeeze %dma_wait3A_1060 : memref<1x1x128x8xf32, #tpu.memory_space<vmem>> -> memref<128x8xf32, #tpu.memory_space<vmem>>
        %dma_wait3A_1062 = arith.constant 0 : i32
        %dma_wait3A_1063 = arith.constant 0 : i32
        %dma_wait3A_1064 = tpu.memref_slice %arg4[%dma_wait3A_1062, %dma_wait3A_1063] : memref<100096x8xf32, #tpu.memory_space<hbm>> -> memref<128x8xf32, #tpu.memory_space<hbm>>
        %dma_wait3A_1065 = arith.constant 0 : i32
        %dma_wait3A_1066 = arith.constant 0 : i32
        %dma_wait3A_1067 = tpu.memref_slice %arg8[%sub3A_701, %dma_wait3A_1057, %dma_wait3A_1065, %dma_wait3A_1066] : memref<2x16x128x8xf32, #tpu.memory_space<vmem>> -> memref<1x1x128x8xf32, #tpu.memory_space<vmem>>
        %dma_wait3A_1068 = tpu.memref_squeeze %dma_wait3A_1067 : memref<1x1x128x8xf32, #tpu.memory_space<vmem>> -> memref<128x8xf32, #tpu.memory_space<vmem>>
        %dma_wait3A_1069 = arith.constant 0 : i32
        %dma_wait3A_1070 = arith.constant 0 : i32
        %dma_wait3A_1071 = tpu.memref_slice %arg4[%dma_wait3A_1069, %dma_wait3A_1070] : memref<100096x8xf32, #tpu.memory_space<hbm>> -> memref<128x8xf32, #tpu.memory_space<hbm>>
        tpu.wait_dma2 semaphore(%arg11 : memref<!tpu.dma_semaphore, #tpu.memory_space<semaphore_mem>>) src(%dma_wait3A_1071 : memref<128x8xf32, #tpu.memory_space<hbm>>) dst(%dma_wait3A_1068 : memref<128x8xf32, #tpu.memory_space<vmem>>)
        %dma_wait3A_1072 = arith.constant 7 : i32
        %dma_wait3A_1073 = arith.constant 0 : i32
        %dma_wait3A_1074 = arith.constant 0 : i32
        %dma_wait3A_1075 = tpu.memref_slice %arg8[%sub3A_701, %dma_wait3A_1072, %dma_wait3A_1073, %dma_wait3A_1074] : memref<2x16x128x8xf32, #tpu.memory_space<vmem>> -> memref<1x1x128x8xf32, #tpu.memory_space<vmem>>
        %dma_wait3A_1076 = tpu.memref_squeeze %dma_wait3A_1075 : memref<1x1x128x8xf32, #tpu.memory_space<vmem>> -> memref<128x8xf32, #tpu.memory_space<vmem>>
        %dma_wait3A_1077 = arith.constant 0 : i32
        %dma_wait3A_1078 = arith.constant 0 : i32
        %dma_wait3A_1079 = tpu.memref_slice %arg4[%dma_wait3A_1077, %dma_wait3A_1078] : memref<100096x8xf32, #tpu.memory_space<hbm>> -> memref<128x8xf32, #tpu.memory_space<hbm>>
        %dma_wait3A_1080 = arith.constant 0 : i32
        %dma_wait3A_1081 = arith.constant 0 : i32
        %dma_wait3A_1082 = tpu.memref_slice %arg8[%sub3A_701, %dma_wait3A_1072, %dma_wait3A_1080, %dma_wait3A_1081] : memref<2x16x128x8xf32, #tpu.memory_space<vmem>> -> memref<1x1x128x8xf32, #tpu.memory_space<vmem>>
        %dma_wait3A_1083 = tpu.memref_squeeze %dma_wait3A_1082 : memref<1x1x128x8xf32, #tpu.memory_space<vmem>> -> memref<128x8xf32, #tpu.memory_space<vmem>>
        %dma_wait3A_1084 = arith.constant 0 : i32
        %dma_wait3A_1085 = arith.constant 0 : i32
        %dma_wait3A_1086 = tpu.memref_slice %arg4[%dma_wait3A_1084, %dma_wait3A_1085] : memref<100096x8xf32, #tpu.memory_space<hbm>> -> memref<128x8xf32, #tpu.memory_space<hbm>>
        tpu.wait_dma2 semaphore(%arg11 : memref<!tpu.dma_semaphore, #tpu.memory_space<semaphore_mem>>) src(%dma_wait3A_1086 : memref<128x8xf32, #tpu.memory_space<hbm>>) dst(%dma_wait3A_1083 : memref<128x8xf32, #tpu.memory_space<vmem>>)
        %dma_wait3A_1087 = arith.constant 8 : i32
        %dma_wait3A_1088 = arith.constant 0 : i32
        %dma_wait3A_1089 = arith.constant 0 : i32
        %dma_wait3A_1090 = tpu.memref_slice %arg8[%sub3A_701, %dma_wait3A_1087, %dma_wait3A_1088, %dma_wait3A_1089] : memref<2x16x128x8xf32, #tpu.memory_space<vmem>> -> memref<1x1x128x8xf32, #tpu.memory_space<vmem>>
        %dma_wait3A_1091 = tpu.memref_squeeze %dma_wait3A_1090 : memref<1x1x128x8xf32, #tpu.memory_space<vmem>> -> memref<128x8xf32, #tpu.memory_space<vmem>>
        %dma_wait3A_1092 = arith.constant 0 : i32
        %dma_wait3A_1093 = arith.constant 0 : i32
        %dma_wait3A_1094 = tpu.memref_slice %arg4[%dma_wait3A_1092, %dma_wait3A_1093] : memref<100096x8xf32, #tpu.memory_space<hbm>> -> memref<128x8xf32, #tpu.memory_space<hbm>>
        %dma_wait3A_1095 = arith.constant 0 : i32
        %dma_wait3A_1096 = arith.constant 0 : i32
        %dma_wait3A_1097 = tpu.memref_slice %arg8[%sub3A_701, %dma_wait3A_1087, %dma_wait3A_1095, %dma_wait3A_1096] : memref<2x16x128x8xf32, #tpu.memory_space<vmem>> -> memref<1x1x128x8xf32, #tpu.memory_space<vmem>>
        %dma_wait3A_1098 = tpu.memref_squeeze %dma_wait3A_1097 : memref<1x1x128x8xf32, #tpu.memory_space<vmem>> -> memref<128x8xf32, #tpu.memory_space<vmem>>
        %dma_wait3A_1099 = arith.constant 0 : i32
        %dma_wait3A_1100 = arith.constant 0 : i32
        %dma_wait3A_1101 = tpu.memref_slice %arg4[%dma_wait3A_1099, %dma_wait3A_1100] : memref<100096x8xf32, #tpu.memory_space<hbm>> -> memref<128x8xf32, #tpu.memory_space<hbm>>
        tpu.wait_dma2 semaphore(%arg11 : memref<!tpu.dma_semaphore, #tpu.memory_space<semaphore_mem>>) src(%dma_wait3A_1101 : memref<128x8xf32, #tpu.memory_space<hbm>>) dst(%dma_wait3A_1098 : memref<128x8xf32, #tpu.memory_space<vmem>>)
        %dma_wait3A_1102 = arith.constant 9 : i32
        %dma_wait3A_1103 = arith.constant 0 : i32
        %dma_wait3A_1104 = arith.constant 0 : i32
        %dma_wait3A_1105 = tpu.memref_slice %arg8[%sub3A_701, %dma_wait3A_1102, %dma_wait3A_1103, %dma_wait3A_1104] : memref<2x16x128x8xf32, #tpu.memory_space<vmem>> -> memref<1x1x128x8xf32, #tpu.memory_space<vmem>>
        %dma_wait3A_1106 = tpu.memref_squeeze %dma_wait3A_1105 : memref<1x1x128x8xf32, #tpu.memory_space<vmem>> -> memref<128x8xf32, #tpu.memory_space<vmem>>
        %dma_wait3A_1107 = arith.constant 0 : i32
        %dma_wait3A_1108 = arith.constant 0 : i32
        %dma_wait3A_1109 = tpu.memref_slice %arg4[%dma_wait3A_1107, %dma_wait3A_1108] : memref<100096x8xf32, #tpu.memory_space<hbm>> -> memref<128x8xf32, #tpu.memory_space<hbm>>
        %dma_wait3A_1110 = arith.constant 0 : i32
        %dma_wait3A_1111 = arith.constant 0 : i32
        %dma_wait3A_1112 = tpu.memref_slice %arg8[%sub3A_701, %dma_wait3A_1102, %dma_wait3A_1110, %dma_wait3A_1111] : memref<2x16x128x8xf32, #tpu.memory_space<vmem>> -> memref<1x1x128x8xf32, #tpu.memory_space<vmem>>
        %dma_wait3A_1113 = tpu.memref_squeeze %dma_wait3A_1112 : memref<1x1x128x8xf32, #tpu.memory_space<vmem>> -> memref<128x8xf32, #tpu.memory_space<vmem>>
        %dma_wait3A_1114 = arith.constant 0 : i32
        %dma_wait3A_1115 = arith.constant 0 : i32
        %dma_wait3A_1116 = tpu.memref_slice %arg4[%dma_wait3A_1114, %dma_wait3A_1115] : memref<100096x8xf32, #tpu.memory_space<hbm>> -> memref<128x8xf32, #tpu.memory_space<hbm>>
        tpu.wait_dma2 semaphore(%arg11 : memref<!tpu.dma_semaphore, #tpu.memory_space<semaphore_mem>>) src(%dma_wait3A_1116 : memref<128x8xf32, #tpu.memory_space<hbm>>) dst(%dma_wait3A_1113 : memref<128x8xf32, #tpu.memory_space<vmem>>)
        %dma_wait3A_1117 = arith.constant 10 : i32
        %dma_wait3A_1118 = arith.constant 0 : i32
        %dma_wait3A_1119 = arith.constant 0 : i32
        %dma_wait3A_1120 = tpu.memref_slice %arg8[%sub3A_701, %dma_wait3A_1117, %dma_wait3A_1118, %dma_wait3A_1119] : memref<2x16x128x8xf32, #tpu.memory_space<vmem>> -> memref<1x1x128x8xf32, #tpu.memory_space<vmem>>
        %dma_wait3A_1121 = tpu.memref_squeeze %dma_wait3A_1120 : memref<1x1x128x8xf32, #tpu.memory_space<vmem>> -> memref<128x8xf32, #tpu.memory_space<vmem>>
        %dma_wait3A_1122 = arith.constant 0 : i32
        %dma_wait3A_1123 = arith.constant 0 : i32
        %dma_wait3A_1124 = tpu.memref_slice %arg4[%dma_wait3A_1122, %dma_wait3A_1123] : memref<100096x8xf32, #tpu.memory_space<hbm>> -> memref<128x8xf32, #tpu.memory_space<hbm>>
        %dma_wait3A_1125 = arith.constant 0 : i32
        %dma_wait3A_1126 = arith.constant 0 : i32
        %dma_wait3A_1127 = tpu.memref_slice %arg8[%sub3A_701, %dma_wait3A_1117, %dma_wait3A_1125, %dma_wait3A_1126] : memref<2x16x128x8xf32, #tpu.memory_space<vmem>> -> memref<1x1x128x8xf32, #tpu.memory_space<vmem>>
        %dma_wait3A_1128 = tpu.memref_squeeze %dma_wait3A_1127 : memref<1x1x128x8xf32, #tpu.memory_space<vmem>> -> memref<128x8xf32, #tpu.memory_space<vmem>>
        %dma_wait3A_1129 = arith.constant 0 : i32
        %dma_wait3A_1130 = arith.constant 0 : i32
        %dma_wait3A_1131 = tpu.memref_slice %arg4[%dma_wait3A_1129, %dma_wait3A_1130] : memref<100096x8xf32, #tpu.memory_space<hbm>> -> memref<128x8xf32, #tpu.memory_space<hbm>>
        tpu.wait_dma2 semaphore(%arg11 : memref<!tpu.dma_semaphore, #tpu.memory_space<semaphore_mem>>) src(%dma_wait3A_1131 : memref<128x8xf32, #tpu.memory_space<hbm>>) dst(%dma_wait3A_1128 : memref<128x8xf32, #tpu.memory_space<vmem>>)
        %dma_wait3A_1132 = arith.constant 11 : i32
        %dma_wait3A_1133 = arith.constant 0 : i32
        %dma_wait3A_1134 = arith.constant 0 : i32
        %dma_wait3A_1135 = tpu.memref_slice %arg8[%sub3A_701, %dma_wait3A_1132, %dma_wait3A_1133, %dma_wait3A_1134] : memref<2x16x128x8xf32, #tpu.memory_space<vmem>> -> memref<1x1x128x8xf32, #tpu.memory_space<vmem>>
        %dma_wait3A_1136 = tpu.memref_squeeze %dma_wait3A_1135 : memref<1x1x128x8xf32, #tpu.memory_space<vmem>> -> memref<128x8xf32, #tpu.memory_space<vmem>>
        %dma_wait3A_1137 = arith.constant 0 : i32
        %dma_wait3A_1138 = arith.constant 0 : i32
        %dma_wait3A_1139 = tpu.memref_slice %arg4[%dma_wait3A_1137, %dma_wait3A_1138] : memref<100096x8xf32, #tpu.memory_space<hbm>> -> memref<128x8xf32, #tpu.memory_space<hbm>>
        %dma_wait3A_1140 = arith.constant 0 : i32
        %dma_wait3A_1141 = arith.constant 0 : i32
        %dma_wait3A_1142 = tpu.memref_slice %arg8[%sub3A_701, %dma_wait3A_1132, %dma_wait3A_1140, %dma_wait3A_1141] : memref<2x16x128x8xf32, #tpu.memory_space<vmem>> -> memref<1x1x128x8xf32, #tpu.memory_space<vmem>>
        %dma_wait3A_1143 = tpu.memref_squeeze %dma_wait3A_1142 : memref<1x1x128x8xf32, #tpu.memory_space<vmem>> -> memref<128x8xf32, #tpu.memory_space<vmem>>
        %dma_wait3A_1144 = arith.constant 0 : i32
        %dma_wait3A_1145 = arith.constant 0 : i32
        %dma_wait3A_1146 = tpu.memref_slice %arg4[%dma_wait3A_1144, %dma_wait3A_1145] : memref<100096x8xf32, #tpu.memory_space<hbm>> -> memref<128x8xf32, #tpu.memory_space<hbm>>
        tpu.wait_dma2 semaphore(%arg11 : memref<!tpu.dma_semaphore, #tpu.memory_space<semaphore_mem>>) src(%dma_wait3A_1146 : memref<128x8xf32, #tpu.memory_space<hbm>>) dst(%dma_wait3A_1143 : memref<128x8xf32, #tpu.memory_space<vmem>>)
        %dma_wait3A_1147 = arith.constant 12 : i32
        %dma_wait3A_1148 = arith.constant 0 : i32
        %dma_wait3A_1149 = arith.constant 0 : i32
        %dma_wait3A_1150 = tpu.memref_slice %arg8[%sub3A_701, %dma_wait3A_1147, %dma_wait3A_1148, %dma_wait3A_1149] : memref<2x16x128x8xf32, #tpu.memory_space<vmem>> -> memref<1x1x128x8xf32, #tpu.memory_space<vmem>>
        %dma_wait3A_1151 = tpu.memref_squeeze %dma_wait3A_1150 : memref<1x1x128x8xf32, #tpu.memory_space<vmem>> -> memref<128x8xf32, #tpu.memory_space<vmem>>
        %dma_wait3A_1152 = arith.constant 0 : i32
        %dma_wait3A_1153 = arith.constant 0 : i32
        %dma_wait3A_1154 = tpu.memref_slice %arg4[%dma_wait3A_1152, %dma_wait3A_1153] : memref<100096x8xf32, #tpu.memory_space<hbm>> -> memref<128x8xf32, #tpu.memory_space<hbm>>
        %dma_wait3A_1155 = arith.constant 0 : i32
        %dma_wait3A_1156 = arith.constant 0 : i32
        %dma_wait3A_1157 = tpu.memref_slice %arg8[%sub3A_701, %dma_wait3A_1147, %dma_wait3A_1155, %dma_wait3A_1156] : memref<2x16x128x8xf32, #tpu.memory_space<vmem>> -> memref<1x1x128x8xf32, #tpu.memory_space<vmem>>
        %dma_wait3A_1158 = tpu.memref_squeeze %dma_wait3A_1157 : memref<1x1x128x8xf32, #tpu.memory_space<vmem>> -> memref<128x8xf32, #tpu.memory_space<vmem>>
        %dma_wait3A_1159 = arith.constant 0 : i32
        %dma_wait3A_1160 = arith.constant 0 : i32
        %dma_wait3A_1161 = tpu.memref_slice %arg4[%dma_wait3A_1159, %dma_wait3A_1160] : memref<100096x8xf32, #tpu.memory_space<hbm>> -> memref<128x8xf32, #tpu.memory_space<hbm>>
        tpu.wait_dma2 semaphore(%arg11 : memref<!tpu.dma_semaphore, #tpu.memory_space<semaphore_mem>>) src(%dma_wait3A_1161 : memref<128x8xf32, #tpu.memory_space<hbm>>) dst(%dma_wait3A_1158 : memref<128x8xf32, #tpu.memory_space<vmem>>)
        %dma_wait3A_1162 = arith.constant 13 : i32
        %dma_wait3A_1163 = arith.constant 0 : i32
        %dma_wait3A_1164 = arith.constant 0 : i32
        %dma_wait3A_1165 = tpu.memref_slice %arg8[%sub3A_701, %dma_wait3A_1162, %dma_wait3A_1163, %dma_wait3A_1164] : memref<2x16x128x8xf32, #tpu.memory_space<vmem>> -> memref<1x1x128x8xf32, #tpu.memory_space<vmem>>
        %dma_wait3A_1166 = tpu.memref_squeeze %dma_wait3A_1165 : memref<1x1x128x8xf32, #tpu.memory_space<vmem>> -> memref<128x8xf32, #tpu.memory_space<vmem>>
        %dma_wait3A_1167 = arith.constant 0 : i32
        %dma_wait3A_1168 = arith.constant 0 : i32
        %dma_wait3A_1169 = tpu.memref_slice %arg4[%dma_wait3A_1167, %dma_wait3A_1168] : memref<100096x8xf32, #tpu.memory_space<hbm>> -> memref<128x8xf32, #tpu.memory_space<hbm>>
        %dma_wait3A_1170 = arith.constant 0 : i32
        %dma_wait3A_1171 = arith.constant 0 : i32
        %dma_wait3A_1172 = tpu.memref_slice %arg8[%sub3A_701, %dma_wait3A_1162, %dma_wait3A_1170, %dma_wait3A_1171] : memref<2x16x128x8xf32, #tpu.memory_space<vmem>> -> memref<1x1x128x8xf32, #tpu.memory_space<vmem>>
        %dma_wait3A_1173 = tpu.memref_squeeze %dma_wait3A_1172 : memref<1x1x128x8xf32, #tpu.memory_space<vmem>> -> memref<128x8xf32, #tpu.memory_space<vmem>>
        %dma_wait3A_1174 = arith.constant 0 : i32
        %dma_wait3A_1175 = arith.constant 0 : i32
        %dma_wait3A_1176 = tpu.memref_slice %arg4[%dma_wait3A_1174, %dma_wait3A_1175] : memref<100096x8xf32, #tpu.memory_space<hbm>> -> memref<128x8xf32, #tpu.memory_space<hbm>>
        tpu.wait_dma2 semaphore(%arg11 : memref<!tpu.dma_semaphore, #tpu.memory_space<semaphore_mem>>) src(%dma_wait3A_1176 : memref<128x8xf32, #tpu.memory_space<hbm>>) dst(%dma_wait3A_1173 : memref<128x8xf32, #tpu.memory_space<vmem>>)
        %dma_wait3A_1177 = arith.constant 14 : i32
        %dma_wait3A_1178 = arith.constant 0 : i32
        %dma_wait3A_1179 = arith.constant 0 : i32
        %dma_wait3A_1180 = tpu.memref_slice %arg8[%sub3A_701, %dma_wait3A_1177, %dma_wait3A_1178, %dma_wait3A_1179] : memref<2x16x128x8xf32, #tpu.memory_space<vmem>> -> memref<1x1x128x8xf32, #tpu.memory_space<vmem>>
        %dma_wait3A_1181 = tpu.memref_squeeze %dma_wait3A_1180 : memref<1x1x128x8xf32, #tpu.memory_space<vmem>> -> memref<128x8xf32, #tpu.memory_space<vmem>>
        %dma_wait3A_1182 = arith.constant 0 : i32
        %dma_wait3A_1183 = arith.constant 0 : i32
        %dma_wait3A_1184 = tpu.memref_slice %arg4[%dma_wait3A_1182, %dma_wait3A_1183] : memref<100096x8xf32, #tpu.memory_space<hbm>> -> memref<128x8xf32, #tpu.memory_space<hbm>>
        %dma_wait3A_1185 = arith.constant 0 : i32
        %dma_wait3A_1186 = arith.constant 0 : i32
        %dma_wait3A_1187 = tpu.memref_slice %arg8[%sub3A_701, %dma_wait3A_1177, %dma_wait3A_1185, %dma_wait3A_1186] : memref<2x16x128x8xf32, #tpu.memory_space<vmem>> -> memref<1x1x128x8xf32, #tpu.memory_space<vmem>>
        %dma_wait3A_1188 = tpu.memref_squeeze %dma_wait3A_1187 : memref<1x1x128x8xf32, #tpu.memory_space<vmem>> -> memref<128x8xf32, #tpu.memory_space<vmem>>
        %dma_wait3A_1189 = arith.constant 0 : i32
        %dma_wait3A_1190 = arith.constant 0 : i32
        %dma_wait3A_1191 = tpu.memref_slice %arg4[%dma_wait3A_1189, %dma_wait3A_1190] : memref<100096x8xf32, #tpu.memory_space<hbm>> -> memref<128x8xf32, #tpu.memory_space<hbm>>
        tpu.wait_dma2 semaphore(%arg11 : memref<!tpu.dma_semaphore, #tpu.memory_space<semaphore_mem>>) src(%dma_wait3A_1191 : memref<128x8xf32, #tpu.memory_space<hbm>>) dst(%dma_wait3A_1188 : memref<128x8xf32, #tpu.memory_space<vmem>>)
        %dma_wait3A_1192 = arith.constant 15 : i32
        %dma_wait3A_1193 = arith.constant 0 : i32
        %dma_wait3A_1194 = arith.constant 0 : i32
        %dma_wait3A_1195 = tpu.memref_slice %arg8[%sub3A_701, %dma_wait3A_1192, %dma_wait3A_1193, %dma_wait3A_1194] : memref<2x16x128x8xf32, #tpu.memory_space<vmem>> -> memref<1x1x128x8xf32, #tpu.memory_space<vmem>>
        %dma_wait3A_1196 = tpu.memref_squeeze %dma_wait3A_1195 : memref<1x1x128x8xf32, #tpu.memory_space<vmem>> -> memref<128x8xf32, #tpu.memory_space<vmem>>
        %dma_wait3A_1197 = arith.constant 0 : i32
        %dma_wait3A_1198 = arith.constant 0 : i32
        %dma_wait3A_1199 = tpu.memref_slice %arg4[%dma_wait3A_1197, %dma_wait3A_1198] : memref<100096x8xf32, #tpu.memory_space<hbm>> -> memref<128x8xf32, #tpu.memory_space<hbm>>
        %dma_wait3A_1200 = arith.constant 0 : i32
        %dma_wait3A_1201 = arith.constant 0 : i32
        %dma_wait3A_1202 = tpu.memref_slice %arg8[%sub3A_701, %dma_wait3A_1192, %dma_wait3A_1200, %dma_wait3A_1201] : memref<2x16x128x8xf32, #tpu.memory_space<vmem>> -> memref<1x1x128x8xf32, #tpu.memory_space<vmem>>
        %dma_wait3A_1203 = tpu.memref_squeeze %dma_wait3A_1202 : memref<1x1x128x8xf32, #tpu.memory_space<vmem>> -> memref<128x8xf32, #tpu.memory_space<vmem>>
        %dma_wait3A_1204 = arith.constant 0 : i32
        %dma_wait3A_1205 = arith.constant 0 : i32
        %dma_wait3A_1206 = tpu.memref_slice %arg4[%dma_wait3A_1204, %dma_wait3A_1205] : memref<100096x8xf32, #tpu.memory_space<hbm>> -> memref<128x8xf32, #tpu.memory_space<hbm>>
        tpu.wait_dma2 semaphore(%arg11 : memref<!tpu.dma_semaphore, #tpu.memory_space<semaphore_mem>>) src(%dma_wait3A_1206 : memref<128x8xf32, #tpu.memory_space<hbm>>) dst(%dma_wait3A_1203 : memref<128x8xf32, #tpu.memory_space<vmem>>)
        %dma_start3A_1207 = arith.constant 0 : i32
        %dma_start3A_1208 = arith.constant 0 : i32
        %dma_start3A_1209 = arith.constant 0 : i32
        %dma_start3A_1210 = arith.constant 0 : i32
        %dma_start3A_1211 = tpu.memref_slice %arg8[%sub3A_701, %dma_start3A_1207, %dma_start3A_1209, %dma_start3A_1210] : memref<2x16x128x8xf32, #tpu.memory_space<vmem>> -> memref<1x1x128x8xf32, #tpu.memory_space<vmem>>
        %dma_start3A_1212 = tpu.memref_squeeze %dma_start3A_1211 : memref<1x1x128x8xf32, #tpu.memory_space<vmem>> -> memref<128x8xf32, #tpu.memory_space<vmem>>
        %dma_start3A_1213 = arith.constant 0 : i32
        %dma_start3A_1214 = tpu.memref_slice %arg7[%sub3A_701, %dma_start3A_1208, %dma_start3A_1213] : memref<2x16x128xi32, #tpu.memory_space<vmem>> -> memref<1x1x128xi32, #tpu.memory_space<vmem>>
        %dma_start3A_1215 = tpu.memref_squeeze %dma_start3A_1214 : memref<1x1x128xi32, #tpu.memory_space<vmem>> -> memref<128xi32, #tpu.memory_space<vmem>>
        %dma_start3A_1216 = arith.constant 0 : i32
        %dma_start3A_1217 = arith.constant 0 : i32
        %dma_start3A_1218 = tpu.memref_slice %arg9[%dma_start3A_1216, %dma_start3A_1217] : memref<100096x8xf32, #tpu.memory_space<vmem_shared>> -> memref<100096x8xf32, #tpu.memory_space<vmem_shared>>
        tpu.enqueue_indirect_dma source(%dma_start3A_1212 : memref<128x8xf32, #tpu.memory_space<vmem>>) target(%dma_start3A_1218 : memref<100096x8xf32, #tpu.memory_space<vmem_shared>>) offsets(%dma_start3A_1215 : memref<128xi32, #tpu.memory_space<vmem>>) semaphore(%arg12 : memref<!tpu.dma_semaphore, #tpu.memory_space<semaphore_mem>>) {add = true}
        %dma_start3A_1219 = arith.constant 1 : i32
        %dma_start3A_1220 = arith.constant 1 : i32
        %dma_start3A_1221 = arith.constant 0 : i32
        %dma_start3A_1222 = arith.constant 0 : i32
        %dma_start3A_1223 = tpu.memref_slice %arg8[%sub3A_701, %dma_start3A_1219, %dma_start3A_1221, %dma_start3A_1222] : memref<2x16x128x8xf32, #tpu.memory_space<vmem>> -> memref<1x1x128x8xf32, #tpu.memory_space<vmem>>
        %dma_start3A_1224 = tpu.memref_squeeze %dma_start3A_1223 : memref<1x1x128x8xf32, #tpu.memory_space<vmem>> -> memref<128x8xf32, #tpu.memory_space<vmem>>
        %dma_start3A_1225 = arith.constant 0 : i32
        %dma_start3A_1226 = tpu.memref_slice %arg7[%sub3A_701, %dma_start3A_1220, %dma_start3A_1225] : memref<2x16x128xi32, #tpu.memory_space<vmem>> -> memref<1x1x128xi32, #tpu.memory_space<vmem>>
        %dma_start3A_1227 = tpu.memref_squeeze %dma_start3A_1226 : memref<1x1x128xi32, #tpu.memory_space<vmem>> -> memref<128xi32, #tpu.memory_space<vmem>>
        %dma_start3A_1228 = arith.constant 0 : i32
        %dma_start3A_1229 = arith.constant 0 : i32
        %dma_start3A_1230 = tpu.memref_slice %arg9[%dma_start3A_1228, %dma_start3A_1229] : memref<100096x8xf32, #tpu.memory_space<vmem_shared>> -> memref<100096x8xf32, #tpu.memory_space<vmem_shared>>
        tpu.enqueue_indirect_dma source(%dma_start3A_1224 : memref<128x8xf32, #tpu.memory_space<vmem>>) target(%dma_start3A_1230 : memref<100096x8xf32, #tpu.memory_space<vmem_shared>>) offsets(%dma_start3A_1227 : memref<128xi32, #tpu.memory_space<vmem>>) semaphore(%arg12 : memref<!tpu.dma_semaphore, #tpu.memory_space<semaphore_mem>>) {add = true}
        %dma_start3A_1231 = arith.constant 2 : i32
        %dma_start3A_1232 = arith.constant 2 : i32
        %dma_start3A_1233 = arith.constant 0 : i32
        %dma_start3A_1234 = arith.constant 0 : i32
        %dma_start3A_1235 = tpu.memref_slice %arg8[%sub3A_701, %dma_start3A_1231, %dma_start3A_1233, %dma_start3A_1234] : memref<2x16x128x8xf32, #tpu.memory_space<vmem>> -> memref<1x1x128x8xf32, #tpu.memory_space<vmem>>
        %dma_start3A_1236 = tpu.memref_squeeze %dma_start3A_1235 : memref<1x1x128x8xf32, #tpu.memory_space<vmem>> -> memref<128x8xf32, #tpu.memory_space<vmem>>
        %dma_start3A_1237 = arith.constant 0 : i32
        %dma_start3A_1238 = tpu.memref_slice %arg7[%sub3A_701, %dma_start3A_1232, %dma_start3A_1237] : memref<2x16x128xi32, #tpu.memory_space<vmem>> -> memref<1x1x128xi32, #tpu.memory_space<vmem>>
        %dma_start3A_1239 = tpu.memref_squeeze %dma_start3A_1238 : memref<1x1x128xi32, #tpu.memory_space<vmem>> -> memref<128xi32, #tpu.memory_space<vmem>>
        %dma_start3A_1240 = arith.constant 0 : i32
        %dma_start3A_1241 = arith.constant 0 : i32
        %dma_start3A_1242 = tpu.memref_slice %arg9[%dma_start3A_1240, %dma_start3A_1241] : memref<100096x8xf32, #tpu.memory_space<vmem_shared>> -> memref<100096x8xf32, #tpu.memory_space<vmem_shared>>
        tpu.enqueue_indirect_dma source(%dma_start3A_1236 : memref<128x8xf32, #tpu.memory_space<vmem>>) target(%dma_start3A_1242 : memref<100096x8xf32, #tpu.memory_space<vmem_shared>>) offsets(%dma_start3A_1239 : memref<128xi32, #tpu.memory_space<vmem>>) semaphore(%arg12 : memref<!tpu.dma_semaphore, #tpu.memory_space<semaphore_mem>>) {add = true}
        %dma_start3A_1243 = arith.constant 3 : i32
        %dma_start3A_1244 = arith.constant 3 : i32
        %dma_start3A_1245 = arith.constant 0 : i32
        %dma_start3A_1246 = arith.constant 0 : i32
        %dma_start3A_1247 = tpu.memref_slice %arg8[%sub3A_701, %dma_start3A_1243, %dma_start3A_1245, %dma_start3A_1246] : memref<2x16x128x8xf32, #tpu.memory_space<vmem>> -> memref<1x1x128x8xf32, #tpu.memory_space<vmem>>
        %dma_start3A_1248 = tpu.memref_squeeze %dma_start3A_1247 : memref<1x1x128x8xf32, #tpu.memory_space<vmem>> -> memref<128x8xf32, #tpu.memory_space<vmem>>
        %dma_start3A_1249 = arith.constant 0 : i32
        %dma_start3A_1250 = tpu.memref_slice %arg7[%sub3A_701, %dma_start3A_1244, %dma_start3A_1249] : memref<2x16x128xi32, #tpu.memory_space<vmem>> -> memref<1x1x128xi32, #tpu.memory_space<vmem>>
        %dma_start3A_1251 = tpu.memref_squeeze %dma_start3A_1250 : memref<1x1x128xi32, #tpu.memory_space<vmem>> -> memref<128xi32, #tpu.memory_space<vmem>>
        %dma_start3A_1252 = arith.constant 0 : i32
        %dma_start3A_1253 = arith.constant 0 : i32
        %dma_start3A_1254 = tpu.memref_slice %arg9[%dma_start3A_1252, %dma_start3A_1253] : memref<100096x8xf32, #tpu.memory_space<vmem_shared>> -> memref<100096x8xf32, #tpu.memory_space<vmem_shared>>
        tpu.enqueue_indirect_dma source(%dma_start3A_1248 : memref<128x8xf32, #tpu.memory_space<vmem>>) target(%dma_start3A_1254 : memref<100096x8xf32, #tpu.memory_space<vmem_shared>>) offsets(%dma_start3A_1251 : memref<128xi32, #tpu.memory_space<vmem>>) semaphore(%arg12 : memref<!tpu.dma_semaphore, #tpu.memory_space<semaphore_mem>>) {add = true}
        %dma_start3A_1255 = arith.constant 4 : i32
        %dma_start3A_1256 = arith.constant 4 : i32
        %dma_start3A_1257 = arith.constant 0 : i32
        %dma_start3A_1258 = arith.constant 0 : i32
        %dma_start3A_1259 = tpu.memref_slice %arg8[%sub3A_701, %dma_start3A_1255, %dma_start3A_1257, %dma_start3A_1258] : memref<2x16x128x8xf32, #tpu.memory_space<vmem>> -> memref<1x1x128x8xf32, #tpu.memory_space<vmem>>
        %dma_start3A_1260 = tpu.memref_squeeze %dma_start3A_1259 : memref<1x1x128x8xf32, #tpu.memory_space<vmem>> -> memref<128x8xf32, #tpu.memory_space<vmem>>
        %dma_start3A_1261 = arith.constant 0 : i32
        %dma_start3A_1262 = tpu.memref_slice %arg7[%sub3A_701, %dma_start3A_1256, %dma_start3A_1261] : memref<2x16x128xi32, #tpu.memory_space<vmem>> -> memref<1x1x128xi32, #tpu.memory_space<vmem>>
        %dma_start3A_1263 = tpu.memref_squeeze %dma_start3A_1262 : memref<1x1x128xi32, #tpu.memory_space<vmem>> -> memref<128xi32, #tpu.memory_space<vmem>>
        %dma_start3A_1264 = arith.constant 0 : i32
        %dma_start3A_1265 = arith.constant 0 : i32
        %dma_start3A_1266 = tpu.memref_slice %arg9[%dma_start3A_1264, %dma_start3A_1265] : memref<100096x8xf32, #tpu.memory_space<vmem_shared>> -> memref<100096x8xf32, #tpu.memory_space<vmem_shared>>
        tpu.enqueue_indirect_dma source(%dma_start3A_1260 : memref<128x8xf32, #tpu.memory_space<vmem>>) target(%dma_start3A_1266 : memref<100096x8xf32, #tpu.memory_space<vmem_shared>>) offsets(%dma_start3A_1263 : memref<128xi32, #tpu.memory_space<vmem>>) semaphore(%arg12 : memref<!tpu.dma_semaphore, #tpu.memory_space<semaphore_mem>>) {add = true}
        %dma_start3A_1267 = arith.constant 5 : i32
        %dma_start3A_1268 = arith.constant 5 : i32
        %dma_start3A_1269 = arith.constant 0 : i32
        %dma_start3A_1270 = arith.constant 0 : i32
        %dma_start3A_1271 = tpu.memref_slice %arg8[%sub3A_701, %dma_start3A_1267, %dma_start3A_1269, %dma_start3A_1270] : memref<2x16x128x8xf32, #tpu.memory_space<vmem>> -> memref<1x1x128x8xf32, #tpu.memory_space<vmem>>
        %dma_start3A_1272 = tpu.memref_squeeze %dma_start3A_1271 : memref<1x1x128x8xf32, #tpu.memory_space<vmem>> -> memref<128x8xf32, #tpu.memory_space<vmem>>
        %dma_start3A_1273 = arith.constant 0 : i32
        %dma_start3A_1274 = tpu.memref_slice %arg7[%sub3A_701, %dma_start3A_1268, %dma_start3A_1273] : memref<2x16x128xi32, #tpu.memory_space<vmem>> -> memref<1x1x128xi32, #tpu.memory_space<vmem>>
        %dma_start3A_1275 = tpu.memref_squeeze %dma_start3A_1274 : memref<1x1x128xi32, #tpu.memory_space<vmem>> -> memref<128xi32, #tpu.memory_space<vmem>>
        %dma_start3A_1276 = arith.constant 0 : i32
        %dma_start3A_1277 = arith.constant 0 : i32
        %dma_start3A_1278 = tpu.memref_slice %arg9[%dma_start3A_1276, %dma_start3A_1277] : memref<100096x8xf32, #tpu.memory_space<vmem_shared>> -> memref<100096x8xf32, #tpu.memory_space<vmem_shared>>
        tpu.enqueue_indirect_dma source(%dma_start3A_1272 : memref<128x8xf32, #tpu.memory_space<vmem>>) target(%dma_start3A_1278 : memref<100096x8xf32, #tpu.memory_space<vmem_shared>>) offsets(%dma_start3A_1275 : memref<128xi32, #tpu.memory_space<vmem>>) semaphore(%arg12 : memref<!tpu.dma_semaphore, #tpu.memory_space<semaphore_mem>>) {add = true}
        %dma_start3A_1279 = arith.constant 6 : i32
        %dma_start3A_1280 = arith.constant 6 : i32
        %dma_start3A_1281 = arith.constant 0 : i32
        %dma_start3A_1282 = arith.constant 0 : i32
        %dma_start3A_1283 = tpu.memref_slice %arg8[%sub3A_701, %dma_start3A_1279, %dma_start3A_1281, %dma_start3A_1282] : memref<2x16x128x8xf32, #tpu.memory_space<vmem>> -> memref<1x1x128x8xf32, #tpu.memory_space<vmem>>
        %dma_start3A_1284 = tpu.memref_squeeze %dma_start3A_1283 : memref<1x1x128x8xf32, #tpu.memory_space<vmem>> -> memref<128x8xf32, #tpu.memory_space<vmem>>
        %dma_start3A_1285 = arith.constant 0 : i32
        %dma_start3A_1286 = tpu.memref_slice %arg7[%sub3A_701, %dma_start3A_1280, %dma_start3A_1285] : memref<2x16x128xi32, #tpu.memory_space<vmem>> -> memref<1x1x128xi32, #tpu.memory_space<vmem>>
        %dma_start3A_1287 = tpu.memref_squeeze %dma_start3A_1286 : memref<1x1x128xi32, #tpu.memory_space<vmem>> -> memref<128xi32, #tpu.memory_space<vmem>>
        %dma_start3A_1288 = arith.constant 0 : i32
        %dma_start3A_1289 = arith.constant 0 : i32
        %dma_start3A_1290 = tpu.memref_slice %arg9[%dma_start3A_1288, %dma_start3A_1289] : memref<100096x8xf32, #tpu.memory_space<vmem_shared>> -> memref<100096x8xf32, #tpu.memory_space<vmem_shared>>
        tpu.enqueue_indirect_dma source(%dma_start3A_1284 : memref<128x8xf32, #tpu.memory_space<vmem>>) target(%dma_start3A_1290 : memref<100096x8xf32, #tpu.memory_space<vmem_shared>>) offsets(%dma_start3A_1287 : memref<128xi32, #tpu.memory_space<vmem>>) semaphore(%arg12 : memref<!tpu.dma_semaphore, #tpu.memory_space<semaphore_mem>>) {add = true}
        %dma_start3A_1291 = arith.constant 7 : i32
        %dma_start3A_1292 = arith.constant 7 : i32
        %dma_start3A_1293 = arith.constant 0 : i32
        %dma_start3A_1294 = arith.constant 0 : i32
        %dma_start3A_1295 = tpu.memref_slice %arg8[%sub3A_701, %dma_start3A_1291, %dma_start3A_1293, %dma_start3A_1294] : memref<2x16x128x8xf32, #tpu.memory_space<vmem>> -> memref<1x1x128x8xf32, #tpu.memory_space<vmem>>
        %dma_start3A_1296 = tpu.memref_squeeze %dma_start3A_1295 : memref<1x1x128x8xf32, #tpu.memory_space<vmem>> -> memref<128x8xf32, #tpu.memory_space<vmem>>
        %dma_start3A_1297 = arith.constant 0 : i32
        %dma_start3A_1298 = tpu.memref_slice %arg7[%sub3A_701, %dma_start3A_1292, %dma_start3A_1297] : memref<2x16x128xi32, #tpu.memory_space<vmem>> -> memref<1x1x128xi32, #tpu.memory_space<vmem>>
        %dma_start3A_1299 = tpu.memref_squeeze %dma_start3A_1298 : memref<1x1x128xi32, #tpu.memory_space<vmem>> -> memref<128xi32, #tpu.memory_space<vmem>>
        %dma_start3A_1300 = arith.constant 0 : i32
        %dma_start3A_1301 = arith.constant 0 : i32
        %dma_start3A_1302 = tpu.memref_slice %arg9[%dma_start3A_1300, %dma_start3A_1301] : memref<100096x8xf32, #tpu.memory_space<vmem_shared>> -> memref<100096x8xf32, #tpu.memory_space<vmem_shared>>
        tpu.enqueue_indirect_dma source(%dma_start3A_1296 : memref<128x8xf32, #tpu.memory_space<vmem>>) target(%dma_start3A_1302 : memref<100096x8xf32, #tpu.memory_space<vmem_shared>>) offsets(%dma_start3A_1299 : memref<128xi32, #tpu.memory_space<vmem>>) semaphore(%arg12 : memref<!tpu.dma_semaphore, #tpu.memory_space<semaphore_mem>>) {add = true}
        %dma_start3A_1303 = arith.constant 8 : i32
        %dma_start3A_1304 = arith.constant 8 : i32
        %dma_start3A_1305 = arith.constant 0 : i32
        %dma_start3A_1306 = arith.constant 0 : i32
        %dma_start3A_1307 = tpu.memref_slice %arg8[%sub3A_701, %dma_start3A_1303, %dma_start3A_1305, %dma_start3A_1306] : memref<2x16x128x8xf32, #tpu.memory_space<vmem>> -> memref<1x1x128x8xf32, #tpu.memory_space<vmem>>
        %dma_start3A_1308 = tpu.memref_squeeze %dma_start3A_1307 : memref<1x1x128x8xf32, #tpu.memory_space<vmem>> -> memref<128x8xf32, #tpu.memory_space<vmem>>
        %dma_start3A_1309 = arith.constant 0 : i32
        %dma_start3A_1310 = tpu.memref_slice %arg7[%sub3A_701, %dma_start3A_1304, %dma_start3A_1309] : memref<2x16x128xi32, #tpu.memory_space<vmem>> -> memref<1x1x128xi32, #tpu.memory_space<vmem>>
        %dma_start3A_1311 = tpu.memref_squeeze %dma_start3A_1310 : memref<1x1x128xi32, #tpu.memory_space<vmem>> -> memref<128xi32, #tpu.memory_space<vmem>>
        %dma_start3A_1312 = arith.constant 0 : i32
        %dma_start3A_1313 = arith.constant 0 : i32
        %dma_start3A_1314 = tpu.memref_slice %arg9[%dma_start3A_1312, %dma_start3A_1313] : memref<100096x8xf32, #tpu.memory_space<vmem_shared>> -> memref<100096x8xf32, #tpu.memory_space<vmem_shared>>
        tpu.enqueue_indirect_dma source(%dma_start3A_1308 : memref<128x8xf32, #tpu.memory_space<vmem>>) target(%dma_start3A_1314 : memref<100096x8xf32, #tpu.memory_space<vmem_shared>>) offsets(%dma_start3A_1311 : memref<128xi32, #tpu.memory_space<vmem>>) semaphore(%arg12 : memref<!tpu.dma_semaphore, #tpu.memory_space<semaphore_mem>>) {add = true}
        %dma_start3A_1315 = arith.constant 9 : i32
        %dma_start3A_1316 = arith.constant 9 : i32
        %dma_start3A_1317 = arith.constant 0 : i32
        %dma_start3A_1318 = arith.constant 0 : i32
        %dma_start3A_1319 = tpu.memref_slice %arg8[%sub3A_701, %dma_start3A_1315, %dma_start3A_1317, %dma_start3A_1318] : memref<2x16x128x8xf32, #tpu.memory_space<vmem>> -> memref<1x1x128x8xf32, #tpu.memory_space<vmem>>
        %dma_start3A_1320 = tpu.memref_squeeze %dma_start3A_1319 : memref<1x1x128x8xf32, #tpu.memory_space<vmem>> -> memref<128x8xf32, #tpu.memory_space<vmem>>
        %dma_start3A_1321 = arith.constant 0 : i32
        %dma_start3A_1322 = tpu.memref_slice %arg7[%sub3A_701, %dma_start3A_1316, %dma_start3A_1321] : memref<2x16x128xi32, #tpu.memory_space<vmem>> -> memref<1x1x128xi32, #tpu.memory_space<vmem>>
        %dma_start3A_1323 = tpu.memref_squeeze %dma_start3A_1322 : memref<1x1x128xi32, #tpu.memory_space<vmem>> -> memref<128xi32, #tpu.memory_space<vmem>>
        %dma_start3A_1324 = arith.constant 0 : i32
        %dma_start3A_1325 = arith.constant 0 : i32
        %dma_start3A_1326 = tpu.memref_slice %arg9[%dma_start3A_1324, %dma_start3A_1325] : memref<100096x8xf32, #tpu.memory_space<vmem_shared>> -> memref<100096x8xf32, #tpu.memory_space<vmem_shared>>
        tpu.enqueue_indirect_dma source(%dma_start3A_1320 : memref<128x8xf32, #tpu.memory_space<vmem>>) target(%dma_start3A_1326 : memref<100096x8xf32, #tpu.memory_space<vmem_shared>>) offsets(%dma_start3A_1323 : memref<128xi32, #tpu.memory_space<vmem>>) semaphore(%arg12 : memref<!tpu.dma_semaphore, #tpu.memory_space<semaphore_mem>>) {add = true}
        %dma_start3A_1327 = arith.constant 10 : i32
        %dma_start3A_1328 = arith.constant 10 : i32
        %dma_start3A_1329 = arith.constant 0 : i32
        %dma_start3A_1330 = arith.constant 0 : i32
        %dma_start3A_1331 = tpu.memref_slice %arg8[%sub3A_701, %dma_start3A_1327, %dma_start3A_1329, %dma_start3A_1330] : memref<2x16x128x8xf32, #tpu.memory_space<vmem>> -> memref<1x1x128x8xf32, #tpu.memory_space<vmem>>
        %dma_start3A_1332 = tpu.memref_squeeze %dma_start3A_1331 : memref<1x1x128x8xf32, #tpu.memory_space<vmem>> -> memref<128x8xf32, #tpu.memory_space<vmem>>
        %dma_start3A_1333 = arith.constant 0 : i32
        %dma_start3A_1334 = tpu.memref_slice %arg7[%sub3A_701, %dma_start3A_1328, %dma_start3A_1333] : memref<2x16x128xi32, #tpu.memory_space<vmem>> -> memref<1x1x128xi32, #tpu.memory_space<vmem>>
        %dma_start3A_1335 = tpu.memref_squeeze %dma_start3A_1334 : memref<1x1x128xi32, #tpu.memory_space<vmem>> -> memref<128xi32, #tpu.memory_space<vmem>>
        %dma_start3A_1336 = arith.constant 0 : i32
        %dma_start3A_1337 = arith.constant 0 : i32
        %dma_start3A_1338 = tpu.memref_slice %arg9[%dma_start3A_1336, %dma_start3A_1337] : memref<100096x8xf32, #tpu.memory_space<vmem_shared>> -> memref<100096x8xf32, #tpu.memory_space<vmem_shared>>
        tpu.enqueue_indirect_dma source(%dma_start3A_1332 : memref<128x8xf32, #tpu.memory_space<vmem>>) target(%dma_start3A_1338 : memref<100096x8xf32, #tpu.memory_space<vmem_shared>>) offsets(%dma_start3A_1335 : memref<128xi32, #tpu.memory_space<vmem>>) semaphore(%arg12 : memref<!tpu.dma_semaphore, #tpu.memory_space<semaphore_mem>>) {add = true}
        %dma_start3A_1339 = arith.constant 11 : i32
        %dma_start3A_1340 = arith.constant 11 : i32
        %dma_start3A_1341 = arith.constant 0 : i32
        %dma_start3A_1342 = arith.constant 0 : i32
        %dma_start3A_1343 = tpu.memref_slice %arg8[%sub3A_701, %dma_start3A_1339, %dma_start3A_1341, %dma_start3A_1342] : memref<2x16x128x8xf32, #tpu.memory_space<vmem>> -> memref<1x1x128x8xf32, #tpu.memory_space<vmem>>
        %dma_start3A_1344 = tpu.memref_squeeze %dma_start3A_1343 : memref<1x1x128x8xf32, #tpu.memory_space<vmem>> -> memref<128x8xf32, #tpu.memory_space<vmem>>
        %dma_start3A_1345 = arith.constant 0 : i32
        %dma_start3A_1346 = tpu.memref_slice %arg7[%sub3A_701, %dma_start3A_1340, %dma_start3A_1345] : memref<2x16x128xi32, #tpu.memory_space<vmem>> -> memref<1x1x128xi32, #tpu.memory_space<vmem>>
        %dma_start3A_1347 = tpu.memref_squeeze %dma_start3A_1346 : memref<1x1x128xi32, #tpu.memory_space<vmem>> -> memref<128xi32, #tpu.memory_space<vmem>>
        %dma_start3A_1348 = arith.constant 0 : i32
        %dma_start3A_1349 = arith.constant 0 : i32
        %dma_start3A_1350 = tpu.memref_slice %arg9[%dma_start3A_1348, %dma_start3A_1349] : memref<100096x8xf32, #tpu.memory_space<vmem_shared>> -> memref<100096x8xf32, #tpu.memory_space<vmem_shared>>
        tpu.enqueue_indirect_dma source(%dma_start3A_1344 : memref<128x8xf32, #tpu.memory_space<vmem>>) target(%dma_start3A_1350 : memref<100096x8xf32, #tpu.memory_space<vmem_shared>>) offsets(%dma_start3A_1347 : memref<128xi32, #tpu.memory_space<vmem>>) semaphore(%arg12 : memref<!tpu.dma_semaphore, #tpu.memory_space<semaphore_mem>>) {add = true}
        %dma_start3A_1351 = arith.constant 12 : i32
        %dma_start3A_1352 = arith.constant 12 : i32
        %dma_start3A_1353 = arith.constant 0 : i32
        %dma_start3A_1354 = arith.constant 0 : i32
        %dma_start3A_1355 = tpu.memref_slice %arg8[%sub3A_701, %dma_start3A_1351, %dma_start3A_1353, %dma_start3A_1354] : memref<2x16x128x8xf32, #tpu.memory_space<vmem>> -> memref<1x1x128x8xf32, #tpu.memory_space<vmem>>
        %dma_start3A_1356 = tpu.memref_squeeze %dma_start3A_1355 : memref<1x1x128x8xf32, #tpu.memory_space<vmem>> -> memref<128x8xf32, #tpu.memory_space<vmem>>
        %dma_start3A_1357 = arith.constant 0 : i32
        %dma_start3A_1358 = tpu.memref_slice %arg7[%sub3A_701, %dma_start3A_1352, %dma_start3A_1357] : memref<2x16x128xi32, #tpu.memory_space<vmem>> -> memref<1x1x128xi32, #tpu.memory_space<vmem>>
        %dma_start3A_1359 = tpu.memref_squeeze %dma_start3A_1358 : memref<1x1x128xi32, #tpu.memory_space<vmem>> -> memref<128xi32, #tpu.memory_space<vmem>>
        %dma_start3A_1360 = arith.constant 0 : i32
        %dma_start3A_1361 = arith.constant 0 : i32
        %dma_start3A_1362 = tpu.memref_slice %arg9[%dma_start3A_1360, %dma_start3A_1361] : memref<100096x8xf32, #tpu.memory_space<vmem_shared>> -> memref<100096x8xf32, #tpu.memory_space<vmem_shared>>
        tpu.enqueue_indirect_dma source(%dma_start3A_1356 : memref<128x8xf32, #tpu.memory_space<vmem>>) target(%dma_start3A_1362 : memref<100096x8xf32, #tpu.memory_space<vmem_shared>>) offsets(%dma_start3A_1359 : memref<128xi32, #tpu.memory_space<vmem>>) semaphore(%arg12 : memref<!tpu.dma_semaphore, #tpu.memory_space<semaphore_mem>>) {add = true}
        %dma_start3A_1363 = arith.constant 13 : i32
        %dma_start3A_1364 = arith.constant 13 : i32
        %dma_start3A_1365 = arith.constant 0 : i32
        %dma_start3A_1366 = arith.constant 0 : i32
        %dma_start3A_1367 = tpu.memref_slice %arg8[%sub3A_701, %dma_start3A_1363, %dma_start3A_1365, %dma_start3A_1366] : memref<2x16x128x8xf32, #tpu.memory_space<vmem>> -> memref<1x1x128x8xf32, #tpu.memory_space<vmem>>
        %dma_start3A_1368 = tpu.memref_squeeze %dma_start3A_1367 : memref<1x1x128x8xf32, #tpu.memory_space<vmem>> -> memref<128x8xf32, #tpu.memory_space<vmem>>
        %dma_start3A_1369 = arith.constant 0 : i32
        %dma_start3A_1370 = tpu.memref_slice %arg7[%sub3A_701, %dma_start3A_1364, %dma_start3A_1369] : memref<2x16x128xi32, #tpu.memory_space<vmem>> -> memref<1x1x128xi32, #tpu.memory_space<vmem>>
        %dma_start3A_1371 = tpu.memref_squeeze %dma_start3A_1370 : memref<1x1x128xi32, #tpu.memory_space<vmem>> -> memref<128xi32, #tpu.memory_space<vmem>>
        %dma_start3A_1372 = arith.constant 0 : i32
        %dma_start3A_1373 = arith.constant 0 : i32
        %dma_start3A_1374 = tpu.memref_slice %arg9[%dma_start3A_1372, %dma_start3A_1373] : memref<100096x8xf32, #tpu.memory_space<vmem_shared>> -> memref<100096x8xf32, #tpu.memory_space<vmem_shared>>
        tpu.enqueue_indirect_dma source(%dma_start3A_1368 : memref<128x8xf32, #tpu.memory_space<vmem>>) target(%dma_start3A_1374 : memref<100096x8xf32, #tpu.memory_space<vmem_shared>>) offsets(%dma_start3A_1371 : memref<128xi32, #tpu.memory_space<vmem>>) semaphore(%arg12 : memref<!tpu.dma_semaphore, #tpu.memory_space<semaphore_mem>>) {add = true}
        %dma_start3A_1375 = arith.constant 14 : i32
        %dma_start3A_1376 = arith.constant 14 : i32
        %dma_start3A_1377 = arith.constant 0 : i32
        %dma_start3A_1378 = arith.constant 0 : i32
        %dma_start3A_1379 = tpu.memref_slice %arg8[%sub3A_701, %dma_start3A_1375, %dma_start3A_1377, %dma_start3A_1378] : memref<2x16x128x8xf32, #tpu.memory_space<vmem>> -> memref<1x1x128x8xf32, #tpu.memory_space<vmem>>
        %dma_start3A_1380 = tpu.memref_squeeze %dma_start3A_1379 : memref<1x1x128x8xf32, #tpu.memory_space<vmem>> -> memref<128x8xf32, #tpu.memory_space<vmem>>
        %dma_start3A_1381 = arith.constant 0 : i32
        %dma_start3A_1382 = tpu.memref_slice %arg7[%sub3A_701, %dma_start3A_1376, %dma_start3A_1381] : memref<2x16x128xi32, #tpu.memory_space<vmem>> -> memref<1x1x128xi32, #tpu.memory_space<vmem>>
        %dma_start3A_1383 = tpu.memref_squeeze %dma_start3A_1382 : memref<1x1x128xi32, #tpu.memory_space<vmem>> -> memref<128xi32, #tpu.memory_space<vmem>>
        %dma_start3A_1384 = arith.constant 0 : i32
        %dma_start3A_1385 = arith.constant 0 : i32
        %dma_start3A_1386 = tpu.memref_slice %arg9[%dma_start3A_1384, %dma_start3A_1385] : memref<100096x8xf32, #tpu.memory_space<vmem_shared>> -> memref<100096x8xf32, #tpu.memory_space<vmem_shared>>
        tpu.enqueue_indirect_dma source(%dma_start3A_1380 : memref<128x8xf32, #tpu.memory_space<vmem>>) target(%dma_start3A_1386 : memref<100096x8xf32, #tpu.memory_space<vmem_shared>>) offsets(%dma_start3A_1383 : memref<128xi32, #tpu.memory_space<vmem>>) semaphore(%arg12 : memref<!tpu.dma_semaphore, #tpu.memory_space<semaphore_mem>>) {add = true}
        %dma_start3A_1387 = arith.constant 15 : i32
        %dma_start3A_1388 = arith.constant 15 : i32
        %dma_start3A_1389 = arith.constant 0 : i32
        %dma_start3A_1390 = arith.constant 0 : i32
        %dma_start3A_1391 = tpu.memref_slice %arg8[%sub3A_701, %dma_start3A_1387, %dma_start3A_1389, %dma_start3A_1390] : memref<2x16x128x8xf32, #tpu.memory_space<vmem>> -> memref<1x1x128x8xf32, #tpu.memory_space<vmem>>
        %dma_start3A_1392 = tpu.memref_squeeze %dma_start3A_1391 : memref<1x1x128x8xf32, #tpu.memory_space<vmem>> -> memref<128x8xf32, #tpu.memory_space<vmem>>
        %dma_start3A_1393 = arith.constant 0 : i32
        %dma_start3A_1394 = tpu.memref_slice %arg7[%sub3A_701, %dma_start3A_1388, %dma_start3A_1393] : memref<2x16x128xi32, #tpu.memory_space<vmem>> -> memref<1x1x128xi32, #tpu.memory_space<vmem>>
        %dma_start3A_1395 = tpu.memref_squeeze %dma_start3A_1394 : memref<1x1x128xi32, #tpu.memory_space<vmem>> -> memref<128xi32, #tpu.memory_space<vmem>>
        %dma_start3A_1396 = arith.constant 0 : i32
        %dma_start3A_1397 = arith.constant 0 : i32
        %dma_start3A_1398 = tpu.memref_slice %arg9[%dma_start3A_1396, %dma_start3A_1397] : memref<100096x8xf32, #tpu.memory_space<vmem_shared>> -> memref<100096x8xf32, #tpu.memory_space<vmem_shared>>
        tpu.enqueue_indirect_dma source(%dma_start3A_1392 : memref<128x8xf32, #tpu.memory_space<vmem>>) target(%dma_start3A_1398 : memref<100096x8xf32, #tpu.memory_space<vmem_shared>>) offsets(%dma_start3A_1395 : memref<128xi32, #tpu.memory_space<vmem>>) semaphore(%arg12 : memref<!tpu.dma_semaphore, #tpu.memory_space<semaphore_mem>>) {add = true}
      } else {
      }
      %mul3A_712 = arith.constant 16 : i32
      %mul3A_713 = arith.muli %while3A_697, %mul3A_712 : i32
      %add3A_714 = arith.addi %mul3A_6, %mul3A_713 : i32
      %dma_start3A_715 = arith.constant 0 : i32
      %dma_start3A_716 = arith.constant 0 : i32
      %dma_start3A_717 = arith.constant 0 : i32
      %dma_start3A_718 = tpu.memref_slice %arg6[%rem3A_699, %dma_start3A_716, %dma_start3A_717] : memref<2x16x128xi32, #tpu.memory_space<vmem>> -> memref<1x16x128xi32, #tpu.memory_space<vmem>>
      %dma_start3A_719 = tpu.memref_squeeze %dma_start3A_718 : memref<1x16x128xi32, #tpu.memory_space<vmem>> -> memref<16x128xi32, #tpu.memory_space<vmem>>
      %dma_start3A_720 = arith.constant 0 : i32
      %dma_start3A_721 = tpu.memref_slice %arg3[%dma_start3A_715, %add3A_714, %dma_start3A_720] : memref<2x50000x128xi32, #tpu.memory_space<hbm>> -> memref<1x16x128xi32, #tpu.memory_space<hbm>>
      %dma_start3A_722 = tpu.memref_squeeze %dma_start3A_721 : memref<1x16x128xi32, #tpu.memory_space<hbm>> -> memref<16x128xi32, #tpu.memory_space<hbm>>
      %dma_start3A_723 = arith.constant 0 : i32
      %dma_start3A_724 = arith.constant 0 : i32
      %dma_start3A_725 = tpu.memref_slice %arg6[%rem3A_699, %dma_start3A_723, %dma_start3A_724] : memref<2x16x128xi32, #tpu.memory_space<vmem>> -> memref<1x16x128xi32, #tpu.memory_space<vmem>>
      %dma_start3A_726 = tpu.memref_squeeze %dma_start3A_725 : memref<1x16x128xi32, #tpu.memory_space<vmem>> -> memref<16x128xi32, #tpu.memory_space<vmem>>
      %dma_start3A_727 = arith.constant 0 : i32
      %dma_start3A_728 = tpu.memref_slice %arg3[%dma_start3A_715, %add3A_714, %dma_start3A_727] : memref<2x50000x128xi32, #tpu.memory_space<hbm>> -> memref<1x16x128xi32, #tpu.memory_space<hbm>>
      %dma_start3A_729 = tpu.memref_squeeze %dma_start3A_728 : memref<1x16x128xi32, #tpu.memory_space<hbm>> -> memref<16x128xi32, #tpu.memory_space<hbm>>
      tpu.enqueue_dma source(%dma_start3A_729 : memref<16x128xi32, #tpu.memory_space<hbm>>) target(%dma_start3A_726 : memref<16x128xi32, #tpu.memory_space<vmem>>) target_semaphore(%arg10 : memref<!tpu.dma_semaphore, #tpu.memory_space<semaphore_mem>>)
      %dma_start3A_730 = arith.constant 1 : i32
      %dma_start3A_731 = arith.constant 0 : i32
      %dma_start3A_732 = arith.constant 0 : i32
      %dma_start3A_733 = tpu.memref_slice %arg7[%rem3A_699, %dma_start3A_731, %dma_start3A_732] : memref<2x16x128xi32, #tpu.memory_space<vmem>> -> memref<1x16x128xi32, #tpu.memory_space<vmem>>
      %dma_start3A_734 = tpu.memref_squeeze %dma_start3A_733 : memref<1x16x128xi32, #tpu.memory_space<vmem>> -> memref<16x128xi32, #tpu.memory_space<vmem>>
      %dma_start3A_735 = arith.constant 0 : i32
      %dma_start3A_736 = tpu.memref_slice %arg3[%dma_start3A_730, %add3A_714, %dma_start3A_735] : memref<2x50000x128xi32, #tpu.memory_space<hbm>> -> memref<1x16x128xi32, #tpu.memory_space<hbm>>
      %dma_start3A_737 = tpu.memref_squeeze %dma_start3A_736 : memref<1x16x128xi32, #tpu.memory_space<hbm>> -> memref<16x128xi32, #tpu.memory_space<hbm>>
      %dma_start3A_738 = arith.constant 0 : i32
      %dma_start3A_739 = arith.constant 0 : i32
      %dma_start3A_740 = tpu.memref_slice %arg7[%rem3A_699, %dma_start3A_738, %dma_start3A_739] : memref<2x16x128xi32, #tpu.memory_space<vmem>> -> memref<1x16x128xi32, #tpu.memory_space<vmem>>
      %dma_start3A_741 = tpu.memref_squeeze %dma_start3A_740 : memref<1x16x128xi32, #tpu.memory_space<vmem>> -> memref<16x128xi32, #tpu.memory_space<vmem>>
      %dma_start3A_742 = arith.constant 0 : i32
      %dma_start3A_743 = tpu.memref_slice %arg3[%dma_start3A_730, %add3A_714, %dma_start3A_742] : memref<2x50000x128xi32, #tpu.memory_space<hbm>> -> memref<1x16x128xi32, #tpu.memory_space<hbm>>
      %dma_start3A_744 = tpu.memref_squeeze %dma_start3A_743 : memref<1x16x128xi32, #tpu.memory_space<hbm>> -> memref<16x128xi32, #tpu.memory_space<hbm>>
      tpu.enqueue_dma source(%dma_start3A_744 : memref<16x128xi32, #tpu.memory_space<hbm>>) target(%dma_start3A_741 : memref<16x128xi32, #tpu.memory_space<vmem>>) target_semaphore(%arg10 : memref<!tpu.dma_semaphore, #tpu.memory_space<semaphore_mem>>)
      %dma_wait3A_745 = arith.constant 0 : i32
      %dma_wait3A_746 = arith.constant 0 : i32
      %dma_wait3A_747 = arith.constant 0 : i32
      %dma_wait3A_748 = tpu.memref_slice %arg6[%rem3A_699, %dma_wait3A_746, %dma_wait3A_747] : memref<2x16x128xi32, #tpu.memory_space<vmem>> -> memref<1x16x128xi32, #tpu.memory_space<vmem>>
      %dma_wait3A_749 = tpu.memref_squeeze %dma_wait3A_748 : memref<1x16x128xi32, #tpu.memory_space<vmem>> -> memref<16x128xi32, #tpu.memory_space<vmem>>
      %dma_wait3A_750 = arith.constant 0 : i32
      %dma_wait3A_751 = tpu.memref_slice %arg3[%dma_wait3A_745, %add3A_714, %dma_wait3A_750] : memref<2x50000x128xi32, #tpu.memory_space<hbm>> -> memref<1x16x128xi32, #tpu.memory_space<hbm>>
      %dma_wait3A_752 = tpu.memref_squeeze %dma_wait3A_751 : memref<1x16x128xi32, #tpu.memory_space<hbm>> -> memref<16x128xi32, #tpu.memory_space<hbm>>
      %dma_wait3A_753 = arith.constant 0 : i32
      %dma_wait3A_754 = arith.constant 0 : i32
      %dma_wait3A_755 = tpu.memref_slice %arg6[%rem3A_699, %dma_wait3A_753, %dma_wait3A_754] : memref<2x16x128xi32, #tpu.memory_space<vmem>> -> memref<1x16x128xi32, #tpu.memory_space<vmem>>
      %dma_wait3A_756 = tpu.memref_squeeze %dma_wait3A_755 : memref<1x16x128xi32, #tpu.memory_space<vmem>> -> memref<16x128xi32, #tpu.memory_space<vmem>>
      %dma_wait3A_757 = arith.constant 0 : i32
      %dma_wait3A_758 = tpu.memref_slice %arg3[%dma_wait3A_745, %add3A_714, %dma_wait3A_757] : memref<2x50000x128xi32, #tpu.memory_space<hbm>> -> memref<1x16x128xi32, #tpu.memory_space<hbm>>
      %dma_wait3A_759 = tpu.memref_squeeze %dma_wait3A_758 : memref<1x16x128xi32, #tpu.memory_space<hbm>> -> memref<16x128xi32, #tpu.memory_space<hbm>>
      tpu.wait_dma2 semaphore(%arg10 : memref<!tpu.dma_semaphore, #tpu.memory_space<semaphore_mem>>) src(%dma_wait3A_759 : memref<16x128xi32, #tpu.memory_space<hbm>>) dst(%dma_wait3A_756 : memref<16x128xi32, #tpu.memory_space<vmem>>)
      %dma_wait3A_760 = arith.constant 1 : i32
      %dma_wait3A_761 = arith.constant 0 : i32
      %dma_wait3A_762 = arith.constant 0 : i32
      %dma_wait3A_763 = tpu.memref_slice %arg7[%rem3A_699, %dma_wait3A_761, %dma_wait3A_762] : memref<2x16x128xi32, #tpu.memory_space<vmem>> -> memref<1x16x128xi32, #tpu.memory_space<vmem>>
      %dma_wait3A_764 = tpu.memref_squeeze %dma_wait3A_763 : memref<1x16x128xi32, #tpu.memory_space<vmem>> -> memref<16x128xi32, #tpu.memory_space<vmem>>
      %dma_wait3A_765 = arith.constant 0 : i32
      %dma_wait3A_766 = tpu.memref_slice %arg3[%dma_wait3A_760, %add3A_714, %dma_wait3A_765] : memref<2x50000x128xi32, #tpu.memory_space<hbm>> -> memref<1x16x128xi32, #tpu.memory_space<hbm>>
      %dma_wait3A_767 = tpu.memref_squeeze %dma_wait3A_766 : memref<1x16x128xi32, #tpu.memory_space<hbm>> -> memref<16x128xi32, #tpu.memory_space<hbm>>
      %dma_wait3A_768 = arith.constant 0 : i32
      %dma_wait3A_769 = arith.constant 0 : i32
      %dma_wait3A_770 = tpu.memref_slice %arg7[%rem3A_699, %dma_wait3A_768, %dma_wait3A_769] : memref<2x16x128xi32, #tpu.memory_space<vmem>> -> memref<1x16x128xi32, #tpu.memory_space<vmem>>
      %dma_wait3A_771 = tpu.memref_squeeze %dma_wait3A_770 : memref<1x16x128xi32, #tpu.memory_space<vmem>> -> memref<16x128xi32, #tpu.memory_space<vmem>>
      %dma_wait3A_772 = arith.constant 0 : i32
      %dma_wait3A_773 = tpu.memref_slice %arg3[%dma_wait3A_760, %add3A_714, %dma_wait3A_772] : memref<2x50000x128xi32, #tpu.memory_space<hbm>> -> memref<1x16x128xi32, #tpu.memory_space<hbm>>
      %dma_wait3A_774 = tpu.memref_squeeze %dma_wait3A_773 : memref<1x16x128xi32, #tpu.memory_space<hbm>> -> memref<16x128xi32, #tpu.memory_space<hbm>>
      tpu.wait_dma2 semaphore(%arg10 : memref<!tpu.dma_semaphore, #tpu.memory_space<semaphore_mem>>) src(%dma_wait3A_774 : memref<16x128xi32, #tpu.memory_space<hbm>>) dst(%dma_wait3A_771 : memref<16x128xi32, #tpu.memory_space<vmem>>)
      %dma_start3A_775 = arith.constant 0 : i32
      %dma_start3A_776 = arith.constant 0 : i32
      %dma_start3A_777 = arith.constant 0 : i32
      %dma_start3A_778 = arith.constant 0 : i32
      %dma_start3A_779 = tpu.memref_slice %arg8[%rem3A_699, %dma_start3A_776, %dma_start3A_777, %dma_start3A_778] : memref<2x16x128x8xf32, #tpu.memory_space<vmem>> -> memref<1x1x128x8xf32, #tpu.memory_space<vmem>>
      %dma_start3A_780 = tpu.memref_squeeze %dma_start3A_779 : memref<1x1x128x8xf32, #tpu.memory_space<vmem>> -> memref<128x8xf32, #tpu.memory_space<vmem>>
      %dma_start3A_781 = arith.constant 0 : i32
      %dma_start3A_782 = tpu.memref_slice %arg6[%rem3A_699, %dma_start3A_775, %dma_start3A_781] : memref<2x16x128xi32, #tpu.memory_space<vmem>> -> memref<1x1x128xi32, #tpu.memory_space<vmem>>
      %dma_start3A_783 = tpu.memref_squeeze %dma_start3A_782 : memref<1x1x128xi32, #tpu.memory_space<vmem>> -> memref<128xi32, #tpu.memory_space<vmem>>
      %dma_start3A_784 = arith.constant 0 : i32
      %dma_start3A_785 = arith.constant 0 : i32
      %dma_start3A_786 = tpu.memref_slice %arg2[%dma_start3A_784, %dma_start3A_785] : memref<100000x8xf32, #tpu.memory_space<hbm>> -> memref<100000x8xf32, #tpu.memory_space<hbm>>
      tpu.enqueue_indirect_dma source(%dma_start3A_786 : memref<100000x8xf32, #tpu.memory_space<hbm>>) target(%dma_start3A_780 : memref<128x8xf32, #tpu.memory_space<vmem>>) offsets(%dma_start3A_783 : memref<128xi32, #tpu.memory_space<vmem>>) semaphore(%arg11 : memref<!tpu.dma_semaphore, #tpu.memory_space<semaphore_mem>>)
      %dma_start3A_787 = arith.constant 1 : i32
      %dma_start3A_788 = arith.constant 1 : i32
      %dma_start3A_789 = arith.constant 0 : i32
      %dma_start3A_790 = arith.constant 0 : i32
      %dma_start3A_791 = tpu.memref_slice %arg8[%rem3A_699, %dma_start3A_788, %dma_start3A_789, %dma_start3A_790] : memref<2x16x128x8xf32, #tpu.memory_space<vmem>> -> memref<1x1x128x8xf32, #tpu.memory_space<vmem>>
      %dma_start3A_792 = tpu.memref_squeeze %dma_start3A_791 : memref<1x1x128x8xf32, #tpu.memory_space<vmem>> -> memref<128x8xf32, #tpu.memory_space<vmem>>
      %dma_start3A_793 = arith.constant 0 : i32
      %dma_start3A_794 = tpu.memref_slice %arg6[%rem3A_699, %dma_start3A_787, %dma_start3A_793] : memref<2x16x128xi32, #tpu.memory_space<vmem>> -> memref<1x1x128xi32, #tpu.memory_space<vmem>>
      %dma_start3A_795 = tpu.memref_squeeze %dma_start3A_794 : memref<1x1x128xi32, #tpu.memory_space<vmem>> -> memref<128xi32, #tpu.memory_space<vmem>>
      %dma_start3A_796 = arith.constant 0 : i32
      %dma_start3A_797 = arith.constant 0 : i32
      %dma_start3A_798 = tpu.memref_slice %arg2[%dma_start3A_796, %dma_start3A_797] : memref<100000x8xf32, #tpu.memory_space<hbm>> -> memref<100000x8xf32, #tpu.memory_space<hbm>>
      tpu.enqueue_indirect_dma source(%dma_start3A_798 : memref<100000x8xf32, #tpu.memory_space<hbm>>) target(%dma_start3A_792 : memref<128x8xf32, #tpu.memory_space<vmem>>) offsets(%dma_start3A_795 : memref<128xi32, #tpu.memory_space<vmem>>) semaphore(%arg11 : memref<!tpu.dma_semaphore, #tpu.memory_space<semaphore_mem>>)
      %dma_start3A_799 = arith.constant 2 : i32
      %dma_start3A_800 = arith.constant 2 : i32
      %dma_start3A_801 = arith.constant 0 : i32
      %dma_start3A_802 = arith.constant 0 : i32
      %dma_start3A_803 = tpu.memref_slice %arg8[%rem3A_699, %dma_start3A_800, %dma_start3A_801, %dma_start3A_802] : memref<2x16x128x8xf32, #tpu.memory_space<vmem>> -> memref<1x1x128x8xf32, #tpu.memory_space<vmem>>
      %dma_start3A_804 = tpu.memref_squeeze %dma_start3A_803 : memref<1x1x128x8xf32, #tpu.memory_space<vmem>> -> memref<128x8xf32, #tpu.memory_space<vmem>>
      %dma_start3A_805 = arith.constant 0 : i32
      %dma_start3A_806 = tpu.memref_slice %arg6[%rem3A_699, %dma_start3A_799, %dma_start3A_805] : memref<2x16x128xi32, #tpu.memory_space<vmem>> -> memref<1x1x128xi32, #tpu.memory_space<vmem>>
      %dma_start3A_807 = tpu.memref_squeeze %dma_start3A_806 : memref<1x1x128xi32, #tpu.memory_space<vmem>> -> memref<128xi32, #tpu.memory_space<vmem>>
      %dma_start3A_808 = arith.constant 0 : i32
      %dma_start3A_809 = arith.constant 0 : i32
      %dma_start3A_810 = tpu.memref_slice %arg2[%dma_start3A_808, %dma_start3A_809] : memref<100000x8xf32, #tpu.memory_space<hbm>> -> memref<100000x8xf32, #tpu.memory_space<hbm>>
      tpu.enqueue_indirect_dma source(%dma_start3A_810 : memref<100000x8xf32, #tpu.memory_space<hbm>>) target(%dma_start3A_804 : memref<128x8xf32, #tpu.memory_space<vmem>>) offsets(%dma_start3A_807 : memref<128xi32, #tpu.memory_space<vmem>>) semaphore(%arg11 : memref<!tpu.dma_semaphore, #tpu.memory_space<semaphore_mem>>)
      %dma_start3A_811 = arith.constant 3 : i32
      %dma_start3A_812 = arith.constant 3 : i32
      %dma_start3A_813 = arith.constant 0 : i32
      %dma_start3A_814 = arith.constant 0 : i32
      %dma_start3A_815 = tpu.memref_slice %arg8[%rem3A_699, %dma_start3A_812, %dma_start3A_813, %dma_start3A_814] : memref<2x16x128x8xf32, #tpu.memory_space<vmem>> -> memref<1x1x128x8xf32, #tpu.memory_space<vmem>>
      %dma_start3A_816 = tpu.memref_squeeze %dma_start3A_815 : memref<1x1x128x8xf32, #tpu.memory_space<vmem>> -> memref<128x8xf32, #tpu.memory_space<vmem>>
      %dma_start3A_817 = arith.constant 0 : i32
      %dma_start3A_818 = tpu.memref_slice %arg6[%rem3A_699, %dma_start3A_811, %dma_start3A_817] : memref<2x16x128xi32, #tpu.memory_space<vmem>> -> memref<1x1x128xi32, #tpu.memory_space<vmem>>
      %dma_start3A_819 = tpu.memref_squeeze %dma_start3A_818 : memref<1x1x128xi32, #tpu.memory_space<vmem>> -> memref<128xi32, #tpu.memory_space<vmem>>
      %dma_start3A_820 = arith.constant 0 : i32
      %dma_start3A_821 = arith.constant 0 : i32
      %dma_start3A_822 = tpu.memref_slice %arg2[%dma_start3A_820, %dma_start3A_821] : memref<100000x8xf32, #tpu.memory_space<hbm>> -> memref<100000x8xf32, #tpu.memory_space<hbm>>
      tpu.enqueue_indirect_dma source(%dma_start3A_822 : memref<100000x8xf32, #tpu.memory_space<hbm>>) target(%dma_start3A_816 : memref<128x8xf32, #tpu.memory_space<vmem>>) offsets(%dma_start3A_819 : memref<128xi32, #tpu.memory_space<vmem>>) semaphore(%arg11 : memref<!tpu.dma_semaphore, #tpu.memory_space<semaphore_mem>>)
      %dma_start3A_823 = arith.constant 4 : i32
      %dma_start3A_824 = arith.constant 4 : i32
      %dma_start3A_825 = arith.constant 0 : i32
      %dma_start3A_826 = arith.constant 0 : i32
      %dma_start3A_827 = tpu.memref_slice %arg8[%rem3A_699, %dma_start3A_824, %dma_start3A_825, %dma_start3A_826] : memref<2x16x128x8xf32, #tpu.memory_space<vmem>> -> memref<1x1x128x8xf32, #tpu.memory_space<vmem>>
      %dma_start3A_828 = tpu.memref_squeeze %dma_start3A_827 : memref<1x1x128x8xf32, #tpu.memory_space<vmem>> -> memref<128x8xf32, #tpu.memory_space<vmem>>
      %dma_start3A_829 = arith.constant 0 : i32
      %dma_start3A_830 = tpu.memref_slice %arg6[%rem3A_699, %dma_start3A_823, %dma_start3A_829] : memref<2x16x128xi32, #tpu.memory_space<vmem>> -> memref<1x1x128xi32, #tpu.memory_space<vmem>>
      %dma_start3A_831 = tpu.memref_squeeze %dma_start3A_830 : memref<1x1x128xi32, #tpu.memory_space<vmem>> -> memref<128xi32, #tpu.memory_space<vmem>>
      %dma_start3A_832 = arith.constant 0 : i32
      %dma_start3A_833 = arith.constant 0 : i32
      %dma_start3A_834 = tpu.memref_slice %arg2[%dma_start3A_832, %dma_start3A_833] : memref<100000x8xf32, #tpu.memory_space<hbm>> -> memref<100000x8xf32, #tpu.memory_space<hbm>>
      tpu.enqueue_indirect_dma source(%dma_start3A_834 : memref<100000x8xf32, #tpu.memory_space<hbm>>) target(%dma_start3A_828 : memref<128x8xf32, #tpu.memory_space<vmem>>) offsets(%dma_start3A_831 : memref<128xi32, #tpu.memory_space<vmem>>) semaphore(%arg11 : memref<!tpu.dma_semaphore, #tpu.memory_space<semaphore_mem>>)
      %dma_start3A_835 = arith.constant 5 : i32
      %dma_start3A_836 = arith.constant 5 : i32
      %dma_start3A_837 = arith.constant 0 : i32
      %dma_start3A_838 = arith.constant 0 : i32
      %dma_start3A_839 = tpu.memref_slice %arg8[%rem3A_699, %dma_start3A_836, %dma_start3A_837, %dma_start3A_838] : memref<2x16x128x8xf32, #tpu.memory_space<vmem>> -> memref<1x1x128x8xf32, #tpu.memory_space<vmem>>
      %dma_start3A_840 = tpu.memref_squeeze %dma_start3A_839 : memref<1x1x128x8xf32, #tpu.memory_space<vmem>> -> memref<128x8xf32, #tpu.memory_space<vmem>>
      %dma_start3A_841 = arith.constant 0 : i32
      %dma_start3A_842 = tpu.memref_slice %arg6[%rem3A_699, %dma_start3A_835, %dma_start3A_841] : memref<2x16x128xi32, #tpu.memory_space<vmem>> -> memref<1x1x128xi32, #tpu.memory_space<vmem>>
      %dma_start3A_843 = tpu.memref_squeeze %dma_start3A_842 : memref<1x1x128xi32, #tpu.memory_space<vmem>> -> memref<128xi32, #tpu.memory_space<vmem>>
      %dma_start3A_844 = arith.constant 0 : i32
      %dma_start3A_845 = arith.constant 0 : i32
      %dma_start3A_846 = tpu.memref_slice %arg2[%dma_start3A_844, %dma_start3A_845] : memref<100000x8xf32, #tpu.memory_space<hbm>> -> memref<100000x8xf32, #tpu.memory_space<hbm>>
      tpu.enqueue_indirect_dma source(%dma_start3A_846 : memref<100000x8xf32, #tpu.memory_space<hbm>>) target(%dma_start3A_840 : memref<128x8xf32, #tpu.memory_space<vmem>>) offsets(%dma_start3A_843 : memref<128xi32, #tpu.memory_space<vmem>>) semaphore(%arg11 : memref<!tpu.dma_semaphore, #tpu.memory_space<semaphore_mem>>)
      %dma_start3A_847 = arith.constant 6 : i32
      %dma_start3A_848 = arith.constant 6 : i32
      %dma_start3A_849 = arith.constant 0 : i32
      %dma_start3A_850 = arith.constant 0 : i32
      %dma_start3A_851 = tpu.memref_slice %arg8[%rem3A_699, %dma_start3A_848, %dma_start3A_849, %dma_start3A_850] : memref<2x16x128x8xf32, #tpu.memory_space<vmem>> -> memref<1x1x128x8xf32, #tpu.memory_space<vmem>>
      %dma_start3A_852 = tpu.memref_squeeze %dma_start3A_851 : memref<1x1x128x8xf32, #tpu.memory_space<vmem>> -> memref<128x8xf32, #tpu.memory_space<vmem>>
      %dma_start3A_853 = arith.constant 0 : i32
      %dma_start3A_854 = tpu.memref_slice %arg6[%rem3A_699, %dma_start3A_847, %dma_start3A_853] : memref<2x16x128xi32, #tpu.memory_space<vmem>> -> memref<1x1x128xi32, #tpu.memory_space<vmem>>
      %dma_start3A_855 = tpu.memref_squeeze %dma_start3A_854 : memref<1x1x128xi32, #tpu.memory_space<vmem>> -> memref<128xi32, #tpu.memory_space<vmem>>
      %dma_start3A_856 = arith.constant 0 : i32
      %dma_start3A_857 = arith.constant 0 : i32
      %dma_start3A_858 = tpu.memref_slice %arg2[%dma_start3A_856, %dma_start3A_857] : memref<100000x8xf32, #tpu.memory_space<hbm>> -> memref<100000x8xf32, #tpu.memory_space<hbm>>
      tpu.enqueue_indirect_dma source(%dma_start3A_858 : memref<100000x8xf32, #tpu.memory_space<hbm>>) target(%dma_start3A_852 : memref<128x8xf32, #tpu.memory_space<vmem>>) offsets(%dma_start3A_855 : memref<128xi32, #tpu.memory_space<vmem>>) semaphore(%arg11 : memref<!tpu.dma_semaphore, #tpu.memory_space<semaphore_mem>>)
      %dma_start3A_859 = arith.constant 7 : i32
      %dma_start3A_860 = arith.constant 7 : i32
      %dma_start3A_861 = arith.constant 0 : i32
      %dma_start3A_862 = arith.constant 0 : i32
      %dma_start3A_863 = tpu.memref_slice %arg8[%rem3A_699, %dma_start3A_860, %dma_start3A_861, %dma_start3A_862] : memref<2x16x128x8xf32, #tpu.memory_space<vmem>> -> memref<1x1x128x8xf32, #tpu.memory_space<vmem>>
      %dma_start3A_864 = tpu.memref_squeeze %dma_start3A_863 : memref<1x1x128x8xf32, #tpu.memory_space<vmem>> -> memref<128x8xf32, #tpu.memory_space<vmem>>
      %dma_start3A_865 = arith.constant 0 : i32
      %dma_start3A_866 = tpu.memref_slice %arg6[%rem3A_699, %dma_start3A_859, %dma_start3A_865] : memref<2x16x128xi32, #tpu.memory_space<vmem>> -> memref<1x1x128xi32, #tpu.memory_space<vmem>>
      %dma_start3A_867 = tpu.memref_squeeze %dma_start3A_866 : memref<1x1x128xi32, #tpu.memory_space<vmem>> -> memref<128xi32, #tpu.memory_space<vmem>>
      %dma_start3A_868 = arith.constant 0 : i32
      %dma_start3A_869 = arith.constant 0 : i32
      %dma_start3A_870 = tpu.memref_slice %arg2[%dma_start3A_868, %dma_start3A_869] : memref<100000x8xf32, #tpu.memory_space<hbm>> -> memref<100000x8xf32, #tpu.memory_space<hbm>>
      tpu.enqueue_indirect_dma source(%dma_start3A_870 : memref<100000x8xf32, #tpu.memory_space<hbm>>) target(%dma_start3A_864 : memref<128x8xf32, #tpu.memory_space<vmem>>) offsets(%dma_start3A_867 : memref<128xi32, #tpu.memory_space<vmem>>) semaphore(%arg11 : memref<!tpu.dma_semaphore, #tpu.memory_space<semaphore_mem>>)
      %dma_start3A_871 = arith.constant 8 : i32
      %dma_start3A_872 = arith.constant 8 : i32
      %dma_start3A_873 = arith.constant 0 : i32
      %dma_start3A_874 = arith.constant 0 : i32
      %dma_start3A_875 = tpu.memref_slice %arg8[%rem3A_699, %dma_start3A_872, %dma_start3A_873, %dma_start3A_874] : memref<2x16x128x8xf32, #tpu.memory_space<vmem>> -> memref<1x1x128x8xf32, #tpu.memory_space<vmem>>
      %dma_start3A_876 = tpu.memref_squeeze %dma_start3A_875 : memref<1x1x128x8xf32, #tpu.memory_space<vmem>> -> memref<128x8xf32, #tpu.memory_space<vmem>>
      %dma_start3A_877 = arith.constant 0 : i32
      %dma_start3A_878 = tpu.memref_slice %arg6[%rem3A_699, %dma_start3A_871, %dma_start3A_877] : memref<2x16x128xi32, #tpu.memory_space<vmem>> -> memref<1x1x128xi32, #tpu.memory_space<vmem>>
      %dma_start3A_879 = tpu.memref_squeeze %dma_start3A_878 : memref<1x1x128xi32, #tpu.memory_space<vmem>> -> memref<128xi32, #tpu.memory_space<vmem>>
      %dma_start3A_880 = arith.constant 0 : i32
      %dma_start3A_881 = arith.constant 0 : i32
      %dma_start3A_882 = tpu.memref_slice %arg2[%dma_start3A_880, %dma_start3A_881] : memref<100000x8xf32, #tpu.memory_space<hbm>> -> memref<100000x8xf32, #tpu.memory_space<hbm>>
      tpu.enqueue_indirect_dma source(%dma_start3A_882 : memref<100000x8xf32, #tpu.memory_space<hbm>>) target(%dma_start3A_876 : memref<128x8xf32, #tpu.memory_space<vmem>>) offsets(%dma_start3A_879 : memref<128xi32, #tpu.memory_space<vmem>>) semaphore(%arg11 : memref<!tpu.dma_semaphore, #tpu.memory_space<semaphore_mem>>)
      %dma_start3A_883 = arith.constant 9 : i32
      %dma_start3A_884 = arith.constant 9 : i32
      %dma_start3A_885 = arith.constant 0 : i32
      %dma_start3A_886 = arith.constant 0 : i32
      %dma_start3A_887 = tpu.memref_slice %arg8[%rem3A_699, %dma_start3A_884, %dma_start3A_885, %dma_start3A_886] : memref<2x16x128x8xf32, #tpu.memory_space<vmem>> -> memref<1x1x128x8xf32, #tpu.memory_space<vmem>>
      %dma_start3A_888 = tpu.memref_squeeze %dma_start3A_887 : memref<1x1x128x8xf32, #tpu.memory_space<vmem>> -> memref<128x8xf32, #tpu.memory_space<vmem>>
      %dma_start3A_889 = arith.constant 0 : i32
      %dma_start3A_890 = tpu.memref_slice %arg6[%rem3A_699, %dma_start3A_883, %dma_start3A_889] : memref<2x16x128xi32, #tpu.memory_space<vmem>> -> memref<1x1x128xi32, #tpu.memory_space<vmem>>
      %dma_start3A_891 = tpu.memref_squeeze %dma_start3A_890 : memref<1x1x128xi32, #tpu.memory_space<vmem>> -> memref<128xi32, #tpu.memory_space<vmem>>
      %dma_start3A_892 = arith.constant 0 : i32
      %dma_start3A_893 = arith.constant 0 : i32
      %dma_start3A_894 = tpu.memref_slice %arg2[%dma_start3A_892, %dma_start3A_893] : memref<100000x8xf32, #tpu.memory_space<hbm>> -> memref<100000x8xf32, #tpu.memory_space<hbm>>
      tpu.enqueue_indirect_dma source(%dma_start3A_894 : memref<100000x8xf32, #tpu.memory_space<hbm>>) target(%dma_start3A_888 : memref<128x8xf32, #tpu.memory_space<vmem>>) offsets(%dma_start3A_891 : memref<128xi32, #tpu.memory_space<vmem>>) semaphore(%arg11 : memref<!tpu.dma_semaphore, #tpu.memory_space<semaphore_mem>>)
      %dma_start3A_895 = arith.constant 10 : i32
      %dma_start3A_896 = arith.constant 10 : i32
      %dma_start3A_897 = arith.constant 0 : i32
      %dma_start3A_898 = arith.constant 0 : i32
      %dma_start3A_899 = tpu.memref_slice %arg8[%rem3A_699, %dma_start3A_896, %dma_start3A_897, %dma_start3A_898] : memref<2x16x128x8xf32, #tpu.memory_space<vmem>> -> memref<1x1x128x8xf32, #tpu.memory_space<vmem>>
      %dma_start3A_900 = tpu.memref_squeeze %dma_start3A_899 : memref<1x1x128x8xf32, #tpu.memory_space<vmem>> -> memref<128x8xf32, #tpu.memory_space<vmem>>
      %dma_start3A_901 = arith.constant 0 : i32
      %dma_start3A_902 = tpu.memref_slice %arg6[%rem3A_699, %dma_start3A_895, %dma_start3A_901] : memref<2x16x128xi32, #tpu.memory_space<vmem>> -> memref<1x1x128xi32, #tpu.memory_space<vmem>>
      %dma_start3A_903 = tpu.memref_squeeze %dma_start3A_902 : memref<1x1x128xi32, #tpu.memory_space<vmem>> -> memref<128xi32, #tpu.memory_space<vmem>>
      %dma_start3A_904 = arith.constant 0 : i32
      %dma_start3A_905 = arith.constant 0 : i32
      %dma_start3A_906 = tpu.memref_slice %arg2[%dma_start3A_904, %dma_start3A_905] : memref<100000x8xf32, #tpu.memory_space<hbm>> -> memref<100000x8xf32, #tpu.memory_space<hbm>>
      tpu.enqueue_indirect_dma source(%dma_start3A_906 : memref<100000x8xf32, #tpu.memory_space<hbm>>) target(%dma_start3A_900 : memref<128x8xf32, #tpu.memory_space<vmem>>) offsets(%dma_start3A_903 : memref<128xi32, #tpu.memory_space<vmem>>) semaphore(%arg11 : memref<!tpu.dma_semaphore, #tpu.memory_space<semaphore_mem>>)
      %dma_start3A_907 = arith.constant 11 : i32
      %dma_start3A_908 = arith.constant 11 : i32
      %dma_start3A_909 = arith.constant 0 : i32
      %dma_start3A_910 = arith.constant 0 : i32
      %dma_start3A_911 = tpu.memref_slice %arg8[%rem3A_699, %dma_start3A_908, %dma_start3A_909, %dma_start3A_910] : memref<2x16x128x8xf32, #tpu.memory_space<vmem>> -> memref<1x1x128x8xf32, #tpu.memory_space<vmem>>
      %dma_start3A_912 = tpu.memref_squeeze %dma_start3A_911 : memref<1x1x128x8xf32, #tpu.memory_space<vmem>> -> memref<128x8xf32, #tpu.memory_space<vmem>>
      %dma_start3A_913 = arith.constant 0 : i32
      %dma_start3A_914 = tpu.memref_slice %arg6[%rem3A_699, %dma_start3A_907, %dma_start3A_913] : memref<2x16x128xi32, #tpu.memory_space<vmem>> -> memref<1x1x128xi32, #tpu.memory_space<vmem>>
      %dma_start3A_915 = tpu.memref_squeeze %dma_start3A_914 : memref<1x1x128xi32, #tpu.memory_space<vmem>> -> memref<128xi32, #tpu.memory_space<vmem>>
      %dma_start3A_916 = arith.constant 0 : i32
      %dma_start3A_917 = arith.constant 0 : i32
      %dma_start3A_918 = tpu.memref_slice %arg2[%dma_start3A_916, %dma_start3A_917] : memref<100000x8xf32, #tpu.memory_space<hbm>> -> memref<100000x8xf32, #tpu.memory_space<hbm>>
      tpu.enqueue_indirect_dma source(%dma_start3A_918 : memref<100000x8xf32, #tpu.memory_space<hbm>>) target(%dma_start3A_912 : memref<128x8xf32, #tpu.memory_space<vmem>>) offsets(%dma_start3A_915 : memref<128xi32, #tpu.memory_space<vmem>>) semaphore(%arg11 : memref<!tpu.dma_semaphore, #tpu.memory_space<semaphore_mem>>)
      %dma_start3A_919 = arith.constant 12 : i32
      %dma_start3A_920 = arith.constant 12 : i32
      %dma_start3A_921 = arith.constant 0 : i32
      %dma_start3A_922 = arith.constant 0 : i32
      %dma_start3A_923 = tpu.memref_slice %arg8[%rem3A_699, %dma_start3A_920, %dma_start3A_921, %dma_start3A_922] : memref<2x16x128x8xf32, #tpu.memory_space<vmem>> -> memref<1x1x128x8xf32, #tpu.memory_space<vmem>>
      %dma_start3A_924 = tpu.memref_squeeze %dma_start3A_923 : memref<1x1x128x8xf32, #tpu.memory_space<vmem>> -> memref<128x8xf32, #tpu.memory_space<vmem>>
      %dma_start3A_925 = arith.constant 0 : i32
      %dma_start3A_926 = tpu.memref_slice %arg6[%rem3A_699, %dma_start3A_919, %dma_start3A_925] : memref<2x16x128xi32, #tpu.memory_space<vmem>> -> memref<1x1x128xi32, #tpu.memory_space<vmem>>
      %dma_start3A_927 = tpu.memref_squeeze %dma_start3A_926 : memref<1x1x128xi32, #tpu.memory_space<vmem>> -> memref<128xi32, #tpu.memory_space<vmem>>
      %dma_start3A_928 = arith.constant 0 : i32
      %dma_start3A_929 = arith.constant 0 : i32
      %dma_start3A_930 = tpu.memref_slice %arg2[%dma_start3A_928, %dma_start3A_929] : memref<100000x8xf32, #tpu.memory_space<hbm>> -> memref<100000x8xf32, #tpu.memory_space<hbm>>
      tpu.enqueue_indirect_dma source(%dma_start3A_930 : memref<100000x8xf32, #tpu.memory_space<hbm>>) target(%dma_start3A_924 : memref<128x8xf32, #tpu.memory_space<vmem>>) offsets(%dma_start3A_927 : memref<128xi32, #tpu.memory_space<vmem>>) semaphore(%arg11 : memref<!tpu.dma_semaphore, #tpu.memory_space<semaphore_mem>>)
      %dma_start3A_931 = arith.constant 13 : i32
      %dma_start3A_932 = arith.constant 13 : i32
      %dma_start3A_933 = arith.constant 0 : i32
      %dma_start3A_934 = arith.constant 0 : i32
      %dma_start3A_935 = tpu.memref_slice %arg8[%rem3A_699, %dma_start3A_932, %dma_start3A_933, %dma_start3A_934] : memref<2x16x128x8xf32, #tpu.memory_space<vmem>> -> memref<1x1x128x8xf32, #tpu.memory_space<vmem>>
      %dma_start3A_936 = tpu.memref_squeeze %dma_start3A_935 : memref<1x1x128x8xf32, #tpu.memory_space<vmem>> -> memref<128x8xf32, #tpu.memory_space<vmem>>
      %dma_start3A_937 = arith.constant 0 : i32
      %dma_start3A_938 = tpu.memref_slice %arg6[%rem3A_699, %dma_start3A_931, %dma_start3A_937] : memref<2x16x128xi32, #tpu.memory_space<vmem>> -> memref<1x1x128xi32, #tpu.memory_space<vmem>>
      %dma_start3A_939 = tpu.memref_squeeze %dma_start3A_938 : memref<1x1x128xi32, #tpu.memory_space<vmem>> -> memref<128xi32, #tpu.memory_space<vmem>>
      %dma_start3A_940 = arith.constant 0 : i32
      %dma_start3A_941 = arith.constant 0 : i32
      %dma_start3A_942 = tpu.memref_slice %arg2[%dma_start3A_940, %dma_start3A_941] : memref<100000x8xf32, #tpu.memory_space<hbm>> -> memref<100000x8xf32, #tpu.memory_space<hbm>>
      tpu.enqueue_indirect_dma source(%dma_start3A_942 : memref<100000x8xf32, #tpu.memory_space<hbm>>) target(%dma_start3A_936 : memref<128x8xf32, #tpu.memory_space<vmem>>) offsets(%dma_start3A_939 : memref<128xi32, #tpu.memory_space<vmem>>) semaphore(%arg11 : memref<!tpu.dma_semaphore, #tpu.memory_space<semaphore_mem>>)
      %dma_start3A_943 = arith.constant 14 : i32
      %dma_start3A_944 = arith.constant 14 : i32
      %dma_start3A_945 = arith.constant 0 : i32
      %dma_start3A_946 = arith.constant 0 : i32
      %dma_start3A_947 = tpu.memref_slice %arg8[%rem3A_699, %dma_start3A_944, %dma_start3A_945, %dma_start3A_946] : memref<2x16x128x8xf32, #tpu.memory_space<vmem>> -> memref<1x1x128x8xf32, #tpu.memory_space<vmem>>
      %dma_start3A_948 = tpu.memref_squeeze %dma_start3A_947 : memref<1x1x128x8xf32, #tpu.memory_space<vmem>> -> memref<128x8xf32, #tpu.memory_space<vmem>>
      %dma_start3A_949 = arith.constant 0 : i32
      %dma_start3A_950 = tpu.memref_slice %arg6[%rem3A_699, %dma_start3A_943, %dma_start3A_949] : memref<2x16x128xi32, #tpu.memory_space<vmem>> -> memref<1x1x128xi32, #tpu.memory_space<vmem>>
      %dma_start3A_951 = tpu.memref_squeeze %dma_start3A_950 : memref<1x1x128xi32, #tpu.memory_space<vmem>> -> memref<128xi32, #tpu.memory_space<vmem>>
      %dma_start3A_952 = arith.constant 0 : i32
      %dma_start3A_953 = arith.constant 0 : i32
      %dma_start3A_954 = tpu.memref_slice %arg2[%dma_start3A_952, %dma_start3A_953] : memref<100000x8xf32, #tpu.memory_space<hbm>> -> memref<100000x8xf32, #tpu.memory_space<hbm>>
      tpu.enqueue_indirect_dma source(%dma_start3A_954 : memref<100000x8xf32, #tpu.memory_space<hbm>>) target(%dma_start3A_948 : memref<128x8xf32, #tpu.memory_space<vmem>>) offsets(%dma_start3A_951 : memref<128xi32, #tpu.memory_space<vmem>>) semaphore(%arg11 : memref<!tpu.dma_semaphore, #tpu.memory_space<semaphore_mem>>)
      %dma_start3A_955 = arith.constant 15 : i32
      %dma_start3A_956 = arith.constant 15 : i32
      %dma_start3A_957 = arith.constant 0 : i32
      %dma_start3A_958 = arith.constant 0 : i32
      %dma_start3A_959 = tpu.memref_slice %arg8[%rem3A_699, %dma_start3A_956, %dma_start3A_957, %dma_start3A_958] : memref<2x16x128x8xf32, #tpu.memory_space<vmem>> -> memref<1x1x128x8xf32, #tpu.memory_space<vmem>>
      %dma_start3A_960 = tpu.memref_squeeze %dma_start3A_959 : memref<1x1x128x8xf32, #tpu.memory_space<vmem>> -> memref<128x8xf32, #tpu.memory_space<vmem>>
      %dma_start3A_961 = arith.constant 0 : i32
      %dma_start3A_962 = tpu.memref_slice %arg6[%rem3A_699, %dma_start3A_955, %dma_start3A_961] : memref<2x16x128xi32, #tpu.memory_space<vmem>> -> memref<1x1x128xi32, #tpu.memory_space<vmem>>
      %dma_start3A_963 = tpu.memref_squeeze %dma_start3A_962 : memref<1x1x128xi32, #tpu.memory_space<vmem>> -> memref<128xi32, #tpu.memory_space<vmem>>
      %dma_start3A_964 = arith.constant 0 : i32
      %dma_start3A_965 = arith.constant 0 : i32
      %dma_start3A_966 = tpu.memref_slice %arg2[%dma_start3A_964, %dma_start3A_965] : memref<100000x8xf32, #tpu.memory_space<hbm>> -> memref<100000x8xf32, #tpu.memory_space<hbm>>
      tpu.enqueue_indirect_dma source(%dma_start3A_966 : memref<100000x8xf32, #tpu.memory_space<hbm>>) target(%dma_start3A_960 : memref<128x8xf32, #tpu.memory_space<vmem>>) offsets(%dma_start3A_963 : memref<128xi32, #tpu.memory_space<vmem>>) semaphore(%arg11 : memref<!tpu.dma_semaphore, #tpu.memory_space<semaphore_mem>>)
    }
    %while3A_17 = arith.constant 1 : i32
    scf.for %while3A_697 = %while3A_15 to %while3A_11 step %while3A_17  : i32 {
      %rem3A_698 = arith.constant 2 : i32
      %rem3A_699 = arith.remsi %while3A_697, %rem3A_698 : i32
      %sub3A_700 = arith.constant 1 : i32
      %sub3A_701 = arith.subi %sub3A_700, %rem3A_699 : i32
      %ge3A_702 = arith.constant 2 : i32
      %ge3A_703 = arith.cmpi sge, %while3A_697, %ge3A_702 : i32
      %convert_element_type3A_704 = arith.extui %ge3A_703 : i1 to i32
      %cond3A_705 = arith.constant 0 : i32
      %cond3A_706 = arith.cmpi ne, %convert_element_type3A_704, %cond3A_705 : i32
      scf.if %cond3A_706 {
        %dma_wait3A_967 = arith.constant 0 : i32
        %dma_wait3A_968 = arith.constant 0 : i32
        %dma_wait3A_969 = arith.constant 0 : i32
        %dma_wait3A_970 = tpu.memref_slice %arg8[%rem3A_699, %dma_wait3A_967, %dma_wait3A_968, %dma_wait3A_969] : memref<2x16x128x8xf32, #tpu.memory_space<vmem>> -> memref<1x1x128x8xf32, #tpu.memory_space<vmem>>
        %dma_wait3A_971 = tpu.memref_squeeze %dma_wait3A_970 : memref<1x1x128x8xf32, #tpu.memory_space<vmem>> -> memref<128x8xf32, #tpu.memory_space<vmem>>
        %dma_wait3A_972 = arith.constant 0 : i32
        %dma_wait3A_973 = arith.constant 0 : i32
        %dma_wait3A_974 = tpu.memref_slice %arg4[%dma_wait3A_972, %dma_wait3A_973] : memref<100096x8xf32, #tpu.memory_space<hbm>> -> memref<128x8xf32, #tpu.memory_space<hbm>>
        %dma_wait3A_975 = arith.constant 0 : i32
        %dma_wait3A_976 = arith.constant 0 : i32
        %dma_wait3A_977 = tpu.memref_slice %arg8[%rem3A_699, %dma_wait3A_967, %dma_wait3A_975, %dma_wait3A_976] : memref<2x16x128x8xf32, #tpu.memory_space<vmem>> -> memref<1x1x128x8xf32, #tpu.memory_space<vmem>>
        %dma_wait3A_978 = tpu.memref_squeeze %dma_wait3A_977 : memref<1x1x128x8xf32, #tpu.memory_space<vmem>> -> memref<128x8xf32, #tpu.memory_space<vmem>>
        %dma_wait3A_979 = arith.constant 0 : i32
        %dma_wait3A_980 = arith.constant 0 : i32
        %dma_wait3A_981 = tpu.memref_slice %arg4[%dma_wait3A_979, %dma_wait3A_980] : memref<100096x8xf32, #tpu.memory_space<hbm>> -> memref<128x8xf32, #tpu.memory_space<hbm>>
        tpu.wait_dma2 semaphore(%arg12 : memref<!tpu.dma_semaphore, #tpu.memory_space<semaphore_mem>>) src(%dma_wait3A_981 : memref<128x8xf32, #tpu.memory_space<hbm>>) dst(%dma_wait3A_978 : memref<128x8xf32, #tpu.memory_space<vmem>>)
        %dma_wait3A_982 = arith.constant 1 : i32
        %dma_wait3A_983 = arith.constant 0 : i32
        %dma_wait3A_984 = arith.constant 0 : i32
        %dma_wait3A_985 = tpu.memref_slice %arg8[%rem3A_699, %dma_wait3A_982, %dma_wait3A_983, %dma_wait3A_984] : memref<2x16x128x8xf32, #tpu.memory_space<vmem>> -> memref<1x1x128x8xf32, #tpu.memory_space<vmem>>
        %dma_wait3A_986 = tpu.memref_squeeze %dma_wait3A_985 : memref<1x1x128x8xf32, #tpu.memory_space<vmem>> -> memref<128x8xf32, #tpu.memory_space<vmem>>
        %dma_wait3A_987 = arith.constant 0 : i32
        %dma_wait3A_988 = arith.constant 0 : i32
        %dma_wait3A_989 = tpu.memref_slice %arg4[%dma_wait3A_987, %dma_wait3A_988] : memref<100096x8xf32, #tpu.memory_space<hbm>> -> memref<128x8xf32, #tpu.memory_space<hbm>>
        %dma_wait3A_990 = arith.constant 0 : i32
        %dma_wait3A_991 = arith.constant 0 : i32
        %dma_wait3A_992 = tpu.memref_slice %arg8[%rem3A_699, %dma_wait3A_982, %dma_wait3A_990, %dma_wait3A_991] : memref<2x16x128x8xf32, #tpu.memory_space<vmem>> -> memref<1x1x128x8xf32, #tpu.memory_space<vmem>>
        %dma_wait3A_993 = tpu.memref_squeeze %dma_wait3A_992 : memref<1x1x128x8xf32, #tpu.memory_space<vmem>> -> memref<128x8xf32, #tpu.memory_space<vmem>>
        %dma_wait3A_994 = arith.constant 0 : i32
        %dma_wait3A_995 = arith.constant 0 : i32
        %dma_wait3A_996 = tpu.memref_slice %arg4[%dma_wait3A_994, %dma_wait3A_995] : memref<100096x8xf32, #tpu.memory_space<hbm>> -> memref<128x8xf32, #tpu.memory_space<hbm>>
        tpu.wait_dma2 semaphore(%arg12 : memref<!tpu.dma_semaphore, #tpu.memory_space<semaphore_mem>>) src(%dma_wait3A_996 : memref<128x8xf32, #tpu.memory_space<hbm>>) dst(%dma_wait3A_993 : memref<128x8xf32, #tpu.memory_space<vmem>>)
        %dma_wait3A_997 = arith.constant 2 : i32
        %dma_wait3A_998 = arith.constant 0 : i32
        %dma_wait3A_999 = arith.constant 0 : i32
        %dma_wait3A_1000 = tpu.memref_slice %arg8[%rem3A_699, %dma_wait3A_997, %dma_wait3A_998, %dma_wait3A_999] : memref<2x16x128x8xf32, #tpu.memory_space<vmem>> -> memref<1x1x128x8xf32, #tpu.memory_space<vmem>>
        %dma_wait3A_1001 = tpu.memref_squeeze %dma_wait3A_1000 : memref<1x1x128x8xf32, #tpu.memory_space<vmem>> -> memref<128x8xf32, #tpu.memory_space<vmem>>
        %dma_wait3A_1002 = arith.constant 0 : i32
        %dma_wait3A_1003 = arith.constant 0 : i32
        %dma_wait3A_1004 = tpu.memref_slice %arg4[%dma_wait3A_1002, %dma_wait3A_1003] : memref<100096x8xf32, #tpu.memory_space<hbm>> -> memref<128x8xf32, #tpu.memory_space<hbm>>
        %dma_wait3A_1005 = arith.constant 0 : i32
        %dma_wait3A_1006 = arith.constant 0 : i32
        %dma_wait3A_1007 = tpu.memref_slice %arg8[%rem3A_699, %dma_wait3A_997, %dma_wait3A_1005, %dma_wait3A_1006] : memref<2x16x128x8xf32, #tpu.memory_space<vmem>> -> memref<1x1x128x8xf32, #tpu.memory_space<vmem>>
        %dma_wait3A_1008 = tpu.memref_squeeze %dma_wait3A_1007 : memref<1x1x128x8xf32, #tpu.memory_space<vmem>> -> memref<128x8xf32, #tpu.memory_space<vmem>>
        %dma_wait3A_1009 = arith.constant 0 : i32
        %dma_wait3A_1010 = arith.constant 0 : i32
        %dma_wait3A_1011 = tpu.memref_slice %arg4[%dma_wait3A_1009, %dma_wait3A_1010] : memref<100096x8xf32, #tpu.memory_space<hbm>> -> memref<128x8xf32, #tpu.memory_space<hbm>>
        tpu.wait_dma2 semaphore(%arg12 : memref<!tpu.dma_semaphore, #tpu.memory_space<semaphore_mem>>) src(%dma_wait3A_1011 : memref<128x8xf32, #tpu.memory_space<hbm>>) dst(%dma_wait3A_1008 : memref<128x8xf32, #tpu.memory_space<vmem>>)
        %dma_wait3A_1012 = arith.constant 3 : i32
        %dma_wait3A_1013 = arith.constant 0 : i32
        %dma_wait3A_1014 = arith.constant 0 : i32
        %dma_wait3A_1015 = tpu.memref_slice %arg8[%rem3A_699, %dma_wait3A_1012, %dma_wait3A_1013, %dma_wait3A_1014] : memref<2x16x128x8xf32, #tpu.memory_space<vmem>> -> memref<1x1x128x8xf32, #tpu.memory_space<vmem>>
        %dma_wait3A_1016 = tpu.memref_squeeze %dma_wait3A_1015 : memref<1x1x128x8xf32, #tpu.memory_space<vmem>> -> memref<128x8xf32, #tpu.memory_space<vmem>>
        %dma_wait3A_1017 = arith.constant 0 : i32
        %dma_wait3A_1018 = arith.constant 0 : i32
        %dma_wait3A_1019 = tpu.memref_slice %arg4[%dma_wait3A_1017, %dma_wait3A_1018] : memref<100096x8xf32, #tpu.memory_space<hbm>> -> memref<128x8xf32, #tpu.memory_space<hbm>>
        %dma_wait3A_1020 = arith.constant 0 : i32
        %dma_wait3A_1021 = arith.constant 0 : i32
        %dma_wait3A_1022 = tpu.memref_slice %arg8[%rem3A_699, %dma_wait3A_1012, %dma_wait3A_1020, %dma_wait3A_1021] : memref<2x16x128x8xf32, #tpu.memory_space<vmem>> -> memref<1x1x128x8xf32, #tpu.memory_space<vmem>>
        %dma_wait3A_1023 = tpu.memref_squeeze %dma_wait3A_1022 : memref<1x1x128x8xf32, #tpu.memory_space<vmem>> -> memref<128x8xf32, #tpu.memory_space<vmem>>
        %dma_wait3A_1024 = arith.constant 0 : i32
        %dma_wait3A_1025 = arith.constant 0 : i32
        %dma_wait3A_1026 = tpu.memref_slice %arg4[%dma_wait3A_1024, %dma_wait3A_1025] : memref<100096x8xf32, #tpu.memory_space<hbm>> -> memref<128x8xf32, #tpu.memory_space<hbm>>
        tpu.wait_dma2 semaphore(%arg12 : memref<!tpu.dma_semaphore, #tpu.memory_space<semaphore_mem>>) src(%dma_wait3A_1026 : memref<128x8xf32, #tpu.memory_space<hbm>>) dst(%dma_wait3A_1023 : memref<128x8xf32, #tpu.memory_space<vmem>>)
        %dma_wait3A_1027 = arith.constant 4 : i32
        %dma_wait3A_1028 = arith.constant 0 : i32
        %dma_wait3A_1029 = arith.constant 0 : i32
        %dma_wait3A_1030 = tpu.memref_slice %arg8[%rem3A_699, %dma_wait3A_1027, %dma_wait3A_1028, %dma_wait3A_1029] : memref<2x16x128x8xf32, #tpu.memory_space<vmem>> -> memref<1x1x128x8xf32, #tpu.memory_space<vmem>>
        %dma_wait3A_1031 = tpu.memref_squeeze %dma_wait3A_1030 : memref<1x1x128x8xf32, #tpu.memory_space<vmem>> -> memref<128x8xf32, #tpu.memory_space<vmem>>
        %dma_wait3A_1032 = arith.constant 0 : i32
        %dma_wait3A_1033 = arith.constant 0 : i32
        %dma_wait3A_1034 = tpu.memref_slice %arg4[%dma_wait3A_1032, %dma_wait3A_1033] : memref<100096x8xf32, #tpu.memory_space<hbm>> -> memref<128x8xf32, #tpu.memory_space<hbm>>
        %dma_wait3A_1035 = arith.constant 0 : i32
        %dma_wait3A_1036 = arith.constant 0 : i32
        %dma_wait3A_1037 = tpu.memref_slice %arg8[%rem3A_699, %dma_wait3A_1027, %dma_wait3A_1035, %dma_wait3A_1036] : memref<2x16x128x8xf32, #tpu.memory_space<vmem>> -> memref<1x1x128x8xf32, #tpu.memory_space<vmem>>
        %dma_wait3A_1038 = tpu.memref_squeeze %dma_wait3A_1037 : memref<1x1x128x8xf32, #tpu.memory_space<vmem>> -> memref<128x8xf32, #tpu.memory_space<vmem>>
        %dma_wait3A_1039 = arith.constant 0 : i32
        %dma_wait3A_1040 = arith.constant 0 : i32
        %dma_wait3A_1041 = tpu.memref_slice %arg4[%dma_wait3A_1039, %dma_wait3A_1040] : memref<100096x8xf32, #tpu.memory_space<hbm>> -> memref<128x8xf32, #tpu.memory_space<hbm>>
        tpu.wait_dma2 semaphore(%arg12 : memref<!tpu.dma_semaphore, #tpu.memory_space<semaphore_mem>>) src(%dma_wait3A_1041 : memref<128x8xf32, #tpu.memory_space<hbm>>) dst(%dma_wait3A_1038 : memref<128x8xf32, #tpu.memory_space<vmem>>)
        %dma_wait3A_1042 = arith.constant 5 : i32
        %dma_wait3A_1043 = arith.constant 0 : i32
        %dma_wait3A_1044 = arith.constant 0 : i32
        %dma_wait3A_1045 = tpu.memref_slice %arg8[%rem3A_699, %dma_wait3A_1042, %dma_wait3A_1043, %dma_wait3A_1044] : memref<2x16x128x8xf32, #tpu.memory_space<vmem>> -> memref<1x1x128x8xf32, #tpu.memory_space<vmem>>
        %dma_wait3A_1046 = tpu.memref_squeeze %dma_wait3A_1045 : memref<1x1x128x8xf32, #tpu.memory_space<vmem>> -> memref<128x8xf32, #tpu.memory_space<vmem>>
        %dma_wait3A_1047 = arith.constant 0 : i32
        %dma_wait3A_1048 = arith.constant 0 : i32
        %dma_wait3A_1049 = tpu.memref_slice %arg4[%dma_wait3A_1047, %dma_wait3A_1048] : memref<100096x8xf32, #tpu.memory_space<hbm>> -> memref<128x8xf32, #tpu.memory_space<hbm>>
        %dma_wait3A_1050 = arith.constant 0 : i32
        %dma_wait3A_1051 = arith.constant 0 : i32
        %dma_wait3A_1052 = tpu.memref_slice %arg8[%rem3A_699, %dma_wait3A_1042, %dma_wait3A_1050, %dma_wait3A_1051] : memref<2x16x128x8xf32, #tpu.memory_space<vmem>> -> memref<1x1x128x8xf32, #tpu.memory_space<vmem>>
        %dma_wait3A_1053 = tpu.memref_squeeze %dma_wait3A_1052 : memref<1x1x128x8xf32, #tpu.memory_space<vmem>> -> memref<128x8xf32, #tpu.memory_space<vmem>>
        %dma_wait3A_1054 = arith.constant 0 : i32
        %dma_wait3A_1055 = arith.constant 0 : i32
        %dma_wait3A_1056 = tpu.memref_slice %arg4[%dma_wait3A_1054, %dma_wait3A_1055] : memref<100096x8xf32, #tpu.memory_space<hbm>> -> memref<128x8xf32, #tpu.memory_space<hbm>>
        tpu.wait_dma2 semaphore(%arg12 : memref<!tpu.dma_semaphore, #tpu.memory_space<semaphore_mem>>) src(%dma_wait3A_1056 : memref<128x8xf32, #tpu.memory_space<hbm>>) dst(%dma_wait3A_1053 : memref<128x8xf32, #tpu.memory_space<vmem>>)
        %dma_wait3A_1057 = arith.constant 6 : i32
        %dma_wait3A_1058 = arith.constant 0 : i32
        %dma_wait3A_1059 = arith.constant 0 : i32
        %dma_wait3A_1060 = tpu.memref_slice %arg8[%rem3A_699, %dma_wait3A_1057, %dma_wait3A_1058, %dma_wait3A_1059] : memref<2x16x128x8xf32, #tpu.memory_space<vmem>> -> memref<1x1x128x8xf32, #tpu.memory_space<vmem>>
        %dma_wait3A_1061 = tpu.memref_squeeze %dma_wait3A_1060 : memref<1x1x128x8xf32, #tpu.memory_space<vmem>> -> memref<128x8xf32, #tpu.memory_space<vmem>>
        %dma_wait3A_1062 = arith.constant 0 : i32
        %dma_wait3A_1063 = arith.constant 0 : i32
        %dma_wait3A_1064 = tpu.memref_slice %arg4[%dma_wait3A_1062, %dma_wait3A_1063] : memref<100096x8xf32, #tpu.memory_space<hbm>> -> memref<128x8xf32, #tpu.memory_space<hbm>>
        %dma_wait3A_1065 = arith.constant 0 : i32
        %dma_wait3A_1066 = arith.constant 0 : i32
        %dma_wait3A_1067 = tpu.memref_slice %arg8[%rem3A_699, %dma_wait3A_1057, %dma_wait3A_1065, %dma_wait3A_1066] : memref<2x16x128x8xf32, #tpu.memory_space<vmem>> -> memref<1x1x128x8xf32, #tpu.memory_space<vmem>>
        %dma_wait3A_1068 = tpu.memref_squeeze %dma_wait3A_1067 : memref<1x1x128x8xf32, #tpu.memory_space<vmem>> -> memref<128x8xf32, #tpu.memory_space<vmem>>
        %dma_wait3A_1069 = arith.constant 0 : i32
        %dma_wait3A_1070 = arith.constant 0 : i32
        %dma_wait3A_1071 = tpu.memref_slice %arg4[%dma_wait3A_1069, %dma_wait3A_1070] : memref<100096x8xf32, #tpu.memory_space<hbm>> -> memref<128x8xf32, #tpu.memory_space<hbm>>
        tpu.wait_dma2 semaphore(%arg12 : memref<!tpu.dma_semaphore, #tpu.memory_space<semaphore_mem>>) src(%dma_wait3A_1071 : memref<128x8xf32, #tpu.memory_space<hbm>>) dst(%dma_wait3A_1068 : memref<128x8xf32, #tpu.memory_space<vmem>>)
        %dma_wait3A_1072 = arith.constant 7 : i32
        %dma_wait3A_1073 = arith.constant 0 : i32
        %dma_wait3A_1074 = arith.constant 0 : i32
        %dma_wait3A_1075 = tpu.memref_slice %arg8[%rem3A_699, %dma_wait3A_1072, %dma_wait3A_1073, %dma_wait3A_1074] : memref<2x16x128x8xf32, #tpu.memory_space<vmem>> -> memref<1x1x128x8xf32, #tpu.memory_space<vmem>>
        %dma_wait3A_1076 = tpu.memref_squeeze %dma_wait3A_1075 : memref<1x1x128x8xf32, #tpu.memory_space<vmem>> -> memref<128x8xf32, #tpu.memory_space<vmem>>
        %dma_wait3A_1077 = arith.constant 0 : i32
        %dma_wait3A_1078 = arith.constant 0 : i32
        %dma_wait3A_1079 = tpu.memref_slice %arg4[%dma_wait3A_1077, %dma_wait3A_1078] : memref<100096x8xf32, #tpu.memory_space<hbm>> -> memref<128x8xf32, #tpu.memory_space<hbm>>
        %dma_wait3A_1080 = arith.constant 0 : i32
        %dma_wait3A_1081 = arith.constant 0 : i32
        %dma_wait3A_1082 = tpu.memref_slice %arg8[%rem3A_699, %dma_wait3A_1072, %dma_wait3A_1080, %dma_wait3A_1081] : memref<2x16x128x8xf32, #tpu.memory_space<vmem>> -> memref<1x1x128x8xf32, #tpu.memory_space<vmem>>
        %dma_wait3A_1083 = tpu.memref_squeeze %dma_wait3A_1082 : memref<1x1x128x8xf32, #tpu.memory_space<vmem>> -> memref<128x8xf32, #tpu.memory_space<vmem>>
        %dma_wait3A_1084 = arith.constant 0 : i32
        %dma_wait3A_1085 = arith.constant 0 : i32
        %dma_wait3A_1086 = tpu.memref_slice %arg4[%dma_wait3A_1084, %dma_wait3A_1085] : memref<100096x8xf32, #tpu.memory_space<hbm>> -> memref<128x8xf32, #tpu.memory_space<hbm>>
        tpu.wait_dma2 semaphore(%arg12 : memref<!tpu.dma_semaphore, #tpu.memory_space<semaphore_mem>>) src(%dma_wait3A_1086 : memref<128x8xf32, #tpu.memory_space<hbm>>) dst(%dma_wait3A_1083 : memref<128x8xf32, #tpu.memory_space<vmem>>)
        %dma_wait3A_1087 = arith.constant 8 : i32
        %dma_wait3A_1088 = arith.constant 0 : i32
        %dma_wait3A_1089 = arith.constant 0 : i32
        %dma_wait3A_1090 = tpu.memref_slice %arg8[%rem3A_699, %dma_wait3A_1087, %dma_wait3A_1088, %dma_wait3A_1089] : memref<2x16x128x8xf32, #tpu.memory_space<vmem>> -> memref<1x1x128x8xf32, #tpu.memory_space<vmem>>
        %dma_wait3A_1091 = tpu.memref_squeeze %dma_wait3A_1090 : memref<1x1x128x8xf32, #tpu.memory_space<vmem>> -> memref<128x8xf32, #tpu.memory_space<vmem>>
        %dma_wait3A_1092 = arith.constant 0 : i32
        %dma_wait3A_1093 = arith.constant 0 : i32
        %dma_wait3A_1094 = tpu.memref_slice %arg4[%dma_wait3A_1092, %dma_wait3A_1093] : memref<100096x8xf32, #tpu.memory_space<hbm>> -> memref<128x8xf32, #tpu.memory_space<hbm>>
        %dma_wait3A_1095 = arith.constant 0 : i32
        %dma_wait3A_1096 = arith.constant 0 : i32
        %dma_wait3A_1097 = tpu.memref_slice %arg8[%rem3A_699, %dma_wait3A_1087, %dma_wait3A_1095, %dma_wait3A_1096] : memref<2x16x128x8xf32, #tpu.memory_space<vmem>> -> memref<1x1x128x8xf32, #tpu.memory_space<vmem>>
        %dma_wait3A_1098 = tpu.memref_squeeze %dma_wait3A_1097 : memref<1x1x128x8xf32, #tpu.memory_space<vmem>> -> memref<128x8xf32, #tpu.memory_space<vmem>>
        %dma_wait3A_1099 = arith.constant 0 : i32
        %dma_wait3A_1100 = arith.constant 0 : i32
        %dma_wait3A_1101 = tpu.memref_slice %arg4[%dma_wait3A_1099, %dma_wait3A_1100] : memref<100096x8xf32, #tpu.memory_space<hbm>> -> memref<128x8xf32, #tpu.memory_space<hbm>>
        tpu.wait_dma2 semaphore(%arg12 : memref<!tpu.dma_semaphore, #tpu.memory_space<semaphore_mem>>) src(%dma_wait3A_1101 : memref<128x8xf32, #tpu.memory_space<hbm>>) dst(%dma_wait3A_1098 : memref<128x8xf32, #tpu.memory_space<vmem>>)
        %dma_wait3A_1102 = arith.constant 9 : i32
        %dma_wait3A_1103 = arith.constant 0 : i32
        %dma_wait3A_1104 = arith.constant 0 : i32
        %dma_wait3A_1105 = tpu.memref_slice %arg8[%rem3A_699, %dma_wait3A_1102, %dma_wait3A_1103, %dma_wait3A_1104] : memref<2x16x128x8xf32, #tpu.memory_space<vmem>> -> memref<1x1x128x8xf32, #tpu.memory_space<vmem>>
        %dma_wait3A_1106 = tpu.memref_squeeze %dma_wait3A_1105 : memref<1x1x128x8xf32, #tpu.memory_space<vmem>> -> memref<128x8xf32, #tpu.memory_space<vmem>>
        %dma_wait3A_1107 = arith.constant 0 : i32
        %dma_wait3A_1108 = arith.constant 0 : i32
        %dma_wait3A_1109 = tpu.memref_slice %arg4[%dma_wait3A_1107, %dma_wait3A_1108] : memref<100096x8xf32, #tpu.memory_space<hbm>> -> memref<128x8xf32, #tpu.memory_space<hbm>>
        %dma_wait3A_1110 = arith.constant 0 : i32
        %dma_wait3A_1111 = arith.constant 0 : i32
        %dma_wait3A_1112 = tpu.memref_slice %arg8[%rem3A_699, %dma_wait3A_1102, %dma_wait3A_1110, %dma_wait3A_1111] : memref<2x16x128x8xf32, #tpu.memory_space<vmem>> -> memref<1x1x128x8xf32, #tpu.memory_space<vmem>>
        %dma_wait3A_1113 = tpu.memref_squeeze %dma_wait3A_1112 : memref<1x1x128x8xf32, #tpu.memory_space<vmem>> -> memref<128x8xf32, #tpu.memory_space<vmem>>
        %dma_wait3A_1114 = arith.constant 0 : i32
        %dma_wait3A_1115 = arith.constant 0 : i32
        %dma_wait3A_1116 = tpu.memref_slice %arg4[%dma_wait3A_1114, %dma_wait3A_1115] : memref<100096x8xf32, #tpu.memory_space<hbm>> -> memref<128x8xf32, #tpu.memory_space<hbm>>
        tpu.wait_dma2 semaphore(%arg12 : memref<!tpu.dma_semaphore, #tpu.memory_space<semaphore_mem>>) src(%dma_wait3A_1116 : memref<128x8xf32, #tpu.memory_space<hbm>>) dst(%dma_wait3A_1113 : memref<128x8xf32, #tpu.memory_space<vmem>>)
        %dma_wait3A_1117 = arith.constant 10 : i32
        %dma_wait3A_1118 = arith.constant 0 : i32
        %dma_wait3A_1119 = arith.constant 0 : i32
        %dma_wait3A_1120 = tpu.memref_slice %arg8[%rem3A_699, %dma_wait3A_1117, %dma_wait3A_1118, %dma_wait3A_1119] : memref<2x16x128x8xf32, #tpu.memory_space<vmem>> -> memref<1x1x128x8xf32, #tpu.memory_space<vmem>>
        %dma_wait3A_1121 = tpu.memref_squeeze %dma_wait3A_1120 : memref<1x1x128x8xf32, #tpu.memory_space<vmem>> -> memref<128x8xf32, #tpu.memory_space<vmem>>
        %dma_wait3A_1122 = arith.constant 0 : i32
        %dma_wait3A_1123 = arith.constant 0 : i32
        %dma_wait3A_1124 = tpu.memref_slice %arg4[%dma_wait3A_1122, %dma_wait3A_1123] : memref<100096x8xf32, #tpu.memory_space<hbm>> -> memref<128x8xf32, #tpu.memory_space<hbm>>
        %dma_wait3A_1125 = arith.constant 0 : i32
        %dma_wait3A_1126 = arith.constant 0 : i32
        %dma_wait3A_1127 = tpu.memref_slice %arg8[%rem3A_699, %dma_wait3A_1117, %dma_wait3A_1125, %dma_wait3A_1126] : memref<2x16x128x8xf32, #tpu.memory_space<vmem>> -> memref<1x1x128x8xf32, #tpu.memory_space<vmem>>
        %dma_wait3A_1128 = tpu.memref_squeeze %dma_wait3A_1127 : memref<1x1x128x8xf32, #tpu.memory_space<vmem>> -> memref<128x8xf32, #tpu.memory_space<vmem>>
        %dma_wait3A_1129 = arith.constant 0 : i32
        %dma_wait3A_1130 = arith.constant 0 : i32
        %dma_wait3A_1131 = tpu.memref_slice %arg4[%dma_wait3A_1129, %dma_wait3A_1130] : memref<100096x8xf32, #tpu.memory_space<hbm>> -> memref<128x8xf32, #tpu.memory_space<hbm>>
        tpu.wait_dma2 semaphore(%arg12 : memref<!tpu.dma_semaphore, #tpu.memory_space<semaphore_mem>>) src(%dma_wait3A_1131 : memref<128x8xf32, #tpu.memory_space<hbm>>) dst(%dma_wait3A_1128 : memref<128x8xf32, #tpu.memory_space<vmem>>)
        %dma_wait3A_1132 = arith.constant 11 : i32
        %dma_wait3A_1133 = arith.constant 0 : i32
        %dma_wait3A_1134 = arith.constant 0 : i32
        %dma_wait3A_1135 = tpu.memref_slice %arg8[%rem3A_699, %dma_wait3A_1132, %dma_wait3A_1133, %dma_wait3A_1134] : memref<2x16x128x8xf32, #tpu.memory_space<vmem>> -> memref<1x1x128x8xf32, #tpu.memory_space<vmem>>
        %dma_wait3A_1136 = tpu.memref_squeeze %dma_wait3A_1135 : memref<1x1x128x8xf32, #tpu.memory_space<vmem>> -> memref<128x8xf32, #tpu.memory_space<vmem>>
        %dma_wait3A_1137 = arith.constant 0 : i32
        %dma_wait3A_1138 = arith.constant 0 : i32
        %dma_wait3A_1139 = tpu.memref_slice %arg4[%dma_wait3A_1137, %dma_wait3A_1138] : memref<100096x8xf32, #tpu.memory_space<hbm>> -> memref<128x8xf32, #tpu.memory_space<hbm>>
        %dma_wait3A_1140 = arith.constant 0 : i32
        %dma_wait3A_1141 = arith.constant 0 : i32
        %dma_wait3A_1142 = tpu.memref_slice %arg8[%rem3A_699, %dma_wait3A_1132, %dma_wait3A_1140, %dma_wait3A_1141] : memref<2x16x128x8xf32, #tpu.memory_space<vmem>> -> memref<1x1x128x8xf32, #tpu.memory_space<vmem>>
        %dma_wait3A_1143 = tpu.memref_squeeze %dma_wait3A_1142 : memref<1x1x128x8xf32, #tpu.memory_space<vmem>> -> memref<128x8xf32, #tpu.memory_space<vmem>>
        %dma_wait3A_1144 = arith.constant 0 : i32
        %dma_wait3A_1145 = arith.constant 0 : i32
        %dma_wait3A_1146 = tpu.memref_slice %arg4[%dma_wait3A_1144, %dma_wait3A_1145] : memref<100096x8xf32, #tpu.memory_space<hbm>> -> memref<128x8xf32, #tpu.memory_space<hbm>>
        tpu.wait_dma2 semaphore(%arg12 : memref<!tpu.dma_semaphore, #tpu.memory_space<semaphore_mem>>) src(%dma_wait3A_1146 : memref<128x8xf32, #tpu.memory_space<hbm>>) dst(%dma_wait3A_1143 : memref<128x8xf32, #tpu.memory_space<vmem>>)
        %dma_wait3A_1147 = arith.constant 12 : i32
        %dma_wait3A_1148 = arith.constant 0 : i32
        %dma_wait3A_1149 = arith.constant 0 : i32
        %dma_wait3A_1150 = tpu.memref_slice %arg8[%rem3A_699, %dma_wait3A_1147, %dma_wait3A_1148, %dma_wait3A_1149] : memref<2x16x128x8xf32, #tpu.memory_space<vmem>> -> memref<1x1x128x8xf32, #tpu.memory_space<vmem>>
        %dma_wait3A_1151 = tpu.memref_squeeze %dma_wait3A_1150 : memref<1x1x128x8xf32, #tpu.memory_space<vmem>> -> memref<128x8xf32, #tpu.memory_space<vmem>>
        %dma_wait3A_1152 = arith.constant 0 : i32
        %dma_wait3A_1153 = arith.constant 0 : i32
        %dma_wait3A_1154 = tpu.memref_slice %arg4[%dma_wait3A_1152, %dma_wait3A_1153] : memref<100096x8xf32, #tpu.memory_space<hbm>> -> memref<128x8xf32, #tpu.memory_space<hbm>>
        %dma_wait3A_1155 = arith.constant 0 : i32
        %dma_wait3A_1156 = arith.constant 0 : i32
        %dma_wait3A_1157 = tpu.memref_slice %arg8[%rem3A_699, %dma_wait3A_1147, %dma_wait3A_1155, %dma_wait3A_1156] : memref<2x16x128x8xf32, #tpu.memory_space<vmem>> -> memref<1x1x128x8xf32, #tpu.memory_space<vmem>>
        %dma_wait3A_1158 = tpu.memref_squeeze %dma_wait3A_1157 : memref<1x1x128x8xf32, #tpu.memory_space<vmem>> -> memref<128x8xf32, #tpu.memory_space<vmem>>
        %dma_wait3A_1159 = arith.constant 0 : i32
        %dma_wait3A_1160 = arith.constant 0 : i32
        %dma_wait3A_1161 = tpu.memref_slice %arg4[%dma_wait3A_1159, %dma_wait3A_1160] : memref<100096x8xf32, #tpu.memory_space<hbm>> -> memref<128x8xf32, #tpu.memory_space<hbm>>
        tpu.wait_dma2 semaphore(%arg12 : memref<!tpu.dma_semaphore, #tpu.memory_space<semaphore_mem>>) src(%dma_wait3A_1161 : memref<128x8xf32, #tpu.memory_space<hbm>>) dst(%dma_wait3A_1158 : memref<128x8xf32, #tpu.memory_space<vmem>>)
        %dma_wait3A_1162 = arith.constant 13 : i32
        %dma_wait3A_1163 = arith.constant 0 : i32
        %dma_wait3A_1164 = arith.constant 0 : i32
        %dma_wait3A_1165 = tpu.memref_slice %arg8[%rem3A_699, %dma_wait3A_1162, %dma_wait3A_1163, %dma_wait3A_1164] : memref<2x16x128x8xf32, #tpu.memory_space<vmem>> -> memref<1x1x128x8xf32, #tpu.memory_space<vmem>>
        %dma_wait3A_1166 = tpu.memref_squeeze %dma_wait3A_1165 : memref<1x1x128x8xf32, #tpu.memory_space<vmem>> -> memref<128x8xf32, #tpu.memory_space<vmem>>
        %dma_wait3A_1167 = arith.constant 0 : i32
        %dma_wait3A_1168 = arith.constant 0 : i32
        %dma_wait3A_1169 = tpu.memref_slice %arg4[%dma_wait3A_1167, %dma_wait3A_1168] : memref<100096x8xf32, #tpu.memory_space<hbm>> -> memref<128x8xf32, #tpu.memory_space<hbm>>
        %dma_wait3A_1170 = arith.constant 0 : i32
        %dma_wait3A_1171 = arith.constant 0 : i32
        %dma_wait3A_1172 = tpu.memref_slice %arg8[%rem3A_699, %dma_wait3A_1162, %dma_wait3A_1170, %dma_wait3A_1171] : memref<2x16x128x8xf32, #tpu.memory_space<vmem>> -> memref<1x1x128x8xf32, #tpu.memory_space<vmem>>
        %dma_wait3A_1173 = tpu.memref_squeeze %dma_wait3A_1172 : memref<1x1x128x8xf32, #tpu.memory_space<vmem>> -> memref<128x8xf32, #tpu.memory_space<vmem>>
        %dma_wait3A_1174 = arith.constant 0 : i32
        %dma_wait3A_1175 = arith.constant 0 : i32
        %dma_wait3A_1176 = tpu.memref_slice %arg4[%dma_wait3A_1174, %dma_wait3A_1175] : memref<100096x8xf32, #tpu.memory_space<hbm>> -> memref<128x8xf32, #tpu.memory_space<hbm>>
        tpu.wait_dma2 semaphore(%arg12 : memref<!tpu.dma_semaphore, #tpu.memory_space<semaphore_mem>>) src(%dma_wait3A_1176 : memref<128x8xf32, #tpu.memory_space<hbm>>) dst(%dma_wait3A_1173 : memref<128x8xf32, #tpu.memory_space<vmem>>)
        %dma_wait3A_1177 = arith.constant 14 : i32
        %dma_wait3A_1178 = arith.constant 0 : i32
        %dma_wait3A_1179 = arith.constant 0 : i32
        %dma_wait3A_1180 = tpu.memref_slice %arg8[%rem3A_699, %dma_wait3A_1177, %dma_wait3A_1178, %dma_wait3A_1179] : memref<2x16x128x8xf32, #tpu.memory_space<vmem>> -> memref<1x1x128x8xf32, #tpu.memory_space<vmem>>
        %dma_wait3A_1181 = tpu.memref_squeeze %dma_wait3A_1180 : memref<1x1x128x8xf32, #tpu.memory_space<vmem>> -> memref<128x8xf32, #tpu.memory_space<vmem>>
        %dma_wait3A_1182 = arith.constant 0 : i32
        %dma_wait3A_1183 = arith.constant 0 : i32
        %dma_wait3A_1184 = tpu.memref_slice %arg4[%dma_wait3A_1182, %dma_wait3A_1183] : memref<100096x8xf32, #tpu.memory_space<hbm>> -> memref<128x8xf32, #tpu.memory_space<hbm>>
        %dma_wait3A_1185 = arith.constant 0 : i32
        %dma_wait3A_1186 = arith.constant 0 : i32
        %dma_wait3A_1187 = tpu.memref_slice %arg8[%rem3A_699, %dma_wait3A_1177, %dma_wait3A_1185, %dma_wait3A_1186] : memref<2x16x128x8xf32, #tpu.memory_space<vmem>> -> memref<1x1x128x8xf32, #tpu.memory_space<vmem>>
        %dma_wait3A_1188 = tpu.memref_squeeze %dma_wait3A_1187 : memref<1x1x128x8xf32, #tpu.memory_space<vmem>> -> memref<128x8xf32, #tpu.memory_space<vmem>>
        %dma_wait3A_1189 = arith.constant 0 : i32
        %dma_wait3A_1190 = arith.constant 0 : i32
        %dma_wait3A_1191 = tpu.memref_slice %arg4[%dma_wait3A_1189, %dma_wait3A_1190] : memref<100096x8xf32, #tpu.memory_space<hbm>> -> memref<128x8xf32, #tpu.memory_space<hbm>>
        tpu.wait_dma2 semaphore(%arg12 : memref<!tpu.dma_semaphore, #tpu.memory_space<semaphore_mem>>) src(%dma_wait3A_1191 : memref<128x8xf32, #tpu.memory_space<hbm>>) dst(%dma_wait3A_1188 : memref<128x8xf32, #tpu.memory_space<vmem>>)
        %dma_wait3A_1192 = arith.constant 15 : i32
        %dma_wait3A_1193 = arith.constant 0 : i32
        %dma_wait3A_1194 = arith.constant 0 : i32
        %dma_wait3A_1195 = tpu.memref_slice %arg8[%rem3A_699, %dma_wait3A_1192, %dma_wait3A_1193, %dma_wait3A_1194] : memref<2x16x128x8xf32, #tpu.memory_space<vmem>> -> memref<1x1x128x8xf32, #tpu.memory_space<vmem>>
        %dma_wait3A_1196 = tpu.memref_squeeze %dma_wait3A_1195 : memref<1x1x128x8xf32, #tpu.memory_space<vmem>> -> memref<128x8xf32, #tpu.memory_space<vmem>>
        %dma_wait3A_1197 = arith.constant 0 : i32
        %dma_wait3A_1198 = arith.constant 0 : i32
        %dma_wait3A_1199 = tpu.memref_slice %arg4[%dma_wait3A_1197, %dma_wait3A_1198] : memref<100096x8xf32, #tpu.memory_space<hbm>> -> memref<128x8xf32, #tpu.memory_space<hbm>>
        %dma_wait3A_1200 = arith.constant 0 : i32
        %dma_wait3A_1201 = arith.constant 0 : i32
        %dma_wait3A_1202 = tpu.memref_slice %arg8[%rem3A_699, %dma_wait3A_1192, %dma_wait3A_1200, %dma_wait3A_1201] : memref<2x16x128x8xf32, #tpu.memory_space<vmem>> -> memref<1x1x128x8xf32, #tpu.memory_space<vmem>>
        %dma_wait3A_1203 = tpu.memref_squeeze %dma_wait3A_1202 : memref<1x1x128x8xf32, #tpu.memory_space<vmem>> -> memref<128x8xf32, #tpu.memory_space<vmem>>
        %dma_wait3A_1204 = arith.constant 0 : i32
        %dma_wait3A_1205 = arith.constant 0 : i32
        %dma_wait3A_1206 = tpu.memref_slice %arg4[%dma_wait3A_1204, %dma_wait3A_1205] : memref<100096x8xf32, #tpu.memory_space<hbm>> -> memref<128x8xf32, #tpu.memory_space<hbm>>
        tpu.wait_dma2 semaphore(%arg12 : memref<!tpu.dma_semaphore, #tpu.memory_space<semaphore_mem>>) src(%dma_wait3A_1206 : memref<128x8xf32, #tpu.memory_space<hbm>>) dst(%dma_wait3A_1203 : memref<128x8xf32, #tpu.memory_space<vmem>>)
      } else {
      }
      %ge3A_707 = arith.constant 1 : i32
      %ge3A_708 = arith.cmpi sge, %while3A_697, %ge3A_707 : i32
      %convert_element_type3A_709 = arith.extui %ge3A_708 : i1 to i32
      %cond3A_710 = arith.constant 0 : i32
      %cond3A_711 = arith.cmpi ne, %convert_element_type3A_709, %cond3A_710 : i32
      scf.if %cond3A_711 {
        %dma_wait3A_967 = arith.constant 0 : i32
        %dma_wait3A_968 = arith.constant 0 : i32
        %dma_wait3A_969 = arith.constant 0 : i32
        %dma_wait3A_970 = tpu.memref_slice %arg8[%sub3A_701, %dma_wait3A_967, %dma_wait3A_968, %dma_wait3A_969] : memref<2x16x128x8xf32, #tpu.memory_space<vmem>> -> memref<1x1x128x8xf32, #tpu.memory_space<vmem>>
        %dma_wait3A_971 = tpu.memref_squeeze %dma_wait3A_970 : memref<1x1x128x8xf32, #tpu.memory_space<vmem>> -> memref<128x8xf32, #tpu.memory_space<vmem>>
        %dma_wait3A_972 = arith.constant 0 : i32
        %dma_wait3A_973 = arith.constant 0 : i32
        %dma_wait3A_974 = tpu.memref_slice %arg4[%dma_wait3A_972, %dma_wait3A_973] : memref<100096x8xf32, #tpu.memory_space<hbm>> -> memref<128x8xf32, #tpu.memory_space<hbm>>
        %dma_wait3A_975 = arith.constant 0 : i32
        %dma_wait3A_976 = arith.constant 0 : i32
        %dma_wait3A_977 = tpu.memref_slice %arg8[%sub3A_701, %dma_wait3A_967, %dma_wait3A_975, %dma_wait3A_976] : memref<2x16x128x8xf32, #tpu.memory_space<vmem>> -> memref<1x1x128x8xf32, #tpu.memory_space<vmem>>
        %dma_wait3A_978 = tpu.memref_squeeze %dma_wait3A_977 : memref<1x1x128x8xf32, #tpu.memory_space<vmem>> -> memref<128x8xf32, #tpu.memory_space<vmem>>
        %dma_wait3A_979 = arith.constant 0 : i32
        %dma_wait3A_980 = arith.constant 0 : i32
        %dma_wait3A_981 = tpu.memref_slice %arg4[%dma_wait3A_979, %dma_wait3A_980] : memref<100096x8xf32, #tpu.memory_space<hbm>> -> memref<128x8xf32, #tpu.memory_space<hbm>>
        tpu.wait_dma2 semaphore(%arg11 : memref<!tpu.dma_semaphore, #tpu.memory_space<semaphore_mem>>) src(%dma_wait3A_981 : memref<128x8xf32, #tpu.memory_space<hbm>>) dst(%dma_wait3A_978 : memref<128x8xf32, #tpu.memory_space<vmem>>)
        %dma_wait3A_982 = arith.constant 1 : i32
        %dma_wait3A_983 = arith.constant 0 : i32
        %dma_wait3A_984 = arith.constant 0 : i32
        %dma_wait3A_985 = tpu.memref_slice %arg8[%sub3A_701, %dma_wait3A_982, %dma_wait3A_983, %dma_wait3A_984] : memref<2x16x128x8xf32, #tpu.memory_space<vmem>> -> memref<1x1x128x8xf32, #tpu.memory_space<vmem>>
        %dma_wait3A_986 = tpu.memref_squeeze %dma_wait3A_985 : memref<1x1x128x8xf32, #tpu.memory_space<vmem>> -> memref<128x8xf32, #tpu.memory_space<vmem>>
        %dma_wait3A_987 = arith.constant 0 : i32
        %dma_wait3A_988 = arith.constant 0 : i32
        %dma_wait3A_989 = tpu.memref_slice %arg4[%dma_wait3A_987, %dma_wait3A_988] : memref<100096x8xf32, #tpu.memory_space<hbm>> -> memref<128x8xf32, #tpu.memory_space<hbm>>
        %dma_wait3A_990 = arith.constant 0 : i32
        %dma_wait3A_991 = arith.constant 0 : i32
        %dma_wait3A_992 = tpu.memref_slice %arg8[%sub3A_701, %dma_wait3A_982, %dma_wait3A_990, %dma_wait3A_991] : memref<2x16x128x8xf32, #tpu.memory_space<vmem>> -> memref<1x1x128x8xf32, #tpu.memory_space<vmem>>
        %dma_wait3A_993 = tpu.memref_squeeze %dma_wait3A_992 : memref<1x1x128x8xf32, #tpu.memory_space<vmem>> -> memref<128x8xf32, #tpu.memory_space<vmem>>
        %dma_wait3A_994 = arith.constant 0 : i32
        %dma_wait3A_995 = arith.constant 0 : i32
        %dma_wait3A_996 = tpu.memref_slice %arg4[%dma_wait3A_994, %dma_wait3A_995] : memref<100096x8xf32, #tpu.memory_space<hbm>> -> memref<128x8xf32, #tpu.memory_space<hbm>>
        tpu.wait_dma2 semaphore(%arg11 : memref<!tpu.dma_semaphore, #tpu.memory_space<semaphore_mem>>) src(%dma_wait3A_996 : memref<128x8xf32, #tpu.memory_space<hbm>>) dst(%dma_wait3A_993 : memref<128x8xf32, #tpu.memory_space<vmem>>)
        %dma_wait3A_997 = arith.constant 2 : i32
        %dma_wait3A_998 = arith.constant 0 : i32
        %dma_wait3A_999 = arith.constant 0 : i32
        %dma_wait3A_1000 = tpu.memref_slice %arg8[%sub3A_701, %dma_wait3A_997, %dma_wait3A_998, %dma_wait3A_999] : memref<2x16x128x8xf32, #tpu.memory_space<vmem>> -> memref<1x1x128x8xf32, #tpu.memory_space<vmem>>
        %dma_wait3A_1001 = tpu.memref_squeeze %dma_wait3A_1000 : memref<1x1x128x8xf32, #tpu.memory_space<vmem>> -> memref<128x8xf32, #tpu.memory_space<vmem>>
        %dma_wait3A_1002 = arith.constant 0 : i32
        %dma_wait3A_1003 = arith.constant 0 : i32
        %dma_wait3A_1004 = tpu.memref_slice %arg4[%dma_wait3A_1002, %dma_wait3A_1003] : memref<100096x8xf32, #tpu.memory_space<hbm>> -> memref<128x8xf32, #tpu.memory_space<hbm>>
        %dma_wait3A_1005 = arith.constant 0 : i32
        %dma_wait3A_1006 = arith.constant 0 : i32
        %dma_wait3A_1007 = tpu.memref_slice %arg8[%sub3A_701, %dma_wait3A_997, %dma_wait3A_1005, %dma_wait3A_1006] : memref<2x16x128x8xf32, #tpu.memory_space<vmem>> -> memref<1x1x128x8xf32, #tpu.memory_space<vmem>>
        %dma_wait3A_1008 = tpu.memref_squeeze %dma_wait3A_1007 : memref<1x1x128x8xf32, #tpu.memory_space<vmem>> -> memref<128x8xf32, #tpu.memory_space<vmem>>
        %dma_wait3A_1009 = arith.constant 0 : i32
        %dma_wait3A_1010 = arith.constant 0 : i32
        %dma_wait3A_1011 = tpu.memref_slice %arg4[%dma_wait3A_1009, %dma_wait3A_1010] : memref<100096x8xf32, #tpu.memory_space<hbm>> -> memref<128x8xf32, #tpu.memory_space<hbm>>
        tpu.wait_dma2 semaphore(%arg11 : memref<!tpu.dma_semaphore, #tpu.memory_space<semaphore_mem>>) src(%dma_wait3A_1011 : memref<128x8xf32, #tpu.memory_space<hbm>>) dst(%dma_wait3A_1008 : memref<128x8xf32, #tpu.memory_space<vmem>>)
        %dma_wait3A_1012 = arith.constant 3 : i32
        %dma_wait3A_1013 = arith.constant 0 : i32
        %dma_wait3A_1014 = arith.constant 0 : i32
        %dma_wait3A_1015 = tpu.memref_slice %arg8[%sub3A_701, %dma_wait3A_1012, %dma_wait3A_1013, %dma_wait3A_1014] : memref<2x16x128x8xf32, #tpu.memory_space<vmem>> -> memref<1x1x128x8xf32, #tpu.memory_space<vmem>>
        %dma_wait3A_1016 = tpu.memref_squeeze %dma_wait3A_1015 : memref<1x1x128x8xf32, #tpu.memory_space<vmem>> -> memref<128x8xf32, #tpu.memory_space<vmem>>
        %dma_wait3A_1017 = arith.constant 0 : i32
        %dma_wait3A_1018 = arith.constant 0 : i32
        %dma_wait3A_1019 = tpu.memref_slice %arg4[%dma_wait3A_1017, %dma_wait3A_1018] : memref<100096x8xf32, #tpu.memory_space<hbm>> -> memref<128x8xf32, #tpu.memory_space<hbm>>
        %dma_wait3A_1020 = arith.constant 0 : i32
        %dma_wait3A_1021 = arith.constant 0 : i32
        %dma_wait3A_1022 = tpu.memref_slice %arg8[%sub3A_701, %dma_wait3A_1012, %dma_wait3A_1020, %dma_wait3A_1021] : memref<2x16x128x8xf32, #tpu.memory_space<vmem>> -> memref<1x1x128x8xf32, #tpu.memory_space<vmem>>
        %dma_wait3A_1023 = tpu.memref_squeeze %dma_wait3A_1022 : memref<1x1x128x8xf32, #tpu.memory_space<vmem>> -> memref<128x8xf32, #tpu.memory_space<vmem>>
        %dma_wait3A_1024 = arith.constant 0 : i32
        %dma_wait3A_1025 = arith.constant 0 : i32
        %dma_wait3A_1026 = tpu.memref_slice %arg4[%dma_wait3A_1024, %dma_wait3A_1025] : memref<100096x8xf32, #tpu.memory_space<hbm>> -> memref<128x8xf32, #tpu.memory_space<hbm>>
        tpu.wait_dma2 semaphore(%arg11 : memref<!tpu.dma_semaphore, #tpu.memory_space<semaphore_mem>>) src(%dma_wait3A_1026 : memref<128x8xf32, #tpu.memory_space<hbm>>) dst(%dma_wait3A_1023 : memref<128x8xf32, #tpu.memory_space<vmem>>)
        %dma_wait3A_1027 = arith.constant 4 : i32
        %dma_wait3A_1028 = arith.constant 0 : i32
        %dma_wait3A_1029 = arith.constant 0 : i32
        %dma_wait3A_1030 = tpu.memref_slice %arg8[%sub3A_701, %dma_wait3A_1027, %dma_wait3A_1028, %dma_wait3A_1029] : memref<2x16x128x8xf32, #tpu.memory_space<vmem>> -> memref<1x1x128x8xf32, #tpu.memory_space<vmem>>
        %dma_wait3A_1031 = tpu.memref_squeeze %dma_wait3A_1030 : memref<1x1x128x8xf32, #tpu.memory_space<vmem>> -> memref<128x8xf32, #tpu.memory_space<vmem>>
        %dma_wait3A_1032 = arith.constant 0 : i32
        %dma_wait3A_1033 = arith.constant 0 : i32
        %dma_wait3A_1034 = tpu.memref_slice %arg4[%dma_wait3A_1032, %dma_wait3A_1033] : memref<100096x8xf32, #tpu.memory_space<hbm>> -> memref<128x8xf32, #tpu.memory_space<hbm>>
        %dma_wait3A_1035 = arith.constant 0 : i32
        %dma_wait3A_1036 = arith.constant 0 : i32
        %dma_wait3A_1037 = tpu.memref_slice %arg8[%sub3A_701, %dma_wait3A_1027, %dma_wait3A_1035, %dma_wait3A_1036] : memref<2x16x128x8xf32, #tpu.memory_space<vmem>> -> memref<1x1x128x8xf32, #tpu.memory_space<vmem>>
        %dma_wait3A_1038 = tpu.memref_squeeze %dma_wait3A_1037 : memref<1x1x128x8xf32, #tpu.memory_space<vmem>> -> memref<128x8xf32, #tpu.memory_space<vmem>>
        %dma_wait3A_1039 = arith.constant 0 : i32
        %dma_wait3A_1040 = arith.constant 0 : i32
        %dma_wait3A_1041 = tpu.memref_slice %arg4[%dma_wait3A_1039, %dma_wait3A_1040] : memref<100096x8xf32, #tpu.memory_space<hbm>> -> memref<128x8xf32, #tpu.memory_space<hbm>>
        tpu.wait_dma2 semaphore(%arg11 : memref<!tpu.dma_semaphore, #tpu.memory_space<semaphore_mem>>) src(%dma_wait3A_1041 : memref<128x8xf32, #tpu.memory_space<hbm>>) dst(%dma_wait3A_1038 : memref<128x8xf32, #tpu.memory_space<vmem>>)
        %dma_wait3A_1042 = arith.constant 5 : i32
        %dma_wait3A_1043 = arith.constant 0 : i32
        %dma_wait3A_1044 = arith.constant 0 : i32
        %dma_wait3A_1045 = tpu.memref_slice %arg8[%sub3A_701, %dma_wait3A_1042, %dma_wait3A_1043, %dma_wait3A_1044] : memref<2x16x128x8xf32, #tpu.memory_space<vmem>> -> memref<1x1x128x8xf32, #tpu.memory_space<vmem>>
        %dma_wait3A_1046 = tpu.memref_squeeze %dma_wait3A_1045 : memref<1x1x128x8xf32, #tpu.memory_space<vmem>> -> memref<128x8xf32, #tpu.memory_space<vmem>>
        %dma_wait3A_1047 = arith.constant 0 : i32
        %dma_wait3A_1048 = arith.constant 0 : i32
        %dma_wait3A_1049 = tpu.memref_slice %arg4[%dma_wait3A_1047, %dma_wait3A_1048] : memref<100096x8xf32, #tpu.memory_space<hbm>> -> memref<128x8xf32, #tpu.memory_space<hbm>>
        %dma_wait3A_1050 = arith.constant 0 : i32
        %dma_wait3A_1051 = arith.constant 0 : i32
        %dma_wait3A_1052 = tpu.memref_slice %arg8[%sub3A_701, %dma_wait3A_1042, %dma_wait3A_1050, %dma_wait3A_1051] : memref<2x16x128x8xf32, #tpu.memory_space<vmem>> -> memref<1x1x128x8xf32, #tpu.memory_space<vmem>>
        %dma_wait3A_1053 = tpu.memref_squeeze %dma_wait3A_1052 : memref<1x1x128x8xf32, #tpu.memory_space<vmem>> -> memref<128x8xf32, #tpu.memory_space<vmem>>
        %dma_wait3A_1054 = arith.constant 0 : i32
        %dma_wait3A_1055 = arith.constant 0 : i32
        %dma_wait3A_1056 = tpu.memref_slice %arg4[%dma_wait3A_1054, %dma_wait3A_1055] : memref<100096x8xf32, #tpu.memory_space<hbm>> -> memref<128x8xf32, #tpu.memory_space<hbm>>
        tpu.wait_dma2 semaphore(%arg11 : memref<!tpu.dma_semaphore, #tpu.memory_space<semaphore_mem>>) src(%dma_wait3A_1056 : memref<128x8xf32, #tpu.memory_space<hbm>>) dst(%dma_wait3A_1053 : memref<128x8xf32, #tpu.memory_space<vmem>>)
        %dma_wait3A_1057 = arith.constant 6 : i32
        %dma_wait3A_1058 = arith.constant 0 : i32
        %dma_wait3A_1059 = arith.constant 0 : i32
        %dma_wait3A_1060 = tpu.memref_slice %arg8[%sub3A_701, %dma_wait3A_1057, %dma_wait3A_1058, %dma_wait3A_1059] : memref<2x16x128x8xf32, #tpu.memory_space<vmem>> -> memref<1x1x128x8xf32, #tpu.memory_space<vmem>>
        %dma_wait3A_1061 = tpu.memref_squeeze %dma_wait3A_1060 : memref<1x1x128x8xf32, #tpu.memory_space<vmem>> -> memref<128x8xf32, #tpu.memory_space<vmem>>
        %dma_wait3A_1062 = arith.constant 0 : i32
        %dma_wait3A_1063 = arith.constant 0 : i32
        %dma_wait3A_1064 = tpu.memref_slice %arg4[%dma_wait3A_1062, %dma_wait3A_1063] : memref<100096x8xf32, #tpu.memory_space<hbm>> -> memref<128x8xf32, #tpu.memory_space<hbm>>
        %dma_wait3A_1065 = arith.constant 0 : i32
        %dma_wait3A_1066 = arith.constant 0 : i32
        %dma_wait3A_1067 = tpu.memref_slice %arg8[%sub3A_701, %dma_wait3A_1057, %dma_wait3A_1065, %dma_wait3A_1066] : memref<2x16x128x8xf32, #tpu.memory_space<vmem>> -> memref<1x1x128x8xf32, #tpu.memory_space<vmem>>
        %dma_wait3A_1068 = tpu.memref_squeeze %dma_wait3A_1067 : memref<1x1x128x8xf32, #tpu.memory_space<vmem>> -> memref<128x8xf32, #tpu.memory_space<vmem>>
        %dma_wait3A_1069 = arith.constant 0 : i32
        %dma_wait3A_1070 = arith.constant 0 : i32
        %dma_wait3A_1071 = tpu.memref_slice %arg4[%dma_wait3A_1069, %dma_wait3A_1070] : memref<100096x8xf32, #tpu.memory_space<hbm>> -> memref<128x8xf32, #tpu.memory_space<hbm>>
        tpu.wait_dma2 semaphore(%arg11 : memref<!tpu.dma_semaphore, #tpu.memory_space<semaphore_mem>>) src(%dma_wait3A_1071 : memref<128x8xf32, #tpu.memory_space<hbm>>) dst(%dma_wait3A_1068 : memref<128x8xf32, #tpu.memory_space<vmem>>)
        %dma_wait3A_1072 = arith.constant 7 : i32
        %dma_wait3A_1073 = arith.constant 0 : i32
        %dma_wait3A_1074 = arith.constant 0 : i32
        %dma_wait3A_1075 = tpu.memref_slice %arg8[%sub3A_701, %dma_wait3A_1072, %dma_wait3A_1073, %dma_wait3A_1074] : memref<2x16x128x8xf32, #tpu.memory_space<vmem>> -> memref<1x1x128x8xf32, #tpu.memory_space<vmem>>
        %dma_wait3A_1076 = tpu.memref_squeeze %dma_wait3A_1075 : memref<1x1x128x8xf32, #tpu.memory_space<vmem>> -> memref<128x8xf32, #tpu.memory_space<vmem>>
        %dma_wait3A_1077 = arith.constant 0 : i32
        %dma_wait3A_1078 = arith.constant 0 : i32
        %dma_wait3A_1079 = tpu.memref_slice %arg4[%dma_wait3A_1077, %dma_wait3A_1078] : memref<100096x8xf32, #tpu.memory_space<hbm>> -> memref<128x8xf32, #tpu.memory_space<hbm>>
        %dma_wait3A_1080 = arith.constant 0 : i32
        %dma_wait3A_1081 = arith.constant 0 : i32
        %dma_wait3A_1082 = tpu.memref_slice %arg8[%sub3A_701, %dma_wait3A_1072, %dma_wait3A_1080, %dma_wait3A_1081] : memref<2x16x128x8xf32, #tpu.memory_space<vmem>> -> memref<1x1x128x8xf32, #tpu.memory_space<vmem>>
        %dma_wait3A_1083 = tpu.memref_squeeze %dma_wait3A_1082 : memref<1x1x128x8xf32, #tpu.memory_space<vmem>> -> memref<128x8xf32, #tpu.memory_space<vmem>>
        %dma_wait3A_1084 = arith.constant 0 : i32
        %dma_wait3A_1085 = arith.constant 0 : i32
        %dma_wait3A_1086 = tpu.memref_slice %arg4[%dma_wait3A_1084, %dma_wait3A_1085] : memref<100096x8xf32, #tpu.memory_space<hbm>> -> memref<128x8xf32, #tpu.memory_space<hbm>>
        tpu.wait_dma2 semaphore(%arg11 : memref<!tpu.dma_semaphore, #tpu.memory_space<semaphore_mem>>) src(%dma_wait3A_1086 : memref<128x8xf32, #tpu.memory_space<hbm>>) dst(%dma_wait3A_1083 : memref<128x8xf32, #tpu.memory_space<vmem>>)
        %dma_wait3A_1087 = arith.constant 8 : i32
        %dma_wait3A_1088 = arith.constant 0 : i32
        %dma_wait3A_1089 = arith.constant 0 : i32
        %dma_wait3A_1090 = tpu.memref_slice %arg8[%sub3A_701, %dma_wait3A_1087, %dma_wait3A_1088, %dma_wait3A_1089] : memref<2x16x128x8xf32, #tpu.memory_space<vmem>> -> memref<1x1x128x8xf32, #tpu.memory_space<vmem>>
        %dma_wait3A_1091 = tpu.memref_squeeze %dma_wait3A_1090 : memref<1x1x128x8xf32, #tpu.memory_space<vmem>> -> memref<128x8xf32, #tpu.memory_space<vmem>>
        %dma_wait3A_1092 = arith.constant 0 : i32
        %dma_wait3A_1093 = arith.constant 0 : i32
        %dma_wait3A_1094 = tpu.memref_slice %arg4[%dma_wait3A_1092, %dma_wait3A_1093] : memref<100096x8xf32, #tpu.memory_space<hbm>> -> memref<128x8xf32, #tpu.memory_space<hbm>>
        %dma_wait3A_1095 = arith.constant 0 : i32
        %dma_wait3A_1096 = arith.constant 0 : i32
        %dma_wait3A_1097 = tpu.memref_slice %arg8[%sub3A_701, %dma_wait3A_1087, %dma_wait3A_1095, %dma_wait3A_1096] : memref<2x16x128x8xf32, #tpu.memory_space<vmem>> -> memref<1x1x128x8xf32, #tpu.memory_space<vmem>>
        %dma_wait3A_1098 = tpu.memref_squeeze %dma_wait3A_1097 : memref<1x1x128x8xf32, #tpu.memory_space<vmem>> -> memref<128x8xf32, #tpu.memory_space<vmem>>
        %dma_wait3A_1099 = arith.constant 0 : i32
        %dma_wait3A_1100 = arith.constant 0 : i32
        %dma_wait3A_1101 = tpu.memref_slice %arg4[%dma_wait3A_1099, %dma_wait3A_1100] : memref<100096x8xf32, #tpu.memory_space<hbm>> -> memref<128x8xf32, #tpu.memory_space<hbm>>
        tpu.wait_dma2 semaphore(%arg11 : memref<!tpu.dma_semaphore, #tpu.memory_space<semaphore_mem>>) src(%dma_wait3A_1101 : memref<128x8xf32, #tpu.memory_space<hbm>>) dst(%dma_wait3A_1098 : memref<128x8xf32, #tpu.memory_space<vmem>>)
        %dma_wait3A_1102 = arith.constant 9 : i32
        %dma_wait3A_1103 = arith.constant 0 : i32
        %dma_wait3A_1104 = arith.constant 0 : i32
        %dma_wait3A_1105 = tpu.memref_slice %arg8[%sub3A_701, %dma_wait3A_1102, %dma_wait3A_1103, %dma_wait3A_1104] : memref<2x16x128x8xf32, #tpu.memory_space<vmem>> -> memref<1x1x128x8xf32, #tpu.memory_space<vmem>>
        %dma_wait3A_1106 = tpu.memref_squeeze %dma_wait3A_1105 : memref<1x1x128x8xf32, #tpu.memory_space<vmem>> -> memref<128x8xf32, #tpu.memory_space<vmem>>
        %dma_wait3A_1107 = arith.constant 0 : i32
        %dma_wait3A_1108 = arith.constant 0 : i32
        %dma_wait3A_1109 = tpu.memref_slice %arg4[%dma_wait3A_1107, %dma_wait3A_1108] : memref<100096x8xf32, #tpu.memory_space<hbm>> -> memref<128x8xf32, #tpu.memory_space<hbm>>
        %dma_wait3A_1110 = arith.constant 0 : i32
        %dma_wait3A_1111 = arith.constant 0 : i32
        %dma_wait3A_1112 = tpu.memref_slice %arg8[%sub3A_701, %dma_wait3A_1102, %dma_wait3A_1110, %dma_wait3A_1111] : memref<2x16x128x8xf32, #tpu.memory_space<vmem>> -> memref<1x1x128x8xf32, #tpu.memory_space<vmem>>
        %dma_wait3A_1113 = tpu.memref_squeeze %dma_wait3A_1112 : memref<1x1x128x8xf32, #tpu.memory_space<vmem>> -> memref<128x8xf32, #tpu.memory_space<vmem>>
        %dma_wait3A_1114 = arith.constant 0 : i32
        %dma_wait3A_1115 = arith.constant 0 : i32
        %dma_wait3A_1116 = tpu.memref_slice %arg4[%dma_wait3A_1114, %dma_wait3A_1115] : memref<100096x8xf32, #tpu.memory_space<hbm>> -> memref<128x8xf32, #tpu.memory_space<hbm>>
        tpu.wait_dma2 semaphore(%arg11 : memref<!tpu.dma_semaphore, #tpu.memory_space<semaphore_mem>>) src(%dma_wait3A_1116 : memref<128x8xf32, #tpu.memory_space<hbm>>) dst(%dma_wait3A_1113 : memref<128x8xf32, #tpu.memory_space<vmem>>)
        %dma_wait3A_1117 = arith.constant 10 : i32
        %dma_wait3A_1118 = arith.constant 0 : i32
        %dma_wait3A_1119 = arith.constant 0 : i32
        %dma_wait3A_1120 = tpu.memref_slice %arg8[%sub3A_701, %dma_wait3A_1117, %dma_wait3A_1118, %dma_wait3A_1119] : memref<2x16x128x8xf32, #tpu.memory_space<vmem>> -> memref<1x1x128x8xf32, #tpu.memory_space<vmem>>
        %dma_wait3A_1121 = tpu.memref_squeeze %dma_wait3A_1120 : memref<1x1x128x8xf32, #tpu.memory_space<vmem>> -> memref<128x8xf32, #tpu.memory_space<vmem>>
        %dma_wait3A_1122 = arith.constant 0 : i32
        %dma_wait3A_1123 = arith.constant 0 : i32
        %dma_wait3A_1124 = tpu.memref_slice %arg4[%dma_wait3A_1122, %dma_wait3A_1123] : memref<100096x8xf32, #tpu.memory_space<hbm>> -> memref<128x8xf32, #tpu.memory_space<hbm>>
        %dma_wait3A_1125 = arith.constant 0 : i32
        %dma_wait3A_1126 = arith.constant 0 : i32
        %dma_wait3A_1127 = tpu.memref_slice %arg8[%sub3A_701, %dma_wait3A_1117, %dma_wait3A_1125, %dma_wait3A_1126] : memref<2x16x128x8xf32, #tpu.memory_space<vmem>> -> memref<1x1x128x8xf32, #tpu.memory_space<vmem>>
        %dma_wait3A_1128 = tpu.memref_squeeze %dma_wait3A_1127 : memref<1x1x128x8xf32, #tpu.memory_space<vmem>> -> memref<128x8xf32, #tpu.memory_space<vmem>>
        %dma_wait3A_1129 = arith.constant 0 : i32
        %dma_wait3A_1130 = arith.constant 0 : i32
        %dma_wait3A_1131 = tpu.memref_slice %arg4[%dma_wait3A_1129, %dma_wait3A_1130] : memref<100096x8xf32, #tpu.memory_space<hbm>> -> memref<128x8xf32, #tpu.memory_space<hbm>>
        tpu.wait_dma2 semaphore(%arg11 : memref<!tpu.dma_semaphore, #tpu.memory_space<semaphore_mem>>) src(%dma_wait3A_1131 : memref<128x8xf32, #tpu.memory_space<hbm>>) dst(%dma_wait3A_1128 : memref<128x8xf32, #tpu.memory_space<vmem>>)
        %dma_wait3A_1132 = arith.constant 11 : i32
        %dma_wait3A_1133 = arith.constant 0 : i32
        %dma_wait3A_1134 = arith.constant 0 : i32
        %dma_wait3A_1135 = tpu.memref_slice %arg8[%sub3A_701, %dma_wait3A_1132, %dma_wait3A_1133, %dma_wait3A_1134] : memref<2x16x128x8xf32, #tpu.memory_space<vmem>> -> memref<1x1x128x8xf32, #tpu.memory_space<vmem>>
        %dma_wait3A_1136 = tpu.memref_squeeze %dma_wait3A_1135 : memref<1x1x128x8xf32, #tpu.memory_space<vmem>> -> memref<128x8xf32, #tpu.memory_space<vmem>>
        %dma_wait3A_1137 = arith.constant 0 : i32
        %dma_wait3A_1138 = arith.constant 0 : i32
        %dma_wait3A_1139 = tpu.memref_slice %arg4[%dma_wait3A_1137, %dma_wait3A_1138] : memref<100096x8xf32, #tpu.memory_space<hbm>> -> memref<128x8xf32, #tpu.memory_space<hbm>>
        %dma_wait3A_1140 = arith.constant 0 : i32
        %dma_wait3A_1141 = arith.constant 0 : i32
        %dma_wait3A_1142 = tpu.memref_slice %arg8[%sub3A_701, %dma_wait3A_1132, %dma_wait3A_1140, %dma_wait3A_1141] : memref<2x16x128x8xf32, #tpu.memory_space<vmem>> -> memref<1x1x128x8xf32, #tpu.memory_space<vmem>>
        %dma_wait3A_1143 = tpu.memref_squeeze %dma_wait3A_1142 : memref<1x1x128x8xf32, #tpu.memory_space<vmem>> -> memref<128x8xf32, #tpu.memory_space<vmem>>
        %dma_wait3A_1144 = arith.constant 0 : i32
        %dma_wait3A_1145 = arith.constant 0 : i32
        %dma_wait3A_1146 = tpu.memref_slice %arg4[%dma_wait3A_1144, %dma_wait3A_1145] : memref<100096x8xf32, #tpu.memory_space<hbm>> -> memref<128x8xf32, #tpu.memory_space<hbm>>
        tpu.wait_dma2 semaphore(%arg11 : memref<!tpu.dma_semaphore, #tpu.memory_space<semaphore_mem>>) src(%dma_wait3A_1146 : memref<128x8xf32, #tpu.memory_space<hbm>>) dst(%dma_wait3A_1143 : memref<128x8xf32, #tpu.memory_space<vmem>>)
        %dma_wait3A_1147 = arith.constant 12 : i32
        %dma_wait3A_1148 = arith.constant 0 : i32
        %dma_wait3A_1149 = arith.constant 0 : i32
        %dma_wait3A_1150 = tpu.memref_slice %arg8[%sub3A_701, %dma_wait3A_1147, %dma_wait3A_1148, %dma_wait3A_1149] : memref<2x16x128x8xf32, #tpu.memory_space<vmem>> -> memref<1x1x128x8xf32, #tpu.memory_space<vmem>>
        %dma_wait3A_1151 = tpu.memref_squeeze %dma_wait3A_1150 : memref<1x1x128x8xf32, #tpu.memory_space<vmem>> -> memref<128x8xf32, #tpu.memory_space<vmem>>
        %dma_wait3A_1152 = arith.constant 0 : i32
        %dma_wait3A_1153 = arith.constant 0 : i32
        %dma_wait3A_1154 = tpu.memref_slice %arg4[%dma_wait3A_1152, %dma_wait3A_1153] : memref<100096x8xf32, #tpu.memory_space<hbm>> -> memref<128x8xf32, #tpu.memory_space<hbm>>
        %dma_wait3A_1155 = arith.constant 0 : i32
        %dma_wait3A_1156 = arith.constant 0 : i32
        %dma_wait3A_1157 = tpu.memref_slice %arg8[%sub3A_701, %dma_wait3A_1147, %dma_wait3A_1155, %dma_wait3A_1156] : memref<2x16x128x8xf32, #tpu.memory_space<vmem>> -> memref<1x1x128x8xf32, #tpu.memory_space<vmem>>
        %dma_wait3A_1158 = tpu.memref_squeeze %dma_wait3A_1157 : memref<1x1x128x8xf32, #tpu.memory_space<vmem>> -> memref<128x8xf32, #tpu.memory_space<vmem>>
        %dma_wait3A_1159 = arith.constant 0 : i32
        %dma_wait3A_1160 = arith.constant 0 : i32
        %dma_wait3A_1161 = tpu.memref_slice %arg4[%dma_wait3A_1159, %dma_wait3A_1160] : memref<100096x8xf32, #tpu.memory_space<hbm>> -> memref<128x8xf32, #tpu.memory_space<hbm>>
        tpu.wait_dma2 semaphore(%arg11 : memref<!tpu.dma_semaphore, #tpu.memory_space<semaphore_mem>>) src(%dma_wait3A_1161 : memref<128x8xf32, #tpu.memory_space<hbm>>) dst(%dma_wait3A_1158 : memref<128x8xf32, #tpu.memory_space<vmem>>)
        %dma_wait3A_1162 = arith.constant 13 : i32
        %dma_wait3A_1163 = arith.constant 0 : i32
        %dma_wait3A_1164 = arith.constant 0 : i32
        %dma_wait3A_1165 = tpu.memref_slice %arg8[%sub3A_701, %dma_wait3A_1162, %dma_wait3A_1163, %dma_wait3A_1164] : memref<2x16x128x8xf32, #tpu.memory_space<vmem>> -> memref<1x1x128x8xf32, #tpu.memory_space<vmem>>
        %dma_wait3A_1166 = tpu.memref_squeeze %dma_wait3A_1165 : memref<1x1x128x8xf32, #tpu.memory_space<vmem>> -> memref<128x8xf32, #tpu.memory_space<vmem>>
        %dma_wait3A_1167 = arith.constant 0 : i32
        %dma_wait3A_1168 = arith.constant 0 : i32
        %dma_wait3A_1169 = tpu.memref_slice %arg4[%dma_wait3A_1167, %dma_wait3A_1168] : memref<100096x8xf32, #tpu.memory_space<hbm>> -> memref<128x8xf32, #tpu.memory_space<hbm>>
        %dma_wait3A_1170 = arith.constant 0 : i32
        %dma_wait3A_1171 = arith.constant 0 : i32
        %dma_wait3A_1172 = tpu.memref_slice %arg8[%sub3A_701, %dma_wait3A_1162, %dma_wait3A_1170, %dma_wait3A_1171] : memref<2x16x128x8xf32, #tpu.memory_space<vmem>> -> memref<1x1x128x8xf32, #tpu.memory_space<vmem>>
        %dma_wait3A_1173 = tpu.memref_squeeze %dma_wait3A_1172 : memref<1x1x128x8xf32, #tpu.memory_space<vmem>> -> memref<128x8xf32, #tpu.memory_space<vmem>>
        %dma_wait3A_1174 = arith.constant 0 : i32
        %dma_wait3A_1175 = arith.constant 0 : i32
        %dma_wait3A_1176 = tpu.memref_slice %arg4[%dma_wait3A_1174, %dma_wait3A_1175] : memref<100096x8xf32, #tpu.memory_space<hbm>> -> memref<128x8xf32, #tpu.memory_space<hbm>>
        tpu.wait_dma2 semaphore(%arg11 : memref<!tpu.dma_semaphore, #tpu.memory_space<semaphore_mem>>) src(%dma_wait3A_1176 : memref<128x8xf32, #tpu.memory_space<hbm>>) dst(%dma_wait3A_1173 : memref<128x8xf32, #tpu.memory_space<vmem>>)
        %dma_wait3A_1177 = arith.constant 14 : i32
        %dma_wait3A_1178 = arith.constant 0 : i32
        %dma_wait3A_1179 = arith.constant 0 : i32
        %dma_wait3A_1180 = tpu.memref_slice %arg8[%sub3A_701, %dma_wait3A_1177, %dma_wait3A_1178, %dma_wait3A_1179] : memref<2x16x128x8xf32, #tpu.memory_space<vmem>> -> memref<1x1x128x8xf32, #tpu.memory_space<vmem>>
        %dma_wait3A_1181 = tpu.memref_squeeze %dma_wait3A_1180 : memref<1x1x128x8xf32, #tpu.memory_space<vmem>> -> memref<128x8xf32, #tpu.memory_space<vmem>>
        %dma_wait3A_1182 = arith.constant 0 : i32
        %dma_wait3A_1183 = arith.constant 0 : i32
        %dma_wait3A_1184 = tpu.memref_slice %arg4[%dma_wait3A_1182, %dma_wait3A_1183] : memref<100096x8xf32, #tpu.memory_space<hbm>> -> memref<128x8xf32, #tpu.memory_space<hbm>>
        %dma_wait3A_1185 = arith.constant 0 : i32
        %dma_wait3A_1186 = arith.constant 0 : i32
        %dma_wait3A_1187 = tpu.memref_slice %arg8[%sub3A_701, %dma_wait3A_1177, %dma_wait3A_1185, %dma_wait3A_1186] : memref<2x16x128x8xf32, #tpu.memory_space<vmem>> -> memref<1x1x128x8xf32, #tpu.memory_space<vmem>>
        %dma_wait3A_1188 = tpu.memref_squeeze %dma_wait3A_1187 : memref<1x1x128x8xf32, #tpu.memory_space<vmem>> -> memref<128x8xf32, #tpu.memory_space<vmem>>
        %dma_wait3A_1189 = arith.constant 0 : i32
        %dma_wait3A_1190 = arith.constant 0 : i32
        %dma_wait3A_1191 = tpu.memref_slice %arg4[%dma_wait3A_1189, %dma_wait3A_1190] : memref<100096x8xf32, #tpu.memory_space<hbm>> -> memref<128x8xf32, #tpu.memory_space<hbm>>
        tpu.wait_dma2 semaphore(%arg11 : memref<!tpu.dma_semaphore, #tpu.memory_space<semaphore_mem>>) src(%dma_wait3A_1191 : memref<128x8xf32, #tpu.memory_space<hbm>>) dst(%dma_wait3A_1188 : memref<128x8xf32, #tpu.memory_space<vmem>>)
        %dma_wait3A_1192 = arith.constant 15 : i32
        %dma_wait3A_1193 = arith.constant 0 : i32
        %dma_wait3A_1194 = arith.constant 0 : i32
        %dma_wait3A_1195 = tpu.memref_slice %arg8[%sub3A_701, %dma_wait3A_1192, %dma_wait3A_1193, %dma_wait3A_1194] : memref<2x16x128x8xf32, #tpu.memory_space<vmem>> -> memref<1x1x128x8xf32, #tpu.memory_space<vmem>>
        %dma_wait3A_1196 = tpu.memref_squeeze %dma_wait3A_1195 : memref<1x1x128x8xf32, #tpu.memory_space<vmem>> -> memref<128x8xf32, #tpu.memory_space<vmem>>
        %dma_wait3A_1197 = arith.constant 0 : i32
        %dma_wait3A_1198 = arith.constant 0 : i32
        %dma_wait3A_1199 = tpu.memref_slice %arg4[%dma_wait3A_1197, %dma_wait3A_1198] : memref<100096x8xf32, #tpu.memory_space<hbm>> -> memref<128x8xf32, #tpu.memory_space<hbm>>
        %dma_wait3A_1200 = arith.constant 0 : i32
        %dma_wait3A_1201 = arith.constant 0 : i32
        %dma_wait3A_1202 = tpu.memref_slice %arg8[%sub3A_701, %dma_wait3A_1192, %dma_wait3A_1200, %dma_wait3A_1201] : memref<2x16x128x8xf32, #tpu.memory_space<vmem>> -> memref<1x1x128x8xf32, #tpu.memory_space<vmem>>
        %dma_wait3A_1203 = tpu.memref_squeeze %dma_wait3A_1202 : memref<1x1x128x8xf32, #tpu.memory_space<vmem>> -> memref<128x8xf32, #tpu.memory_space<vmem>>
        %dma_wait3A_1204 = arith.constant 0 : i32
        %dma_wait3A_1205 = arith.constant 0 : i32
        %dma_wait3A_1206 = tpu.memref_slice %arg4[%dma_wait3A_1204, %dma_wait3A_1205] : memref<100096x8xf32, #tpu.memory_space<hbm>> -> memref<128x8xf32, #tpu.memory_space<hbm>>
        tpu.wait_dma2 semaphore(%arg11 : memref<!tpu.dma_semaphore, #tpu.memory_space<semaphore_mem>>) src(%dma_wait3A_1206 : memref<128x8xf32, #tpu.memory_space<hbm>>) dst(%dma_wait3A_1203 : memref<128x8xf32, #tpu.memory_space<vmem>>)
        %dma_start3A_1207 = arith.constant 0 : i32
        %dma_start3A_1208 = arith.constant 0 : i32
        %dma_start3A_1209 = arith.constant 0 : i32
        %dma_start3A_1210 = arith.constant 0 : i32
        %dma_start3A_1211 = tpu.memref_slice %arg8[%sub3A_701, %dma_start3A_1207, %dma_start3A_1209, %dma_start3A_1210] : memref<2x16x128x8xf32, #tpu.memory_space<vmem>> -> memref<1x1x128x8xf32, #tpu.memory_space<vmem>>
        %dma_start3A_1212 = tpu.memref_squeeze %dma_start3A_1211 : memref<1x1x128x8xf32, #tpu.memory_space<vmem>> -> memref<128x8xf32, #tpu.memory_space<vmem>>
        %dma_start3A_1213 = arith.constant 0 : i32
        %dma_start3A_1214 = tpu.memref_slice %arg7[%sub3A_701, %dma_start3A_1208, %dma_start3A_1213] : memref<2x16x128xi32, #tpu.memory_space<vmem>> -> memref<1x1x128xi32, #tpu.memory_space<vmem>>
        %dma_start3A_1215 = tpu.memref_squeeze %dma_start3A_1214 : memref<1x1x128xi32, #tpu.memory_space<vmem>> -> memref<128xi32, #tpu.memory_space<vmem>>
        %dma_start3A_1216 = arith.constant 0 : i32
        %dma_start3A_1217 = arith.constant 0 : i32
        %dma_start3A_1218 = tpu.memref_slice %arg9[%dma_start3A_1216, %dma_start3A_1217] : memref<100096x8xf32, #tpu.memory_space<vmem_shared>> -> memref<100096x8xf32, #tpu.memory_space<vmem_shared>>
        tpu.enqueue_indirect_dma source(%dma_start3A_1212 : memref<128x8xf32, #tpu.memory_space<vmem>>) target(%dma_start3A_1218 : memref<100096x8xf32, #tpu.memory_space<vmem_shared>>) offsets(%dma_start3A_1215 : memref<128xi32, #tpu.memory_space<vmem>>) semaphore(%arg12 : memref<!tpu.dma_semaphore, #tpu.memory_space<semaphore_mem>>) {add = true}
        %dma_start3A_1219 = arith.constant 1 : i32
        %dma_start3A_1220 = arith.constant 1 : i32
        %dma_start3A_1221 = arith.constant 0 : i32
        %dma_start3A_1222 = arith.constant 0 : i32
        %dma_start3A_1223 = tpu.memref_slice %arg8[%sub3A_701, %dma_start3A_1219, %dma_start3A_1221, %dma_start3A_1222] : memref<2x16x128x8xf32, #tpu.memory_space<vmem>> -> memref<1x1x128x8xf32, #tpu.memory_space<vmem>>
        %dma_start3A_1224 = tpu.memref_squeeze %dma_start3A_1223 : memref<1x1x128x8xf32, #tpu.memory_space<vmem>> -> memref<128x8xf32, #tpu.memory_space<vmem>>
        %dma_start3A_1225 = arith.constant 0 : i32
        %dma_start3A_1226 = tpu.memref_slice %arg7[%sub3A_701, %dma_start3A_1220, %dma_start3A_1225] : memref<2x16x128xi32, #tpu.memory_space<vmem>> -> memref<1x1x128xi32, #tpu.memory_space<vmem>>
        %dma_start3A_1227 = tpu.memref_squeeze %dma_start3A_1226 : memref<1x1x128xi32, #tpu.memory_space<vmem>> -> memref<128xi32, #tpu.memory_space<vmem>>
        %dma_start3A_1228 = arith.constant 0 : i32
        %dma_start3A_1229 = arith.constant 0 : i32
        %dma_start3A_1230 = tpu.memref_slice %arg9[%dma_start3A_1228, %dma_start3A_1229] : memref<100096x8xf32, #tpu.memory_space<vmem_shared>> -> memref<100096x8xf32, #tpu.memory_space<vmem_shared>>
        tpu.enqueue_indirect_dma source(%dma_start3A_1224 : memref<128x8xf32, #tpu.memory_space<vmem>>) target(%dma_start3A_1230 : memref<100096x8xf32, #tpu.memory_space<vmem_shared>>) offsets(%dma_start3A_1227 : memref<128xi32, #tpu.memory_space<vmem>>) semaphore(%arg12 : memref<!tpu.dma_semaphore, #tpu.memory_space<semaphore_mem>>) {add = true}
        %dma_start3A_1231 = arith.constant 2 : i32
        %dma_start3A_1232 = arith.constant 2 : i32
        %dma_start3A_1233 = arith.constant 0 : i32
        %dma_start3A_1234 = arith.constant 0 : i32
        %dma_start3A_1235 = tpu.memref_slice %arg8[%sub3A_701, %dma_start3A_1231, %dma_start3A_1233, %dma_start3A_1234] : memref<2x16x128x8xf32, #tpu.memory_space<vmem>> -> memref<1x1x128x8xf32, #tpu.memory_space<vmem>>
        %dma_start3A_1236 = tpu.memref_squeeze %dma_start3A_1235 : memref<1x1x128x8xf32, #tpu.memory_space<vmem>> -> memref<128x8xf32, #tpu.memory_space<vmem>>
        %dma_start3A_1237 = arith.constant 0 : i32
        %dma_start3A_1238 = tpu.memref_slice %arg7[%sub3A_701, %dma_start3A_1232, %dma_start3A_1237] : memref<2x16x128xi32, #tpu.memory_space<vmem>> -> memref<1x1x128xi32, #tpu.memory_space<vmem>>
        %dma_start3A_1239 = tpu.memref_squeeze %dma_start3A_1238 : memref<1x1x128xi32, #tpu.memory_space<vmem>> -> memref<128xi32, #tpu.memory_space<vmem>>
        %dma_start3A_1240 = arith.constant 0 : i32
        %dma_start3A_1241 = arith.constant 0 : i32
        %dma_start3A_1242 = tpu.memref_slice %arg9[%dma_start3A_1240, %dma_start3A_1241] : memref<100096x8xf32, #tpu.memory_space<vmem_shared>> -> memref<100096x8xf32, #tpu.memory_space<vmem_shared>>
        tpu.enqueue_indirect_dma source(%dma_start3A_1236 : memref<128x8xf32, #tpu.memory_space<vmem>>) target(%dma_start3A_1242 : memref<100096x8xf32, #tpu.memory_space<vmem_shared>>) offsets(%dma_start3A_1239 : memref<128xi32, #tpu.memory_space<vmem>>) semaphore(%arg12 : memref<!tpu.dma_semaphore, #tpu.memory_space<semaphore_mem>>) {add = true}
        %dma_start3A_1243 = arith.constant 3 : i32
        %dma_start3A_1244 = arith.constant 3 : i32
        %dma_start3A_1245 = arith.constant 0 : i32
        %dma_start3A_1246 = arith.constant 0 : i32
        %dma_start3A_1247 = tpu.memref_slice %arg8[%sub3A_701, %dma_start3A_1243, %dma_start3A_1245, %dma_start3A_1246] : memref<2x16x128x8xf32, #tpu.memory_space<vmem>> -> memref<1x1x128x8xf32, #tpu.memory_space<vmem>>
        %dma_start3A_1248 = tpu.memref_squeeze %dma_start3A_1247 : memref<1x1x128x8xf32, #tpu.memory_space<vmem>> -> memref<128x8xf32, #tpu.memory_space<vmem>>
        %dma_start3A_1249 = arith.constant 0 : i32
        %dma_start3A_1250 = tpu.memref_slice %arg7[%sub3A_701, %dma_start3A_1244, %dma_start3A_1249] : memref<2x16x128xi32, #tpu.memory_space<vmem>> -> memref<1x1x128xi32, #tpu.memory_space<vmem>>
        %dma_start3A_1251 = tpu.memref_squeeze %dma_start3A_1250 : memref<1x1x128xi32, #tpu.memory_space<vmem>> -> memref<128xi32, #tpu.memory_space<vmem>>
        %dma_start3A_1252 = arith.constant 0 : i32
        %dma_start3A_1253 = arith.constant 0 : i32
        %dma_start3A_1254 = tpu.memref_slice %arg9[%dma_start3A_1252, %dma_start3A_1253] : memref<100096x8xf32, #tpu.memory_space<vmem_shared>> -> memref<100096x8xf32, #tpu.memory_space<vmem_shared>>
        tpu.enqueue_indirect_dma source(%dma_start3A_1248 : memref<128x8xf32, #tpu.memory_space<vmem>>) target(%dma_start3A_1254 : memref<100096x8xf32, #tpu.memory_space<vmem_shared>>) offsets(%dma_start3A_1251 : memref<128xi32, #tpu.memory_space<vmem>>) semaphore(%arg12 : memref<!tpu.dma_semaphore, #tpu.memory_space<semaphore_mem>>) {add = true}
        %dma_start3A_1255 = arith.constant 4 : i32
        %dma_start3A_1256 = arith.constant 4 : i32
        %dma_start3A_1257 = arith.constant 0 : i32
        %dma_start3A_1258 = arith.constant 0 : i32
        %dma_start3A_1259 = tpu.memref_slice %arg8[%sub3A_701, %dma_start3A_1255, %dma_start3A_1257, %dma_start3A_1258] : memref<2x16x128x8xf32, #tpu.memory_space<vmem>> -> memref<1x1x128x8xf32, #tpu.memory_space<vmem>>
        %dma_start3A_1260 = tpu.memref_squeeze %dma_start3A_1259 : memref<1x1x128x8xf32, #tpu.memory_space<vmem>> -> memref<128x8xf32, #tpu.memory_space<vmem>>
        %dma_start3A_1261 = arith.constant 0 : i32
        %dma_start3A_1262 = tpu.memref_slice %arg7[%sub3A_701, %dma_start3A_1256, %dma_start3A_1261] : memref<2x16x128xi32, #tpu.memory_space<vmem>> -> memref<1x1x128xi32, #tpu.memory_space<vmem>>
        %dma_start3A_1263 = tpu.memref_squeeze %dma_start3A_1262 : memref<1x1x128xi32, #tpu.memory_space<vmem>> -> memref<128xi32, #tpu.memory_space<vmem>>
        %dma_start3A_1264 = arith.constant 0 : i32
        %dma_start3A_1265 = arith.constant 0 : i32
        %dma_start3A_1266 = tpu.memref_slice %arg9[%dma_start3A_1264, %dma_start3A_1265] : memref<100096x8xf32, #tpu.memory_space<vmem_shared>> -> memref<100096x8xf32, #tpu.memory_space<vmem_shared>>
        tpu.enqueue_indirect_dma source(%dma_start3A_1260 : memref<128x8xf32, #tpu.memory_space<vmem>>) target(%dma_start3A_1266 : memref<100096x8xf32, #tpu.memory_space<vmem_shared>>) offsets(%dma_start3A_1263 : memref<128xi32, #tpu.memory_space<vmem>>) semaphore(%arg12 : memref<!tpu.dma_semaphore, #tpu.memory_space<semaphore_mem>>) {add = true}
        %dma_start3A_1267 = arith.constant 5 : i32
        %dma_start3A_1268 = arith.constant 5 : i32
        %dma_start3A_1269 = arith.constant 0 : i32
        %dma_start3A_1270 = arith.constant 0 : i32
        %dma_start3A_1271 = tpu.memref_slice %arg8[%sub3A_701, %dma_start3A_1267, %dma_start3A_1269, %dma_start3A_1270] : memref<2x16x128x8xf32, #tpu.memory_space<vmem>> -> memref<1x1x128x8xf32, #tpu.memory_space<vmem>>
        %dma_start3A_1272 = tpu.memref_squeeze %dma_start3A_1271 : memref<1x1x128x8xf32, #tpu.memory_space<vmem>> -> memref<128x8xf32, #tpu.memory_space<vmem>>
        %dma_start3A_1273 = arith.constant 0 : i32
        %dma_start3A_1274 = tpu.memref_slice %arg7[%sub3A_701, %dma_start3A_1268, %dma_start3A_1273] : memref<2x16x128xi32, #tpu.memory_space<vmem>> -> memref<1x1x128xi32, #tpu.memory_space<vmem>>
        %dma_start3A_1275 = tpu.memref_squeeze %dma_start3A_1274 : memref<1x1x128xi32, #tpu.memory_space<vmem>> -> memref<128xi32, #tpu.memory_space<vmem>>
        %dma_start3A_1276 = arith.constant 0 : i32
        %dma_start3A_1277 = arith.constant 0 : i32
        %dma_start3A_1278 = tpu.memref_slice %arg9[%dma_start3A_1276, %dma_start3A_1277] : memref<100096x8xf32, #tpu.memory_space<vmem_shared>> -> memref<100096x8xf32, #tpu.memory_space<vmem_shared>>
        tpu.enqueue_indirect_dma source(%dma_start3A_1272 : memref<128x8xf32, #tpu.memory_space<vmem>>) target(%dma_start3A_1278 : memref<100096x8xf32, #tpu.memory_space<vmem_shared>>) offsets(%dma_start3A_1275 : memref<128xi32, #tpu.memory_space<vmem>>) semaphore(%arg12 : memref<!tpu.dma_semaphore, #tpu.memory_space<semaphore_mem>>) {add = true}
        %dma_start3A_1279 = arith.constant 6 : i32
        %dma_start3A_1280 = arith.constant 6 : i32
        %dma_start3A_1281 = arith.constant 0 : i32
        %dma_start3A_1282 = arith.constant 0 : i32
        %dma_start3A_1283 = tpu.memref_slice %arg8[%sub3A_701, %dma_start3A_1279, %dma_start3A_1281, %dma_start3A_1282] : memref<2x16x128x8xf32, #tpu.memory_space<vmem>> -> memref<1x1x128x8xf32, #tpu.memory_space<vmem>>
        %dma_start3A_1284 = tpu.memref_squeeze %dma_start3A_1283 : memref<1x1x128x8xf32, #tpu.memory_space<vmem>> -> memref<128x8xf32, #tpu.memory_space<vmem>>
        %dma_start3A_1285 = arith.constant 0 : i32
        %dma_start3A_1286 = tpu.memref_slice %arg7[%sub3A_701, %dma_start3A_1280, %dma_start3A_1285] : memref<2x16x128xi32, #tpu.memory_space<vmem>> -> memref<1x1x128xi32, #tpu.memory_space<vmem>>
        %dma_start3A_1287 = tpu.memref_squeeze %dma_start3A_1286 : memref<1x1x128xi32, #tpu.memory_space<vmem>> -> memref<128xi32, #tpu.memory_space<vmem>>
        %dma_start3A_1288 = arith.constant 0 : i32
        %dma_start3A_1289 = arith.constant 0 : i32
        %dma_start3A_1290 = tpu.memref_slice %arg9[%dma_start3A_1288, %dma_start3A_1289] : memref<100096x8xf32, #tpu.memory_space<vmem_shared>> -> memref<100096x8xf32, #tpu.memory_space<vmem_shared>>
        tpu.enqueue_indirect_dma source(%dma_start3A_1284 : memref<128x8xf32, #tpu.memory_space<vmem>>) target(%dma_start3A_1290 : memref<100096x8xf32, #tpu.memory_space<vmem_shared>>) offsets(%dma_start3A_1287 : memref<128xi32, #tpu.memory_space<vmem>>) semaphore(%arg12 : memref<!tpu.dma_semaphore, #tpu.memory_space<semaphore_mem>>) {add = true}
        %dma_start3A_1291 = arith.constant 7 : i32
        %dma_start3A_1292 = arith.constant 7 : i32
        %dma_start3A_1293 = arith.constant 0 : i32
        %dma_start3A_1294 = arith.constant 0 : i32
        %dma_start3A_1295 = tpu.memref_slice %arg8[%sub3A_701, %dma_start3A_1291, %dma_start3A_1293, %dma_start3A_1294] : memref<2x16x128x8xf32, #tpu.memory_space<vmem>> -> memref<1x1x128x8xf32, #tpu.memory_space<vmem>>
        %dma_start3A_1296 = tpu.memref_squeeze %dma_start3A_1295 : memref<1x1x128x8xf32, #tpu.memory_space<vmem>> -> memref<128x8xf32, #tpu.memory_space<vmem>>
        %dma_start3A_1297 = arith.constant 0 : i32
        %dma_start3A_1298 = tpu.memref_slice %arg7[%sub3A_701, %dma_start3A_1292, %dma_start3A_1297] : memref<2x16x128xi32, #tpu.memory_space<vmem>> -> memref<1x1x128xi32, #tpu.memory_space<vmem>>
        %dma_start3A_1299 = tpu.memref_squeeze %dma_start3A_1298 : memref<1x1x128xi32, #tpu.memory_space<vmem>> -> memref<128xi32, #tpu.memory_space<vmem>>
        %dma_start3A_1300 = arith.constant 0 : i32
        %dma_start3A_1301 = arith.constant 0 : i32
        %dma_start3A_1302 = tpu.memref_slice %arg9[%dma_start3A_1300, %dma_start3A_1301] : memref<100096x8xf32, #tpu.memory_space<vmem_shared>> -> memref<100096x8xf32, #tpu.memory_space<vmem_shared>>
        tpu.enqueue_indirect_dma source(%dma_start3A_1296 : memref<128x8xf32, #tpu.memory_space<vmem>>) target(%dma_start3A_1302 : memref<100096x8xf32, #tpu.memory_space<vmem_shared>>) offsets(%dma_start3A_1299 : memref<128xi32, #tpu.memory_space<vmem>>) semaphore(%arg12 : memref<!tpu.dma_semaphore, #tpu.memory_space<semaphore_mem>>) {add = true}
        %dma_start3A_1303 = arith.constant 8 : i32
        %dma_start3A_1304 = arith.constant 8 : i32
        %dma_start3A_1305 = arith.constant 0 : i32
        %dma_start3A_1306 = arith.constant 0 : i32
        %dma_start3A_1307 = tpu.memref_slice %arg8[%sub3A_701, %dma_start3A_1303, %dma_start3A_1305, %dma_start3A_1306] : memref<2x16x128x8xf32, #tpu.memory_space<vmem>> -> memref<1x1x128x8xf32, #tpu.memory_space<vmem>>
        %dma_start3A_1308 = tpu.memref_squeeze %dma_start3A_1307 : memref<1x1x128x8xf32, #tpu.memory_space<vmem>> -> memref<128x8xf32, #tpu.memory_space<vmem>>
        %dma_start3A_1309 = arith.constant 0 : i32
        %dma_start3A_1310 = tpu.memref_slice %arg7[%sub3A_701, %dma_start3A_1304, %dma_start3A_1309] : memref<2x16x128xi32, #tpu.memory_space<vmem>> -> memref<1x1x128xi32, #tpu.memory_space<vmem>>
        %dma_start3A_1311 = tpu.memref_squeeze %dma_start3A_1310 : memref<1x1x128xi32, #tpu.memory_space<vmem>> -> memref<128xi32, #tpu.memory_space<vmem>>
        %dma_start3A_1312 = arith.constant 0 : i32
        %dma_start3A_1313 = arith.constant 0 : i32
        %dma_start3A_1314 = tpu.memref_slice %arg9[%dma_start3A_1312, %dma_start3A_1313] : memref<100096x8xf32, #tpu.memory_space<vmem_shared>> -> memref<100096x8xf32, #tpu.memory_space<vmem_shared>>
        tpu.enqueue_indirect_dma source(%dma_start3A_1308 : memref<128x8xf32, #tpu.memory_space<vmem>>) target(%dma_start3A_1314 : memref<100096x8xf32, #tpu.memory_space<vmem_shared>>) offsets(%dma_start3A_1311 : memref<128xi32, #tpu.memory_space<vmem>>) semaphore(%arg12 : memref<!tpu.dma_semaphore, #tpu.memory_space<semaphore_mem>>) {add = true}
        %dma_start3A_1315 = arith.constant 9 : i32
        %dma_start3A_1316 = arith.constant 9 : i32
        %dma_start3A_1317 = arith.constant 0 : i32
        %dma_start3A_1318 = arith.constant 0 : i32
        %dma_start3A_1319 = tpu.memref_slice %arg8[%sub3A_701, %dma_start3A_1315, %dma_start3A_1317, %dma_start3A_1318] : memref<2x16x128x8xf32, #tpu.memory_space<vmem>> -> memref<1x1x128x8xf32, #tpu.memory_space<vmem>>
        %dma_start3A_1320 = tpu.memref_squeeze %dma_start3A_1319 : memref<1x1x128x8xf32, #tpu.memory_space<vmem>> -> memref<128x8xf32, #tpu.memory_space<vmem>>
        %dma_start3A_1321 = arith.constant 0 : i32
        %dma_start3A_1322 = tpu.memref_slice %arg7[%sub3A_701, %dma_start3A_1316, %dma_start3A_1321] : memref<2x16x128xi32, #tpu.memory_space<vmem>> -> memref<1x1x128xi32, #tpu.memory_space<vmem>>
        %dma_start3A_1323 = tpu.memref_squeeze %dma_start3A_1322 : memref<1x1x128xi32, #tpu.memory_space<vmem>> -> memref<128xi32, #tpu.memory_space<vmem>>
        %dma_start3A_1324 = arith.constant 0 : i32
        %dma_start3A_1325 = arith.constant 0 : i32
        %dma_start3A_1326 = tpu.memref_slice %arg9[%dma_start3A_1324, %dma_start3A_1325] : memref<100096x8xf32, #tpu.memory_space<vmem_shared>> -> memref<100096x8xf32, #tpu.memory_space<vmem_shared>>
        tpu.enqueue_indirect_dma source(%dma_start3A_1320 : memref<128x8xf32, #tpu.memory_space<vmem>>) target(%dma_start3A_1326 : memref<100096x8xf32, #tpu.memory_space<vmem_shared>>) offsets(%dma_start3A_1323 : memref<128xi32, #tpu.memory_space<vmem>>) semaphore(%arg12 : memref<!tpu.dma_semaphore, #tpu.memory_space<semaphore_mem>>) {add = true}
        %dma_start3A_1327 = arith.constant 10 : i32
        %dma_start3A_1328 = arith.constant 10 : i32
        %dma_start3A_1329 = arith.constant 0 : i32
        %dma_start3A_1330 = arith.constant 0 : i32
        %dma_start3A_1331 = tpu.memref_slice %arg8[%sub3A_701, %dma_start3A_1327, %dma_start3A_1329, %dma_start3A_1330] : memref<2x16x128x8xf32, #tpu.memory_space<vmem>> -> memref<1x1x128x8xf32, #tpu.memory_space<vmem>>
        %dma_start3A_1332 = tpu.memref_squeeze %dma_start3A_1331 : memref<1x1x128x8xf32, #tpu.memory_space<vmem>> -> memref<128x8xf32, #tpu.memory_space<vmem>>
        %dma_start3A_1333 = arith.constant 0 : i32
        %dma_start3A_1334 = tpu.memref_slice %arg7[%sub3A_701, %dma_start3A_1328, %dma_start3A_1333] : memref<2x16x128xi32, #tpu.memory_space<vmem>> -> memref<1x1x128xi32, #tpu.memory_space<vmem>>
        %dma_start3A_1335 = tpu.memref_squeeze %dma_start3A_1334 : memref<1x1x128xi32, #tpu.memory_space<vmem>> -> memref<128xi32, #tpu.memory_space<vmem>>
        %dma_start3A_1336 = arith.constant 0 : i32
        %dma_start3A_1337 = arith.constant 0 : i32
        %dma_start3A_1338 = tpu.memref_slice %arg9[%dma_start3A_1336, %dma_start3A_1337] : memref<100096x8xf32, #tpu.memory_space<vmem_shared>> -> memref<100096x8xf32, #tpu.memory_space<vmem_shared>>
        tpu.enqueue_indirect_dma source(%dma_start3A_1332 : memref<128x8xf32, #tpu.memory_space<vmem>>) target(%dma_start3A_1338 : memref<100096x8xf32, #tpu.memory_space<vmem_shared>>) offsets(%dma_start3A_1335 : memref<128xi32, #tpu.memory_space<vmem>>) semaphore(%arg12 : memref<!tpu.dma_semaphore, #tpu.memory_space<semaphore_mem>>) {add = true}
        %dma_start3A_1339 = arith.constant 11 : i32
        %dma_start3A_1340 = arith.constant 11 : i32
        %dma_start3A_1341 = arith.constant 0 : i32
        %dma_start3A_1342 = arith.constant 0 : i32
        %dma_start3A_1343 = tpu.memref_slice %arg8[%sub3A_701, %dma_start3A_1339, %dma_start3A_1341, %dma_start3A_1342] : memref<2x16x128x8xf32, #tpu.memory_space<vmem>> -> memref<1x1x128x8xf32, #tpu.memory_space<vmem>>
        %dma_start3A_1344 = tpu.memref_squeeze %dma_start3A_1343 : memref<1x1x128x8xf32, #tpu.memory_space<vmem>> -> memref<128x8xf32, #tpu.memory_space<vmem>>
        %dma_start3A_1345 = arith.constant 0 : i32
        %dma_start3A_1346 = tpu.memref_slice %arg7[%sub3A_701, %dma_start3A_1340, %dma_start3A_1345] : memref<2x16x128xi32, #tpu.memory_space<vmem>> -> memref<1x1x128xi32, #tpu.memory_space<vmem>>
        %dma_start3A_1347 = tpu.memref_squeeze %dma_start3A_1346 : memref<1x1x128xi32, #tpu.memory_space<vmem>> -> memref<128xi32, #tpu.memory_space<vmem>>
        %dma_start3A_1348 = arith.constant 0 : i32
        %dma_start3A_1349 = arith.constant 0 : i32
        %dma_start3A_1350 = tpu.memref_slice %arg9[%dma_start3A_1348, %dma_start3A_1349] : memref<100096x8xf32, #tpu.memory_space<vmem_shared>> -> memref<100096x8xf32, #tpu.memory_space<vmem_shared>>
        tpu.enqueue_indirect_dma source(%dma_start3A_1344 : memref<128x8xf32, #tpu.memory_space<vmem>>) target(%dma_start3A_1350 : memref<100096x8xf32, #tpu.memory_space<vmem_shared>>) offsets(%dma_start3A_1347 : memref<128xi32, #tpu.memory_space<vmem>>) semaphore(%arg12 : memref<!tpu.dma_semaphore, #tpu.memory_space<semaphore_mem>>) {add = true}
        %dma_start3A_1351 = arith.constant 12 : i32
        %dma_start3A_1352 = arith.constant 12 : i32
        %dma_start3A_1353 = arith.constant 0 : i32
        %dma_start3A_1354 = arith.constant 0 : i32
        %dma_start3A_1355 = tpu.memref_slice %arg8[%sub3A_701, %dma_start3A_1351, %dma_start3A_1353, %dma_start3A_1354] : memref<2x16x128x8xf32, #tpu.memory_space<vmem>> -> memref<1x1x128x8xf32, #tpu.memory_space<vmem>>
        %dma_start3A_1356 = tpu.memref_squeeze %dma_start3A_1355 : memref<1x1x128x8xf32, #tpu.memory_space<vmem>> -> memref<128x8xf32, #tpu.memory_space<vmem>>
        %dma_start3A_1357 = arith.constant 0 : i32
        %dma_start3A_1358 = tpu.memref_slice %arg7[%sub3A_701, %dma_start3A_1352, %dma_start3A_1357] : memref<2x16x128xi32, #tpu.memory_space<vmem>> -> memref<1x1x128xi32, #tpu.memory_space<vmem>>
        %dma_start3A_1359 = tpu.memref_squeeze %dma_start3A_1358 : memref<1x1x128xi32, #tpu.memory_space<vmem>> -> memref<128xi32, #tpu.memory_space<vmem>>
        %dma_start3A_1360 = arith.constant 0 : i32
        %dma_start3A_1361 = arith.constant 0 : i32
        %dma_start3A_1362 = tpu.memref_slice %arg9[%dma_start3A_1360, %dma_start3A_1361] : memref<100096x8xf32, #tpu.memory_space<vmem_shared>> -> memref<100096x8xf32, #tpu.memory_space<vmem_shared>>
        tpu.enqueue_indirect_dma source(%dma_start3A_1356 : memref<128x8xf32, #tpu.memory_space<vmem>>) target(%dma_start3A_1362 : memref<100096x8xf32, #tpu.memory_space<vmem_shared>>) offsets(%dma_start3A_1359 : memref<128xi32, #tpu.memory_space<vmem>>) semaphore(%arg12 : memref<!tpu.dma_semaphore, #tpu.memory_space<semaphore_mem>>) {add = true}
        %dma_start3A_1363 = arith.constant 13 : i32
        %dma_start3A_1364 = arith.constant 13 : i32
        %dma_start3A_1365 = arith.constant 0 : i32
        %dma_start3A_1366 = arith.constant 0 : i32
        %dma_start3A_1367 = tpu.memref_slice %arg8[%sub3A_701, %dma_start3A_1363, %dma_start3A_1365, %dma_start3A_1366] : memref<2x16x128x8xf32, #tpu.memory_space<vmem>> -> memref<1x1x128x8xf32, #tpu.memory_space<vmem>>
        %dma_start3A_1368 = tpu.memref_squeeze %dma_start3A_1367 : memref<1x1x128x8xf32, #tpu.memory_space<vmem>> -> memref<128x8xf32, #tpu.memory_space<vmem>>
        %dma_start3A_1369 = arith.constant 0 : i32
        %dma_start3A_1370 = tpu.memref_slice %arg7[%sub3A_701, %dma_start3A_1364, %dma_start3A_1369] : memref<2x16x128xi32, #tpu.memory_space<vmem>> -> memref<1x1x128xi32, #tpu.memory_space<vmem>>
        %dma_start3A_1371 = tpu.memref_squeeze %dma_start3A_1370 : memref<1x1x128xi32, #tpu.memory_space<vmem>> -> memref<128xi32, #tpu.memory_space<vmem>>
        %dma_start3A_1372 = arith.constant 0 : i32
        %dma_start3A_1373 = arith.constant 0 : i32
        %dma_start3A_1374 = tpu.memref_slice %arg9[%dma_start3A_1372, %dma_start3A_1373] : memref<100096x8xf32, #tpu.memory_space<vmem_shared>> -> memref<100096x8xf32, #tpu.memory_space<vmem_shared>>
        tpu.enqueue_indirect_dma source(%dma_start3A_1368 : memref<128x8xf32, #tpu.memory_space<vmem>>) target(%dma_start3A_1374 : memref<100096x8xf32, #tpu.memory_space<vmem_shared>>) offsets(%dma_start3A_1371 : memref<128xi32, #tpu.memory_space<vmem>>) semaphore(%arg12 : memref<!tpu.dma_semaphore, #tpu.memory_space<semaphore_mem>>) {add = true}
        %dma_start3A_1375 = arith.constant 14 : i32
        %dma_start3A_1376 = arith.constant 14 : i32
        %dma_start3A_1377 = arith.constant 0 : i32
        %dma_start3A_1378 = arith.constant 0 : i32
        %dma_start3A_1379 = tpu.memref_slice %arg8[%sub3A_701, %dma_start3A_1375, %dma_start3A_1377, %dma_start3A_1378] : memref<2x16x128x8xf32, #tpu.memory_space<vmem>> -> memref<1x1x128x8xf32, #tpu.memory_space<vmem>>
        %dma_start3A_1380 = tpu.memref_squeeze %dma_start3A_1379 : memref<1x1x128x8xf32, #tpu.memory_space<vmem>> -> memref<128x8xf32, #tpu.memory_space<vmem>>
        %dma_start3A_1381 = arith.constant 0 : i32
        %dma_start3A_1382 = tpu.memref_slice %arg7[%sub3A_701, %dma_start3A_1376, %dma_start3A_1381] : memref<2x16x128xi32, #tpu.memory_space<vmem>> -> memref<1x1x128xi32, #tpu.memory_space<vmem>>
        %dma_start3A_1383 = tpu.memref_squeeze %dma_start3A_1382 : memref<1x1x128xi32, #tpu.memory_space<vmem>> -> memref<128xi32, #tpu.memory_space<vmem>>
        %dma_start3A_1384 = arith.constant 0 : i32
        %dma_start3A_1385 = arith.constant 0 : i32
        %dma_start3A_1386 = tpu.memref_slice %arg9[%dma_start3A_1384, %dma_start3A_1385] : memref<100096x8xf32, #tpu.memory_space<vmem_shared>> -> memref<100096x8xf32, #tpu.memory_space<vmem_shared>>
        tpu.enqueue_indirect_dma source(%dma_start3A_1380 : memref<128x8xf32, #tpu.memory_space<vmem>>) target(%dma_start3A_1386 : memref<100096x8xf32, #tpu.memory_space<vmem_shared>>) offsets(%dma_start3A_1383 : memref<128xi32, #tpu.memory_space<vmem>>) semaphore(%arg12 : memref<!tpu.dma_semaphore, #tpu.memory_space<semaphore_mem>>) {add = true}
        %dma_start3A_1387 = arith.constant 15 : i32
        %dma_start3A_1388 = arith.constant 15 : i32
        %dma_start3A_1389 = arith.constant 0 : i32
        %dma_start3A_1390 = arith.constant 0 : i32
        %dma_start3A_1391 = tpu.memref_slice %arg8[%sub3A_701, %dma_start3A_1387, %dma_start3A_1389, %dma_start3A_1390] : memref<2x16x128x8xf32, #tpu.memory_space<vmem>> -> memref<1x1x128x8xf32, #tpu.memory_space<vmem>>
        %dma_start3A_1392 = tpu.memref_squeeze %dma_start3A_1391 : memref<1x1x128x8xf32, #tpu.memory_space<vmem>> -> memref<128x8xf32, #tpu.memory_space<vmem>>
        %dma_start3A_1393 = arith.constant 0 : i32
        %dma_start3A_1394 = tpu.memref_slice %arg7[%sub3A_701, %dma_start3A_1388, %dma_start3A_1393] : memref<2x16x128xi32, #tpu.memory_space<vmem>> -> memref<1x1x128xi32, #tpu.memory_space<vmem>>
        %dma_start3A_1395 = tpu.memref_squeeze %dma_start3A_1394 : memref<1x1x128xi32, #tpu.memory_space<vmem>> -> memref<128xi32, #tpu.memory_space<vmem>>
        %dma_start3A_1396 = arith.constant 0 : i32
        %dma_start3A_1397 = arith.constant 0 : i32
        %dma_start3A_1398 = tpu.memref_slice %arg9[%dma_start3A_1396, %dma_start3A_1397] : memref<100096x8xf32, #tpu.memory_space<vmem_shared>> -> memref<100096x8xf32, #tpu.memory_space<vmem_shared>>
        tpu.enqueue_indirect_dma source(%dma_start3A_1392 : memref<128x8xf32, #tpu.memory_space<vmem>>) target(%dma_start3A_1398 : memref<100096x8xf32, #tpu.memory_space<vmem_shared>>) offsets(%dma_start3A_1395 : memref<128xi32, #tpu.memory_space<vmem>>) semaphore(%arg12 : memref<!tpu.dma_semaphore, #tpu.memory_space<semaphore_mem>>) {add = true}
      } else {
      }
      %mul3A_712 = arith.constant 16 : i32
      %mul3A_713 = arith.muli %while3A_697, %mul3A_712 : i32
      %add3A_714 = arith.addi %mul3A_6, %mul3A_713 : i32
      %dma_start3A_715 = arith.constant 0 : i32
      %dma_start3A_716 = arith.constant 0 : i32
      %dma_start3A_717 = arith.constant 0 : i32
      %dma_start3A_718 = tpu.memref_slice %arg6[%rem3A_699, %dma_start3A_716, %dma_start3A_717] : memref<2x16x128xi32, #tpu.memory_space<vmem>> -> memref<1x16x128xi32, #tpu.memory_space<vmem>>
      %dma_start3A_719 = tpu.memref_squeeze %dma_start3A_718 : memref<1x16x128xi32, #tpu.memory_space<vmem>> -> memref<16x128xi32, #tpu.memory_space<vmem>>
      %dma_start3A_720 = arith.constant 0 : i32
      %dma_start3A_721 = tpu.memref_slice %arg3[%dma_start3A_715, %add3A_714, %dma_start3A_720] : memref<2x50000x128xi32, #tpu.memory_space<hbm>> -> memref<1x16x128xi32, #tpu.memory_space<hbm>>
      %dma_start3A_722 = tpu.memref_squeeze %dma_start3A_721 : memref<1x16x128xi32, #tpu.memory_space<hbm>> -> memref<16x128xi32, #tpu.memory_space<hbm>>
      %dma_start3A_723 = arith.constant 0 : i32
      %dma_start3A_724 = arith.constant 0 : i32
      %dma_start3A_725 = tpu.memref_slice %arg6[%rem3A_699, %dma_start3A_723, %dma_start3A_724] : memref<2x16x128xi32, #tpu.memory_space<vmem>> -> memref<1x16x128xi32, #tpu.memory_space<vmem>>
      %dma_start3A_726 = tpu.memref_squeeze %dma_start3A_725 : memref<1x16x128xi32, #tpu.memory_space<vmem>> -> memref<16x128xi32, #tpu.memory_space<vmem>>
      %dma_start3A_727 = arith.constant 0 : i32
      %dma_start3A_728 = tpu.memref_slice %arg3[%dma_start3A_715, %add3A_714, %dma_start3A_727] : memref<2x50000x128xi32, #tpu.memory_space<hbm>> -> memref<1x16x128xi32, #tpu.memory_space<hbm>>
      %dma_start3A_729 = tpu.memref_squeeze %dma_start3A_728 : memref<1x16x128xi32, #tpu.memory_space<hbm>> -> memref<16x128xi32, #tpu.memory_space<hbm>>
      tpu.enqueue_dma source(%dma_start3A_729 : memref<16x128xi32, #tpu.memory_space<hbm>>) target(%dma_start3A_726 : memref<16x128xi32, #tpu.memory_space<vmem>>) target_semaphore(%arg10 : memref<!tpu.dma_semaphore, #tpu.memory_space<semaphore_mem>>)
      %dma_start3A_730 = arith.constant 1 : i32
      %dma_start3A_731 = arith.constant 0 : i32
      %dma_start3A_732 = arith.constant 0 : i32
      %dma_start3A_733 = tpu.memref_slice %arg7[%rem3A_699, %dma_start3A_731, %dma_start3A_732] : memref<2x16x128xi32, #tpu.memory_space<vmem>> -> memref<1x16x128xi32, #tpu.memory_space<vmem>>
      %dma_start3A_734 = tpu.memref_squeeze %dma_start3A_733 : memref<1x16x128xi32, #tpu.memory_space<vmem>> -> memref<16x128xi32, #tpu.memory_space<vmem>>
      %dma_start3A_735 = arith.constant 0 : i32
      %dma_start3A_736 = tpu.memref_slice %arg3[%dma_start3A_730, %add3A_714, %dma_start3A_735] : memref<2x50000x128xi32, #tpu.memory_space<hbm>> -> memref<1x16x128xi32, #tpu.memory_space<hbm>>
      %dma_start3A_737 = tpu.memref_squeeze %dma_start3A_736 : memref<1x16x128xi32, #tpu.memory_space<hbm>> -> memref<16x128xi32, #tpu.memory_space<hbm>>
      %dma_start3A_738 = arith.constant 0 : i32
      %dma_start3A_739 = arith.constant 0 : i32
      %dma_start3A_740 = tpu.memref_slice %arg7[%rem3A_699, %dma_start3A_738, %dma_start3A_739] : memref<2x16x128xi32, #tpu.memory_space<vmem>> -> memref<1x16x128xi32, #tpu.memory_space<vmem>>
      %dma_start3A_741 = tpu.memref_squeeze %dma_start3A_740 : memref<1x16x128xi32, #tpu.memory_space<vmem>> -> memref<16x128xi32, #tpu.memory_space<vmem>>
      %dma_start3A_742 = arith.constant 0 : i32
      %dma_start3A_743 = tpu.memref_slice %arg3[%dma_start3A_730, %add3A_714, %dma_start3A_742] : memref<2x50000x128xi32, #tpu.memory_space<hbm>> -> memref<1x16x128xi32, #tpu.memory_space<hbm>>
      %dma_start3A_744 = tpu.memref_squeeze %dma_start3A_743 : memref<1x16x128xi32, #tpu.memory_space<hbm>> -> memref<16x128xi32, #tpu.memory_space<hbm>>
      tpu.enqueue_dma source(%dma_start3A_744 : memref<16x128xi32, #tpu.memory_space<hbm>>) target(%dma_start3A_741 : memref<16x128xi32, #tpu.memory_space<vmem>>) target_semaphore(%arg10 : memref<!tpu.dma_semaphore, #tpu.memory_space<semaphore_mem>>)
      %dma_wait3A_745 = arith.constant 0 : i32
      %dma_wait3A_746 = arith.constant 0 : i32
      %dma_wait3A_747 = arith.constant 0 : i32
      %dma_wait3A_748 = tpu.memref_slice %arg6[%rem3A_699, %dma_wait3A_746, %dma_wait3A_747] : memref<2x16x128xi32, #tpu.memory_space<vmem>> -> memref<1x16x128xi32, #tpu.memory_space<vmem>>
      %dma_wait3A_749 = tpu.memref_squeeze %dma_wait3A_748 : memref<1x16x128xi32, #tpu.memory_space<vmem>> -> memref<16x128xi32, #tpu.memory_space<vmem>>
      %dma_wait3A_750 = arith.constant 0 : i32
      %dma_wait3A_751 = tpu.memref_slice %arg3[%dma_wait3A_745, %add3A_714, %dma_wait3A_750] : memref<2x50000x128xi32, #tpu.memory_space<hbm>> -> memref<1x16x128xi32, #tpu.memory_space<hbm>>
      %dma_wait3A_752 = tpu.memref_squeeze %dma_wait3A_751 : memref<1x16x128xi32, #tpu.memory_space<hbm>> -> memref<16x128xi32, #tpu.memory_space<hbm>>
      %dma_wait3A_753 = arith.constant 0 : i32
      %dma_wait3A_754 = arith.constant 0 : i32
      %dma_wait3A_755 = tpu.memref_slice %arg6[%rem3A_699, %dma_wait3A_753, %dma_wait3A_754] : memref<2x16x128xi32, #tpu.memory_space<vmem>> -> memref<1x16x128xi32, #tpu.memory_space<vmem>>
      %dma_wait3A_756 = tpu.memref_squeeze %dma_wait3A_755 : memref<1x16x128xi32, #tpu.memory_space<vmem>> -> memref<16x128xi32, #tpu.memory_space<vmem>>
      %dma_wait3A_757 = arith.constant 0 : i32
      %dma_wait3A_758 = tpu.memref_slice %arg3[%dma_wait3A_745, %add3A_714, %dma_wait3A_757] : memref<2x50000x128xi32, #tpu.memory_space<hbm>> -> memref<1x16x128xi32, #tpu.memory_space<hbm>>
      %dma_wait3A_759 = tpu.memref_squeeze %dma_wait3A_758 : memref<1x16x128xi32, #tpu.memory_space<hbm>> -> memref<16x128xi32, #tpu.memory_space<hbm>>
      tpu.wait_dma2 semaphore(%arg10 : memref<!tpu.dma_semaphore, #tpu.memory_space<semaphore_mem>>) src(%dma_wait3A_759 : memref<16x128xi32, #tpu.memory_space<hbm>>) dst(%dma_wait3A_756 : memref<16x128xi32, #tpu.memory_space<vmem>>)
      %dma_wait3A_760 = arith.constant 1 : i32
      %dma_wait3A_761 = arith.constant 0 : i32
      %dma_wait3A_762 = arith.constant 0 : i32
      %dma_wait3A_763 = tpu.memref_slice %arg7[%rem3A_699, %dma_wait3A_761, %dma_wait3A_762] : memref<2x16x128xi32, #tpu.memory_space<vmem>> -> memref<1x16x128xi32, #tpu.memory_space<vmem>>
      %dma_wait3A_764 = tpu.memref_squeeze %dma_wait3A_763 : memref<1x16x128xi32, #tpu.memory_space<vmem>> -> memref<16x128xi32, #tpu.memory_space<vmem>>
      %dma_wait3A_765 = arith.constant 0 : i32
      %dma_wait3A_766 = tpu.memref_slice %arg3[%dma_wait3A_760, %add3A_714, %dma_wait3A_765] : memref<2x50000x128xi32, #tpu.memory_space<hbm>> -> memref<1x16x128xi32, #tpu.memory_space<hbm>>
      %dma_wait3A_767 = tpu.memref_squeeze %dma_wait3A_766 : memref<1x16x128xi32, #tpu.memory_space<hbm>> -> memref<16x128xi32, #tpu.memory_space<hbm>>
      %dma_wait3A_768 = arith.constant 0 : i32
      %dma_wait3A_769 = arith.constant 0 : i32
      %dma_wait3A_770 = tpu.memref_slice %arg7[%rem3A_699, %dma_wait3A_768, %dma_wait3A_769] : memref<2x16x128xi32, #tpu.memory_space<vmem>> -> memref<1x16x128xi32, #tpu.memory_space<vmem>>
      %dma_wait3A_771 = tpu.memref_squeeze %dma_wait3A_770 : memref<1x16x128xi32, #tpu.memory_space<vmem>> -> memref<16x128xi32, #tpu.memory_space<vmem>>
      %dma_wait3A_772 = arith.constant 0 : i32
      %dma_wait3A_773 = tpu.memref_slice %arg3[%dma_wait3A_760, %add3A_714, %dma_wait3A_772] : memref<2x50000x128xi32, #tpu.memory_space<hbm>> -> memref<1x16x128xi32, #tpu.memory_space<hbm>>
      %dma_wait3A_774 = tpu.memref_squeeze %dma_wait3A_773 : memref<1x16x128xi32, #tpu.memory_space<hbm>> -> memref<16x128xi32, #tpu.memory_space<hbm>>
      tpu.wait_dma2 semaphore(%arg10 : memref<!tpu.dma_semaphore, #tpu.memory_space<semaphore_mem>>) src(%dma_wait3A_774 : memref<16x128xi32, #tpu.memory_space<hbm>>) dst(%dma_wait3A_771 : memref<16x128xi32, #tpu.memory_space<vmem>>)
      %dma_start3A_775 = arith.constant 0 : i32
      %dma_start3A_776 = arith.constant 0 : i32
      %dma_start3A_777 = arith.constant 0 : i32
      %dma_start3A_778 = arith.constant 0 : i32
      %dma_start3A_779 = tpu.memref_slice %arg8[%rem3A_699, %dma_start3A_776, %dma_start3A_777, %dma_start3A_778] : memref<2x16x128x8xf32, #tpu.memory_space<vmem>> -> memref<1x1x128x8xf32, #tpu.memory_space<vmem>>
      %dma_start3A_780 = tpu.memref_squeeze %dma_start3A_779 : memref<1x1x128x8xf32, #tpu.memory_space<vmem>> -> memref<128x8xf32, #tpu.memory_space<vmem>>
      %dma_start3A_781 = arith.constant 0 : i32
      %dma_start3A_782 = tpu.memref_slice %arg6[%rem3A_699, %dma_start3A_775, %dma_start3A_781] : memref<2x16x128xi32, #tpu.memory_space<vmem>> -> memref<1x1x128xi32, #tpu.memory_space<vmem>>
      %dma_start3A_783 = tpu.memref_squeeze %dma_start3A_782 : memref<1x1x128xi32, #tpu.memory_space<vmem>> -> memref<128xi32, #tpu.memory_space<vmem>>
      %dma_start3A_784 = arith.constant 0 : i32
      %dma_start3A_785 = arith.constant 0 : i32
      %dma_start3A_786 = tpu.memref_slice %arg2[%dma_start3A_784, %dma_start3A_785] : memref<100000x8xf32, #tpu.memory_space<hbm>> -> memref<100000x8xf32, #tpu.memory_space<hbm>>
      tpu.enqueue_indirect_dma source(%dma_start3A_786 : memref<100000x8xf32, #tpu.memory_space<hbm>>) target(%dma_start3A_780 : memref<128x8xf32, #tpu.memory_space<vmem>>) offsets(%dma_start3A_783 : memref<128xi32, #tpu.memory_space<vmem>>) semaphore(%arg11 : memref<!tpu.dma_semaphore, #tpu.memory_space<semaphore_mem>>)
      %dma_start3A_787 = arith.constant 1 : i32
      %dma_start3A_788 = arith.constant 1 : i32
      %dma_start3A_789 = arith.constant 0 : i32
      %dma_start3A_790 = arith.constant 0 : i32
      %dma_start3A_791 = tpu.memref_slice %arg8[%rem3A_699, %dma_start3A_788, %dma_start3A_789, %dma_start3A_790] : memref<2x16x128x8xf32, #tpu.memory_space<vmem>> -> memref<1x1x128x8xf32, #tpu.memory_space<vmem>>
      %dma_start3A_792 = tpu.memref_squeeze %dma_start3A_791 : memref<1x1x128x8xf32, #tpu.memory_space<vmem>> -> memref<128x8xf32, #tpu.memory_space<vmem>>
      %dma_start3A_793 = arith.constant 0 : i32
      %dma_start3A_794 = tpu.memref_slice %arg6[%rem3A_699, %dma_start3A_787, %dma_start3A_793] : memref<2x16x128xi32, #tpu.memory_space<vmem>> -> memref<1x1x128xi32, #tpu.memory_space<vmem>>
      %dma_start3A_795 = tpu.memref_squeeze %dma_start3A_794 : memref<1x1x128xi32, #tpu.memory_space<vmem>> -> memref<128xi32, #tpu.memory_space<vmem>>
      %dma_start3A_796 = arith.constant 0 : i32
      %dma_start3A_797 = arith.constant 0 : i32
      %dma_start3A_798 = tpu.memref_slice %arg2[%dma_start3A_796, %dma_start3A_797] : memref<100000x8xf32, #tpu.memory_space<hbm>> -> memref<100000x8xf32, #tpu.memory_space<hbm>>
      tpu.enqueue_indirect_dma source(%dma_start3A_798 : memref<100000x8xf32, #tpu.memory_space<hbm>>) target(%dma_start3A_792 : memref<128x8xf32, #tpu.memory_space<vmem>>) offsets(%dma_start3A_795 : memref<128xi32, #tpu.memory_space<vmem>>) semaphore(%arg11 : memref<!tpu.dma_semaphore, #tpu.memory_space<semaphore_mem>>)
      %dma_start3A_799 = arith.constant 2 : i32
      %dma_start3A_800 = arith.constant 2 : i32
      %dma_start3A_801 = arith.constant 0 : i32
      %dma_start3A_802 = arith.constant 0 : i32
      %dma_start3A_803 = tpu.memref_slice %arg8[%rem3A_699, %dma_start3A_800, %dma_start3A_801, %dma_start3A_802] : memref<2x16x128x8xf32, #tpu.memory_space<vmem>> -> memref<1x1x128x8xf32, #tpu.memory_space<vmem>>
      %dma_start3A_804 = tpu.memref_squeeze %dma_start3A_803 : memref<1x1x128x8xf32, #tpu.memory_space<vmem>> -> memref<128x8xf32, #tpu.memory_space<vmem>>
      %dma_start3A_805 = arith.constant 0 : i32
      %dma_start3A_806 = tpu.memref_slice %arg6[%rem3A_699, %dma_start3A_799, %dma_start3A_805] : memref<2x16x128xi32, #tpu.memory_space<vmem>> -> memref<1x1x128xi32, #tpu.memory_space<vmem>>
      %dma_start3A_807 = tpu.memref_squeeze %dma_start3A_806 : memref<1x1x128xi32, #tpu.memory_space<vmem>> -> memref<128xi32, #tpu.memory_space<vmem>>
      %dma_start3A_808 = arith.constant 0 : i32
      %dma_start3A_809 = arith.constant 0 : i32
      %dma_start3A_810 = tpu.memref_slice %arg2[%dma_start3A_808, %dma_start3A_809] : memref<100000x8xf32, #tpu.memory_space<hbm>> -> memref<100000x8xf32, #tpu.memory_space<hbm>>
      tpu.enqueue_indirect_dma source(%dma_start3A_810 : memref<100000x8xf32, #tpu.memory_space<hbm>>) target(%dma_start3A_804 : memref<128x8xf32, #tpu.memory_space<vmem>>) offsets(%dma_start3A_807 : memref<128xi32, #tpu.memory_space<vmem>>) semaphore(%arg11 : memref<!tpu.dma_semaphore, #tpu.memory_space<semaphore_mem>>)
      %dma_start3A_811 = arith.constant 3 : i32
      %dma_start3A_812 = arith.constant 3 : i32
      %dma_start3A_813 = arith.constant 0 : i32
      %dma_start3A_814 = arith.constant 0 : i32
      %dma_start3A_815 = tpu.memref_slice %arg8[%rem3A_699, %dma_start3A_812, %dma_start3A_813, %dma_start3A_814] : memref<2x16x128x8xf32, #tpu.memory_space<vmem>> -> memref<1x1x128x8xf32, #tpu.memory_space<vmem>>
      %dma_start3A_816 = tpu.memref_squeeze %dma_start3A_815 : memref<1x1x128x8xf32, #tpu.memory_space<vmem>> -> memref<128x8xf32, #tpu.memory_space<vmem>>
      %dma_start3A_817 = arith.constant 0 : i32
      %dma_start3A_818 = tpu.memref_slice %arg6[%rem3A_699, %dma_start3A_811, %dma_start3A_817] : memref<2x16x128xi32, #tpu.memory_space<vmem>> -> memref<1x1x128xi32, #tpu.memory_space<vmem>>
      %dma_start3A_819 = tpu.memref_squeeze %dma_start3A_818 : memref<1x1x128xi32, #tpu.memory_space<vmem>> -> memref<128xi32, #tpu.memory_space<vmem>>
      %dma_start3A_820 = arith.constant 0 : i32
      %dma_start3A_821 = arith.constant 0 : i32
      %dma_start3A_822 = tpu.memref_slice %arg2[%dma_start3A_820, %dma_start3A_821] : memref<100000x8xf32, #tpu.memory_space<hbm>> -> memref<100000x8xf32, #tpu.memory_space<hbm>>
      tpu.enqueue_indirect_dma source(%dma_start3A_822 : memref<100000x8xf32, #tpu.memory_space<hbm>>) target(%dma_start3A_816 : memref<128x8xf32, #tpu.memory_space<vmem>>) offsets(%dma_start3A_819 : memref<128xi32, #tpu.memory_space<vmem>>) semaphore(%arg11 : memref<!tpu.dma_semaphore, #tpu.memory_space<semaphore_mem>>)
      %dma_start3A_823 = arith.constant 4 : i32
      %dma_start3A_824 = arith.constant 4 : i32
      %dma_start3A_825 = arith.constant 0 : i32
      %dma_start3A_826 = arith.constant 0 : i32
      %dma_start3A_827 = tpu.memref_slice %arg8[%rem3A_699, %dma_start3A_824, %dma_start3A_825, %dma_start3A_826] : memref<2x16x128x8xf32, #tpu.memory_space<vmem>> -> memref<1x1x128x8xf32, #tpu.memory_space<vmem>>
      %dma_start3A_828 = tpu.memref_squeeze %dma_start3A_827 : memref<1x1x128x8xf32, #tpu.memory_space<vmem>> -> memref<128x8xf32, #tpu.memory_space<vmem>>
      %dma_start3A_829 = arith.constant 0 : i32
      %dma_start3A_830 = tpu.memref_slice %arg6[%rem3A_699, %dma_start3A_823, %dma_start3A_829] : memref<2x16x128xi32, #tpu.memory_space<vmem>> -> memref<1x1x128xi32, #tpu.memory_space<vmem>>
      %dma_start3A_831 = tpu.memref_squeeze %dma_start3A_830 : memref<1x1x128xi32, #tpu.memory_space<vmem>> -> memref<128xi32, #tpu.memory_space<vmem>>
      %dma_start3A_832 = arith.constant 0 : i32
      %dma_start3A_833 = arith.constant 0 : i32
      %dma_start3A_834 = tpu.memref_slice %arg2[%dma_start3A_832, %dma_start3A_833] : memref<100000x8xf32, #tpu.memory_space<hbm>> -> memref<100000x8xf32, #tpu.memory_space<hbm>>
      tpu.enqueue_indirect_dma source(%dma_start3A_834 : memref<100000x8xf32, #tpu.memory_space<hbm>>) target(%dma_start3A_828 : memref<128x8xf32, #tpu.memory_space<vmem>>) offsets(%dma_start3A_831 : memref<128xi32, #tpu.memory_space<vmem>>) semaphore(%arg11 : memref<!tpu.dma_semaphore, #tpu.memory_space<semaphore_mem>>)
      %dma_start3A_835 = arith.constant 5 : i32
      %dma_start3A_836 = arith.constant 5 : i32
      %dma_start3A_837 = arith.constant 0 : i32
      %dma_start3A_838 = arith.constant 0 : i32
      %dma_start3A_839 = tpu.memref_slice %arg8[%rem3A_699, %dma_start3A_836, %dma_start3A_837, %dma_start3A_838] : memref<2x16x128x8xf32, #tpu.memory_space<vmem>> -> memref<1x1x128x8xf32, #tpu.memory_space<vmem>>
      %dma_start3A_840 = tpu.memref_squeeze %dma_start3A_839 : memref<1x1x128x8xf32, #tpu.memory_space<vmem>> -> memref<128x8xf32, #tpu.memory_space<vmem>>
      %dma_start3A_841 = arith.constant 0 : i32
      %dma_start3A_842 = tpu.memref_slice %arg6[%rem3A_699, %dma_start3A_835, %dma_start3A_841] : memref<2x16x128xi32, #tpu.memory_space<vmem>> -> memref<1x1x128xi32, #tpu.memory_space<vmem>>
      %dma_start3A_843 = tpu.memref_squeeze %dma_start3A_842 : memref<1x1x128xi32, #tpu.memory_space<vmem>> -> memref<128xi32, #tpu.memory_space<vmem>>
      %dma_start3A_844 = arith.constant 0 : i32
      %dma_start3A_845 = arith.constant 0 : i32
      %dma_start3A_846 = tpu.memref_slice %arg2[%dma_start3A_844, %dma_start3A_845] : memref<100000x8xf32, #tpu.memory_space<hbm>> -> memref<100000x8xf32, #tpu.memory_space<hbm>>
      tpu.enqueue_indirect_dma source(%dma_start3A_846 : memref<100000x8xf32, #tpu.memory_space<hbm>>) target(%dma_start3A_840 : memref<128x8xf32, #tpu.memory_space<vmem>>) offsets(%dma_start3A_843 : memref<128xi32, #tpu.memory_space<vmem>>) semaphore(%arg11 : memref<!tpu.dma_semaphore, #tpu.memory_space<semaphore_mem>>)
      %dma_start3A_847 = arith.constant 6 : i32
      %dma_start3A_848 = arith.constant 6 : i32
      %dma_start3A_849 = arith.constant 0 : i32
      %dma_start3A_850 = arith.constant 0 : i32
      %dma_start3A_851 = tpu.memref_slice %arg8[%rem3A_699, %dma_start3A_848, %dma_start3A_849, %dma_start3A_850] : memref<2x16x128x8xf32, #tpu.memory_space<vmem>> -> memref<1x1x128x8xf32, #tpu.memory_space<vmem>>
      %dma_start3A_852 = tpu.memref_squeeze %dma_start3A_851 : memref<1x1x128x8xf32, #tpu.memory_space<vmem>> -> memref<128x8xf32, #tpu.memory_space<vmem>>
      %dma_start3A_853 = arith.constant 0 : i32
      %dma_start3A_854 = tpu.memref_slice %arg6[%rem3A_699, %dma_start3A_847, %dma_start3A_853] : memref<2x16x128xi32, #tpu.memory_space<vmem>> -> memref<1x1x128xi32, #tpu.memory_space<vmem>>
      %dma_start3A_855 = tpu.memref_squeeze %dma_start3A_854 : memref<1x1x128xi32, #tpu.memory_space<vmem>> -> memref<128xi32, #tpu.memory_space<vmem>>
      %dma_start3A_856 = arith.constant 0 : i32
      %dma_start3A_857 = arith.constant 0 : i32
      %dma_start3A_858 = tpu.memref_slice %arg2[%dma_start3A_856, %dma_start3A_857] : memref<100000x8xf32, #tpu.memory_space<hbm>> -> memref<100000x8xf32, #tpu.memory_space<hbm>>
      tpu.enqueue_indirect_dma source(%dma_start3A_858 : memref<100000x8xf32, #tpu.memory_space<hbm>>) target(%dma_start3A_852 : memref<128x8xf32, #tpu.memory_space<vmem>>) offsets(%dma_start3A_855 : memref<128xi32, #tpu.memory_space<vmem>>) semaphore(%arg11 : memref<!tpu.dma_semaphore, #tpu.memory_space<semaphore_mem>>)
      %dma_start3A_859 = arith.constant 7 : i32
      %dma_start3A_860 = arith.constant 7 : i32
      %dma_start3A_861 = arith.constant 0 : i32
      %dma_start3A_862 = arith.constant 0 : i32
      %dma_start3A_863 = tpu.memref_slice %arg8[%rem3A_699, %dma_start3A_860, %dma_start3A_861, %dma_start3A_862] : memref<2x16x128x8xf32, #tpu.memory_space<vmem>> -> memref<1x1x128x8xf32, #tpu.memory_space<vmem>>
      %dma_start3A_864 = tpu.memref_squeeze %dma_start3A_863 : memref<1x1x128x8xf32, #tpu.memory_space<vmem>> -> memref<128x8xf32, #tpu.memory_space<vmem>>
      %dma_start3A_865 = arith.constant 0 : i32
      %dma_start3A_866 = tpu.memref_slice %arg6[%rem3A_699, %dma_start3A_859, %dma_start3A_865] : memref<2x16x128xi32, #tpu.memory_space<vmem>> -> memref<1x1x128xi32, #tpu.memory_space<vmem>>
      %dma_start3A_867 = tpu.memref_squeeze %dma_start3A_866 : memref<1x1x128xi32, #tpu.memory_space<vmem>> -> memref<128xi32, #tpu.memory_space<vmem>>
      %dma_start3A_868 = arith.constant 0 : i32
      %dma_start3A_869 = arith.constant 0 : i32
      %dma_start3A_870 = tpu.memref_slice %arg2[%dma_start3A_868, %dma_start3A_869] : memref<100000x8xf32, #tpu.memory_space<hbm>> -> memref<100000x8xf32, #tpu.memory_space<hbm>>
      tpu.enqueue_indirect_dma source(%dma_start3A_870 : memref<100000x8xf32, #tpu.memory_space<hbm>>) target(%dma_start3A_864 : memref<128x8xf32, #tpu.memory_space<vmem>>) offsets(%dma_start3A_867 : memref<128xi32, #tpu.memory_space<vmem>>) semaphore(%arg11 : memref<!tpu.dma_semaphore, #tpu.memory_space<semaphore_mem>>)
      %dma_start3A_871 = arith.constant 8 : i32
      %dma_start3A_872 = arith.constant 8 : i32
      %dma_start3A_873 = arith.constant 0 : i32
      %dma_start3A_874 = arith.constant 0 : i32
      %dma_start3A_875 = tpu.memref_slice %arg8[%rem3A_699, %dma_start3A_872, %dma_start3A_873, %dma_start3A_874] : memref<2x16x128x8xf32, #tpu.memory_space<vmem>> -> memref<1x1x128x8xf32, #tpu.memory_space<vmem>>
      %dma_start3A_876 = tpu.memref_squeeze %dma_start3A_875 : memref<1x1x128x8xf32, #tpu.memory_space<vmem>> -> memref<128x8xf32, #tpu.memory_space<vmem>>
      %dma_start3A_877 = arith.constant 0 : i32
      %dma_start3A_878 = tpu.memref_slice %arg6[%rem3A_699, %dma_start3A_871, %dma_start3A_877] : memref<2x16x128xi32, #tpu.memory_space<vmem>> -> memref<1x1x128xi32, #tpu.memory_space<vmem>>
      %dma_start3A_879 = tpu.memref_squeeze %dma_start3A_878 : memref<1x1x128xi32, #tpu.memory_space<vmem>> -> memref<128xi32, #tpu.memory_space<vmem>>
      %dma_start3A_880 = arith.constant 0 : i32
      %dma_start3A_881 = arith.constant 0 : i32
      %dma_start3A_882 = tpu.memref_slice %arg2[%dma_start3A_880, %dma_start3A_881] : memref<100000x8xf32, #tpu.memory_space<hbm>> -> memref<100000x8xf32, #tpu.memory_space<hbm>>
      tpu.enqueue_indirect_dma source(%dma_start3A_882 : memref<100000x8xf32, #tpu.memory_space<hbm>>) target(%dma_start3A_876 : memref<128x8xf32, #tpu.memory_space<vmem>>) offsets(%dma_start3A_879 : memref<128xi32, #tpu.memory_space<vmem>>) semaphore(%arg11 : memref<!tpu.dma_semaphore, #tpu.memory_space<semaphore_mem>>)
      %dma_start3A_883 = arith.constant 9 : i32
      %dma_start3A_884 = arith.constant 9 : i32
      %dma_start3A_885 = arith.constant 0 : i32
      %dma_start3A_886 = arith.constant 0 : i32
      %dma_start3A_887 = tpu.memref_slice %arg8[%rem3A_699, %dma_start3A_884, %dma_start3A_885, %dma_start3A_886] : memref<2x16x128x8xf32, #tpu.memory_space<vmem>> -> memref<1x1x128x8xf32, #tpu.memory_space<vmem>>
      %dma_start3A_888 = tpu.memref_squeeze %dma_start3A_887 : memref<1x1x128x8xf32, #tpu.memory_space<vmem>> -> memref<128x8xf32, #tpu.memory_space<vmem>>
      %dma_start3A_889 = arith.constant 0 : i32
      %dma_start3A_890 = tpu.memref_slice %arg6[%rem3A_699, %dma_start3A_883, %dma_start3A_889] : memref<2x16x128xi32, #tpu.memory_space<vmem>> -> memref<1x1x128xi32, #tpu.memory_space<vmem>>
      %dma_start3A_891 = tpu.memref_squeeze %dma_start3A_890 : memref<1x1x128xi32, #tpu.memory_space<vmem>> -> memref<128xi32, #tpu.memory_space<vmem>>
      %dma_start3A_892 = arith.constant 0 : i32
      %dma_start3A_893 = arith.constant 0 : i32
      %dma_start3A_894 = tpu.memref_slice %arg2[%dma_start3A_892, %dma_start3A_893] : memref<100000x8xf32, #tpu.memory_space<hbm>> -> memref<100000x8xf32, #tpu.memory_space<hbm>>
      tpu.enqueue_indirect_dma source(%dma_start3A_894 : memref<100000x8xf32, #tpu.memory_space<hbm>>) target(%dma_start3A_888 : memref<128x8xf32, #tpu.memory_space<vmem>>) offsets(%dma_start3A_891 : memref<128xi32, #tpu.memory_space<vmem>>) semaphore(%arg11 : memref<!tpu.dma_semaphore, #tpu.memory_space<semaphore_mem>>)
      %dma_start3A_895 = arith.constant 10 : i32
      %dma_start3A_896 = arith.constant 10 : i32
      %dma_start3A_897 = arith.constant 0 : i32
      %dma_start3A_898 = arith.constant 0 : i32
      %dma_start3A_899 = tpu.memref_slice %arg8[%rem3A_699, %dma_start3A_896, %dma_start3A_897, %dma_start3A_898] : memref<2x16x128x8xf32, #tpu.memory_space<vmem>> -> memref<1x1x128x8xf32, #tpu.memory_space<vmem>>
      %dma_start3A_900 = tpu.memref_squeeze %dma_start3A_899 : memref<1x1x128x8xf32, #tpu.memory_space<vmem>> -> memref<128x8xf32, #tpu.memory_space<vmem>>
      %dma_start3A_901 = arith.constant 0 : i32
      %dma_start3A_902 = tpu.memref_slice %arg6[%rem3A_699, %dma_start3A_895, %dma_start3A_901] : memref<2x16x128xi32, #tpu.memory_space<vmem>> -> memref<1x1x128xi32, #tpu.memory_space<vmem>>
      %dma_start3A_903 = tpu.memref_squeeze %dma_start3A_902 : memref<1x1x128xi32, #tpu.memory_space<vmem>> -> memref<128xi32, #tpu.memory_space<vmem>>
      %dma_start3A_904 = arith.constant 0 : i32
      %dma_start3A_905 = arith.constant 0 : i32
      %dma_start3A_906 = tpu.memref_slice %arg2[%dma_start3A_904, %dma_start3A_905] : memref<100000x8xf32, #tpu.memory_space<hbm>> -> memref<100000x8xf32, #tpu.memory_space<hbm>>
      tpu.enqueue_indirect_dma source(%dma_start3A_906 : memref<100000x8xf32, #tpu.memory_space<hbm>>) target(%dma_start3A_900 : memref<128x8xf32, #tpu.memory_space<vmem>>) offsets(%dma_start3A_903 : memref<128xi32, #tpu.memory_space<vmem>>) semaphore(%arg11 : memref<!tpu.dma_semaphore, #tpu.memory_space<semaphore_mem>>)
      %dma_start3A_907 = arith.constant 11 : i32
      %dma_start3A_908 = arith.constant 11 : i32
      %dma_start3A_909 = arith.constant 0 : i32
      %dma_start3A_910 = arith.constant 0 : i32
      %dma_start3A_911 = tpu.memref_slice %arg8[%rem3A_699, %dma_start3A_908, %dma_start3A_909, %dma_start3A_910] : memref<2x16x128x8xf32, #tpu.memory_space<vmem>> -> memref<1x1x128x8xf32, #tpu.memory_space<vmem>>
      %dma_start3A_912 = tpu.memref_squeeze %dma_start3A_911 : memref<1x1x128x8xf32, #tpu.memory_space<vmem>> -> memref<128x8xf32, #tpu.memory_space<vmem>>
      %dma_start3A_913 = arith.constant 0 : i32
      %dma_start3A_914 = tpu.memref_slice %arg6[%rem3A_699, %dma_start3A_907, %dma_start3A_913] : memref<2x16x128xi32, #tpu.memory_space<vmem>> -> memref<1x1x128xi32, #tpu.memory_space<vmem>>
      %dma_start3A_915 = tpu.memref_squeeze %dma_start3A_914 : memref<1x1x128xi32, #tpu.memory_space<vmem>> -> memref<128xi32, #tpu.memory_space<vmem>>
      %dma_start3A_916 = arith.constant 0 : i32
      %dma_start3A_917 = arith.constant 0 : i32
      %dma_start3A_918 = tpu.memref_slice %arg2[%dma_start3A_916, %dma_start3A_917] : memref<100000x8xf32, #tpu.memory_space<hbm>> -> memref<100000x8xf32, #tpu.memory_space<hbm>>
      tpu.enqueue_indirect_dma source(%dma_start3A_918 : memref<100000x8xf32, #tpu.memory_space<hbm>>) target(%dma_start3A_912 : memref<128x8xf32, #tpu.memory_space<vmem>>) offsets(%dma_start3A_915 : memref<128xi32, #tpu.memory_space<vmem>>) semaphore(%arg11 : memref<!tpu.dma_semaphore, #tpu.memory_space<semaphore_mem>>)
      %dma_start3A_919 = arith.constant 12 : i32
      %dma_start3A_920 = arith.constant 12 : i32
      %dma_start3A_921 = arith.constant 0 : i32
      %dma_start3A_922 = arith.constant 0 : i32
      %dma_start3A_923 = tpu.memref_slice %arg8[%rem3A_699, %dma_start3A_920, %dma_start3A_921, %dma_start3A_922] : memref<2x16x128x8xf32, #tpu.memory_space<vmem>> -> memref<1x1x128x8xf32, #tpu.memory_space<vmem>>
      %dma_start3A_924 = tpu.memref_squeeze %dma_start3A_923 : memref<1x1x128x8xf32, #tpu.memory_space<vmem>> -> memref<128x8xf32, #tpu.memory_space<vmem>>
      %dma_start3A_925 = arith.constant 0 : i32
      %dma_start3A_926 = tpu.memref_slice %arg6[%rem3A_699, %dma_start3A_919, %dma_start3A_925] : memref<2x16x128xi32, #tpu.memory_space<vmem>> -> memref<1x1x128xi32, #tpu.memory_space<vmem>>
      %dma_start3A_927 = tpu.memref_squeeze %dma_start3A_926 : memref<1x1x128xi32, #tpu.memory_space<vmem>> -> memref<128xi32, #tpu.memory_space<vmem>>
      %dma_start3A_928 = arith.constant 0 : i32
      %dma_start3A_929 = arith.constant 0 : i32
      %dma_start3A_930 = tpu.memref_slice %arg2[%dma_start3A_928, %dma_start3A_929] : memref<100000x8xf32, #tpu.memory_space<hbm>> -> memref<100000x8xf32, #tpu.memory_space<hbm>>
      tpu.enqueue_indirect_dma source(%dma_start3A_930 : memref<100000x8xf32, #tpu.memory_space<hbm>>) target(%dma_start3A_924 : memref<128x8xf32, #tpu.memory_space<vmem>>) offsets(%dma_start3A_927 : memref<128xi32, #tpu.memory_space<vmem>>) semaphore(%arg11 : memref<!tpu.dma_semaphore, #tpu.memory_space<semaphore_mem>>)
      %dma_start3A_931 = arith.constant 13 : i32
      %dma_start3A_932 = arith.constant 13 : i32
      %dma_start3A_933 = arith.constant 0 : i32
      %dma_start3A_934 = arith.constant 0 : i32
      %dma_start3A_935 = tpu.memref_slice %arg8[%rem3A_699, %dma_start3A_932, %dma_start3A_933, %dma_start3A_934] : memref<2x16x128x8xf32, #tpu.memory_space<vmem>> -> memref<1x1x128x8xf32, #tpu.memory_space<vmem>>
      %dma_start3A_936 = tpu.memref_squeeze %dma_start3A_935 : memref<1x1x128x8xf32, #tpu.memory_space<vmem>> -> memref<128x8xf32, #tpu.memory_space<vmem>>
      %dma_start3A_937 = arith.constant 0 : i32
      %dma_start3A_938 = tpu.memref_slice %arg6[%rem3A_699, %dma_start3A_931, %dma_start3A_937] : memref<2x16x128xi32, #tpu.memory_space<vmem>> -> memref<1x1x128xi32, #tpu.memory_space<vmem>>
      %dma_start3A_939 = tpu.memref_squeeze %dma_start3A_938 : memref<1x1x128xi32, #tpu.memory_space<vmem>> -> memref<128xi32, #tpu.memory_space<vmem>>
      %dma_start3A_940 = arith.constant 0 : i32
      %dma_start3A_941 = arith.constant 0 : i32
      %dma_start3A_942 = tpu.memref_slice %arg2[%dma_start3A_940, %dma_start3A_941] : memref<100000x8xf32, #tpu.memory_space<hbm>> -> memref<100000x8xf32, #tpu.memory_space<hbm>>
      tpu.enqueue_indirect_dma source(%dma_start3A_942 : memref<100000x8xf32, #tpu.memory_space<hbm>>) target(%dma_start3A_936 : memref<128x8xf32, #tpu.memory_space<vmem>>) offsets(%dma_start3A_939 : memref<128xi32, #tpu.memory_space<vmem>>) semaphore(%arg11 : memref<!tpu.dma_semaphore, #tpu.memory_space<semaphore_mem>>)
      %dma_start3A_943 = arith.constant 14 : i32
      %dma_start3A_944 = arith.constant 14 : i32
      %dma_start3A_945 = arith.constant 0 : i32
      %dma_start3A_946 = arith.constant 0 : i32
      %dma_start3A_947 = tpu.memref_slice %arg8[%rem3A_699, %dma_start3A_944, %dma_start3A_945, %dma_start3A_946] : memref<2x16x128x8xf32, #tpu.memory_space<vmem>> -> memref<1x1x128x8xf32, #tpu.memory_space<vmem>>
      %dma_start3A_948 = tpu.memref_squeeze %dma_start3A_947 : memref<1x1x128x8xf32, #tpu.memory_space<vmem>> -> memref<128x8xf32, #tpu.memory_space<vmem>>
      %dma_start3A_949 = arith.constant 0 : i32
      %dma_start3A_950 = tpu.memref_slice %arg6[%rem3A_699, %dma_start3A_943, %dma_start3A_949] : memref<2x16x128xi32, #tpu.memory_space<vmem>> -> memref<1x1x128xi32, #tpu.memory_space<vmem>>
      %dma_start3A_951 = tpu.memref_squeeze %dma_start3A_950 : memref<1x1x128xi32, #tpu.memory_space<vmem>> -> memref<128xi32, #tpu.memory_space<vmem>>
      %dma_start3A_952 = arith.constant 0 : i32
      %dma_start3A_953 = arith.constant 0 : i32
      %dma_start3A_954 = tpu.memref_slice %arg2[%dma_start3A_952, %dma_start3A_953] : memref<100000x8xf32, #tpu.memory_space<hbm>> -> memref<100000x8xf32, #tpu.memory_space<hbm>>
      tpu.enqueue_indirect_dma source(%dma_start3A_954 : memref<100000x8xf32, #tpu.memory_space<hbm>>) target(%dma_start3A_948 : memref<128x8xf32, #tpu.memory_space<vmem>>) offsets(%dma_start3A_951 : memref<128xi32, #tpu.memory_space<vmem>>) semaphore(%arg11 : memref<!tpu.dma_semaphore, #tpu.memory_space<semaphore_mem>>)
      %dma_start3A_955 = arith.constant 15 : i32
      %dma_start3A_956 = arith.constant 15 : i32
      %dma_start3A_957 = arith.constant 0 : i32
      %dma_start3A_958 = arith.constant 0 : i32
      %dma_start3A_959 = tpu.memref_slice %arg8[%rem3A_699, %dma_start3A_956, %dma_start3A_957, %dma_start3A_958] : memref<2x16x128x8xf32, #tpu.memory_space<vmem>> -> memref<1x1x128x8xf32, #tpu.memory_space<vmem>>
      %dma_start3A_960 = tpu.memref_squeeze %dma_start3A_959 : memref<1x1x128x8xf32, #tpu.memory_space<vmem>> -> memref<128x8xf32, #tpu.memory_space<vmem>>
      %dma_start3A_961 = arith.constant 0 : i32
      %dma_start3A_962 = tpu.memref_slice %arg6[%rem3A_699, %dma_start3A_955, %dma_start3A_961] : memref<2x16x128xi32, #tpu.memory_space<vmem>> -> memref<1x1x128xi32, #tpu.memory_space<vmem>>
      %dma_start3A_963 = tpu.memref_squeeze %dma_start3A_962 : memref<1x1x128xi32, #tpu.memory_space<vmem>> -> memref<128xi32, #tpu.memory_space<vmem>>
      %dma_start3A_964 = arith.constant 0 : i32
      %dma_start3A_965 = arith.constant 0 : i32
      %dma_start3A_966 = tpu.memref_slice %arg2[%dma_start3A_964, %dma_start3A_965] : memref<100000x8xf32, #tpu.memory_space<hbm>> -> memref<100000x8xf32, #tpu.memory_space<hbm>>
      tpu.enqueue_indirect_dma source(%dma_start3A_966 : memref<100000x8xf32, #tpu.memory_space<hbm>>) target(%dma_start3A_960 : memref<128x8xf32, #tpu.memory_space<vmem>>) offsets(%dma_start3A_963 : memref<128xi32, #tpu.memory_space<vmem>>) semaphore(%arg11 : memref<!tpu.dma_semaphore, #tpu.memory_space<semaphore_mem>>)
    }
    %sub3A = arith.constant 1 : i32
    %sub3A_18 = arith.subi %select_n3A, %sub3A : i32
    %rem3A = arith.constant 2 : i32
    %rem3A_19 = arith.remsi %sub3A_18, %rem3A : i32
    %ge3A = arith.constant 2 : i32
    %ge3A_20 = arith.cmpi sge, %select_n3A, %ge3A : i32
    %convert_element_type3A = arith.extui %ge3A_20 : i1 to i32
    %cond3A = arith.constant 0 : i32
    %cond3A_21 = arith.cmpi ne, %convert_element_type3A, %cond3A : i32
    scf.if %cond3A_21 {
      %sub3A_697 = arith.constant 1 : i32
      %sub3A_698 = arith.subi %sub3A_697, %rem3A_19 : i32
      %dma_wait3A_699 = arith.constant 0 : i32
      %dma_wait3A_700 = arith.constant 0 : i32
      %dma_wait3A_701 = arith.constant 0 : i32
      %dma_wait3A_702 = tpu.memref_slice %arg8[%sub3A_698, %dma_wait3A_699, %dma_wait3A_700, %dma_wait3A_701] : memref<2x16x128x8xf32, #tpu.memory_space<vmem>> -> memref<1x1x128x8xf32, #tpu.memory_space<vmem>>
      %dma_wait3A_703 = tpu.memref_squeeze %dma_wait3A_702 : memref<1x1x128x8xf32, #tpu.memory_space<vmem>> -> memref<128x8xf32, #tpu.memory_space<vmem>>
      %dma_wait3A_704 = arith.constant 0 : i32
      %dma_wait3A_705 = arith.constant 0 : i32
      %dma_wait3A_706 = tpu.memref_slice %arg4[%dma_wait3A_704, %dma_wait3A_705] : memref<100096x8xf32, #tpu.memory_space<hbm>> -> memref<128x8xf32, #tpu.memory_space<hbm>>
      %dma_wait3A_707 = arith.constant 0 : i32
      %dma_wait3A_708 = arith.constant 0 : i32
      %dma_wait3A_709 = tpu.memref_slice %arg8[%sub3A_698, %dma_wait3A_699, %dma_wait3A_707, %dma_wait3A_708] : memref<2x16x128x8xf32, #tpu.memory_space<vmem>> -> memref<1x1x128x8xf32, #tpu.memory_space<vmem>>
      %dma_wait3A_710 = tpu.memref_squeeze %dma_wait3A_709 : memref<1x1x128x8xf32, #tpu.memory_space<vmem>> -> memref<128x8xf32, #tpu.memory_space<vmem>>
      %dma_wait3A_711 = arith.constant 0 : i32
      %dma_wait3A_712 = arith.constant 0 : i32
      %dma_wait3A_713 = tpu.memref_slice %arg4[%dma_wait3A_711, %dma_wait3A_712] : memref<100096x8xf32, #tpu.memory_space<hbm>> -> memref<128x8xf32, #tpu.memory_space<hbm>>
      tpu.wait_dma2 semaphore(%arg12 : memref<!tpu.dma_semaphore, #tpu.memory_space<semaphore_mem>>) src(%dma_wait3A_713 : memref<128x8xf32, #tpu.memory_space<hbm>>) dst(%dma_wait3A_710 : memref<128x8xf32, #tpu.memory_space<vmem>>)
      %dma_wait3A_714 = arith.constant 1 : i32
      %dma_wait3A_715 = arith.constant 0 : i32
      %dma_wait3A_716 = arith.constant 0 : i32
      %dma_wait3A_717 = tpu.memref_slice %arg8[%sub3A_698, %dma_wait3A_714, %dma_wait3A_715, %dma_wait3A_716] : memref<2x16x128x8xf32, #tpu.memory_space<vmem>> -> memref<1x1x128x8xf32, #tpu.memory_space<vmem>>
      %dma_wait3A_718 = tpu.memref_squeeze %dma_wait3A_717 : memref<1x1x128x8xf32, #tpu.memory_space<vmem>> -> memref<128x8xf32, #tpu.memory_space<vmem>>
      %dma_wait3A_719 = arith.constant 0 : i32
      %dma_wait3A_720 = arith.constant 0 : i32
      %dma_wait3A_721 = tpu.memref_slice %arg4[%dma_wait3A_719, %dma_wait3A_720] : memref<100096x8xf32, #tpu.memory_space<hbm>> -> memref<128x8xf32, #tpu.memory_space<hbm>>
      %dma_wait3A_722 = arith.constant 0 : i32
      %dma_wait3A_723 = arith.constant 0 : i32
      %dma_wait3A_724 = tpu.memref_slice %arg8[%sub3A_698, %dma_wait3A_714, %dma_wait3A_722, %dma_wait3A_723] : memref<2x16x128x8xf32, #tpu.memory_space<vmem>> -> memref<1x1x128x8xf32, #tpu.memory_space<vmem>>
      %dma_wait3A_725 = tpu.memref_squeeze %dma_wait3A_724 : memref<1x1x128x8xf32, #tpu.memory_space<vmem>> -> memref<128x8xf32, #tpu.memory_space<vmem>>
      %dma_wait3A_726 = arith.constant 0 : i32
      %dma_wait3A_727 = arith.constant 0 : i32
      %dma_wait3A_728 = tpu.memref_slice %arg4[%dma_wait3A_726, %dma_wait3A_727] : memref<100096x8xf32, #tpu.memory_space<hbm>> -> memref<128x8xf32, #tpu.memory_space<hbm>>
      tpu.wait_dma2 semaphore(%arg12 : memref<!tpu.dma_semaphore, #tpu.memory_space<semaphore_mem>>) src(%dma_wait3A_728 : memref<128x8xf32, #tpu.memory_space<hbm>>) dst(%dma_wait3A_725 : memref<128x8xf32, #tpu.memory_space<vmem>>)
      %dma_wait3A_729 = arith.constant 2 : i32
      %dma_wait3A_730 = arith.constant 0 : i32
      %dma_wait3A_731 = arith.constant 0 : i32
      %dma_wait3A_732 = tpu.memref_slice %arg8[%sub3A_698, %dma_wait3A_729, %dma_wait3A_730, %dma_wait3A_731] : memref<2x16x128x8xf32, #tpu.memory_space<vmem>> -> memref<1x1x128x8xf32, #tpu.memory_space<vmem>>
      %dma_wait3A_733 = tpu.memref_squeeze %dma_wait3A_732 : memref<1x1x128x8xf32, #tpu.memory_space<vmem>> -> memref<128x8xf32, #tpu.memory_space<vmem>>
      %dma_wait3A_734 = arith.constant 0 : i32
      %dma_wait3A_735 = arith.constant 0 : i32
      %dma_wait3A_736 = tpu.memref_slice %arg4[%dma_wait3A_734, %dma_wait3A_735] : memref<100096x8xf32, #tpu.memory_space<hbm>> -> memref<128x8xf32, #tpu.memory_space<hbm>>
      %dma_wait3A_737 = arith.constant 0 : i32
      %dma_wait3A_738 = arith.constant 0 : i32
      %dma_wait3A_739 = tpu.memref_slice %arg8[%sub3A_698, %dma_wait3A_729, %dma_wait3A_737, %dma_wait3A_738] : memref<2x16x128x8xf32, #tpu.memory_space<vmem>> -> memref<1x1x128x8xf32, #tpu.memory_space<vmem>>
      %dma_wait3A_740 = tpu.memref_squeeze %dma_wait3A_739 : memref<1x1x128x8xf32, #tpu.memory_space<vmem>> -> memref<128x8xf32, #tpu.memory_space<vmem>>
      %dma_wait3A_741 = arith.constant 0 : i32
      %dma_wait3A_742 = arith.constant 0 : i32
      %dma_wait3A_743 = tpu.memref_slice %arg4[%dma_wait3A_741, %dma_wait3A_742] : memref<100096x8xf32, #tpu.memory_space<hbm>> -> memref<128x8xf32, #tpu.memory_space<hbm>>
      tpu.wait_dma2 semaphore(%arg12 : memref<!tpu.dma_semaphore, #tpu.memory_space<semaphore_mem>>) src(%dma_wait3A_743 : memref<128x8xf32, #tpu.memory_space<hbm>>) dst(%dma_wait3A_740 : memref<128x8xf32, #tpu.memory_space<vmem>>)
      %dma_wait3A_744 = arith.constant 3 : i32
      %dma_wait3A_745 = arith.constant 0 : i32
      %dma_wait3A_746 = arith.constant 0 : i32
      %dma_wait3A_747 = tpu.memref_slice %arg8[%sub3A_698, %dma_wait3A_744, %dma_wait3A_745, %dma_wait3A_746] : memref<2x16x128x8xf32, #tpu.memory_space<vmem>> -> memref<1x1x128x8xf32, #tpu.memory_space<vmem>>
      %dma_wait3A_748 = tpu.memref_squeeze %dma_wait3A_747 : memref<1x1x128x8xf32, #tpu.memory_space<vmem>> -> memref<128x8xf32, #tpu.memory_space<vmem>>
      %dma_wait3A_749 = arith.constant 0 : i32
      %dma_wait3A_750 = arith.constant 0 : i32
      %dma_wait3A_751 = tpu.memref_slice %arg4[%dma_wait3A_749, %dma_wait3A_750] : memref<100096x8xf32, #tpu.memory_space<hbm>> -> memref<128x8xf32, #tpu.memory_space<hbm>>
      %dma_wait3A_752 = arith.constant 0 : i32
      %dma_wait3A_753 = arith.constant 0 : i32
      %dma_wait3A_754 = tpu.memref_slice %arg8[%sub3A_698, %dma_wait3A_744, %dma_wait3A_752, %dma_wait3A_753] : memref<2x16x128x8xf32, #tpu.memory_space<vmem>> -> memref<1x1x128x8xf32, #tpu.memory_space<vmem>>
      %dma_wait3A_755 = tpu.memref_squeeze %dma_wait3A_754 : memref<1x1x128x8xf32, #tpu.memory_space<vmem>> -> memref<128x8xf32, #tpu.memory_space<vmem>>
      %dma_wait3A_756 = arith.constant 0 : i32
      %dma_wait3A_757 = arith.constant 0 : i32
      %dma_wait3A_758 = tpu.memref_slice %arg4[%dma_wait3A_756, %dma_wait3A_757] : memref<100096x8xf32, #tpu.memory_space<hbm>> -> memref<128x8xf32, #tpu.memory_space<hbm>>
      tpu.wait_dma2 semaphore(%arg12 : memref<!tpu.dma_semaphore, #tpu.memory_space<semaphore_mem>>) src(%dma_wait3A_758 : memref<128x8xf32, #tpu.memory_space<hbm>>) dst(%dma_wait3A_755 : memref<128x8xf32, #tpu.memory_space<vmem>>)
      %dma_wait3A_759 = arith.constant 4 : i32
      %dma_wait3A_760 = arith.constant 0 : i32
      %dma_wait3A_761 = arith.constant 0 : i32
      %dma_wait3A_762 = tpu.memref_slice %arg8[%sub3A_698, %dma_wait3A_759, %dma_wait3A_760, %dma_wait3A_761] : memref<2x16x128x8xf32, #tpu.memory_space<vmem>> -> memref<1x1x128x8xf32, #tpu.memory_space<vmem>>
      %dma_wait3A_763 = tpu.memref_squeeze %dma_wait3A_762 : memref<1x1x128x8xf32, #tpu.memory_space<vmem>> -> memref<128x8xf32, #tpu.memory_space<vmem>>
      %dma_wait3A_764 = arith.constant 0 : i32
      %dma_wait3A_765 = arith.constant 0 : i32
      %dma_wait3A_766 = tpu.memref_slice %arg4[%dma_wait3A_764, %dma_wait3A_765] : memref<100096x8xf32, #tpu.memory_space<hbm>> -> memref<128x8xf32, #tpu.memory_space<hbm>>
      %dma_wait3A_767 = arith.constant 0 : i32
      %dma_wait3A_768 = arith.constant 0 : i32
      %dma_wait3A_769 = tpu.memref_slice %arg8[%sub3A_698, %dma_wait3A_759, %dma_wait3A_767, %dma_wait3A_768] : memref<2x16x128x8xf32, #tpu.memory_space<vmem>> -> memref<1x1x128x8xf32, #tpu.memory_space<vmem>>
      %dma_wait3A_770 = tpu.memref_squeeze %dma_wait3A_769 : memref<1x1x128x8xf32, #tpu.memory_space<vmem>> -> memref<128x8xf32, #tpu.memory_space<vmem>>
      %dma_wait3A_771 = arith.constant 0 : i32
      %dma_wait3A_772 = arith.constant 0 : i32
      %dma_wait3A_773 = tpu.memref_slice %arg4[%dma_wait3A_771, %dma_wait3A_772] : memref<100096x8xf32, #tpu.memory_space<hbm>> -> memref<128x8xf32, #tpu.memory_space<hbm>>
      tpu.wait_dma2 semaphore(%arg12 : memref<!tpu.dma_semaphore, #tpu.memory_space<semaphore_mem>>) src(%dma_wait3A_773 : memref<128x8xf32, #tpu.memory_space<hbm>>) dst(%dma_wait3A_770 : memref<128x8xf32, #tpu.memory_space<vmem>>)
      %dma_wait3A_774 = arith.constant 5 : i32
      %dma_wait3A_775 = arith.constant 0 : i32
      %dma_wait3A_776 = arith.constant 0 : i32
      %dma_wait3A_777 = tpu.memref_slice %arg8[%sub3A_698, %dma_wait3A_774, %dma_wait3A_775, %dma_wait3A_776] : memref<2x16x128x8xf32, #tpu.memory_space<vmem>> -> memref<1x1x128x8xf32, #tpu.memory_space<vmem>>
      %dma_wait3A_778 = tpu.memref_squeeze %dma_wait3A_777 : memref<1x1x128x8xf32, #tpu.memory_space<vmem>> -> memref<128x8xf32, #tpu.memory_space<vmem>>
      %dma_wait3A_779 = arith.constant 0 : i32
      %dma_wait3A_780 = arith.constant 0 : i32
      %dma_wait3A_781 = tpu.memref_slice %arg4[%dma_wait3A_779, %dma_wait3A_780] : memref<100096x8xf32, #tpu.memory_space<hbm>> -> memref<128x8xf32, #tpu.memory_space<hbm>>
      %dma_wait3A_782 = arith.constant 0 : i32
      %dma_wait3A_783 = arith.constant 0 : i32
      %dma_wait3A_784 = tpu.memref_slice %arg8[%sub3A_698, %dma_wait3A_774, %dma_wait3A_782, %dma_wait3A_783] : memref<2x16x128x8xf32, #tpu.memory_space<vmem>> -> memref<1x1x128x8xf32, #tpu.memory_space<vmem>>
      %dma_wait3A_785 = tpu.memref_squeeze %dma_wait3A_784 : memref<1x1x128x8xf32, #tpu.memory_space<vmem>> -> memref<128x8xf32, #tpu.memory_space<vmem>>
      %dma_wait3A_786 = arith.constant 0 : i32
      %dma_wait3A_787 = arith.constant 0 : i32
      %dma_wait3A_788 = tpu.memref_slice %arg4[%dma_wait3A_786, %dma_wait3A_787] : memref<100096x8xf32, #tpu.memory_space<hbm>> -> memref<128x8xf32, #tpu.memory_space<hbm>>
      tpu.wait_dma2 semaphore(%arg12 : memref<!tpu.dma_semaphore, #tpu.memory_space<semaphore_mem>>) src(%dma_wait3A_788 : memref<128x8xf32, #tpu.memory_space<hbm>>) dst(%dma_wait3A_785 : memref<128x8xf32, #tpu.memory_space<vmem>>)
      %dma_wait3A_789 = arith.constant 6 : i32
      %dma_wait3A_790 = arith.constant 0 : i32
      %dma_wait3A_791 = arith.constant 0 : i32
      %dma_wait3A_792 = tpu.memref_slice %arg8[%sub3A_698, %dma_wait3A_789, %dma_wait3A_790, %dma_wait3A_791] : memref<2x16x128x8xf32, #tpu.memory_space<vmem>> -> memref<1x1x128x8xf32, #tpu.memory_space<vmem>>
      %dma_wait3A_793 = tpu.memref_squeeze %dma_wait3A_792 : memref<1x1x128x8xf32, #tpu.memory_space<vmem>> -> memref<128x8xf32, #tpu.memory_space<vmem>>
      %dma_wait3A_794 = arith.constant 0 : i32
      %dma_wait3A_795 = arith.constant 0 : i32
      %dma_wait3A_796 = tpu.memref_slice %arg4[%dma_wait3A_794, %dma_wait3A_795] : memref<100096x8xf32, #tpu.memory_space<hbm>> -> memref<128x8xf32, #tpu.memory_space<hbm>>
      %dma_wait3A_797 = arith.constant 0 : i32
      %dma_wait3A_798 = arith.constant 0 : i32
      %dma_wait3A_799 = tpu.memref_slice %arg8[%sub3A_698, %dma_wait3A_789, %dma_wait3A_797, %dma_wait3A_798] : memref<2x16x128x8xf32, #tpu.memory_space<vmem>> -> memref<1x1x128x8xf32, #tpu.memory_space<vmem>>
      %dma_wait3A_800 = tpu.memref_squeeze %dma_wait3A_799 : memref<1x1x128x8xf32, #tpu.memory_space<vmem>> -> memref<128x8xf32, #tpu.memory_space<vmem>>
      %dma_wait3A_801 = arith.constant 0 : i32
      %dma_wait3A_802 = arith.constant 0 : i32
      %dma_wait3A_803 = tpu.memref_slice %arg4[%dma_wait3A_801, %dma_wait3A_802] : memref<100096x8xf32, #tpu.memory_space<hbm>> -> memref<128x8xf32, #tpu.memory_space<hbm>>
      tpu.wait_dma2 semaphore(%arg12 : memref<!tpu.dma_semaphore, #tpu.memory_space<semaphore_mem>>) src(%dma_wait3A_803 : memref<128x8xf32, #tpu.memory_space<hbm>>) dst(%dma_wait3A_800 : memref<128x8xf32, #tpu.memory_space<vmem>>)
      %dma_wait3A_804 = arith.constant 7 : i32
      %dma_wait3A_805 = arith.constant 0 : i32
      %dma_wait3A_806 = arith.constant 0 : i32
      %dma_wait3A_807 = tpu.memref_slice %arg8[%sub3A_698, %dma_wait3A_804, %dma_wait3A_805, %dma_wait3A_806] : memref<2x16x128x8xf32, #tpu.memory_space<vmem>> -> memref<1x1x128x8xf32, #tpu.memory_space<vmem>>
      %dma_wait3A_808 = tpu.memref_squeeze %dma_wait3A_807 : memref<1x1x128x8xf32, #tpu.memory_space<vmem>> -> memref<128x8xf32, #tpu.memory_space<vmem>>
      %dma_wait3A_809 = arith.constant 0 : i32
      %dma_wait3A_810 = arith.constant 0 : i32
      %dma_wait3A_811 = tpu.memref_slice %arg4[%dma_wait3A_809, %dma_wait3A_810] : memref<100096x8xf32, #tpu.memory_space<hbm>> -> memref<128x8xf32, #tpu.memory_space<hbm>>
      %dma_wait3A_812 = arith.constant 0 : i32
      %dma_wait3A_813 = arith.constant 0 : i32
      %dma_wait3A_814 = tpu.memref_slice %arg8[%sub3A_698, %dma_wait3A_804, %dma_wait3A_812, %dma_wait3A_813] : memref<2x16x128x8xf32, #tpu.memory_space<vmem>> -> memref<1x1x128x8xf32, #tpu.memory_space<vmem>>
      %dma_wait3A_815 = tpu.memref_squeeze %dma_wait3A_814 : memref<1x1x128x8xf32, #tpu.memory_space<vmem>> -> memref<128x8xf32, #tpu.memory_space<vmem>>
      %dma_wait3A_816 = arith.constant 0 : i32
      %dma_wait3A_817 = arith.constant 0 : i32
      %dma_wait3A_818 = tpu.memref_slice %arg4[%dma_wait3A_816, %dma_wait3A_817] : memref<100096x8xf32, #tpu.memory_space<hbm>> -> memref<128x8xf32, #tpu.memory_space<hbm>>
      tpu.wait_dma2 semaphore(%arg12 : memref<!tpu.dma_semaphore, #tpu.memory_space<semaphore_mem>>) src(%dma_wait3A_818 : memref<128x8xf32, #tpu.memory_space<hbm>>) dst(%dma_wait3A_815 : memref<128x8xf32, #tpu.memory_space<vmem>>)
      %dma_wait3A_819 = arith.constant 8 : i32
      %dma_wait3A_820 = arith.constant 0 : i32
      %dma_wait3A_821 = arith.constant 0 : i32
      %dma_wait3A_822 = tpu.memref_slice %arg8[%sub3A_698, %dma_wait3A_819, %dma_wait3A_820, %dma_wait3A_821] : memref<2x16x128x8xf32, #tpu.memory_space<vmem>> -> memref<1x1x128x8xf32, #tpu.memory_space<vmem>>
      %dma_wait3A_823 = tpu.memref_squeeze %dma_wait3A_822 : memref<1x1x128x8xf32, #tpu.memory_space<vmem>> -> memref<128x8xf32, #tpu.memory_space<vmem>>
      %dma_wait3A_824 = arith.constant 0 : i32
      %dma_wait3A_825 = arith.constant 0 : i32
      %dma_wait3A_826 = tpu.memref_slice %arg4[%dma_wait3A_824, %dma_wait3A_825] : memref<100096x8xf32, #tpu.memory_space<hbm>> -> memref<128x8xf32, #tpu.memory_space<hbm>>
      %dma_wait3A_827 = arith.constant 0 : i32
      %dma_wait3A_828 = arith.constant 0 : i32
      %dma_wait3A_829 = tpu.memref_slice %arg8[%sub3A_698, %dma_wait3A_819, %dma_wait3A_827, %dma_wait3A_828] : memref<2x16x128x8xf32, #tpu.memory_space<vmem>> -> memref<1x1x128x8xf32, #tpu.memory_space<vmem>>
      %dma_wait3A_830 = tpu.memref_squeeze %dma_wait3A_829 : memref<1x1x128x8xf32, #tpu.memory_space<vmem>> -> memref<128x8xf32, #tpu.memory_space<vmem>>
      %dma_wait3A_831 = arith.constant 0 : i32
      %dma_wait3A_832 = arith.constant 0 : i32
      %dma_wait3A_833 = tpu.memref_slice %arg4[%dma_wait3A_831, %dma_wait3A_832] : memref<100096x8xf32, #tpu.memory_space<hbm>> -> memref<128x8xf32, #tpu.memory_space<hbm>>
      tpu.wait_dma2 semaphore(%arg12 : memref<!tpu.dma_semaphore, #tpu.memory_space<semaphore_mem>>) src(%dma_wait3A_833 : memref<128x8xf32, #tpu.memory_space<hbm>>) dst(%dma_wait3A_830 : memref<128x8xf32, #tpu.memory_space<vmem>>)
      %dma_wait3A_834 = arith.constant 9 : i32
      %dma_wait3A_835 = arith.constant 0 : i32
      %dma_wait3A_836 = arith.constant 0 : i32
      %dma_wait3A_837 = tpu.memref_slice %arg8[%sub3A_698, %dma_wait3A_834, %dma_wait3A_835, %dma_wait3A_836] : memref<2x16x128x8xf32, #tpu.memory_space<vmem>> -> memref<1x1x128x8xf32, #tpu.memory_space<vmem>>
      %dma_wait3A_838 = tpu.memref_squeeze %dma_wait3A_837 : memref<1x1x128x8xf32, #tpu.memory_space<vmem>> -> memref<128x8xf32, #tpu.memory_space<vmem>>
      %dma_wait3A_839 = arith.constant 0 : i32
      %dma_wait3A_840 = arith.constant 0 : i32
      %dma_wait3A_841 = tpu.memref_slice %arg4[%dma_wait3A_839, %dma_wait3A_840] : memref<100096x8xf32, #tpu.memory_space<hbm>> -> memref<128x8xf32, #tpu.memory_space<hbm>>
      %dma_wait3A_842 = arith.constant 0 : i32
      %dma_wait3A_843 = arith.constant 0 : i32
      %dma_wait3A_844 = tpu.memref_slice %arg8[%sub3A_698, %dma_wait3A_834, %dma_wait3A_842, %dma_wait3A_843] : memref<2x16x128x8xf32, #tpu.memory_space<vmem>> -> memref<1x1x128x8xf32, #tpu.memory_space<vmem>>
      %dma_wait3A_845 = tpu.memref_squeeze %dma_wait3A_844 : memref<1x1x128x8xf32, #tpu.memory_space<vmem>> -> memref<128x8xf32, #tpu.memory_space<vmem>>
      %dma_wait3A_846 = arith.constant 0 : i32
      %dma_wait3A_847 = arith.constant 0 : i32
      %dma_wait3A_848 = tpu.memref_slice %arg4[%dma_wait3A_846, %dma_wait3A_847] : memref<100096x8xf32, #tpu.memory_space<hbm>> -> memref<128x8xf32, #tpu.memory_space<hbm>>
      tpu.wait_dma2 semaphore(%arg12 : memref<!tpu.dma_semaphore, #tpu.memory_space<semaphore_mem>>) src(%dma_wait3A_848 : memref<128x8xf32, #tpu.memory_space<hbm>>) dst(%dma_wait3A_845 : memref<128x8xf32, #tpu.memory_space<vmem>>)
      %dma_wait3A_849 = arith.constant 10 : i32
      %dma_wait3A_850 = arith.constant 0 : i32
      %dma_wait3A_851 = arith.constant 0 : i32
      %dma_wait3A_852 = tpu.memref_slice %arg8[%sub3A_698, %dma_wait3A_849, %dma_wait3A_850, %dma_wait3A_851] : memref<2x16x128x8xf32, #tpu.memory_space<vmem>> -> memref<1x1x128x8xf32, #tpu.memory_space<vmem>>
      %dma_wait3A_853 = tpu.memref_squeeze %dma_wait3A_852 : memref<1x1x128x8xf32, #tpu.memory_space<vmem>> -> memref<128x8xf32, #tpu.memory_space<vmem>>
      %dma_wait3A_854 = arith.constant 0 : i32
      %dma_wait3A_855 = arith.constant 0 : i32
      %dma_wait3A_856 = tpu.memref_slice %arg4[%dma_wait3A_854, %dma_wait3A_855] : memref<100096x8xf32, #tpu.memory_space<hbm>> -> memref<128x8xf32, #tpu.memory_space<hbm>>
      %dma_wait3A_857 = arith.constant 0 : i32
      %dma_wait3A_858 = arith.constant 0 : i32
      %dma_wait3A_859 = tpu.memref_slice %arg8[%sub3A_698, %dma_wait3A_849, %dma_wait3A_857, %dma_wait3A_858] : memref<2x16x128x8xf32, #tpu.memory_space<vmem>> -> memref<1x1x128x8xf32, #tpu.memory_space<vmem>>
      %dma_wait3A_860 = tpu.memref_squeeze %dma_wait3A_859 : memref<1x1x128x8xf32, #tpu.memory_space<vmem>> -> memref<128x8xf32, #tpu.memory_space<vmem>>
      %dma_wait3A_861 = arith.constant 0 : i32
      %dma_wait3A_862 = arith.constant 0 : i32
      %dma_wait3A_863 = tpu.memref_slice %arg4[%dma_wait3A_861, %dma_wait3A_862] : memref<100096x8xf32, #tpu.memory_space<hbm>> -> memref<128x8xf32, #tpu.memory_space<hbm>>
      tpu.wait_dma2 semaphore(%arg12 : memref<!tpu.dma_semaphore, #tpu.memory_space<semaphore_mem>>) src(%dma_wait3A_863 : memref<128x8xf32, #tpu.memory_space<hbm>>) dst(%dma_wait3A_860 : memref<128x8xf32, #tpu.memory_space<vmem>>)
      %dma_wait3A_864 = arith.constant 11 : i32
      %dma_wait3A_865 = arith.constant 0 : i32
      %dma_wait3A_866 = arith.constant 0 : i32
      %dma_wait3A_867 = tpu.memref_slice %arg8[%sub3A_698, %dma_wait3A_864, %dma_wait3A_865, %dma_wait3A_866] : memref<2x16x128x8xf32, #tpu.memory_space<vmem>> -> memref<1x1x128x8xf32, #tpu.memory_space<vmem>>
      %dma_wait3A_868 = tpu.memref_squeeze %dma_wait3A_867 : memref<1x1x128x8xf32, #tpu.memory_space<vmem>> -> memref<128x8xf32, #tpu.memory_space<vmem>>
      %dma_wait3A_869 = arith.constant 0 : i32
      %dma_wait3A_870 = arith.constant 0 : i32
      %dma_wait3A_871 = tpu.memref_slice %arg4[%dma_wait3A_869, %dma_wait3A_870] : memref<100096x8xf32, #tpu.memory_space<hbm>> -> memref<128x8xf32, #tpu.memory_space<hbm>>
      %dma_wait3A_872 = arith.constant 0 : i32
      %dma_wait3A_873 = arith.constant 0 : i32
      %dma_wait3A_874 = tpu.memref_slice %arg8[%sub3A_698, %dma_wait3A_864, %dma_wait3A_872, %dma_wait3A_873] : memref<2x16x128x8xf32, #tpu.memory_space<vmem>> -> memref<1x1x128x8xf32, #tpu.memory_space<vmem>>
      %dma_wait3A_875 = tpu.memref_squeeze %dma_wait3A_874 : memref<1x1x128x8xf32, #tpu.memory_space<vmem>> -> memref<128x8xf32, #tpu.memory_space<vmem>>
      %dma_wait3A_876 = arith.constant 0 : i32
      %dma_wait3A_877 = arith.constant 0 : i32
      %dma_wait3A_878 = tpu.memref_slice %arg4[%dma_wait3A_876, %dma_wait3A_877] : memref<100096x8xf32, #tpu.memory_space<hbm>> -> memref<128x8xf32, #tpu.memory_space<hbm>>
      tpu.wait_dma2 semaphore(%arg12 : memref<!tpu.dma_semaphore, #tpu.memory_space<semaphore_mem>>) src(%dma_wait3A_878 : memref<128x8xf32, #tpu.memory_space<hbm>>) dst(%dma_wait3A_875 : memref<128x8xf32, #tpu.memory_space<vmem>>)
      %dma_wait3A_879 = arith.constant 12 : i32
      %dma_wait3A_880 = arith.constant 0 : i32
      %dma_wait3A_881 = arith.constant 0 : i32
      %dma_wait3A_882 = tpu.memref_slice %arg8[%sub3A_698, %dma_wait3A_879, %dma_wait3A_880, %dma_wait3A_881] : memref<2x16x128x8xf32, #tpu.memory_space<vmem>> -> memref<1x1x128x8xf32, #tpu.memory_space<vmem>>
      %dma_wait3A_883 = tpu.memref_squeeze %dma_wait3A_882 : memref<1x1x128x8xf32, #tpu.memory_space<vmem>> -> memref<128x8xf32, #tpu.memory_space<vmem>>
      %dma_wait3A_884 = arith.constant 0 : i32
      %dma_wait3A_885 = arith.constant 0 : i32
      %dma_wait3A_886 = tpu.memref_slice %arg4[%dma_wait3A_884, %dma_wait3A_885] : memref<100096x8xf32, #tpu.memory_space<hbm>> -> memref<128x8xf32, #tpu.memory_space<hbm>>
      %dma_wait3A_887 = arith.constant 0 : i32
      %dma_wait3A_888 = arith.constant 0 : i32
      %dma_wait3A_889 = tpu.memref_slice %arg8[%sub3A_698, %dma_wait3A_879, %dma_wait3A_887, %dma_wait3A_888] : memref<2x16x128x8xf32, #tpu.memory_space<vmem>> -> memref<1x1x128x8xf32, #tpu.memory_space<vmem>>
      %dma_wait3A_890 = tpu.memref_squeeze %dma_wait3A_889 : memref<1x1x128x8xf32, #tpu.memory_space<vmem>> -> memref<128x8xf32, #tpu.memory_space<vmem>>
      %dma_wait3A_891 = arith.constant 0 : i32
      %dma_wait3A_892 = arith.constant 0 : i32
      %dma_wait3A_893 = tpu.memref_slice %arg4[%dma_wait3A_891, %dma_wait3A_892] : memref<100096x8xf32, #tpu.memory_space<hbm>> -> memref<128x8xf32, #tpu.memory_space<hbm>>
      tpu.wait_dma2 semaphore(%arg12 : memref<!tpu.dma_semaphore, #tpu.memory_space<semaphore_mem>>) src(%dma_wait3A_893 : memref<128x8xf32, #tpu.memory_space<hbm>>) dst(%dma_wait3A_890 : memref<128x8xf32, #tpu.memory_space<vmem>>)
      %dma_wait3A_894 = arith.constant 13 : i32
      %dma_wait3A_895 = arith.constant 0 : i32
      %dma_wait3A_896 = arith.constant 0 : i32
      %dma_wait3A_897 = tpu.memref_slice %arg8[%sub3A_698, %dma_wait3A_894, %dma_wait3A_895, %dma_wait3A_896] : memref<2x16x128x8xf32, #tpu.memory_space<vmem>> -> memref<1x1x128x8xf32, #tpu.memory_space<vmem>>
      %dma_wait3A_898 = tpu.memref_squeeze %dma_wait3A_897 : memref<1x1x128x8xf32, #tpu.memory_space<vmem>> -> memref<128x8xf32, #tpu.memory_space<vmem>>
      %dma_wait3A_899 = arith.constant 0 : i32
      %dma_wait3A_900 = arith.constant 0 : i32
      %dma_wait3A_901 = tpu.memref_slice %arg4[%dma_wait3A_899, %dma_wait3A_900] : memref<100096x8xf32, #tpu.memory_space<hbm>> -> memref<128x8xf32, #tpu.memory_space<hbm>>
      %dma_wait3A_902 = arith.constant 0 : i32
      %dma_wait3A_903 = arith.constant 0 : i32
      %dma_wait3A_904 = tpu.memref_slice %arg8[%sub3A_698, %dma_wait3A_894, %dma_wait3A_902, %dma_wait3A_903] : memref<2x16x128x8xf32, #tpu.memory_space<vmem>> -> memref<1x1x128x8xf32, #tpu.memory_space<vmem>>
      %dma_wait3A_905 = tpu.memref_squeeze %dma_wait3A_904 : memref<1x1x128x8xf32, #tpu.memory_space<vmem>> -> memref<128x8xf32, #tpu.memory_space<vmem>>
      %dma_wait3A_906 = arith.constant 0 : i32
      %dma_wait3A_907 = arith.constant 0 : i32
      %dma_wait3A_908 = tpu.memref_slice %arg4[%dma_wait3A_906, %dma_wait3A_907] : memref<100096x8xf32, #tpu.memory_space<hbm>> -> memref<128x8xf32, #tpu.memory_space<hbm>>
      tpu.wait_dma2 semaphore(%arg12 : memref<!tpu.dma_semaphore, #tpu.memory_space<semaphore_mem>>) src(%dma_wait3A_908 : memref<128x8xf32, #tpu.memory_space<hbm>>) dst(%dma_wait3A_905 : memref<128x8xf32, #tpu.memory_space<vmem>>)
      %dma_wait3A_909 = arith.constant 14 : i32
      %dma_wait3A_910 = arith.constant 0 : i32
      %dma_wait3A_911 = arith.constant 0 : i32
      %dma_wait3A_912 = tpu.memref_slice %arg8[%sub3A_698, %dma_wait3A_909, %dma_wait3A_910, %dma_wait3A_911] : memref<2x16x128x8xf32, #tpu.memory_space<vmem>> -> memref<1x1x128x8xf32, #tpu.memory_space<vmem>>
      %dma_wait3A_913 = tpu.memref_squeeze %dma_wait3A_912 : memref<1x1x128x8xf32, #tpu.memory_space<vmem>> -> memref<128x8xf32, #tpu.memory_space<vmem>>
      %dma_wait3A_914 = arith.constant 0 : i32
      %dma_wait3A_915 = arith.constant 0 : i32
      %dma_wait3A_916 = tpu.memref_slice %arg4[%dma_wait3A_914, %dma_wait3A_915] : memref<100096x8xf32, #tpu.memory_space<hbm>> -> memref<128x8xf32, #tpu.memory_space<hbm>>
      %dma_wait3A_917 = arith.constant 0 : i32
      %dma_wait3A_918 = arith.constant 0 : i32
      %dma_wait3A_919 = tpu.memref_slice %arg8[%sub3A_698, %dma_wait3A_909, %dma_wait3A_917, %dma_wait3A_918] : memref<2x16x128x8xf32, #tpu.memory_space<vmem>> -> memref<1x1x128x8xf32, #tpu.memory_space<vmem>>
      %dma_wait3A_920 = tpu.memref_squeeze %dma_wait3A_919 : memref<1x1x128x8xf32, #tpu.memory_space<vmem>> -> memref<128x8xf32, #tpu.memory_space<vmem>>
      %dma_wait3A_921 = arith.constant 0 : i32
      %dma_wait3A_922 = arith.constant 0 : i32
      %dma_wait3A_923 = tpu.memref_slice %arg4[%dma_wait3A_921, %dma_wait3A_922] : memref<100096x8xf32, #tpu.memory_space<hbm>> -> memref<128x8xf32, #tpu.memory_space<hbm>>
      tpu.wait_dma2 semaphore(%arg12 : memref<!tpu.dma_semaphore, #tpu.memory_space<semaphore_mem>>) src(%dma_wait3A_923 : memref<128x8xf32, #tpu.memory_space<hbm>>) dst(%dma_wait3A_920 : memref<128x8xf32, #tpu.memory_space<vmem>>)
      %dma_wait3A_924 = arith.constant 15 : i32
      %dma_wait3A_925 = arith.constant 0 : i32
      %dma_wait3A_926 = arith.constant 0 : i32
      %dma_wait3A_927 = tpu.memref_slice %arg8[%sub3A_698, %dma_wait3A_924, %dma_wait3A_925, %dma_wait3A_926] : memref<2x16x128x8xf32, #tpu.memory_space<vmem>> -> memref<1x1x128x8xf32, #tpu.memory_space<vmem>>
      %dma_wait3A_928 = tpu.memref_squeeze %dma_wait3A_927 : memref<1x1x128x8xf32, #tpu.memory_space<vmem>> -> memref<128x8xf32, #tpu.memory_space<vmem>>
      %dma_wait3A_929 = arith.constant 0 : i32
      %dma_wait3A_930 = arith.constant 0 : i32
      %dma_wait3A_931 = tpu.memref_slice %arg4[%dma_wait3A_929, %dma_wait3A_930] : memref<100096x8xf32, #tpu.memory_space<hbm>> -> memref<128x8xf32, #tpu.memory_space<hbm>>
      %dma_wait3A_932 = arith.constant 0 : i32
      %dma_wait3A_933 = arith.constant 0 : i32
      %dma_wait3A_934 = tpu.memref_slice %arg8[%sub3A_698, %dma_wait3A_924, %dma_wait3A_932, %dma_wait3A_933] : memref<2x16x128x8xf32, #tpu.memory_space<vmem>> -> memref<1x1x128x8xf32, #tpu.memory_space<vmem>>
      %dma_wait3A_935 = tpu.memref_squeeze %dma_wait3A_934 : memref<1x1x128x8xf32, #tpu.memory_space<vmem>> -> memref<128x8xf32, #tpu.memory_space<vmem>>
      %dma_wait3A_936 = arith.constant 0 : i32
      %dma_wait3A_937 = arith.constant 0 : i32
      %dma_wait3A_938 = tpu.memref_slice %arg4[%dma_wait3A_936, %dma_wait3A_937] : memref<100096x8xf32, #tpu.memory_space<hbm>> -> memref<128x8xf32, #tpu.memory_space<hbm>>
      tpu.wait_dma2 semaphore(%arg12 : memref<!tpu.dma_semaphore, #tpu.memory_space<semaphore_mem>>) src(%dma_wait3A_938 : memref<128x8xf32, #tpu.memory_space<hbm>>) dst(%dma_wait3A_935 : memref<128x8xf32, #tpu.memory_space<vmem>>)
    } else {
    }
    %dma_wait3A = arith.constant 0 : i32
    %dma_wait3A_22 = arith.constant 0 : i32
    %dma_wait3A_23 = arith.constant 0 : i32
    %dma_wait3A_24 = tpu.memref_slice %arg8[%rem3A_19, %dma_wait3A, %dma_wait3A_22, %dma_wait3A_23] : memref<2x16x128x8xf32, #tpu.memory_space<vmem>> -> memref<1x1x128x8xf32, #tpu.memory_space<vmem>>
    %dma_wait3A_25 = tpu.memref_squeeze %dma_wait3A_24 : memref<1x1x128x8xf32, #tpu.memory_space<vmem>> -> memref<128x8xf32, #tpu.memory_space<vmem>>
    %dma_wait3A_26 = arith.constant 0 : i32
    %dma_wait3A_27 = arith.constant 0 : i32
    %dma_wait3A_28 = tpu.memref_slice %arg4[%dma_wait3A_26, %dma_wait3A_27] : memref<100096x8xf32, #tpu.memory_space<hbm>> -> memref<128x8xf32, #tpu.memory_space<hbm>>
    %dma_wait3A_29 = arith.constant 0 : i32
    %dma_wait3A_30 = arith.constant 0 : i32
    %dma_wait3A_31 = tpu.memref_slice %arg8[%rem3A_19, %dma_wait3A, %dma_wait3A_29, %dma_wait3A_30] : memref<2x16x128x8xf32, #tpu.memory_space<vmem>> -> memref<1x1x128x8xf32, #tpu.memory_space<vmem>>
    %dma_wait3A_32 = tpu.memref_squeeze %dma_wait3A_31 : memref<1x1x128x8xf32, #tpu.memory_space<vmem>> -> memref<128x8xf32, #tpu.memory_space<vmem>>
    %dma_wait3A_33 = arith.constant 0 : i32
    %dma_wait3A_34 = arith.constant 0 : i32
    %dma_wait3A_35 = tpu.memref_slice %arg4[%dma_wait3A_33, %dma_wait3A_34] : memref<100096x8xf32, #tpu.memory_space<hbm>> -> memref<128x8xf32, #tpu.memory_space<hbm>>
    tpu.wait_dma2 semaphore(%arg11 : memref<!tpu.dma_semaphore, #tpu.memory_space<semaphore_mem>>) src(%dma_wait3A_35 : memref<128x8xf32, #tpu.memory_space<hbm>>) dst(%dma_wait3A_32 : memref<128x8xf32, #tpu.memory_space<vmem>>)
    %dma_wait3A_36 = arith.constant 1 : i32
    %dma_wait3A_37 = arith.constant 0 : i32
    %dma_wait3A_38 = arith.constant 0 : i32
    %dma_wait3A_39 = tpu.memref_slice %arg8[%rem3A_19, %dma_wait3A_36, %dma_wait3A_37, %dma_wait3A_38] : memref<2x16x128x8xf32, #tpu.memory_space<vmem>> -> memref<1x1x128x8xf32, #tpu.memory_space<vmem>>
    %dma_wait3A_40 = tpu.memref_squeeze %dma_wait3A_39 : memref<1x1x128x8xf32, #tpu.memory_space<vmem>> -> memref<128x8xf32, #tpu.memory_space<vmem>>
    %dma_wait3A_41 = arith.constant 0 : i32
    %dma_wait3A_42 = arith.constant 0 : i32
    %dma_wait3A_43 = tpu.memref_slice %arg4[%dma_wait3A_41, %dma_wait3A_42] : memref<100096x8xf32, #tpu.memory_space<hbm>> -> memref<128x8xf32, #tpu.memory_space<hbm>>
    %dma_wait3A_44 = arith.constant 0 : i32
    %dma_wait3A_45 = arith.constant 0 : i32
    %dma_wait3A_46 = tpu.memref_slice %arg8[%rem3A_19, %dma_wait3A_36, %dma_wait3A_44, %dma_wait3A_45] : memref<2x16x128x8xf32, #tpu.memory_space<vmem>> -> memref<1x1x128x8xf32, #tpu.memory_space<vmem>>
    %dma_wait3A_47 = tpu.memref_squeeze %dma_wait3A_46 : memref<1x1x128x8xf32, #tpu.memory_space<vmem>> -> memref<128x8xf32, #tpu.memory_space<vmem>>
    %dma_wait3A_48 = arith.constant 0 : i32
    %dma_wait3A_49 = arith.constant 0 : i32
    %dma_wait3A_50 = tpu.memref_slice %arg4[%dma_wait3A_48, %dma_wait3A_49] : memref<100096x8xf32, #tpu.memory_space<hbm>> -> memref<128x8xf32, #tpu.memory_space<hbm>>
    tpu.wait_dma2 semaphore(%arg11 : memref<!tpu.dma_semaphore, #tpu.memory_space<semaphore_mem>>) src(%dma_wait3A_50 : memref<128x8xf32, #tpu.memory_space<hbm>>) dst(%dma_wait3A_47 : memref<128x8xf32, #tpu.memory_space<vmem>>)
    %dma_wait3A_51 = arith.constant 2 : i32
    %dma_wait3A_52 = arith.constant 0 : i32
    %dma_wait3A_53 = arith.constant 0 : i32
    %dma_wait3A_54 = tpu.memref_slice %arg8[%rem3A_19, %dma_wait3A_51, %dma_wait3A_52, %dma_wait3A_53] : memref<2x16x128x8xf32, #tpu.memory_space<vmem>> -> memref<1x1x128x8xf32, #tpu.memory_space<vmem>>
    %dma_wait3A_55 = tpu.memref_squeeze %dma_wait3A_54 : memref<1x1x128x8xf32, #tpu.memory_space<vmem>> -> memref<128x8xf32, #tpu.memory_space<vmem>>
    %dma_wait3A_56 = arith.constant 0 : i32
    %dma_wait3A_57 = arith.constant 0 : i32
    %dma_wait3A_58 = tpu.memref_slice %arg4[%dma_wait3A_56, %dma_wait3A_57] : memref<100096x8xf32, #tpu.memory_space<hbm>> -> memref<128x8xf32, #tpu.memory_space<hbm>>
    %dma_wait3A_59 = arith.constant 0 : i32
    %dma_wait3A_60 = arith.constant 0 : i32
    %dma_wait3A_61 = tpu.memref_slice %arg8[%rem3A_19, %dma_wait3A_51, %dma_wait3A_59, %dma_wait3A_60] : memref<2x16x128x8xf32, #tpu.memory_space<vmem>> -> memref<1x1x128x8xf32, #tpu.memory_space<vmem>>
    %dma_wait3A_62 = tpu.memref_squeeze %dma_wait3A_61 : memref<1x1x128x8xf32, #tpu.memory_space<vmem>> -> memref<128x8xf32, #tpu.memory_space<vmem>>
    %dma_wait3A_63 = arith.constant 0 : i32
    %dma_wait3A_64 = arith.constant 0 : i32
    %dma_wait3A_65 = tpu.memref_slice %arg4[%dma_wait3A_63, %dma_wait3A_64] : memref<100096x8xf32, #tpu.memory_space<hbm>> -> memref<128x8xf32, #tpu.memory_space<hbm>>
    tpu.wait_dma2 semaphore(%arg11 : memref<!tpu.dma_semaphore, #tpu.memory_space<semaphore_mem>>) src(%dma_wait3A_65 : memref<128x8xf32, #tpu.memory_space<hbm>>) dst(%dma_wait3A_62 : memref<128x8xf32, #tpu.memory_space<vmem>>)
    %dma_wait3A_66 = arith.constant 3 : i32
    %dma_wait3A_67 = arith.constant 0 : i32
    %dma_wait3A_68 = arith.constant 0 : i32
    %dma_wait3A_69 = tpu.memref_slice %arg8[%rem3A_19, %dma_wait3A_66, %dma_wait3A_67, %dma_wait3A_68] : memref<2x16x128x8xf32, #tpu.memory_space<vmem>> -> memref<1x1x128x8xf32, #tpu.memory_space<vmem>>
    %dma_wait3A_70 = tpu.memref_squeeze %dma_wait3A_69 : memref<1x1x128x8xf32, #tpu.memory_space<vmem>> -> memref<128x8xf32, #tpu.memory_space<vmem>>
    %dma_wait3A_71 = arith.constant 0 : i32
    %dma_wait3A_72 = arith.constant 0 : i32
    %dma_wait3A_73 = tpu.memref_slice %arg4[%dma_wait3A_71, %dma_wait3A_72] : memref<100096x8xf32, #tpu.memory_space<hbm>> -> memref<128x8xf32, #tpu.memory_space<hbm>>
    %dma_wait3A_74 = arith.constant 0 : i32
    %dma_wait3A_75 = arith.constant 0 : i32
    %dma_wait3A_76 = tpu.memref_slice %arg8[%rem3A_19, %dma_wait3A_66, %dma_wait3A_74, %dma_wait3A_75] : memref<2x16x128x8xf32, #tpu.memory_space<vmem>> -> memref<1x1x128x8xf32, #tpu.memory_space<vmem>>
    %dma_wait3A_77 = tpu.memref_squeeze %dma_wait3A_76 : memref<1x1x128x8xf32, #tpu.memory_space<vmem>> -> memref<128x8xf32, #tpu.memory_space<vmem>>
    %dma_wait3A_78 = arith.constant 0 : i32
    %dma_wait3A_79 = arith.constant 0 : i32
    %dma_wait3A_80 = tpu.memref_slice %arg4[%dma_wait3A_78, %dma_wait3A_79] : memref<100096x8xf32, #tpu.memory_space<hbm>> -> memref<128x8xf32, #tpu.memory_space<hbm>>
    tpu.wait_dma2 semaphore(%arg11 : memref<!tpu.dma_semaphore, #tpu.memory_space<semaphore_mem>>) src(%dma_wait3A_80 : memref<128x8xf32, #tpu.memory_space<hbm>>) dst(%dma_wait3A_77 : memref<128x8xf32, #tpu.memory_space<vmem>>)
    %dma_wait3A_81 = arith.constant 4 : i32
    %dma_wait3A_82 = arith.constant 0 : i32
    %dma_wait3A_83 = arith.constant 0 : i32
    %dma_wait3A_84 = tpu.memref_slice %arg8[%rem3A_19, %dma_wait3A_81, %dma_wait3A_82, %dma_wait3A_83] : memref<2x16x128x8xf32, #tpu.memory_space<vmem>> -> memref<1x1x128x8xf32, #tpu.memory_space<vmem>>
    %dma_wait3A_85 = tpu.memref_squeeze %dma_wait3A_84 : memref<1x1x128x8xf32, #tpu.memory_space<vmem>> -> memref<128x8xf32, #tpu.memory_space<vmem>>
    %dma_wait3A_86 = arith.constant 0 : i32
    %dma_wait3A_87 = arith.constant 0 : i32
    %dma_wait3A_88 = tpu.memref_slice %arg4[%dma_wait3A_86, %dma_wait3A_87] : memref<100096x8xf32, #tpu.memory_space<hbm>> -> memref<128x8xf32, #tpu.memory_space<hbm>>
    %dma_wait3A_89 = arith.constant 0 : i32
    %dma_wait3A_90 = arith.constant 0 : i32
    %dma_wait3A_91 = tpu.memref_slice %arg8[%rem3A_19, %dma_wait3A_81, %dma_wait3A_89, %dma_wait3A_90] : memref<2x16x128x8xf32, #tpu.memory_space<vmem>> -> memref<1x1x128x8xf32, #tpu.memory_space<vmem>>
    %dma_wait3A_92 = tpu.memref_squeeze %dma_wait3A_91 : memref<1x1x128x8xf32, #tpu.memory_space<vmem>> -> memref<128x8xf32, #tpu.memory_space<vmem>>
    %dma_wait3A_93 = arith.constant 0 : i32
    %dma_wait3A_94 = arith.constant 0 : i32
    %dma_wait3A_95 = tpu.memref_slice %arg4[%dma_wait3A_93, %dma_wait3A_94] : memref<100096x8xf32, #tpu.memory_space<hbm>> -> memref<128x8xf32, #tpu.memory_space<hbm>>
    tpu.wait_dma2 semaphore(%arg11 : memref<!tpu.dma_semaphore, #tpu.memory_space<semaphore_mem>>) src(%dma_wait3A_95 : memref<128x8xf32, #tpu.memory_space<hbm>>) dst(%dma_wait3A_92 : memref<128x8xf32, #tpu.memory_space<vmem>>)
    %dma_wait3A_96 = arith.constant 5 : i32
    %dma_wait3A_97 = arith.constant 0 : i32
    %dma_wait3A_98 = arith.constant 0 : i32
    %dma_wait3A_99 = tpu.memref_slice %arg8[%rem3A_19, %dma_wait3A_96, %dma_wait3A_97, %dma_wait3A_98] : memref<2x16x128x8xf32, #tpu.memory_space<vmem>> -> memref<1x1x128x8xf32, #tpu.memory_space<vmem>>
    %dma_wait3A_100 = tpu.memref_squeeze %dma_wait3A_99 : memref<1x1x128x8xf32, #tpu.memory_space<vmem>> -> memref<128x8xf32, #tpu.memory_space<vmem>>
    %dma_wait3A_101 = arith.constant 0 : i32
    %dma_wait3A_102 = arith.constant 0 : i32
    %dma_wait3A_103 = tpu.memref_slice %arg4[%dma_wait3A_101, %dma_wait3A_102] : memref<100096x8xf32, #tpu.memory_space<hbm>> -> memref<128x8xf32, #tpu.memory_space<hbm>>
    %dma_wait3A_104 = arith.constant 0 : i32
    %dma_wait3A_105 = arith.constant 0 : i32
    %dma_wait3A_106 = tpu.memref_slice %arg8[%rem3A_19, %dma_wait3A_96, %dma_wait3A_104, %dma_wait3A_105] : memref<2x16x128x8xf32, #tpu.memory_space<vmem>> -> memref<1x1x128x8xf32, #tpu.memory_space<vmem>>
    %dma_wait3A_107 = tpu.memref_squeeze %dma_wait3A_106 : memref<1x1x128x8xf32, #tpu.memory_space<vmem>> -> memref<128x8xf32, #tpu.memory_space<vmem>>
    %dma_wait3A_108 = arith.constant 0 : i32
    %dma_wait3A_109 = arith.constant 0 : i32
    %dma_wait3A_110 = tpu.memref_slice %arg4[%dma_wait3A_108, %dma_wait3A_109] : memref<100096x8xf32, #tpu.memory_space<hbm>> -> memref<128x8xf32, #tpu.memory_space<hbm>>
    tpu.wait_dma2 semaphore(%arg11 : memref<!tpu.dma_semaphore, #tpu.memory_space<semaphore_mem>>) src(%dma_wait3A_110 : memref<128x8xf32, #tpu.memory_space<hbm>>) dst(%dma_wait3A_107 : memref<128x8xf32, #tpu.memory_space<vmem>>)
    %dma_wait3A_111 = arith.constant 6 : i32
    %dma_wait3A_112 = arith.constant 0 : i32
    %dma_wait3A_113 = arith.constant 0 : i32
    %dma_wait3A_114 = tpu.memref_slice %arg8[%rem3A_19, %dma_wait3A_111, %dma_wait3A_112, %dma_wait3A_113] : memref<2x16x128x8xf32, #tpu.memory_space<vmem>> -> memref<1x1x128x8xf32, #tpu.memory_space<vmem>>
    %dma_wait3A_115 = tpu.memref_squeeze %dma_wait3A_114 : memref<1x1x128x8xf32, #tpu.memory_space<vmem>> -> memref<128x8xf32, #tpu.memory_space<vmem>>
    %dma_wait3A_116 = arith.constant 0 : i32
    %dma_wait3A_117 = arith.constant 0 : i32
    %dma_wait3A_118 = tpu.memref_slice %arg4[%dma_wait3A_116, %dma_wait3A_117] : memref<100096x8xf32, #tpu.memory_space<hbm>> -> memref<128x8xf32, #tpu.memory_space<hbm>>
    %dma_wait3A_119 = arith.constant 0 : i32
    %dma_wait3A_120 = arith.constant 0 : i32
    %dma_wait3A_121 = tpu.memref_slice %arg8[%rem3A_19, %dma_wait3A_111, %dma_wait3A_119, %dma_wait3A_120] : memref<2x16x128x8xf32, #tpu.memory_space<vmem>> -> memref<1x1x128x8xf32, #tpu.memory_space<vmem>>
    %dma_wait3A_122 = tpu.memref_squeeze %dma_wait3A_121 : memref<1x1x128x8xf32, #tpu.memory_space<vmem>> -> memref<128x8xf32, #tpu.memory_space<vmem>>
    %dma_wait3A_123 = arith.constant 0 : i32
    %dma_wait3A_124 = arith.constant 0 : i32
    %dma_wait3A_125 = tpu.memref_slice %arg4[%dma_wait3A_123, %dma_wait3A_124] : memref<100096x8xf32, #tpu.memory_space<hbm>> -> memref<128x8xf32, #tpu.memory_space<hbm>>
    tpu.wait_dma2 semaphore(%arg11 : memref<!tpu.dma_semaphore, #tpu.memory_space<semaphore_mem>>) src(%dma_wait3A_125 : memref<128x8xf32, #tpu.memory_space<hbm>>) dst(%dma_wait3A_122 : memref<128x8xf32, #tpu.memory_space<vmem>>)
    %dma_wait3A_126 = arith.constant 7 : i32
    %dma_wait3A_127 = arith.constant 0 : i32
    %dma_wait3A_128 = arith.constant 0 : i32
    %dma_wait3A_129 = tpu.memref_slice %arg8[%rem3A_19, %dma_wait3A_126, %dma_wait3A_127, %dma_wait3A_128] : memref<2x16x128x8xf32, #tpu.memory_space<vmem>> -> memref<1x1x128x8xf32, #tpu.memory_space<vmem>>
    %dma_wait3A_130 = tpu.memref_squeeze %dma_wait3A_129 : memref<1x1x128x8xf32, #tpu.memory_space<vmem>> -> memref<128x8xf32, #tpu.memory_space<vmem>>
    %dma_wait3A_131 = arith.constant 0 : i32
    %dma_wait3A_132 = arith.constant 0 : i32
    %dma_wait3A_133 = tpu.memref_slice %arg4[%dma_wait3A_131, %dma_wait3A_132] : memref<100096x8xf32, #tpu.memory_space<hbm>> -> memref<128x8xf32, #tpu.memory_space<hbm>>
    %dma_wait3A_134 = arith.constant 0 : i32
    %dma_wait3A_135 = arith.constant 0 : i32
    %dma_wait3A_136 = tpu.memref_slice %arg8[%rem3A_19, %dma_wait3A_126, %dma_wait3A_134, %dma_wait3A_135] : memref<2x16x128x8xf32, #tpu.memory_space<vmem>> -> memref<1x1x128x8xf32, #tpu.memory_space<vmem>>
    %dma_wait3A_137 = tpu.memref_squeeze %dma_wait3A_136 : memref<1x1x128x8xf32, #tpu.memory_space<vmem>> -> memref<128x8xf32, #tpu.memory_space<vmem>>
    %dma_wait3A_138 = arith.constant 0 : i32
    %dma_wait3A_139 = arith.constant 0 : i32
    %dma_wait3A_140 = tpu.memref_slice %arg4[%dma_wait3A_138, %dma_wait3A_139] : memref<100096x8xf32, #tpu.memory_space<hbm>> -> memref<128x8xf32, #tpu.memory_space<hbm>>
    tpu.wait_dma2 semaphore(%arg11 : memref<!tpu.dma_semaphore, #tpu.memory_space<semaphore_mem>>) src(%dma_wait3A_140 : memref<128x8xf32, #tpu.memory_space<hbm>>) dst(%dma_wait3A_137 : memref<128x8xf32, #tpu.memory_space<vmem>>)
    %dma_wait3A_141 = arith.constant 8 : i32
    %dma_wait3A_142 = arith.constant 0 : i32
    %dma_wait3A_143 = arith.constant 0 : i32
    %dma_wait3A_144 = tpu.memref_slice %arg8[%rem3A_19, %dma_wait3A_141, %dma_wait3A_142, %dma_wait3A_143] : memref<2x16x128x8xf32, #tpu.memory_space<vmem>> -> memref<1x1x128x8xf32, #tpu.memory_space<vmem>>
    %dma_wait3A_145 = tpu.memref_squeeze %dma_wait3A_144 : memref<1x1x128x8xf32, #tpu.memory_space<vmem>> -> memref<128x8xf32, #tpu.memory_space<vmem>>
    %dma_wait3A_146 = arith.constant 0 : i32
    %dma_wait3A_147 = arith.constant 0 : i32
    %dma_wait3A_148 = tpu.memref_slice %arg4[%dma_wait3A_146, %dma_wait3A_147] : memref<100096x8xf32, #tpu.memory_space<hbm>> -> memref<128x8xf32, #tpu.memory_space<hbm>>
    %dma_wait3A_149 = arith.constant 0 : i32
    %dma_wait3A_150 = arith.constant 0 : i32
    %dma_wait3A_151 = tpu.memref_slice %arg8[%rem3A_19, %dma_wait3A_141, %dma_wait3A_149, %dma_wait3A_150] : memref<2x16x128x8xf32, #tpu.memory_space<vmem>> -> memref<1x1x128x8xf32, #tpu.memory_space<vmem>>
    %dma_wait3A_152 = tpu.memref_squeeze %dma_wait3A_151 : memref<1x1x128x8xf32, #tpu.memory_space<vmem>> -> memref<128x8xf32, #tpu.memory_space<vmem>>
    %dma_wait3A_153 = arith.constant 0 : i32
    %dma_wait3A_154 = arith.constant 0 : i32
    %dma_wait3A_155 = tpu.memref_slice %arg4[%dma_wait3A_153, %dma_wait3A_154] : memref<100096x8xf32, #tpu.memory_space<hbm>> -> memref<128x8xf32, #tpu.memory_space<hbm>>
    tpu.wait_dma2 semaphore(%arg11 : memref<!tpu.dma_semaphore, #tpu.memory_space<semaphore_mem>>) src(%dma_wait3A_155 : memref<128x8xf32, #tpu.memory_space<hbm>>) dst(%dma_wait3A_152 : memref<128x8xf32, #tpu.memory_space<vmem>>)
    %dma_wait3A_156 = arith.constant 9 : i32
    %dma_wait3A_157 = arith.constant 0 : i32
    %dma_wait3A_158 = arith.constant 0 : i32
    %dma_wait3A_159 = tpu.memref_slice %arg8[%rem3A_19, %dma_wait3A_156, %dma_wait3A_157, %dma_wait3A_158] : memref<2x16x128x8xf32, #tpu.memory_space<vmem>> -> memref<1x1x128x8xf32, #tpu.memory_space<vmem>>
    %dma_wait3A_160 = tpu.memref_squeeze %dma_wait3A_159 : memref<1x1x128x8xf32, #tpu.memory_space<vmem>> -> memref<128x8xf32, #tpu.memory_space<vmem>>
    %dma_wait3A_161 = arith.constant 0 : i32
    %dma_wait3A_162 = arith.constant 0 : i32
    %dma_wait3A_163 = tpu.memref_slice %arg4[%dma_wait3A_161, %dma_wait3A_162] : memref<100096x8xf32, #tpu.memory_space<hbm>> -> memref<128x8xf32, #tpu.memory_space<hbm>>
    %dma_wait3A_164 = arith.constant 0 : i32
    %dma_wait3A_165 = arith.constant 0 : i32
    %dma_wait3A_166 = tpu.memref_slice %arg8[%rem3A_19, %dma_wait3A_156, %dma_wait3A_164, %dma_wait3A_165] : memref<2x16x128x8xf32, #tpu.memory_space<vmem>> -> memref<1x1x128x8xf32, #tpu.memory_space<vmem>>
    %dma_wait3A_167 = tpu.memref_squeeze %dma_wait3A_166 : memref<1x1x128x8xf32, #tpu.memory_space<vmem>> -> memref<128x8xf32, #tpu.memory_space<vmem>>
    %dma_wait3A_168 = arith.constant 0 : i32
    %dma_wait3A_169 = arith.constant 0 : i32
    %dma_wait3A_170 = tpu.memref_slice %arg4[%dma_wait3A_168, %dma_wait3A_169] : memref<100096x8xf32, #tpu.memory_space<hbm>> -> memref<128x8xf32, #tpu.memory_space<hbm>>
    tpu.wait_dma2 semaphore(%arg11 : memref<!tpu.dma_semaphore, #tpu.memory_space<semaphore_mem>>) src(%dma_wait3A_170 : memref<128x8xf32, #tpu.memory_space<hbm>>) dst(%dma_wait3A_167 : memref<128x8xf32, #tpu.memory_space<vmem>>)
    %dma_wait3A_171 = arith.constant 10 : i32
    %dma_wait3A_172 = arith.constant 0 : i32
    %dma_wait3A_173 = arith.constant 0 : i32
    %dma_wait3A_174 = tpu.memref_slice %arg8[%rem3A_19, %dma_wait3A_171, %dma_wait3A_172, %dma_wait3A_173] : memref<2x16x128x8xf32, #tpu.memory_space<vmem>> -> memref<1x1x128x8xf32, #tpu.memory_space<vmem>>
    %dma_wait3A_175 = tpu.memref_squeeze %dma_wait3A_174 : memref<1x1x128x8xf32, #tpu.memory_space<vmem>> -> memref<128x8xf32, #tpu.memory_space<vmem>>
    %dma_wait3A_176 = arith.constant 0 : i32
    %dma_wait3A_177 = arith.constant 0 : i32
    %dma_wait3A_178 = tpu.memref_slice %arg4[%dma_wait3A_176, %dma_wait3A_177] : memref<100096x8xf32, #tpu.memory_space<hbm>> -> memref<128x8xf32, #tpu.memory_space<hbm>>
    %dma_wait3A_179 = arith.constant 0 : i32
    %dma_wait3A_180 = arith.constant 0 : i32
    %dma_wait3A_181 = tpu.memref_slice %arg8[%rem3A_19, %dma_wait3A_171, %dma_wait3A_179, %dma_wait3A_180] : memref<2x16x128x8xf32, #tpu.memory_space<vmem>> -> memref<1x1x128x8xf32, #tpu.memory_space<vmem>>
    %dma_wait3A_182 = tpu.memref_squeeze %dma_wait3A_181 : memref<1x1x128x8xf32, #tpu.memory_space<vmem>> -> memref<128x8xf32, #tpu.memory_space<vmem>>
    %dma_wait3A_183 = arith.constant 0 : i32
    %dma_wait3A_184 = arith.constant 0 : i32
    %dma_wait3A_185 = tpu.memref_slice %arg4[%dma_wait3A_183, %dma_wait3A_184] : memref<100096x8xf32, #tpu.memory_space<hbm>> -> memref<128x8xf32, #tpu.memory_space<hbm>>
    tpu.wait_dma2 semaphore(%arg11 : memref<!tpu.dma_semaphore, #tpu.memory_space<semaphore_mem>>) src(%dma_wait3A_185 : memref<128x8xf32, #tpu.memory_space<hbm>>) dst(%dma_wait3A_182 : memref<128x8xf32, #tpu.memory_space<vmem>>)
    %dma_wait3A_186 = arith.constant 11 : i32
    %dma_wait3A_187 = arith.constant 0 : i32
    %dma_wait3A_188 = arith.constant 0 : i32
    %dma_wait3A_189 = tpu.memref_slice %arg8[%rem3A_19, %dma_wait3A_186, %dma_wait3A_187, %dma_wait3A_188] : memref<2x16x128x8xf32, #tpu.memory_space<vmem>> -> memref<1x1x128x8xf32, #tpu.memory_space<vmem>>
    %dma_wait3A_190 = tpu.memref_squeeze %dma_wait3A_189 : memref<1x1x128x8xf32, #tpu.memory_space<vmem>> -> memref<128x8xf32, #tpu.memory_space<vmem>>
    %dma_wait3A_191 = arith.constant 0 : i32
    %dma_wait3A_192 = arith.constant 0 : i32
    %dma_wait3A_193 = tpu.memref_slice %arg4[%dma_wait3A_191, %dma_wait3A_192] : memref<100096x8xf32, #tpu.memory_space<hbm>> -> memref<128x8xf32, #tpu.memory_space<hbm>>
    %dma_wait3A_194 = arith.constant 0 : i32
    %dma_wait3A_195 = arith.constant 0 : i32
    %dma_wait3A_196 = tpu.memref_slice %arg8[%rem3A_19, %dma_wait3A_186, %dma_wait3A_194, %dma_wait3A_195] : memref<2x16x128x8xf32, #tpu.memory_space<vmem>> -> memref<1x1x128x8xf32, #tpu.memory_space<vmem>>
    %dma_wait3A_197 = tpu.memref_squeeze %dma_wait3A_196 : memref<1x1x128x8xf32, #tpu.memory_space<vmem>> -> memref<128x8xf32, #tpu.memory_space<vmem>>
    %dma_wait3A_198 = arith.constant 0 : i32
    %dma_wait3A_199 = arith.constant 0 : i32
    %dma_wait3A_200 = tpu.memref_slice %arg4[%dma_wait3A_198, %dma_wait3A_199] : memref<100096x8xf32, #tpu.memory_space<hbm>> -> memref<128x8xf32, #tpu.memory_space<hbm>>
    tpu.wait_dma2 semaphore(%arg11 : memref<!tpu.dma_semaphore, #tpu.memory_space<semaphore_mem>>) src(%dma_wait3A_200 : memref<128x8xf32, #tpu.memory_space<hbm>>) dst(%dma_wait3A_197 : memref<128x8xf32, #tpu.memory_space<vmem>>)
    %dma_wait3A_201 = arith.constant 12 : i32
    %dma_wait3A_202 = arith.constant 0 : i32
    %dma_wait3A_203 = arith.constant 0 : i32
    %dma_wait3A_204 = tpu.memref_slice %arg8[%rem3A_19, %dma_wait3A_201, %dma_wait3A_202, %dma_wait3A_203] : memref<2x16x128x8xf32, #tpu.memory_space<vmem>> -> memref<1x1x128x8xf32, #tpu.memory_space<vmem>>
    %dma_wait3A_205 = tpu.memref_squeeze %dma_wait3A_204 : memref<1x1x128x8xf32, #tpu.memory_space<vmem>> -> memref<128x8xf32, #tpu.memory_space<vmem>>
    %dma_wait3A_206 = arith.constant 0 : i32
    %dma_wait3A_207 = arith.constant 0 : i32
    %dma_wait3A_208 = tpu.memref_slice %arg4[%dma_wait3A_206, %dma_wait3A_207] : memref<100096x8xf32, #tpu.memory_space<hbm>> -> memref<128x8xf32, #tpu.memory_space<hbm>>
    %dma_wait3A_209 = arith.constant 0 : i32
    %dma_wait3A_210 = arith.constant 0 : i32
    %dma_wait3A_211 = tpu.memref_slice %arg8[%rem3A_19, %dma_wait3A_201, %dma_wait3A_209, %dma_wait3A_210] : memref<2x16x128x8xf32, #tpu.memory_space<vmem>> -> memref<1x1x128x8xf32, #tpu.memory_space<vmem>>
    %dma_wait3A_212 = tpu.memref_squeeze %dma_wait3A_211 : memref<1x1x128x8xf32, #tpu.memory_space<vmem>> -> memref<128x8xf32, #tpu.memory_space<vmem>>
    %dma_wait3A_213 = arith.constant 0 : i32
    %dma_wait3A_214 = arith.constant 0 : i32
    %dma_wait3A_215 = tpu.memref_slice %arg4[%dma_wait3A_213, %dma_wait3A_214] : memref<100096x8xf32, #tpu.memory_space<hbm>> -> memref<128x8xf32, #tpu.memory_space<hbm>>
    tpu.wait_dma2 semaphore(%arg11 : memref<!tpu.dma_semaphore, #tpu.memory_space<semaphore_mem>>) src(%dma_wait3A_215 : memref<128x8xf32, #tpu.memory_space<hbm>>) dst(%dma_wait3A_212 : memref<128x8xf32, #tpu.memory_space<vmem>>)
    %dma_wait3A_216 = arith.constant 13 : i32
    %dma_wait3A_217 = arith.constant 0 : i32
    %dma_wait3A_218 = arith.constant 0 : i32
    %dma_wait3A_219 = tpu.memref_slice %arg8[%rem3A_19, %dma_wait3A_216, %dma_wait3A_217, %dma_wait3A_218] : memref<2x16x128x8xf32, #tpu.memory_space<vmem>> -> memref<1x1x128x8xf32, #tpu.memory_space<vmem>>
    %dma_wait3A_220 = tpu.memref_squeeze %dma_wait3A_219 : memref<1x1x128x8xf32, #tpu.memory_space<vmem>> -> memref<128x8xf32, #tpu.memory_space<vmem>>
    %dma_wait3A_221 = arith.constant 0 : i32
    %dma_wait3A_222 = arith.constant 0 : i32
    %dma_wait3A_223 = tpu.memref_slice %arg4[%dma_wait3A_221, %dma_wait3A_222] : memref<100096x8xf32, #tpu.memory_space<hbm>> -> memref<128x8xf32, #tpu.memory_space<hbm>>
    %dma_wait3A_224 = arith.constant 0 : i32
    %dma_wait3A_225 = arith.constant 0 : i32
    %dma_wait3A_226 = tpu.memref_slice %arg8[%rem3A_19, %dma_wait3A_216, %dma_wait3A_224, %dma_wait3A_225] : memref<2x16x128x8xf32, #tpu.memory_space<vmem>> -> memref<1x1x128x8xf32, #tpu.memory_space<vmem>>
    %dma_wait3A_227 = tpu.memref_squeeze %dma_wait3A_226 : memref<1x1x128x8xf32, #tpu.memory_space<vmem>> -> memref<128x8xf32, #tpu.memory_space<vmem>>
    %dma_wait3A_228 = arith.constant 0 : i32
    %dma_wait3A_229 = arith.constant 0 : i32
    %dma_wait3A_230 = tpu.memref_slice %arg4[%dma_wait3A_228, %dma_wait3A_229] : memref<100096x8xf32, #tpu.memory_space<hbm>> -> memref<128x8xf32, #tpu.memory_space<hbm>>
    tpu.wait_dma2 semaphore(%arg11 : memref<!tpu.dma_semaphore, #tpu.memory_space<semaphore_mem>>) src(%dma_wait3A_230 : memref<128x8xf32, #tpu.memory_space<hbm>>) dst(%dma_wait3A_227 : memref<128x8xf32, #tpu.memory_space<vmem>>)
    %dma_wait3A_231 = arith.constant 14 : i32
    %dma_wait3A_232 = arith.constant 0 : i32
    %dma_wait3A_233 = arith.constant 0 : i32
    %dma_wait3A_234 = tpu.memref_slice %arg8[%rem3A_19, %dma_wait3A_231, %dma_wait3A_232, %dma_wait3A_233] : memref<2x16x128x8xf32, #tpu.memory_space<vmem>> -> memref<1x1x128x8xf32, #tpu.memory_space<vmem>>
    %dma_wait3A_235 = tpu.memref_squeeze %dma_wait3A_234 : memref<1x1x128x8xf32, #tpu.memory_space<vmem>> -> memref<128x8xf32, #tpu.memory_space<vmem>>
    %dma_wait3A_236 = arith.constant 0 : i32
    %dma_wait3A_237 = arith.constant 0 : i32
    %dma_wait3A_238 = tpu.memref_slice %arg4[%dma_wait3A_236, %dma_wait3A_237] : memref<100096x8xf32, #tpu.memory_space<hbm>> -> memref<128x8xf32, #tpu.memory_space<hbm>>
    %dma_wait3A_239 = arith.constant 0 : i32
    %dma_wait3A_240 = arith.constant 0 : i32
    %dma_wait3A_241 = tpu.memref_slice %arg8[%rem3A_19, %dma_wait3A_231, %dma_wait3A_239, %dma_wait3A_240] : memref<2x16x128x8xf32, #tpu.memory_space<vmem>> -> memref<1x1x128x8xf32, #tpu.memory_space<vmem>>
    %dma_wait3A_242 = tpu.memref_squeeze %dma_wait3A_241 : memref<1x1x128x8xf32, #tpu.memory_space<vmem>> -> memref<128x8xf32, #tpu.memory_space<vmem>>
    %dma_wait3A_243 = arith.constant 0 : i32
    %dma_wait3A_244 = arith.constant 0 : i32
    %dma_wait3A_245 = tpu.memref_slice %arg4[%dma_wait3A_243, %dma_wait3A_244] : memref<100096x8xf32, #tpu.memory_space<hbm>> -> memref<128x8xf32, #tpu.memory_space<hbm>>
    tpu.wait_dma2 semaphore(%arg11 : memref<!tpu.dma_semaphore, #tpu.memory_space<semaphore_mem>>) src(%dma_wait3A_245 : memref<128x8xf32, #tpu.memory_space<hbm>>) dst(%dma_wait3A_242 : memref<128x8xf32, #tpu.memory_space<vmem>>)
    %dma_wait3A_246 = arith.constant 15 : i32
    %dma_wait3A_247 = arith.constant 0 : i32
    %dma_wait3A_248 = arith.constant 0 : i32
    %dma_wait3A_249 = tpu.memref_slice %arg8[%rem3A_19, %dma_wait3A_246, %dma_wait3A_247, %dma_wait3A_248] : memref<2x16x128x8xf32, #tpu.memory_space<vmem>> -> memref<1x1x128x8xf32, #tpu.memory_space<vmem>>
    %dma_wait3A_250 = tpu.memref_squeeze %dma_wait3A_249 : memref<1x1x128x8xf32, #tpu.memory_space<vmem>> -> memref<128x8xf32, #tpu.memory_space<vmem>>
    %dma_wait3A_251 = arith.constant 0 : i32
    %dma_wait3A_252 = arith.constant 0 : i32
    %dma_wait3A_253 = tpu.memref_slice %arg4[%dma_wait3A_251, %dma_wait3A_252] : memref<100096x8xf32, #tpu.memory_space<hbm>> -> memref<128x8xf32, #tpu.memory_space<hbm>>
    %dma_wait3A_254 = arith.constant 0 : i32
    %dma_wait3A_255 = arith.constant 0 : i32
    %dma_wait3A_256 = tpu.memref_slice %arg8[%rem3A_19, %dma_wait3A_246, %dma_wait3A_254, %dma_wait3A_255] : memref<2x16x128x8xf32, #tpu.memory_space<vmem>> -> memref<1x1x128x8xf32, #tpu.memory_space<vmem>>
    %dma_wait3A_257 = tpu.memref_squeeze %dma_wait3A_256 : memref<1x1x128x8xf32, #tpu.memory_space<vmem>> -> memref<128x8xf32, #tpu.memory_space<vmem>>
    %dma_wait3A_258 = arith.constant 0 : i32
    %dma_wait3A_259 = arith.constant 0 : i32
    %dma_wait3A_260 = tpu.memref_slice %arg4[%dma_wait3A_258, %dma_wait3A_259] : memref<100096x8xf32, #tpu.memory_space<hbm>> -> memref<128x8xf32, #tpu.memory_space<hbm>>
    tpu.wait_dma2 semaphore(%arg11 : memref<!tpu.dma_semaphore, #tpu.memory_space<semaphore_mem>>) src(%dma_wait3A_260 : memref<128x8xf32, #tpu.memory_space<hbm>>) dst(%dma_wait3A_257 : memref<128x8xf32, #tpu.memory_space<vmem>>)
    %dma_start3A = arith.constant 0 : i32
    %dma_start3A_261 = arith.constant 0 : i32
    %dma_start3A_262 = arith.constant 0 : i32
    %dma_start3A_263 = arith.constant 0 : i32
    %dma_start3A_264 = tpu.memref_slice %arg8[%rem3A_19, %dma_start3A, %dma_start3A_262, %dma_start3A_263] : memref<2x16x128x8xf32, #tpu.memory_space<vmem>> -> memref<1x1x128x8xf32, #tpu.memory_space<vmem>>
    %dma_start3A_265 = tpu.memref_squeeze %dma_start3A_264 : memref<1x1x128x8xf32, #tpu.memory_space<vmem>> -> memref<128x8xf32, #tpu.memory_space<vmem>>
    %dma_start3A_266 = arith.constant 0 : i32
    %dma_start3A_267 = tpu.memref_slice %arg7[%rem3A_19, %dma_start3A_261, %dma_start3A_266] : memref<2x16x128xi32, #tpu.memory_space<vmem>> -> memref<1x1x128xi32, #tpu.memory_space<vmem>>
    %dma_start3A_268 = tpu.memref_squeeze %dma_start3A_267 : memref<1x1x128xi32, #tpu.memory_space<vmem>> -> memref<128xi32, #tpu.memory_space<vmem>>
    %dma_start3A_269 = arith.constant 0 : i32
    %dma_start3A_270 = arith.constant 0 : i32
    %dma_start3A_271 = tpu.memref_slice %arg9[%dma_start3A_269, %dma_start3A_270] : memref<100096x8xf32, #tpu.memory_space<vmem_shared>> -> memref<100096x8xf32, #tpu.memory_space<vmem_shared>>
    tpu.enqueue_indirect_dma source(%dma_start3A_265 : memref<128x8xf32, #tpu.memory_space<vmem>>) target(%dma_start3A_271 : memref<100096x8xf32, #tpu.memory_space<vmem_shared>>) offsets(%dma_start3A_268 : memref<128xi32, #tpu.memory_space<vmem>>) semaphore(%arg12 : memref<!tpu.dma_semaphore, #tpu.memory_space<semaphore_mem>>) {add = true}
    %dma_start3A_272 = arith.constant 1 : i32
    %dma_start3A_273 = arith.constant 1 : i32
    %dma_start3A_274 = arith.constant 0 : i32
    %dma_start3A_275 = arith.constant 0 : i32
    %dma_start3A_276 = tpu.memref_slice %arg8[%rem3A_19, %dma_start3A_272, %dma_start3A_274, %dma_start3A_275] : memref<2x16x128x8xf32, #tpu.memory_space<vmem>> -> memref<1x1x128x8xf32, #tpu.memory_space<vmem>>
    %dma_start3A_277 = tpu.memref_squeeze %dma_start3A_276 : memref<1x1x128x8xf32, #tpu.memory_space<vmem>> -> memref<128x8xf32, #tpu.memory_space<vmem>>
    %dma_start3A_278 = arith.constant 0 : i32
    %dma_start3A_279 = tpu.memref_slice %arg7[%rem3A_19, %dma_start3A_273, %dma_start3A_278] : memref<2x16x128xi32, #tpu.memory_space<vmem>> -> memref<1x1x128xi32, #tpu.memory_space<vmem>>
    %dma_start3A_280 = tpu.memref_squeeze %dma_start3A_279 : memref<1x1x128xi32, #tpu.memory_space<vmem>> -> memref<128xi32, #tpu.memory_space<vmem>>
    %dma_start3A_281 = arith.constant 0 : i32
    %dma_start3A_282 = arith.constant 0 : i32
    %dma_start3A_283 = tpu.memref_slice %arg9[%dma_start3A_281, %dma_start3A_282] : memref<100096x8xf32, #tpu.memory_space<vmem_shared>> -> memref<100096x8xf32, #tpu.memory_space<vmem_shared>>
    tpu.enqueue_indirect_dma source(%dma_start3A_277 : memref<128x8xf32, #tpu.memory_space<vmem>>) target(%dma_start3A_283 : memref<100096x8xf32, #tpu.memory_space<vmem_shared>>) offsets(%dma_start3A_280 : memref<128xi32, #tpu.memory_space<vmem>>) semaphore(%arg12 : memref<!tpu.dma_semaphore, #tpu.memory_space<semaphore_mem>>) {add = true}
    %dma_start3A_284 = arith.constant 2 : i32
    %dma_start3A_285 = arith.constant 2 : i32
    %dma_start3A_286 = arith.constant 0 : i32
    %dma_start3A_287 = arith.constant 0 : i32
    %dma_start3A_288 = tpu.memref_slice %arg8[%rem3A_19, %dma_start3A_284, %dma_start3A_286, %dma_start3A_287] : memref<2x16x128x8xf32, #tpu.memory_space<vmem>> -> memref<1x1x128x8xf32, #tpu.memory_space<vmem>>
    %dma_start3A_289 = tpu.memref_squeeze %dma_start3A_288 : memref<1x1x128x8xf32, #tpu.memory_space<vmem>> -> memref<128x8xf32, #tpu.memory_space<vmem>>
    %dma_start3A_290 = arith.constant 0 : i32
    %dma_start3A_291 = tpu.memref_slice %arg7[%rem3A_19, %dma_start3A_285, %dma_start3A_290] : memref<2x16x128xi32, #tpu.memory_space<vmem>> -> memref<1x1x128xi32, #tpu.memory_space<vmem>>
    %dma_start3A_292 = tpu.memref_squeeze %dma_start3A_291 : memref<1x1x128xi32, #tpu.memory_space<vmem>> -> memref<128xi32, #tpu.memory_space<vmem>>
    %dma_start3A_293 = arith.constant 0 : i32
    %dma_start3A_294 = arith.constant 0 : i32
    %dma_start3A_295 = tpu.memref_slice %arg9[%dma_start3A_293, %dma_start3A_294] : memref<100096x8xf32, #tpu.memory_space<vmem_shared>> -> memref<100096x8xf32, #tpu.memory_space<vmem_shared>>
    tpu.enqueue_indirect_dma source(%dma_start3A_289 : memref<128x8xf32, #tpu.memory_space<vmem>>) target(%dma_start3A_295 : memref<100096x8xf32, #tpu.memory_space<vmem_shared>>) offsets(%dma_start3A_292 : memref<128xi32, #tpu.memory_space<vmem>>) semaphore(%arg12 : memref<!tpu.dma_semaphore, #tpu.memory_space<semaphore_mem>>) {add = true}
    %dma_start3A_296 = arith.constant 3 : i32
    %dma_start3A_297 = arith.constant 3 : i32
    %dma_start3A_298 = arith.constant 0 : i32
    %dma_start3A_299 = arith.constant 0 : i32
    %dma_start3A_300 = tpu.memref_slice %arg8[%rem3A_19, %dma_start3A_296, %dma_start3A_298, %dma_start3A_299] : memref<2x16x128x8xf32, #tpu.memory_space<vmem>> -> memref<1x1x128x8xf32, #tpu.memory_space<vmem>>
    %dma_start3A_301 = tpu.memref_squeeze %dma_start3A_300 : memref<1x1x128x8xf32, #tpu.memory_space<vmem>> -> memref<128x8xf32, #tpu.memory_space<vmem>>
    %dma_start3A_302 = arith.constant 0 : i32
    %dma_start3A_303 = tpu.memref_slice %arg7[%rem3A_19, %dma_start3A_297, %dma_start3A_302] : memref<2x16x128xi32, #tpu.memory_space<vmem>> -> memref<1x1x128xi32, #tpu.memory_space<vmem>>
    %dma_start3A_304 = tpu.memref_squeeze %dma_start3A_303 : memref<1x1x128xi32, #tpu.memory_space<vmem>> -> memref<128xi32, #tpu.memory_space<vmem>>
    %dma_start3A_305 = arith.constant 0 : i32
    %dma_start3A_306 = arith.constant 0 : i32
    %dma_start3A_307 = tpu.memref_slice %arg9[%dma_start3A_305, %dma_start3A_306] : memref<100096x8xf32, #tpu.memory_space<vmem_shared>> -> memref<100096x8xf32, #tpu.memory_space<vmem_shared>>
    tpu.enqueue_indirect_dma source(%dma_start3A_301 : memref<128x8xf32, #tpu.memory_space<vmem>>) target(%dma_start3A_307 : memref<100096x8xf32, #tpu.memory_space<vmem_shared>>) offsets(%dma_start3A_304 : memref<128xi32, #tpu.memory_space<vmem>>) semaphore(%arg12 : memref<!tpu.dma_semaphore, #tpu.memory_space<semaphore_mem>>) {add = true}
    %dma_start3A_308 = arith.constant 4 : i32
    %dma_start3A_309 = arith.constant 4 : i32
    %dma_start3A_310 = arith.constant 0 : i32
    %dma_start3A_311 = arith.constant 0 : i32
    %dma_start3A_312 = tpu.memref_slice %arg8[%rem3A_19, %dma_start3A_308, %dma_start3A_310, %dma_start3A_311] : memref<2x16x128x8xf32, #tpu.memory_space<vmem>> -> memref<1x1x128x8xf32, #tpu.memory_space<vmem>>
    %dma_start3A_313 = tpu.memref_squeeze %dma_start3A_312 : memref<1x1x128x8xf32, #tpu.memory_space<vmem>> -> memref<128x8xf32, #tpu.memory_space<vmem>>
    %dma_start3A_314 = arith.constant 0 : i32
    %dma_start3A_315 = tpu.memref_slice %arg7[%rem3A_19, %dma_start3A_309, %dma_start3A_314] : memref<2x16x128xi32, #tpu.memory_space<vmem>> -> memref<1x1x128xi32, #tpu.memory_space<vmem>>
    %dma_start3A_316 = tpu.memref_squeeze %dma_start3A_315 : memref<1x1x128xi32, #tpu.memory_space<vmem>> -> memref<128xi32, #tpu.memory_space<vmem>>
    %dma_start3A_317 = arith.constant 0 : i32
    %dma_start3A_318 = arith.constant 0 : i32
    %dma_start3A_319 = tpu.memref_slice %arg9[%dma_start3A_317, %dma_start3A_318] : memref<100096x8xf32, #tpu.memory_space<vmem_shared>> -> memref<100096x8xf32, #tpu.memory_space<vmem_shared>>
    tpu.enqueue_indirect_dma source(%dma_start3A_313 : memref<128x8xf32, #tpu.memory_space<vmem>>) target(%dma_start3A_319 : memref<100096x8xf32, #tpu.memory_space<vmem_shared>>) offsets(%dma_start3A_316 : memref<128xi32, #tpu.memory_space<vmem>>) semaphore(%arg12 : memref<!tpu.dma_semaphore, #tpu.memory_space<semaphore_mem>>) {add = true}
    %dma_start3A_320 = arith.constant 5 : i32
    %dma_start3A_321 = arith.constant 5 : i32
    %dma_start3A_322 = arith.constant 0 : i32
    %dma_start3A_323 = arith.constant 0 : i32
    %dma_start3A_324 = tpu.memref_slice %arg8[%rem3A_19, %dma_start3A_320, %dma_start3A_322, %dma_start3A_323] : memref<2x16x128x8xf32, #tpu.memory_space<vmem>> -> memref<1x1x128x8xf32, #tpu.memory_space<vmem>>
    %dma_start3A_325 = tpu.memref_squeeze %dma_start3A_324 : memref<1x1x128x8xf32, #tpu.memory_space<vmem>> -> memref<128x8xf32, #tpu.memory_space<vmem>>
    %dma_start3A_326 = arith.constant 0 : i32
    %dma_start3A_327 = tpu.memref_slice %arg7[%rem3A_19, %dma_start3A_321, %dma_start3A_326] : memref<2x16x128xi32, #tpu.memory_space<vmem>> -> memref<1x1x128xi32, #tpu.memory_space<vmem>>
    %dma_start3A_328 = tpu.memref_squeeze %dma_start3A_327 : memref<1x1x128xi32, #tpu.memory_space<vmem>> -> memref<128xi32, #tpu.memory_space<vmem>>
    %dma_start3A_329 = arith.constant 0 : i32
    %dma_start3A_330 = arith.constant 0 : i32
    %dma_start3A_331 = tpu.memref_slice %arg9[%dma_start3A_329, %dma_start3A_330] : memref<100096x8xf32, #tpu.memory_space<vmem_shared>> -> memref<100096x8xf32, #tpu.memory_space<vmem_shared>>
    tpu.enqueue_indirect_dma source(%dma_start3A_325 : memref<128x8xf32, #tpu.memory_space<vmem>>) target(%dma_start3A_331 : memref<100096x8xf32, #tpu.memory_space<vmem_shared>>) offsets(%dma_start3A_328 : memref<128xi32, #tpu.memory_space<vmem>>) semaphore(%arg12 : memref<!tpu.dma_semaphore, #tpu.memory_space<semaphore_mem>>) {add = true}
    %dma_start3A_332 = arith.constant 6 : i32
    %dma_start3A_333 = arith.constant 6 : i32
    %dma_start3A_334 = arith.constant 0 : i32
    %dma_start3A_335 = arith.constant 0 : i32
    %dma_start3A_336 = tpu.memref_slice %arg8[%rem3A_19, %dma_start3A_332, %dma_start3A_334, %dma_start3A_335] : memref<2x16x128x8xf32, #tpu.memory_space<vmem>> -> memref<1x1x128x8xf32, #tpu.memory_space<vmem>>
    %dma_start3A_337 = tpu.memref_squeeze %dma_start3A_336 : memref<1x1x128x8xf32, #tpu.memory_space<vmem>> -> memref<128x8xf32, #tpu.memory_space<vmem>>
    %dma_start3A_338 = arith.constant 0 : i32
    %dma_start3A_339 = tpu.memref_slice %arg7[%rem3A_19, %dma_start3A_333, %dma_start3A_338] : memref<2x16x128xi32, #tpu.memory_space<vmem>> -> memref<1x1x128xi32, #tpu.memory_space<vmem>>
    %dma_start3A_340 = tpu.memref_squeeze %dma_start3A_339 : memref<1x1x128xi32, #tpu.memory_space<vmem>> -> memref<128xi32, #tpu.memory_space<vmem>>
    %dma_start3A_341 = arith.constant 0 : i32
    %dma_start3A_342 = arith.constant 0 : i32
    %dma_start3A_343 = tpu.memref_slice %arg9[%dma_start3A_341, %dma_start3A_342] : memref<100096x8xf32, #tpu.memory_space<vmem_shared>> -> memref<100096x8xf32, #tpu.memory_space<vmem_shared>>
    tpu.enqueue_indirect_dma source(%dma_start3A_337 : memref<128x8xf32, #tpu.memory_space<vmem>>) target(%dma_start3A_343 : memref<100096x8xf32, #tpu.memory_space<vmem_shared>>) offsets(%dma_start3A_340 : memref<128xi32, #tpu.memory_space<vmem>>) semaphore(%arg12 : memref<!tpu.dma_semaphore, #tpu.memory_space<semaphore_mem>>) {add = true}
    %dma_start3A_344 = arith.constant 7 : i32
    %dma_start3A_345 = arith.constant 7 : i32
    %dma_start3A_346 = arith.constant 0 : i32
    %dma_start3A_347 = arith.constant 0 : i32
    %dma_start3A_348 = tpu.memref_slice %arg8[%rem3A_19, %dma_start3A_344, %dma_start3A_346, %dma_start3A_347] : memref<2x16x128x8xf32, #tpu.memory_space<vmem>> -> memref<1x1x128x8xf32, #tpu.memory_space<vmem>>
    %dma_start3A_349 = tpu.memref_squeeze %dma_start3A_348 : memref<1x1x128x8xf32, #tpu.memory_space<vmem>> -> memref<128x8xf32, #tpu.memory_space<vmem>>
    %dma_start3A_350 = arith.constant 0 : i32
    %dma_start3A_351 = tpu.memref_slice %arg7[%rem3A_19, %dma_start3A_345, %dma_start3A_350] : memref<2x16x128xi32, #tpu.memory_space<vmem>> -> memref<1x1x128xi32, #tpu.memory_space<vmem>>
    %dma_start3A_352 = tpu.memref_squeeze %dma_start3A_351 : memref<1x1x128xi32, #tpu.memory_space<vmem>> -> memref<128xi32, #tpu.memory_space<vmem>>
    %dma_start3A_353 = arith.constant 0 : i32
    %dma_start3A_354 = arith.constant 0 : i32
    %dma_start3A_355 = tpu.memref_slice %arg9[%dma_start3A_353, %dma_start3A_354] : memref<100096x8xf32, #tpu.memory_space<vmem_shared>> -> memref<100096x8xf32, #tpu.memory_space<vmem_shared>>
    tpu.enqueue_indirect_dma source(%dma_start3A_349 : memref<128x8xf32, #tpu.memory_space<vmem>>) target(%dma_start3A_355 : memref<100096x8xf32, #tpu.memory_space<vmem_shared>>) offsets(%dma_start3A_352 : memref<128xi32, #tpu.memory_space<vmem>>) semaphore(%arg12 : memref<!tpu.dma_semaphore, #tpu.memory_space<semaphore_mem>>) {add = true}
    %dma_start3A_356 = arith.constant 8 : i32
    %dma_start3A_357 = arith.constant 8 : i32
    %dma_start3A_358 = arith.constant 0 : i32
    %dma_start3A_359 = arith.constant 0 : i32
    %dma_start3A_360 = tpu.memref_slice %arg8[%rem3A_19, %dma_start3A_356, %dma_start3A_358, %dma_start3A_359] : memref<2x16x128x8xf32, #tpu.memory_space<vmem>> -> memref<1x1x128x8xf32, #tpu.memory_space<vmem>>
    %dma_start3A_361 = tpu.memref_squeeze %dma_start3A_360 : memref<1x1x128x8xf32, #tpu.memory_space<vmem>> -> memref<128x8xf32, #tpu.memory_space<vmem>>
    %dma_start3A_362 = arith.constant 0 : i32
    %dma_start3A_363 = tpu.memref_slice %arg7[%rem3A_19, %dma_start3A_357, %dma_start3A_362] : memref<2x16x128xi32, #tpu.memory_space<vmem>> -> memref<1x1x128xi32, #tpu.memory_space<vmem>>
    %dma_start3A_364 = tpu.memref_squeeze %dma_start3A_363 : memref<1x1x128xi32, #tpu.memory_space<vmem>> -> memref<128xi32, #tpu.memory_space<vmem>>
    %dma_start3A_365 = arith.constant 0 : i32
    %dma_start3A_366 = arith.constant 0 : i32
    %dma_start3A_367 = tpu.memref_slice %arg9[%dma_start3A_365, %dma_start3A_366] : memref<100096x8xf32, #tpu.memory_space<vmem_shared>> -> memref<100096x8xf32, #tpu.memory_space<vmem_shared>>
    tpu.enqueue_indirect_dma source(%dma_start3A_361 : memref<128x8xf32, #tpu.memory_space<vmem>>) target(%dma_start3A_367 : memref<100096x8xf32, #tpu.memory_space<vmem_shared>>) offsets(%dma_start3A_364 : memref<128xi32, #tpu.memory_space<vmem>>) semaphore(%arg12 : memref<!tpu.dma_semaphore, #tpu.memory_space<semaphore_mem>>) {add = true}
    %dma_start3A_368 = arith.constant 9 : i32
    %dma_start3A_369 = arith.constant 9 : i32
    %dma_start3A_370 = arith.constant 0 : i32
    %dma_start3A_371 = arith.constant 0 : i32
    %dma_start3A_372 = tpu.memref_slice %arg8[%rem3A_19, %dma_start3A_368, %dma_start3A_370, %dma_start3A_371] : memref<2x16x128x8xf32, #tpu.memory_space<vmem>> -> memref<1x1x128x8xf32, #tpu.memory_space<vmem>>
    %dma_start3A_373 = tpu.memref_squeeze %dma_start3A_372 : memref<1x1x128x8xf32, #tpu.memory_space<vmem>> -> memref<128x8xf32, #tpu.memory_space<vmem>>
    %dma_start3A_374 = arith.constant 0 : i32
    %dma_start3A_375 = tpu.memref_slice %arg7[%rem3A_19, %dma_start3A_369, %dma_start3A_374] : memref<2x16x128xi32, #tpu.memory_space<vmem>> -> memref<1x1x128xi32, #tpu.memory_space<vmem>>
    %dma_start3A_376 = tpu.memref_squeeze %dma_start3A_375 : memref<1x1x128xi32, #tpu.memory_space<vmem>> -> memref<128xi32, #tpu.memory_space<vmem>>
    %dma_start3A_377 = arith.constant 0 : i32
    %dma_start3A_378 = arith.constant 0 : i32
    %dma_start3A_379 = tpu.memref_slice %arg9[%dma_start3A_377, %dma_start3A_378] : memref<100096x8xf32, #tpu.memory_space<vmem_shared>> -> memref<100096x8xf32, #tpu.memory_space<vmem_shared>>
    tpu.enqueue_indirect_dma source(%dma_start3A_373 : memref<128x8xf32, #tpu.memory_space<vmem>>) target(%dma_start3A_379 : memref<100096x8xf32, #tpu.memory_space<vmem_shared>>) offsets(%dma_start3A_376 : memref<128xi32, #tpu.memory_space<vmem>>) semaphore(%arg12 : memref<!tpu.dma_semaphore, #tpu.memory_space<semaphore_mem>>) {add = true}
    %dma_start3A_380 = arith.constant 10 : i32
    %dma_start3A_381 = arith.constant 10 : i32
    %dma_start3A_382 = arith.constant 0 : i32
    %dma_start3A_383 = arith.constant 0 : i32
    %dma_start3A_384 = tpu.memref_slice %arg8[%rem3A_19, %dma_start3A_380, %dma_start3A_382, %dma_start3A_383] : memref<2x16x128x8xf32, #tpu.memory_space<vmem>> -> memref<1x1x128x8xf32, #tpu.memory_space<vmem>>
    %dma_start3A_385 = tpu.memref_squeeze %dma_start3A_384 : memref<1x1x128x8xf32, #tpu.memory_space<vmem>> -> memref<128x8xf32, #tpu.memory_space<vmem>>
    %dma_start3A_386 = arith.constant 0 : i32
    %dma_start3A_387 = tpu.memref_slice %arg7[%rem3A_19, %dma_start3A_381, %dma_start3A_386] : memref<2x16x128xi32, #tpu.memory_space<vmem>> -> memref<1x1x128xi32, #tpu.memory_space<vmem>>
    %dma_start3A_388 = tpu.memref_squeeze %dma_start3A_387 : memref<1x1x128xi32, #tpu.memory_space<vmem>> -> memref<128xi32, #tpu.memory_space<vmem>>
    %dma_start3A_389 = arith.constant 0 : i32
    %dma_start3A_390 = arith.constant 0 : i32
    %dma_start3A_391 = tpu.memref_slice %arg9[%dma_start3A_389, %dma_start3A_390] : memref<100096x8xf32, #tpu.memory_space<vmem_shared>> -> memref<100096x8xf32, #tpu.memory_space<vmem_shared>>
    tpu.enqueue_indirect_dma source(%dma_start3A_385 : memref<128x8xf32, #tpu.memory_space<vmem>>) target(%dma_start3A_391 : memref<100096x8xf32, #tpu.memory_space<vmem_shared>>) offsets(%dma_start3A_388 : memref<128xi32, #tpu.memory_space<vmem>>) semaphore(%arg12 : memref<!tpu.dma_semaphore, #tpu.memory_space<semaphore_mem>>) {add = true}
    %dma_start3A_392 = arith.constant 11 : i32
    %dma_start3A_393 = arith.constant 11 : i32
    %dma_start3A_394 = arith.constant 0 : i32
    %dma_start3A_395 = arith.constant 0 : i32
    %dma_start3A_396 = tpu.memref_slice %arg8[%rem3A_19, %dma_start3A_392, %dma_start3A_394, %dma_start3A_395] : memref<2x16x128x8xf32, #tpu.memory_space<vmem>> -> memref<1x1x128x8xf32, #tpu.memory_space<vmem>>
    %dma_start3A_397 = tpu.memref_squeeze %dma_start3A_396 : memref<1x1x128x8xf32, #tpu.memory_space<vmem>> -> memref<128x8xf32, #tpu.memory_space<vmem>>
    %dma_start3A_398 = arith.constant 0 : i32
    %dma_start3A_399 = tpu.memref_slice %arg7[%rem3A_19, %dma_start3A_393, %dma_start3A_398] : memref<2x16x128xi32, #tpu.memory_space<vmem>> -> memref<1x1x128xi32, #tpu.memory_space<vmem>>
    %dma_start3A_400 = tpu.memref_squeeze %dma_start3A_399 : memref<1x1x128xi32, #tpu.memory_space<vmem>> -> memref<128xi32, #tpu.memory_space<vmem>>
    %dma_start3A_401 = arith.constant 0 : i32
    %dma_start3A_402 = arith.constant 0 : i32
    %dma_start3A_403 = tpu.memref_slice %arg9[%dma_start3A_401, %dma_start3A_402] : memref<100096x8xf32, #tpu.memory_space<vmem_shared>> -> memref<100096x8xf32, #tpu.memory_space<vmem_shared>>
    tpu.enqueue_indirect_dma source(%dma_start3A_397 : memref<128x8xf32, #tpu.memory_space<vmem>>) target(%dma_start3A_403 : memref<100096x8xf32, #tpu.memory_space<vmem_shared>>) offsets(%dma_start3A_400 : memref<128xi32, #tpu.memory_space<vmem>>) semaphore(%arg12 : memref<!tpu.dma_semaphore, #tpu.memory_space<semaphore_mem>>) {add = true}
    %dma_start3A_404 = arith.constant 12 : i32
    %dma_start3A_405 = arith.constant 12 : i32
    %dma_start3A_406 = arith.constant 0 : i32
    %dma_start3A_407 = arith.constant 0 : i32
    %dma_start3A_408 = tpu.memref_slice %arg8[%rem3A_19, %dma_start3A_404, %dma_start3A_406, %dma_start3A_407] : memref<2x16x128x8xf32, #tpu.memory_space<vmem>> -> memref<1x1x128x8xf32, #tpu.memory_space<vmem>>
    %dma_start3A_409 = tpu.memref_squeeze %dma_start3A_408 : memref<1x1x128x8xf32, #tpu.memory_space<vmem>> -> memref<128x8xf32, #tpu.memory_space<vmem>>
    %dma_start3A_410 = arith.constant 0 : i32
    %dma_start3A_411 = tpu.memref_slice %arg7[%rem3A_19, %dma_start3A_405, %dma_start3A_410] : memref<2x16x128xi32, #tpu.memory_space<vmem>> -> memref<1x1x128xi32, #tpu.memory_space<vmem>>
    %dma_start3A_412 = tpu.memref_squeeze %dma_start3A_411 : memref<1x1x128xi32, #tpu.memory_space<vmem>> -> memref<128xi32, #tpu.memory_space<vmem>>
    %dma_start3A_413 = arith.constant 0 : i32
    %dma_start3A_414 = arith.constant 0 : i32
    %dma_start3A_415 = tpu.memref_slice %arg9[%dma_start3A_413, %dma_start3A_414] : memref<100096x8xf32, #tpu.memory_space<vmem_shared>> -> memref<100096x8xf32, #tpu.memory_space<vmem_shared>>
    tpu.enqueue_indirect_dma source(%dma_start3A_409 : memref<128x8xf32, #tpu.memory_space<vmem>>) target(%dma_start3A_415 : memref<100096x8xf32, #tpu.memory_space<vmem_shared>>) offsets(%dma_start3A_412 : memref<128xi32, #tpu.memory_space<vmem>>) semaphore(%arg12 : memref<!tpu.dma_semaphore, #tpu.memory_space<semaphore_mem>>) {add = true}
    %dma_start3A_416 = arith.constant 13 : i32
    %dma_start3A_417 = arith.constant 13 : i32
    %dma_start3A_418 = arith.constant 0 : i32
    %dma_start3A_419 = arith.constant 0 : i32
    %dma_start3A_420 = tpu.memref_slice %arg8[%rem3A_19, %dma_start3A_416, %dma_start3A_418, %dma_start3A_419] : memref<2x16x128x8xf32, #tpu.memory_space<vmem>> -> memref<1x1x128x8xf32, #tpu.memory_space<vmem>>
    %dma_start3A_421 = tpu.memref_squeeze %dma_start3A_420 : memref<1x1x128x8xf32, #tpu.memory_space<vmem>> -> memref<128x8xf32, #tpu.memory_space<vmem>>
    %dma_start3A_422 = arith.constant 0 : i32
    %dma_start3A_423 = tpu.memref_slice %arg7[%rem3A_19, %dma_start3A_417, %dma_start3A_422] : memref<2x16x128xi32, #tpu.memory_space<vmem>> -> memref<1x1x128xi32, #tpu.memory_space<vmem>>
    %dma_start3A_424 = tpu.memref_squeeze %dma_start3A_423 : memref<1x1x128xi32, #tpu.memory_space<vmem>> -> memref<128xi32, #tpu.memory_space<vmem>>
    %dma_start3A_425 = arith.constant 0 : i32
    %dma_start3A_426 = arith.constant 0 : i32
    %dma_start3A_427 = tpu.memref_slice %arg9[%dma_start3A_425, %dma_start3A_426] : memref<100096x8xf32, #tpu.memory_space<vmem_shared>> -> memref<100096x8xf32, #tpu.memory_space<vmem_shared>>
    tpu.enqueue_indirect_dma source(%dma_start3A_421 : memref<128x8xf32, #tpu.memory_space<vmem>>) target(%dma_start3A_427 : memref<100096x8xf32, #tpu.memory_space<vmem_shared>>) offsets(%dma_start3A_424 : memref<128xi32, #tpu.memory_space<vmem>>) semaphore(%arg12 : memref<!tpu.dma_semaphore, #tpu.memory_space<semaphore_mem>>) {add = true}
    %dma_start3A_428 = arith.constant 14 : i32
    %dma_start3A_429 = arith.constant 14 : i32
    %dma_start3A_430 = arith.constant 0 : i32
    %dma_start3A_431 = arith.constant 0 : i32
    %dma_start3A_432 = tpu.memref_slice %arg8[%rem3A_19, %dma_start3A_428, %dma_start3A_430, %dma_start3A_431] : memref<2x16x128x8xf32, #tpu.memory_space<vmem>> -> memref<1x1x128x8xf32, #tpu.memory_space<vmem>>
    %dma_start3A_433 = tpu.memref_squeeze %dma_start3A_432 : memref<1x1x128x8xf32, #tpu.memory_space<vmem>> -> memref<128x8xf32, #tpu.memory_space<vmem>>
    %dma_start3A_434 = arith.constant 0 : i32
    %dma_start3A_435 = tpu.memref_slice %arg7[%rem3A_19, %dma_start3A_429, %dma_start3A_434] : memref<2x16x128xi32, #tpu.memory_space<vmem>> -> memref<1x1x128xi32, #tpu.memory_space<vmem>>
    %dma_start3A_436 = tpu.memref_squeeze %dma_start3A_435 : memref<1x1x128xi32, #tpu.memory_space<vmem>> -> memref<128xi32, #tpu.memory_space<vmem>>
    %dma_start3A_437 = arith.constant 0 : i32
    %dma_start3A_438 = arith.constant 0 : i32
    %dma_start3A_439 = tpu.memref_slice %arg9[%dma_start3A_437, %dma_start3A_438] : memref<100096x8xf32, #tpu.memory_space<vmem_shared>> -> memref<100096x8xf32, #tpu.memory_space<vmem_shared>>
    tpu.enqueue_indirect_dma source(%dma_start3A_433 : memref<128x8xf32, #tpu.memory_space<vmem>>) target(%dma_start3A_439 : memref<100096x8xf32, #tpu.memory_space<vmem_shared>>) offsets(%dma_start3A_436 : memref<128xi32, #tpu.memory_space<vmem>>) semaphore(%arg12 : memref<!tpu.dma_semaphore, #tpu.memory_space<semaphore_mem>>) {add = true}
    %dma_start3A_440 = arith.constant 15 : i32
    %dma_start3A_441 = arith.constant 15 : i32
    %dma_start3A_442 = arith.constant 0 : i32
    %dma_start3A_443 = arith.constant 0 : i32
    %dma_start3A_444 = tpu.memref_slice %arg8[%rem3A_19, %dma_start3A_440, %dma_start3A_442, %dma_start3A_443] : memref<2x16x128x8xf32, #tpu.memory_space<vmem>> -> memref<1x1x128x8xf32, #tpu.memory_space<vmem>>
    %dma_start3A_445 = tpu.memref_squeeze %dma_start3A_444 : memref<1x1x128x8xf32, #tpu.memory_space<vmem>> -> memref<128x8xf32, #tpu.memory_space<vmem>>
    %dma_start3A_446 = arith.constant 0 : i32
    %dma_start3A_447 = tpu.memref_slice %arg7[%rem3A_19, %dma_start3A_441, %dma_start3A_446] : memref<2x16x128xi32, #tpu.memory_space<vmem>> -> memref<1x1x128xi32, #tpu.memory_space<vmem>>
    %dma_start3A_448 = tpu.memref_squeeze %dma_start3A_447 : memref<1x1x128xi32, #tpu.memory_space<vmem>> -> memref<128xi32, #tpu.memory_space<vmem>>
    %dma_start3A_449 = arith.constant 0 : i32
    %dma_start3A_450 = arith.constant 0 : i32
    %dma_start3A_451 = tpu.memref_slice %arg9[%dma_start3A_449, %dma_start3A_450] : memref<100096x8xf32, #tpu.memory_space<vmem_shared>> -> memref<100096x8xf32, #tpu.memory_space<vmem_shared>>
    tpu.enqueue_indirect_dma source(%dma_start3A_445 : memref<128x8xf32, #tpu.memory_space<vmem>>) target(%dma_start3A_451 : memref<100096x8xf32, #tpu.memory_space<vmem_shared>>) offsets(%dma_start3A_448 : memref<128xi32, #tpu.memory_space<vmem>>) semaphore(%arg12 : memref<!tpu.dma_semaphore, #tpu.memory_space<semaphore_mem>>) {add = true}
    %dma_wait3A_452 = arith.constant 0 : i32
    %dma_wait3A_453 = arith.constant 0 : i32
    %dma_wait3A_454 = arith.constant 0 : i32
    %dma_wait3A_455 = tpu.memref_slice %arg8[%rem3A_19, %dma_wait3A_452, %dma_wait3A_453, %dma_wait3A_454] : memref<2x16x128x8xf32, #tpu.memory_space<vmem>> -> memref<1x1x128x8xf32, #tpu.memory_space<vmem>>
    %dma_wait3A_456 = tpu.memref_squeeze %dma_wait3A_455 : memref<1x1x128x8xf32, #tpu.memory_space<vmem>> -> memref<128x8xf32, #tpu.memory_space<vmem>>
    %dma_wait3A_457 = arith.constant 0 : i32
    %dma_wait3A_458 = arith.constant 0 : i32
    %dma_wait3A_459 = tpu.memref_slice %arg4[%dma_wait3A_457, %dma_wait3A_458] : memref<100096x8xf32, #tpu.memory_space<hbm>> -> memref<128x8xf32, #tpu.memory_space<hbm>>
    %dma_wait3A_460 = arith.constant 0 : i32
    %dma_wait3A_461 = arith.constant 0 : i32
    %dma_wait3A_462 = tpu.memref_slice %arg8[%rem3A_19, %dma_wait3A_452, %dma_wait3A_460, %dma_wait3A_461] : memref<2x16x128x8xf32, #tpu.memory_space<vmem>> -> memref<1x1x128x8xf32, #tpu.memory_space<vmem>>
    %dma_wait3A_463 = tpu.memref_squeeze %dma_wait3A_462 : memref<1x1x128x8xf32, #tpu.memory_space<vmem>> -> memref<128x8xf32, #tpu.memory_space<vmem>>
    %dma_wait3A_464 = arith.constant 0 : i32
    %dma_wait3A_465 = arith.constant 0 : i32
    %dma_wait3A_466 = tpu.memref_slice %arg4[%dma_wait3A_464, %dma_wait3A_465] : memref<100096x8xf32, #tpu.memory_space<hbm>> -> memref<128x8xf32, #tpu.memory_space<hbm>>
    tpu.wait_dma2 semaphore(%arg12 : memref<!tpu.dma_semaphore, #tpu.memory_space<semaphore_mem>>) src(%dma_wait3A_466 : memref<128x8xf32, #tpu.memory_space<hbm>>) dst(%dma_wait3A_463 : memref<128x8xf32, #tpu.memory_space<vmem>>)
    %dma_wait3A_467 = arith.constant 1 : i32
    %dma_wait3A_468 = arith.constant 0 : i32
    %dma_wait3A_469 = arith.constant 0 : i32
    %dma_wait3A_470 = tpu.memref_slice %arg8[%rem3A_19, %dma_wait3A_467, %dma_wait3A_468, %dma_wait3A_469] : memref<2x16x128x8xf32, #tpu.memory_space<vmem>> -> memref<1x1x128x8xf32, #tpu.memory_space<vmem>>
    %dma_wait3A_471 = tpu.memref_squeeze %dma_wait3A_470 : memref<1x1x128x8xf32, #tpu.memory_space<vmem>> -> memref<128x8xf32, #tpu.memory_space<vmem>>
    %dma_wait3A_472 = arith.constant 0 : i32
    %dma_wait3A_473 = arith.constant 0 : i32
    %dma_wait3A_474 = tpu.memref_slice %arg4[%dma_wait3A_472, %dma_wait3A_473] : memref<100096x8xf32, #tpu.memory_space<hbm>> -> memref<128x8xf32, #tpu.memory_space<hbm>>
    %dma_wait3A_475 = arith.constant 0 : i32
    %dma_wait3A_476 = arith.constant 0 : i32
    %dma_wait3A_477 = tpu.memref_slice %arg8[%rem3A_19, %dma_wait3A_467, %dma_wait3A_475, %dma_wait3A_476] : memref<2x16x128x8xf32, #tpu.memory_space<vmem>> -> memref<1x1x128x8xf32, #tpu.memory_space<vmem>>
    %dma_wait3A_478 = tpu.memref_squeeze %dma_wait3A_477 : memref<1x1x128x8xf32, #tpu.memory_space<vmem>> -> memref<128x8xf32, #tpu.memory_space<vmem>>
    %dma_wait3A_479 = arith.constant 0 : i32
    %dma_wait3A_480 = arith.constant 0 : i32
    %dma_wait3A_481 = tpu.memref_slice %arg4[%dma_wait3A_479, %dma_wait3A_480] : memref<100096x8xf32, #tpu.memory_space<hbm>> -> memref<128x8xf32, #tpu.memory_space<hbm>>
    tpu.wait_dma2 semaphore(%arg12 : memref<!tpu.dma_semaphore, #tpu.memory_space<semaphore_mem>>) src(%dma_wait3A_481 : memref<128x8xf32, #tpu.memory_space<hbm>>) dst(%dma_wait3A_478 : memref<128x8xf32, #tpu.memory_space<vmem>>)
    %dma_wait3A_482 = arith.constant 2 : i32
    %dma_wait3A_483 = arith.constant 0 : i32
    %dma_wait3A_484 = arith.constant 0 : i32
    %dma_wait3A_485 = tpu.memref_slice %arg8[%rem3A_19, %dma_wait3A_482, %dma_wait3A_483, %dma_wait3A_484] : memref<2x16x128x8xf32, #tpu.memory_space<vmem>> -> memref<1x1x128x8xf32, #tpu.memory_space<vmem>>
    %dma_wait3A_486 = tpu.memref_squeeze %dma_wait3A_485 : memref<1x1x128x8xf32, #tpu.memory_space<vmem>> -> memref<128x8xf32, #tpu.memory_space<vmem>>
    %dma_wait3A_487 = arith.constant 0 : i32
    %dma_wait3A_488 = arith.constant 0 : i32
    %dma_wait3A_489 = tpu.memref_slice %arg4[%dma_wait3A_487, %dma_wait3A_488] : memref<100096x8xf32, #tpu.memory_space<hbm>> -> memref<128x8xf32, #tpu.memory_space<hbm>>
    %dma_wait3A_490 = arith.constant 0 : i32
    %dma_wait3A_491 = arith.constant 0 : i32
    %dma_wait3A_492 = tpu.memref_slice %arg8[%rem3A_19, %dma_wait3A_482, %dma_wait3A_490, %dma_wait3A_491] : memref<2x16x128x8xf32, #tpu.memory_space<vmem>> -> memref<1x1x128x8xf32, #tpu.memory_space<vmem>>
    %dma_wait3A_493 = tpu.memref_squeeze %dma_wait3A_492 : memref<1x1x128x8xf32, #tpu.memory_space<vmem>> -> memref<128x8xf32, #tpu.memory_space<vmem>>
    %dma_wait3A_494 = arith.constant 0 : i32
    %dma_wait3A_495 = arith.constant 0 : i32
    %dma_wait3A_496 = tpu.memref_slice %arg4[%dma_wait3A_494, %dma_wait3A_495] : memref<100096x8xf32, #tpu.memory_space<hbm>> -> memref<128x8xf32, #tpu.memory_space<hbm>>
    tpu.wait_dma2 semaphore(%arg12 : memref<!tpu.dma_semaphore, #tpu.memory_space<semaphore_mem>>) src(%dma_wait3A_496 : memref<128x8xf32, #tpu.memory_space<hbm>>) dst(%dma_wait3A_493 : memref<128x8xf32, #tpu.memory_space<vmem>>)
    %dma_wait3A_497 = arith.constant 3 : i32
    %dma_wait3A_498 = arith.constant 0 : i32
    %dma_wait3A_499 = arith.constant 0 : i32
    %dma_wait3A_500 = tpu.memref_slice %arg8[%rem3A_19, %dma_wait3A_497, %dma_wait3A_498, %dma_wait3A_499] : memref<2x16x128x8xf32, #tpu.memory_space<vmem>> -> memref<1x1x128x8xf32, #tpu.memory_space<vmem>>
    %dma_wait3A_501 = tpu.memref_squeeze %dma_wait3A_500 : memref<1x1x128x8xf32, #tpu.memory_space<vmem>> -> memref<128x8xf32, #tpu.memory_space<vmem>>
    %dma_wait3A_502 = arith.constant 0 : i32
    %dma_wait3A_503 = arith.constant 0 : i32
    %dma_wait3A_504 = tpu.memref_slice %arg4[%dma_wait3A_502, %dma_wait3A_503] : memref<100096x8xf32, #tpu.memory_space<hbm>> -> memref<128x8xf32, #tpu.memory_space<hbm>>
    %dma_wait3A_505 = arith.constant 0 : i32
    %dma_wait3A_506 = arith.constant 0 : i32
    %dma_wait3A_507 = tpu.memref_slice %arg8[%rem3A_19, %dma_wait3A_497, %dma_wait3A_505, %dma_wait3A_506] : memref<2x16x128x8xf32, #tpu.memory_space<vmem>> -> memref<1x1x128x8xf32, #tpu.memory_space<vmem>>
    %dma_wait3A_508 = tpu.memref_squeeze %dma_wait3A_507 : memref<1x1x128x8xf32, #tpu.memory_space<vmem>> -> memref<128x8xf32, #tpu.memory_space<vmem>>
    %dma_wait3A_509 = arith.constant 0 : i32
    %dma_wait3A_510 = arith.constant 0 : i32
    %dma_wait3A_511 = tpu.memref_slice %arg4[%dma_wait3A_509, %dma_wait3A_510] : memref<100096x8xf32, #tpu.memory_space<hbm>> -> memref<128x8xf32, #tpu.memory_space<hbm>>
    tpu.wait_dma2 semaphore(%arg12 : memref<!tpu.dma_semaphore, #tpu.memory_space<semaphore_mem>>) src(%dma_wait3A_511 : memref<128x8xf32, #tpu.memory_space<hbm>>) dst(%dma_wait3A_508 : memref<128x8xf32, #tpu.memory_space<vmem>>)
    %dma_wait3A_512 = arith.constant 4 : i32
    %dma_wait3A_513 = arith.constant 0 : i32
    %dma_wait3A_514 = arith.constant 0 : i32
    %dma_wait3A_515 = tpu.memref_slice %arg8[%rem3A_19, %dma_wait3A_512, %dma_wait3A_513, %dma_wait3A_514] : memref<2x16x128x8xf32, #tpu.memory_space<vmem>> -> memref<1x1x128x8xf32, #tpu.memory_space<vmem>>
    %dma_wait3A_516 = tpu.memref_squeeze %dma_wait3A_515 : memref<1x1x128x8xf32, #tpu.memory_space<vmem>> -> memref<128x8xf32, #tpu.memory_space<vmem>>
    %dma_wait3A_517 = arith.constant 0 : i32
    %dma_wait3A_518 = arith.constant 0 : i32
    %dma_wait3A_519 = tpu.memref_slice %arg4[%dma_wait3A_517, %dma_wait3A_518] : memref<100096x8xf32, #tpu.memory_space<hbm>> -> memref<128x8xf32, #tpu.memory_space<hbm>>
    %dma_wait3A_520 = arith.constant 0 : i32
    %dma_wait3A_521 = arith.constant 0 : i32
    %dma_wait3A_522 = tpu.memref_slice %arg8[%rem3A_19, %dma_wait3A_512, %dma_wait3A_520, %dma_wait3A_521] : memref<2x16x128x8xf32, #tpu.memory_space<vmem>> -> memref<1x1x128x8xf32, #tpu.memory_space<vmem>>
    %dma_wait3A_523 = tpu.memref_squeeze %dma_wait3A_522 : memref<1x1x128x8xf32, #tpu.memory_space<vmem>> -> memref<128x8xf32, #tpu.memory_space<vmem>>
    %dma_wait3A_524 = arith.constant 0 : i32
    %dma_wait3A_525 = arith.constant 0 : i32
    %dma_wait3A_526 = tpu.memref_slice %arg4[%dma_wait3A_524, %dma_wait3A_525] : memref<100096x8xf32, #tpu.memory_space<hbm>> -> memref<128x8xf32, #tpu.memory_space<hbm>>
    tpu.wait_dma2 semaphore(%arg12 : memref<!tpu.dma_semaphore, #tpu.memory_space<semaphore_mem>>) src(%dma_wait3A_526 : memref<128x8xf32, #tpu.memory_space<hbm>>) dst(%dma_wait3A_523 : memref<128x8xf32, #tpu.memory_space<vmem>>)
    %dma_wait3A_527 = arith.constant 5 : i32
    %dma_wait3A_528 = arith.constant 0 : i32
    %dma_wait3A_529 = arith.constant 0 : i32
    %dma_wait3A_530 = tpu.memref_slice %arg8[%rem3A_19, %dma_wait3A_527, %dma_wait3A_528, %dma_wait3A_529] : memref<2x16x128x8xf32, #tpu.memory_space<vmem>> -> memref<1x1x128x8xf32, #tpu.memory_space<vmem>>
    %dma_wait3A_531 = tpu.memref_squeeze %dma_wait3A_530 : memref<1x1x128x8xf32, #tpu.memory_space<vmem>> -> memref<128x8xf32, #tpu.memory_space<vmem>>
    %dma_wait3A_532 = arith.constant 0 : i32
    %dma_wait3A_533 = arith.constant 0 : i32
    %dma_wait3A_534 = tpu.memref_slice %arg4[%dma_wait3A_532, %dma_wait3A_533] : memref<100096x8xf32, #tpu.memory_space<hbm>> -> memref<128x8xf32, #tpu.memory_space<hbm>>
    %dma_wait3A_535 = arith.constant 0 : i32
    %dma_wait3A_536 = arith.constant 0 : i32
    %dma_wait3A_537 = tpu.memref_slice %arg8[%rem3A_19, %dma_wait3A_527, %dma_wait3A_535, %dma_wait3A_536] : memref<2x16x128x8xf32, #tpu.memory_space<vmem>> -> memref<1x1x128x8xf32, #tpu.memory_space<vmem>>
    %dma_wait3A_538 = tpu.memref_squeeze %dma_wait3A_537 : memref<1x1x128x8xf32, #tpu.memory_space<vmem>> -> memref<128x8xf32, #tpu.memory_space<vmem>>
    %dma_wait3A_539 = arith.constant 0 : i32
    %dma_wait3A_540 = arith.constant 0 : i32
    %dma_wait3A_541 = tpu.memref_slice %arg4[%dma_wait3A_539, %dma_wait3A_540] : memref<100096x8xf32, #tpu.memory_space<hbm>> -> memref<128x8xf32, #tpu.memory_space<hbm>>
    tpu.wait_dma2 semaphore(%arg12 : memref<!tpu.dma_semaphore, #tpu.memory_space<semaphore_mem>>) src(%dma_wait3A_541 : memref<128x8xf32, #tpu.memory_space<hbm>>) dst(%dma_wait3A_538 : memref<128x8xf32, #tpu.memory_space<vmem>>)
    %dma_wait3A_542 = arith.constant 6 : i32
    %dma_wait3A_543 = arith.constant 0 : i32
    %dma_wait3A_544 = arith.constant 0 : i32
    %dma_wait3A_545 = tpu.memref_slice %arg8[%rem3A_19, %dma_wait3A_542, %dma_wait3A_543, %dma_wait3A_544] : memref<2x16x128x8xf32, #tpu.memory_space<vmem>> -> memref<1x1x128x8xf32, #tpu.memory_space<vmem>>
    %dma_wait3A_546 = tpu.memref_squeeze %dma_wait3A_545 : memref<1x1x128x8xf32, #tpu.memory_space<vmem>> -> memref<128x8xf32, #tpu.memory_space<vmem>>
    %dma_wait3A_547 = arith.constant 0 : i32
    %dma_wait3A_548 = arith.constant 0 : i32
    %dma_wait3A_549 = tpu.memref_slice %arg4[%dma_wait3A_547, %dma_wait3A_548] : memref<100096x8xf32, #tpu.memory_space<hbm>> -> memref<128x8xf32, #tpu.memory_space<hbm>>
    %dma_wait3A_550 = arith.constant 0 : i32
    %dma_wait3A_551 = arith.constant 0 : i32
    %dma_wait3A_552 = tpu.memref_slice %arg8[%rem3A_19, %dma_wait3A_542, %dma_wait3A_550, %dma_wait3A_551] : memref<2x16x128x8xf32, #tpu.memory_space<vmem>> -> memref<1x1x128x8xf32, #tpu.memory_space<vmem>>
    %dma_wait3A_553 = tpu.memref_squeeze %dma_wait3A_552 : memref<1x1x128x8xf32, #tpu.memory_space<vmem>> -> memref<128x8xf32, #tpu.memory_space<vmem>>
    %dma_wait3A_554 = arith.constant 0 : i32
    %dma_wait3A_555 = arith.constant 0 : i32
    %dma_wait3A_556 = tpu.memref_slice %arg4[%dma_wait3A_554, %dma_wait3A_555] : memref<100096x8xf32, #tpu.memory_space<hbm>> -> memref<128x8xf32, #tpu.memory_space<hbm>>
    tpu.wait_dma2 semaphore(%arg12 : memref<!tpu.dma_semaphore, #tpu.memory_space<semaphore_mem>>) src(%dma_wait3A_556 : memref<128x8xf32, #tpu.memory_space<hbm>>) dst(%dma_wait3A_553 : memref<128x8xf32, #tpu.memory_space<vmem>>)
    %dma_wait3A_557 = arith.constant 7 : i32
    %dma_wait3A_558 = arith.constant 0 : i32
    %dma_wait3A_559 = arith.constant 0 : i32
    %dma_wait3A_560 = tpu.memref_slice %arg8[%rem3A_19, %dma_wait3A_557, %dma_wait3A_558, %dma_wait3A_559] : memref<2x16x128x8xf32, #tpu.memory_space<vmem>> -> memref<1x1x128x8xf32, #tpu.memory_space<vmem>>
    %dma_wait3A_561 = tpu.memref_squeeze %dma_wait3A_560 : memref<1x1x128x8xf32, #tpu.memory_space<vmem>> -> memref<128x8xf32, #tpu.memory_space<vmem>>
    %dma_wait3A_562 = arith.constant 0 : i32
    %dma_wait3A_563 = arith.constant 0 : i32
    %dma_wait3A_564 = tpu.memref_slice %arg4[%dma_wait3A_562, %dma_wait3A_563] : memref<100096x8xf32, #tpu.memory_space<hbm>> -> memref<128x8xf32, #tpu.memory_space<hbm>>
    %dma_wait3A_565 = arith.constant 0 : i32
    %dma_wait3A_566 = arith.constant 0 : i32
    %dma_wait3A_567 = tpu.memref_slice %arg8[%rem3A_19, %dma_wait3A_557, %dma_wait3A_565, %dma_wait3A_566] : memref<2x16x128x8xf32, #tpu.memory_space<vmem>> -> memref<1x1x128x8xf32, #tpu.memory_space<vmem>>
    %dma_wait3A_568 = tpu.memref_squeeze %dma_wait3A_567 : memref<1x1x128x8xf32, #tpu.memory_space<vmem>> -> memref<128x8xf32, #tpu.memory_space<vmem>>
    %dma_wait3A_569 = arith.constant 0 : i32
    %dma_wait3A_570 = arith.constant 0 : i32
    %dma_wait3A_571 = tpu.memref_slice %arg4[%dma_wait3A_569, %dma_wait3A_570] : memref<100096x8xf32, #tpu.memory_space<hbm>> -> memref<128x8xf32, #tpu.memory_space<hbm>>
    tpu.wait_dma2 semaphore(%arg12 : memref<!tpu.dma_semaphore, #tpu.memory_space<semaphore_mem>>) src(%dma_wait3A_571 : memref<128x8xf32, #tpu.memory_space<hbm>>) dst(%dma_wait3A_568 : memref<128x8xf32, #tpu.memory_space<vmem>>)
    %dma_wait3A_572 = arith.constant 8 : i32
    %dma_wait3A_573 = arith.constant 0 : i32
    %dma_wait3A_574 = arith.constant 0 : i32
    %dma_wait3A_575 = tpu.memref_slice %arg8[%rem3A_19, %dma_wait3A_572, %dma_wait3A_573, %dma_wait3A_574] : memref<2x16x128x8xf32, #tpu.memory_space<vmem>> -> memref<1x1x128x8xf32, #tpu.memory_space<vmem>>
    %dma_wait3A_576 = tpu.memref_squeeze %dma_wait3A_575 : memref<1x1x128x8xf32, #tpu.memory_space<vmem>> -> memref<128x8xf32, #tpu.memory_space<vmem>>
    %dma_wait3A_577 = arith.constant 0 : i32
    %dma_wait3A_578 = arith.constant 0 : i32
    %dma_wait3A_579 = tpu.memref_slice %arg4[%dma_wait3A_577, %dma_wait3A_578] : memref<100096x8xf32, #tpu.memory_space<hbm>> -> memref<128x8xf32, #tpu.memory_space<hbm>>
    %dma_wait3A_580 = arith.constant 0 : i32
    %dma_wait3A_581 = arith.constant 0 : i32
    %dma_wait3A_582 = tpu.memref_slice %arg8[%rem3A_19, %dma_wait3A_572, %dma_wait3A_580, %dma_wait3A_581] : memref<2x16x128x8xf32, #tpu.memory_space<vmem>> -> memref<1x1x128x8xf32, #tpu.memory_space<vmem>>
    %dma_wait3A_583 = tpu.memref_squeeze %dma_wait3A_582 : memref<1x1x128x8xf32, #tpu.memory_space<vmem>> -> memref<128x8xf32, #tpu.memory_space<vmem>>
    %dma_wait3A_584 = arith.constant 0 : i32
    %dma_wait3A_585 = arith.constant 0 : i32
    %dma_wait3A_586 = tpu.memref_slice %arg4[%dma_wait3A_584, %dma_wait3A_585] : memref<100096x8xf32, #tpu.memory_space<hbm>> -> memref<128x8xf32, #tpu.memory_space<hbm>>
    tpu.wait_dma2 semaphore(%arg12 : memref<!tpu.dma_semaphore, #tpu.memory_space<semaphore_mem>>) src(%dma_wait3A_586 : memref<128x8xf32, #tpu.memory_space<hbm>>) dst(%dma_wait3A_583 : memref<128x8xf32, #tpu.memory_space<vmem>>)
    %dma_wait3A_587 = arith.constant 9 : i32
    %dma_wait3A_588 = arith.constant 0 : i32
    %dma_wait3A_589 = arith.constant 0 : i32
    %dma_wait3A_590 = tpu.memref_slice %arg8[%rem3A_19, %dma_wait3A_587, %dma_wait3A_588, %dma_wait3A_589] : memref<2x16x128x8xf32, #tpu.memory_space<vmem>> -> memref<1x1x128x8xf32, #tpu.memory_space<vmem>>
    %dma_wait3A_591 = tpu.memref_squeeze %dma_wait3A_590 : memref<1x1x128x8xf32, #tpu.memory_space<vmem>> -> memref<128x8xf32, #tpu.memory_space<vmem>>
    %dma_wait3A_592 = arith.constant 0 : i32
    %dma_wait3A_593 = arith.constant 0 : i32
    %dma_wait3A_594 = tpu.memref_slice %arg4[%dma_wait3A_592, %dma_wait3A_593] : memref<100096x8xf32, #tpu.memory_space<hbm>> -> memref<128x8xf32, #tpu.memory_space<hbm>>
    %dma_wait3A_595 = arith.constant 0 : i32
    %dma_wait3A_596 = arith.constant 0 : i32
    %dma_wait3A_597 = tpu.memref_slice %arg8[%rem3A_19, %dma_wait3A_587, %dma_wait3A_595, %dma_wait3A_596] : memref<2x16x128x8xf32, #tpu.memory_space<vmem>> -> memref<1x1x128x8xf32, #tpu.memory_space<vmem>>
    %dma_wait3A_598 = tpu.memref_squeeze %dma_wait3A_597 : memref<1x1x128x8xf32, #tpu.memory_space<vmem>> -> memref<128x8xf32, #tpu.memory_space<vmem>>
    %dma_wait3A_599 = arith.constant 0 : i32
    %dma_wait3A_600 = arith.constant 0 : i32
    %dma_wait3A_601 = tpu.memref_slice %arg4[%dma_wait3A_599, %dma_wait3A_600] : memref<100096x8xf32, #tpu.memory_space<hbm>> -> memref<128x8xf32, #tpu.memory_space<hbm>>
    tpu.wait_dma2 semaphore(%arg12 : memref<!tpu.dma_semaphore, #tpu.memory_space<semaphore_mem>>) src(%dma_wait3A_601 : memref<128x8xf32, #tpu.memory_space<hbm>>) dst(%dma_wait3A_598 : memref<128x8xf32, #tpu.memory_space<vmem>>)
    %dma_wait3A_602 = arith.constant 10 : i32
    %dma_wait3A_603 = arith.constant 0 : i32
    %dma_wait3A_604 = arith.constant 0 : i32
    %dma_wait3A_605 = tpu.memref_slice %arg8[%rem3A_19, %dma_wait3A_602, %dma_wait3A_603, %dma_wait3A_604] : memref<2x16x128x8xf32, #tpu.memory_space<vmem>> -> memref<1x1x128x8xf32, #tpu.memory_space<vmem>>
    %dma_wait3A_606 = tpu.memref_squeeze %dma_wait3A_605 : memref<1x1x128x8xf32, #tpu.memory_space<vmem>> -> memref<128x8xf32, #tpu.memory_space<vmem>>
    %dma_wait3A_607 = arith.constant 0 : i32
    %dma_wait3A_608 = arith.constant 0 : i32
    %dma_wait3A_609 = tpu.memref_slice %arg4[%dma_wait3A_607, %dma_wait3A_608] : memref<100096x8xf32, #tpu.memory_space<hbm>> -> memref<128x8xf32, #tpu.memory_space<hbm>>
    %dma_wait3A_610 = arith.constant 0 : i32
    %dma_wait3A_611 = arith.constant 0 : i32
    %dma_wait3A_612 = tpu.memref_slice %arg8[%rem3A_19, %dma_wait3A_602, %dma_wait3A_610, %dma_wait3A_611] : memref<2x16x128x8xf32, #tpu.memory_space<vmem>> -> memref<1x1x128x8xf32, #tpu.memory_space<vmem>>
    %dma_wait3A_613 = tpu.memref_squeeze %dma_wait3A_612 : memref<1x1x128x8xf32, #tpu.memory_space<vmem>> -> memref<128x8xf32, #tpu.memory_space<vmem>>
    %dma_wait3A_614 = arith.constant 0 : i32
    %dma_wait3A_615 = arith.constant 0 : i32
    %dma_wait3A_616 = tpu.memref_slice %arg4[%dma_wait3A_614, %dma_wait3A_615] : memref<100096x8xf32, #tpu.memory_space<hbm>> -> memref<128x8xf32, #tpu.memory_space<hbm>>
    tpu.wait_dma2 semaphore(%arg12 : memref<!tpu.dma_semaphore, #tpu.memory_space<semaphore_mem>>) src(%dma_wait3A_616 : memref<128x8xf32, #tpu.memory_space<hbm>>) dst(%dma_wait3A_613 : memref<128x8xf32, #tpu.memory_space<vmem>>)
    %dma_wait3A_617 = arith.constant 11 : i32
    %dma_wait3A_618 = arith.constant 0 : i32
    %dma_wait3A_619 = arith.constant 0 : i32
    %dma_wait3A_620 = tpu.memref_slice %arg8[%rem3A_19, %dma_wait3A_617, %dma_wait3A_618, %dma_wait3A_619] : memref<2x16x128x8xf32, #tpu.memory_space<vmem>> -> memref<1x1x128x8xf32, #tpu.memory_space<vmem>>
    %dma_wait3A_621 = tpu.memref_squeeze %dma_wait3A_620 : memref<1x1x128x8xf32, #tpu.memory_space<vmem>> -> memref<128x8xf32, #tpu.memory_space<vmem>>
    %dma_wait3A_622 = arith.constant 0 : i32
    %dma_wait3A_623 = arith.constant 0 : i32
    %dma_wait3A_624 = tpu.memref_slice %arg4[%dma_wait3A_622, %dma_wait3A_623] : memref<100096x8xf32, #tpu.memory_space<hbm>> -> memref<128x8xf32, #tpu.memory_space<hbm>>
    %dma_wait3A_625 = arith.constant 0 : i32
    %dma_wait3A_626 = arith.constant 0 : i32
    %dma_wait3A_627 = tpu.memref_slice %arg8[%rem3A_19, %dma_wait3A_617, %dma_wait3A_625, %dma_wait3A_626] : memref<2x16x128x8xf32, #tpu.memory_space<vmem>> -> memref<1x1x128x8xf32, #tpu.memory_space<vmem>>
    %dma_wait3A_628 = tpu.memref_squeeze %dma_wait3A_627 : memref<1x1x128x8xf32, #tpu.memory_space<vmem>> -> memref<128x8xf32, #tpu.memory_space<vmem>>
    %dma_wait3A_629 = arith.constant 0 : i32
    %dma_wait3A_630 = arith.constant 0 : i32
    %dma_wait3A_631 = tpu.memref_slice %arg4[%dma_wait3A_629, %dma_wait3A_630] : memref<100096x8xf32, #tpu.memory_space<hbm>> -> memref<128x8xf32, #tpu.memory_space<hbm>>
    tpu.wait_dma2 semaphore(%arg12 : memref<!tpu.dma_semaphore, #tpu.memory_space<semaphore_mem>>) src(%dma_wait3A_631 : memref<128x8xf32, #tpu.memory_space<hbm>>) dst(%dma_wait3A_628 : memref<128x8xf32, #tpu.memory_space<vmem>>)
    %dma_wait3A_632 = arith.constant 12 : i32
    %dma_wait3A_633 = arith.constant 0 : i32
    %dma_wait3A_634 = arith.constant 0 : i32
    %dma_wait3A_635 = tpu.memref_slice %arg8[%rem3A_19, %dma_wait3A_632, %dma_wait3A_633, %dma_wait3A_634] : memref<2x16x128x8xf32, #tpu.memory_space<vmem>> -> memref<1x1x128x8xf32, #tpu.memory_space<vmem>>
    %dma_wait3A_636 = tpu.memref_squeeze %dma_wait3A_635 : memref<1x1x128x8xf32, #tpu.memory_space<vmem>> -> memref<128x8xf32, #tpu.memory_space<vmem>>
    %dma_wait3A_637 = arith.constant 0 : i32
    %dma_wait3A_638 = arith.constant 0 : i32
    %dma_wait3A_639 = tpu.memref_slice %arg4[%dma_wait3A_637, %dma_wait3A_638] : memref<100096x8xf32, #tpu.memory_space<hbm>> -> memref<128x8xf32, #tpu.memory_space<hbm>>
    %dma_wait3A_640 = arith.constant 0 : i32
    %dma_wait3A_641 = arith.constant 0 : i32
    %dma_wait3A_642 = tpu.memref_slice %arg8[%rem3A_19, %dma_wait3A_632, %dma_wait3A_640, %dma_wait3A_641] : memref<2x16x128x8xf32, #tpu.memory_space<vmem>> -> memref<1x1x128x8xf32, #tpu.memory_space<vmem>>
    %dma_wait3A_643 = tpu.memref_squeeze %dma_wait3A_642 : memref<1x1x128x8xf32, #tpu.memory_space<vmem>> -> memref<128x8xf32, #tpu.memory_space<vmem>>
    %dma_wait3A_644 = arith.constant 0 : i32
    %dma_wait3A_645 = arith.constant 0 : i32
    %dma_wait3A_646 = tpu.memref_slice %arg4[%dma_wait3A_644, %dma_wait3A_645] : memref<100096x8xf32, #tpu.memory_space<hbm>> -> memref<128x8xf32, #tpu.memory_space<hbm>>
    tpu.wait_dma2 semaphore(%arg12 : memref<!tpu.dma_semaphore, #tpu.memory_space<semaphore_mem>>) src(%dma_wait3A_646 : memref<128x8xf32, #tpu.memory_space<hbm>>) dst(%dma_wait3A_643 : memref<128x8xf32, #tpu.memory_space<vmem>>)
    %dma_wait3A_647 = arith.constant 13 : i32
    %dma_wait3A_648 = arith.constant 0 : i32
    %dma_wait3A_649 = arith.constant 0 : i32
    %dma_wait3A_650 = tpu.memref_slice %arg8[%rem3A_19, %dma_wait3A_647, %dma_wait3A_648, %dma_wait3A_649] : memref<2x16x128x8xf32, #tpu.memory_space<vmem>> -> memref<1x1x128x8xf32, #tpu.memory_space<vmem>>
    %dma_wait3A_651 = tpu.memref_squeeze %dma_wait3A_650 : memref<1x1x128x8xf32, #tpu.memory_space<vmem>> -> memref<128x8xf32, #tpu.memory_space<vmem>>
    %dma_wait3A_652 = arith.constant 0 : i32
    %dma_wait3A_653 = arith.constant 0 : i32
    %dma_wait3A_654 = tpu.memref_slice %arg4[%dma_wait3A_652, %dma_wait3A_653] : memref<100096x8xf32, #tpu.memory_space<hbm>> -> memref<128x8xf32, #tpu.memory_space<hbm>>
    %dma_wait3A_655 = arith.constant 0 : i32
    %dma_wait3A_656 = arith.constant 0 : i32
    %dma_wait3A_657 = tpu.memref_slice %arg8[%rem3A_19, %dma_wait3A_647, %dma_wait3A_655, %dma_wait3A_656] : memref<2x16x128x8xf32, #tpu.memory_space<vmem>> -> memref<1x1x128x8xf32, #tpu.memory_space<vmem>>
    %dma_wait3A_658 = tpu.memref_squeeze %dma_wait3A_657 : memref<1x1x128x8xf32, #tpu.memory_space<vmem>> -> memref<128x8xf32, #tpu.memory_space<vmem>>
    %dma_wait3A_659 = arith.constant 0 : i32
    %dma_wait3A_660 = arith.constant 0 : i32
    %dma_wait3A_661 = tpu.memref_slice %arg4[%dma_wait3A_659, %dma_wait3A_660] : memref<100096x8xf32, #tpu.memory_space<hbm>> -> memref<128x8xf32, #tpu.memory_space<hbm>>
    tpu.wait_dma2 semaphore(%arg12 : memref<!tpu.dma_semaphore, #tpu.memory_space<semaphore_mem>>) src(%dma_wait3A_661 : memref<128x8xf32, #tpu.memory_space<hbm>>) dst(%dma_wait3A_658 : memref<128x8xf32, #tpu.memory_space<vmem>>)
    %dma_wait3A_662 = arith.constant 14 : i32
    %dma_wait3A_663 = arith.constant 0 : i32
    %dma_wait3A_664 = arith.constant 0 : i32
    %dma_wait3A_665 = tpu.memref_slice %arg8[%rem3A_19, %dma_wait3A_662, %dma_wait3A_663, %dma_wait3A_664] : memref<2x16x128x8xf32, #tpu.memory_space<vmem>> -> memref<1x1x128x8xf32, #tpu.memory_space<vmem>>
    %dma_wait3A_666 = tpu.memref_squeeze %dma_wait3A_665 : memref<1x1x128x8xf32, #tpu.memory_space<vmem>> -> memref<128x8xf32, #tpu.memory_space<vmem>>
    %dma_wait3A_667 = arith.constant 0 : i32
    %dma_wait3A_668 = arith.constant 0 : i32
    %dma_wait3A_669 = tpu.memref_slice %arg4[%dma_wait3A_667, %dma_wait3A_668] : memref<100096x8xf32, #tpu.memory_space<hbm>> -> memref<128x8xf32, #tpu.memory_space<hbm>>
    %dma_wait3A_670 = arith.constant 0 : i32
    %dma_wait3A_671 = arith.constant 0 : i32
    %dma_wait3A_672 = tpu.memref_slice %arg8[%rem3A_19, %dma_wait3A_662, %dma_wait3A_670, %dma_wait3A_671] : memref<2x16x128x8xf32, #tpu.memory_space<vmem>> -> memref<1x1x128x8xf32, #tpu.memory_space<vmem>>
    %dma_wait3A_673 = tpu.memref_squeeze %dma_wait3A_672 : memref<1x1x128x8xf32, #tpu.memory_space<vmem>> -> memref<128x8xf32, #tpu.memory_space<vmem>>
    %dma_wait3A_674 = arith.constant 0 : i32
    %dma_wait3A_675 = arith.constant 0 : i32
    %dma_wait3A_676 = tpu.memref_slice %arg4[%dma_wait3A_674, %dma_wait3A_675] : memref<100096x8xf32, #tpu.memory_space<hbm>> -> memref<128x8xf32, #tpu.memory_space<hbm>>
    tpu.wait_dma2 semaphore(%arg12 : memref<!tpu.dma_semaphore, #tpu.memory_space<semaphore_mem>>) src(%dma_wait3A_676 : memref<128x8xf32, #tpu.memory_space<hbm>>) dst(%dma_wait3A_673 : memref<128x8xf32, #tpu.memory_space<vmem>>)
    %dma_wait3A_677 = arith.constant 15 : i32
    %dma_wait3A_678 = arith.constant 0 : i32
    %dma_wait3A_679 = arith.constant 0 : i32
    %dma_wait3A_680 = tpu.memref_slice %arg8[%rem3A_19, %dma_wait3A_677, %dma_wait3A_678, %dma_wait3A_679] : memref<2x16x128x8xf32, #tpu.memory_space<vmem>> -> memref<1x1x128x8xf32, #tpu.memory_space<vmem>>
    %dma_wait3A_681 = tpu.memref_squeeze %dma_wait3A_680 : memref<1x1x128x8xf32, #tpu.memory_space<vmem>> -> memref<128x8xf32, #tpu.memory_space<vmem>>
    %dma_wait3A_682 = arith.constant 0 : i32
    %dma_wait3A_683 = arith.constant 0 : i32
    %dma_wait3A_684 = tpu.memref_slice %arg4[%dma_wait3A_682, %dma_wait3A_683] : memref<100096x8xf32, #tpu.memory_space<hbm>> -> memref<128x8xf32, #tpu.memory_space<hbm>>
    %dma_wait3A_685 = arith.constant 0 : i32
    %dma_wait3A_686 = arith.constant 0 : i32
    %dma_wait3A_687 = tpu.memref_slice %arg8[%rem3A_19, %dma_wait3A_677, %dma_wait3A_685, %dma_wait3A_686] : memref<2x16x128x8xf32, #tpu.memory_space<vmem>> -> memref<1x1x128x8xf32, #tpu.memory_space<vmem>>
    %dma_wait3A_688 = tpu.memref_squeeze %dma_wait3A_687 : memref<1x1x128x8xf32, #tpu.memory_space<vmem>> -> memref<128x8xf32, #tpu.memory_space<vmem>>
    %dma_wait3A_689 = arith.constant 0 : i32
    %dma_wait3A_690 = arith.constant 0 : i32
    %dma_wait3A_691 = tpu.memref_slice %arg4[%dma_wait3A_689, %dma_wait3A_690] : memref<100096x8xf32, #tpu.memory_space<hbm>> -> memref<128x8xf32, #tpu.memory_space<hbm>>
    tpu.wait_dma2 semaphore(%arg12 : memref<!tpu.dma_semaphore, #tpu.memory_space<semaphore_mem>>) src(%dma_wait3A_691 : memref<128x8xf32, #tpu.memory_space<hbm>>) dst(%dma_wait3A_688 : memref<128x8xf32, #tpu.memory_space<vmem>>)
    %barrier3A_692 = arith.constant 0 : index
    tpu.barrier barrier_id(%barrier3A_692)
    %mul3A_693 = arith.constant 6256 : i32
    %mul3A_694 = arith.muli %arg1, %mul3A_693 : i32
    %mul3A_695 = arith.constant 6256 : i32
    %mul3A_696 = arith.muli %arg1, %mul3A_695 : i32
    "tpu.region"() ({
      %run_scoped3A = tpu.sem_alloc : memref<!tpu.dma_semaphore, #tpu.memory_space<semaphore_mem>>
      %dma_start3A_697 = arith.constant 0 : i32
      %dma_start3A_698 = tpu.memref_slice %arg5[%arg0, %mul3A_696, %dma_start3A_697] : memref<2x100096x8xf32, #tpu.memory_space<hbm>> -> memref<1x6256x8xf32, #tpu.memory_space<hbm>>
      %dma_start3A_699 = tpu.memref_squeeze %dma_start3A_698 : memref<1x6256x8xf32, #tpu.memory_space<hbm>> -> memref<6256x8xf32, #tpu.memory_space<hbm>>
      %dma_start3A_700 = arith.constant 0 : i32
      %dma_start3A_701 = tpu.memref_slice %arg9[%mul3A_694, %dma_start3A_700] : memref<100096x8xf32, #tpu.memory_space<vmem_shared>> -> memref<6256x8xf32, #tpu.memory_space<vmem_shared>>
      tpu.enqueue_dma source(%dma_start3A_701 : memref<6256x8xf32, #tpu.memory_space<vmem_shared>>) target(%dma_start3A_699 : memref<6256x8xf32, #tpu.memory_space<hbm>>) target_semaphore(%run_scoped3A : memref<!tpu.dma_semaphore, #tpu.memory_space<semaphore_mem>>)
      %dma_wait3A_702 = arith.constant 0 : i32
      %dma_wait3A_703 = tpu.memref_slice %arg5[%arg0, %mul3A_696, %dma_wait3A_702] : memref<2x100096x8xf32, #tpu.memory_space<hbm>> -> memref<1x6256x8xf32, #tpu.memory_space<hbm>>
      %dma_wait3A_704 = tpu.memref_squeeze %dma_wait3A_703 : memref<1x6256x8xf32, #tpu.memory_space<hbm>> -> memref<6256x8xf32, #tpu.memory_space<hbm>>
      %dma_wait3A_705 = arith.constant 0 : i32
      %dma_wait3A_706 = tpu.memref_slice %arg9[%mul3A_694, %dma_wait3A_705] : memref<100096x8xf32, #tpu.memory_space<vmem_shared>> -> memref<6256x8xf32, #tpu.memory_space<vmem_shared>>
      tpu.wait_dma2 semaphore(%run_scoped3A : memref<!tpu.dma_semaphore, #tpu.memory_space<semaphore_mem>>) src(%dma_wait3A_706 : memref<6256x8xf32, #tpu.memory_space<vmem_shared>>) dst(%dma_wait3A_704 : memref<6256x8xf32, #tpu.memory_space<hbm>>)
      tpu.yield
    }) : () -> ()
    return
  }
}

module attributes {stable_mosaic.version = 14 : i64} {
  func.func @_mlp_pool_body(%arg0: i32, %arg1: memref<2000x4xf32, #tpu.memory_space<vmem>>, %arg2: memref<1x2000x8xf32, #tpu.memory_space<vmem>>, %arg3: memref<1x2000x8xf32, #tpu.memory_space<vmem>>, %arg4: memref<1x1x2000xi32, #tpu.memory_space<vmem>>, %arg5: memref<4x64xf32, #tpu.memory_space<vmem>>, %arg6: memref<1x64xf32, #tpu.memory_space<vmem>>, %arg7: memref<64x64xf32, #tpu.memory_space<vmem>>, %arg8: memref<1x64xf32, #tpu.memory_space<vmem>>, %arg9: memref<64x128xf32, #tpu.memory_space<vmem>>, %arg10: memref<1x128xf32, #tpu.memory_space<vmem>>, %arg11: memref<128x128xf32, #tpu.memory_space<vmem>>, %arg12: memref<128x65xf32, #tpu.memory_space<vmem>>) attributes {dimension_semantics = [#tpu.dimension_semantics<arbitrary>], iteration_bounds = array<i64: 50>, scalar_prefetch = 0 : i64, scratch_operands = 1 : i64, tpu.core_type = #tpu.core_type<tc>, window_params = [{transform_indices = @transform_0, window_bounds = array<i64: 2000, 4>}, {transform_indices = @transform_1, window_bounds = array<i64: 1, 2000, 8>}, {transform_indices = @transform_2, window_bounds = array<i64: 1, 2000, 8>}, {transform_indices = @transform_3, window_bounds = array<i64: 1, 1, 2000>}, {pipeline_mode = #tpu.pipeline_mode<synchronous>, transform_indices = @transform_4, window_bounds = array<i64: 4, 64>}, {pipeline_mode = #tpu.pipeline_mode<synchronous>, transform_indices = @transform_5, window_bounds = array<i64: 1, 64>}, {pipeline_mode = #tpu.pipeline_mode<synchronous>, transform_indices = @transform_6, window_bounds = array<i64: 64, 64>}, {pipeline_mode = #tpu.pipeline_mode<synchronous>, transform_indices = @transform_7, window_bounds = array<i64: 1, 64>}, {pipeline_mode = #tpu.pipeline_mode<synchronous>, transform_indices = @transform_8, window_bounds = array<i64: 64, 128>}, {pipeline_mode = #tpu.pipeline_mode<synchronous>, transform_indices = @transform_9, window_bounds = array<i64: 1, 128>}, {pipeline_mode = #tpu.pipeline_mode<synchronous>, transform_indices = @transform_10, window_bounds = array<i64: 128, 128>}]} {
    %eq3A = arith.constant 0 : i32
    %eq3A_0 = arith.cmpi eq, %arg0, %eq3A : i32
    %convert_element_type3A = arith.extui %eq3A_0 : i1 to i32
    %cond3A = arith.constant 0 : i32
    %cond3A_1 = arith.cmpi ne, %convert_element_type3A, %cond3A : i32
    scf.if %cond3A_1 {
      %broadcast_in_dim3A_61 = arith.constant 0.000000e+00 : f32
      %broadcast_in_dim3A_62 = vector.broadcast %broadcast_in_dim3A_61 : f32 to vector<128x65xf32>
      %swap3A_63 = arith.constant 0 : index
      %swap3A_64 = arith.constant 0 : index
      %swap3A_65 = vector.load %arg12[%swap3A_63, %swap3A_64] : memref<128x65xf32, #tpu.memory_space<vmem>>, vector<128x65xf32>
      tpu.vector_store %arg12[%swap3A_63, %swap3A_64], %broadcast_in_dim3A_62 {strides = array<i32>} : memref<128x65xf32, #tpu.memory_space<vmem>>, vector<128x65xf32>,
    } else {
    }
    %get3A = arith.constant 0 : index
    %get3A_2 = arith.constant 0 : index
    %get3A_3 = vector.load %arg1[%get3A, %get3A_2] : memref<2000x4xf32, #tpu.memory_space<vmem>>, vector<2000x4xf32>
    %get3A_4 = arith.constant 0 : index
    %get3A_5 = arith.constant 0 : index
    %get3A_6 = arith.constant 0 : index
    %get3A_7 = vector.load %arg2[%get3A_4, %get3A_5, %get3A_6] : memref<1x2000x8xf32, #tpu.memory_space<vmem>>, vector<1x2000x8xf32>
    %get3A_8 = vector.shape_cast %get3A_7 : vector<1x2000x8xf32> to vector<2000x8xf32>
    %slice3A = vector.extract_strided_slice %get3A_8 {offsets = [0, 0], sizes = [2000, 4], strides = [1, 1]} : vector<2000x8xf32> to vector<2000x4xf32>
    %add3A = arith.addf %get3A_3, %slice3A : vector<2000x4xf32>
    %get3A_9 = arith.constant 0 : index
    %get3A_10 = arith.constant 0 : index
    %get3A_11 = arith.constant 0 : index
    %get3A_12 = vector.load %arg3[%get3A_9, %get3A_10, %get3A_11] : memref<1x2000x8xf32, #tpu.memory_space<vmem>>, vector<1x2000x8xf32>
    %get3A_13 = vector.shape_cast %get3A_12 : vector<1x2000x8xf32> to vector<2000x8xf32>
    %slice3A_14 = vector.extract_strided_slice %get3A_13 {offsets = [0, 0], sizes = [2000, 4], strides = [1, 1]} : vector<2000x8xf32> to vector<2000x4xf32>
    %add3A_15 = arith.addf %add3A, %slice3A_14 : vector<2000x4xf32>
    %get3A_16 = arith.constant 0 : index
    %get3A_17 = arith.constant 0 : index
    %get3A_18 = vector.load %arg5[%get3A_16, %get3A_17] : memref<4x64xf32, #tpu.memory_space<vmem>>, vector<4x64xf32>
    %dot_general3A = arith.constant dense<0.000000e+00> : vector<2000x64xf32>
    %dot_general3A_19 = tpu.matmul %add3A_15, %get3A_18, %dot_general3A {dimension_numbers = #tpu.dot_dimension_numbers<[1], [0], [0], [1], [0, 0, 1, 1], [], []>, transpose_lhs_hint = false} : vector<2000x4xf32>, vector<4x64xf32>, vector<2000x64xf32> -> vector<2000x64xf32>
    %get3A_20 = arith.constant 0 : index
    %get3A_21 = arith.constant 0 : index
    %get3A_22 = vector.load %arg6[%get3A_20, %get3A_21] : memref<1x64xf32, #tpu.memory_space<vmem>>, vector<1x64xf32>
    %add3A_23 = vector.broadcast %get3A_22 : vector<1x64xf32> to vector<2000x64xf32>
    %add3A_24 = arith.addf %dot_general3A_19, %add3A_23 : vector<2000x64xf32>
    %max3A = arith.constant 0.000000e+00 : f32
    %max3A_25 = vector.broadcast %max3A : f32 to vector<2000x64xf32>
    %max3A_26 = arith.maximumf %add3A_24, %max3A_25 : vector<2000x64xf32>
    %get3A_27 = arith.constant 0 : index
    %get3A_28 = arith.constant 0 : index
    %get3A_29 = vector.load %arg7[%get3A_27, %get3A_28] : memref<64x64xf32, #tpu.memory_space<vmem>>, vector<64x64xf32>
    %dot_general3A_30 = arith.constant dense<0.000000e+00> : vector<2000x64xf32>
    %dot_general3A_31 = tpu.matmul %max3A_26, %get3A_29, %dot_general3A_30 {dimension_numbers = #tpu.dot_dimension_numbers<[1], [0], [0], [1], [0, 0, 1, 1], [], []>, transpose_lhs_hint = false} : vector<2000x64xf32>, vector<64x64xf32>, vector<2000x64xf32> -> vector<2000x64xf32>
    %get3A_32 = arith.constant 0 : index
    %get3A_33 = arith.constant 0 : index
    %get3A_34 = vector.load %arg8[%get3A_32, %get3A_33] : memref<1x64xf32, #tpu.memory_space<vmem>>, vector<1x64xf32>
    %add3A_35 = vector.broadcast %get3A_34 : vector<1x64xf32> to vector<2000x64xf32>
    %add3A_36 = arith.addf %dot_general3A_31, %add3A_35 : vector<2000x64xf32>
    %get3A_37 = arith.constant 0 : index
    %get3A_38 = arith.constant 0 : index
    %get3A_39 = arith.constant 0 : index
    %get3A_40 = vector.load %arg4[%get3A_37, %get3A_38, %get3A_39] : memref<1x1x2000xi32, #tpu.memory_space<vmem>>, vector<1x1x2000xi32>
    %get3A_41 = vector.shape_cast %get3A_40 : vector<1x1x2000xi32> to vector<2000xi32>
    %broadcast_in_dim3A = vector.shape_cast %get3A_41 : vector<2000xi32> to vector<2000x1xi32>
    %iota3A = tpu.iota {dimensions = array<i32: 1>} : vector<2000x128xi32>
    %eq3A_42 = vector.broadcast %broadcast_in_dim3A : vector<2000x1xi32> to vector<2000x128xi32>
    %eq3A_43 = arith.cmpi eq, %eq3A_42, %iota3A : vector<2000x128xi32>
    %convert_element_type3A_44 = arith.extui %eq3A_43 : vector<2000x128xi1> to vector<2000x128xi32>
    %convert_element_type3A_45 = arith.sitofp %convert_element_type3A_44 : vector<2000x128xi32> to vector<2000x128xf32>
    %broadcast_in_dim3A_46 = arith.constant 1.000000e+00 : f32
    %broadcast_in_dim3A_47 = vector.broadcast %broadcast_in_dim3A_46 : f32 to vector<2000x1xf32>
    %concatenate3A = tpu.concatenate %add3A_36, %broadcast_in_dim3A_47 in 1 : vector<2000x64xf32>, vector<2000x1xf32> -> vector<2000x65xf32>
    %get3A_48 = arith.constant 0 : index
    %get3A_49 = arith.constant 0 : index
    %get3A_50 = vector.load %arg12[%get3A_48, %get3A_49] : memref<128x65xf32, #tpu.memory_space<vmem>>, vector<128x65xf32>
    %dot_general3A_51 = arith.constant dense<0.000000e+00> : vector<128x65xf32>
    %dot_general3A_52 = tpu.matmul %convert_element_type3A_45, %concatenate3A, %dot_general3A_51 {dimension_numbers = #tpu.dot_dimension_numbers<[0], [0], [1], [1], [0, 1, 1, 1], [], []>, transpose_lhs_hint = false} : vector<2000x128xf32>, vector<2000x65xf32>, vector<128x65xf32> -> vector<128x65xf32>
    %add3A_53 = arith.addf %get3A_50, %dot_general3A_52 : vector<128x65xf32>
    %swap3A = arith.constant 0 : index
    %swap3A_54 = arith.constant 0 : index
    %swap3A_55 = vector.load %arg12[%swap3A, %swap3A_54] : memref<128x65xf32, #tpu.memory_space<vmem>>, vector<128x65xf32>
    tpu.vector_store %arg12[%swap3A, %swap3A_54], %add3A_53 {strides = array<i32>} : memref<128x65xf32, #tpu.memory_space<vmem>>, vector<128x65xf32>,
    %eq3A_56 = arith.constant 49 : i32
    %eq3A_57 = arith.cmpi eq, %arg0, %eq3A_56 : i32
    %convert_element_type3A_58 = arith.extui %eq3A_57 : i1 to i32
    %cond3A_59 = arith.constant 0 : i32
    %cond3A_60 = arith.cmpi ne, %convert_element_type3A_58, %cond3A_59 : i32
    scf.if %cond3A_60 {
      %get3A_61 = arith.constant 0 : index
      %get3A_62 = arith.constant 0 : index
      %get3A_63 = vector.load %arg12[%get3A_61, %get3A_62] : memref<128x65xf32, #tpu.memory_space<vmem>>, vector<128x65xf32>
      %slice3A_64 = vector.extract_strided_slice %get3A_63 {offsets = [0, 64], sizes = [128, 1], strides = [1, 1]} : vector<128x65xf32> to vector<128x1xf32>
      %jit3A = arith.constant 1.000000e+00 : f32
      %max3A_65 = vector.broadcast %jit3A : f32 to vector<128x1xf32>
      %max3A_66 = arith.maximumf %max3A_65, %slice3A_64 : vector<128x1xf32>
      %slice3A_67 = vector.extract_strided_slice %get3A_63 {offsets = [0, 0], sizes = [128, 64], strides = [1, 1]} : vector<128x65xf32> to vector<128x64xf32>
      %div3A = vector.broadcast %max3A_66 : vector<128x1xf32> to vector<128x64xf32>
      %div3A_68 = arith.divf %slice3A_67, %div3A : vector<128x64xf32>
      %get3A_69 = arith.constant 0 : index
      %get3A_70 = arith.constant 0 : index
      %get3A_71 = vector.load %arg9[%get3A_69, %get3A_70] : memref<64x128xf32, #tpu.memory_space<vmem>>, vector<64x128xf32>
      %dot_general3A_72 = arith.constant dense<0.000000e+00> : vector<128x128xf32>
      %dot_general3A_73 = tpu.matmul %div3A_68, %get3A_71, %dot_general3A_72 {dimension_numbers = #tpu.dot_dimension_numbers<[1], [0], [0], [1], [0, 0, 1, 1], [], []>, transpose_lhs_hint = false} : vector<128x64xf32>, vector<64x128xf32>, vector<128x128xf32> -> vector<128x128xf32>
      %get3A_74 = arith.constant 0 : index
      %get3A_75 = arith.constant 0 : index
      %get3A_76 = vector.load %arg10[%get3A_74, %get3A_75] : memref<1x128xf32, #tpu.memory_space<vmem>>, vector<1x128xf32>
      %add3A_77 = vector.broadcast %get3A_76 : vector<1x128xf32> to vector<128x128xf32>
      %add3A_78 = arith.addf %dot_general3A_73, %add3A_77 : vector<128x128xf32>
      %swap3A_79 = arith.constant 0 : index
      %swap3A_80 = arith.constant 0 : index
      %swap3A_81 = vector.load %arg11[%swap3A_79, %swap3A_80] : memref<128x128xf32, #tpu.memory_space<vmem>>, vector<128x128xf32>
      tpu.vector_store %arg11[%swap3A_79, %swap3A_80], %add3A_78 {strides = array<i32>} : memref<128x128xf32, #tpu.memory_space<vmem>>, vector<128x128xf32>,
    } else {
    }
    return
  }
  func.func @transform_0(%arg0: i32) -> (i32, i32) {
    %c0_i32 = arith.constant 0 : i32
    %c0_i32_0 = arith.constant 0 : i32
    return %arg0, %c0_i32 : i32, i32
  }
  func.func @transform_1(%arg0: i32) -> (i32, i32, i32) {
    %c0_i32 = arith.constant 0 : i32
    %c0_i32_0 = arith.constant 0 : i32
    %c0_i32_1 = arith.constant 0 : i32
    return %c0_i32, %arg0, %c0_i32_0 : i32, i32, i32
  }
  func.func @transform_2(%arg0: i32) -> (i32, i32, i32) {
    %c1_i32 = arith.constant 1 : i32
    %c0_i32 = arith.constant 0 : i32
    %c0_i32_0 = arith.constant 0 : i32
    return %c1_i32, %arg0, %c0_i32 : i32, i32, i32
  }
  func.func @transform_3(%arg0: i32) -> (i32, i32, i32) {
    %c0_i32 = arith.constant 0 : i32
    %c0_i32_0 = arith.constant 0 : i32
    %c0_i32_1 = arith.constant 0 : i32
    return %arg0, %c0_i32, %c0_i32_0 : i32, i32, i32
  }
  func.func @transform_4(%arg0: i32) -> (i32, i32) {
    %c0_i32 = arith.constant 0 : i32
    %c0_i32_0 = arith.constant 0 : i32
    %c0_i32_1 = arith.constant 0 : i32
    return %c0_i32, %c0_i32_0 : i32, i32
  }
  func.func @transform_5(%arg0: i32) -> (i32, i32) {
    %c0_i32 = arith.constant 0 : i32
    %c0_i32_0 = arith.constant 0 : i32
    %c0_i32_1 = arith.constant 0 : i32
    return %c0_i32, %c0_i32_0 : i32, i32
  }
  func.func @transform_6(%arg0: i32) -> (i32, i32) {
    %c0_i32 = arith.constant 0 : i32
    %c0_i32_0 = arith.constant 0 : i32
    %c0_i32_1 = arith.constant 0 : i32
    return %c0_i32, %c0_i32_0 : i32, i32
  }
  func.func @transform_7(%arg0: i32) -> (i32, i32) {
    %c0_i32 = arith.constant 0 : i32
    %c0_i32_0 = arith.constant 0 : i32
    %c0_i32_1 = arith.constant 0 : i32
    return %c0_i32, %c0_i32_0 : i32, i32
  }
  func.func @transform_8(%arg0: i32) -> (i32, i32) {
    %c0_i32 = arith.constant 0 : i32
    %c0_i32_0 = arith.constant 0 : i32
    %c0_i32_1 = arith.constant 0 : i32
    return %c0_i32, %c0_i32_0 : i32, i32
  }
  func.func @transform_9(%arg0: i32) -> (i32, i32) {
    %c0_i32 = arith.constant 0 : i32
    %c0_i32_0 = arith.constant 0 : i32
    %c0_i32_1 = arith.constant 0 : i32
    return %c0_i32, %c0_i32_0 : i32, i32
  }
  func.func @transform_10(%arg0: i32) -> (i32, i32) {
    %c0_i32 = arith.constant 0 : i32
    %c0_i32_0 = arith.constant 0 : i32
    %c0_i32_1 = arith.constant 0 : i32
    return %c0_i32, %c0_i32_0 : i32, i32
  }
}

</mosaic_0001>

<sc_bundles>
// kernel: kernel.4.cloned.1.call-start
scs
__scs_entry_jumppad:
0x0: {  	(pc) =	sbr.rel $0x88, $3  }
0x1: {  	(tag) =	ssettag $0x0;
	lr =	simm.s32 $0x1  }
0x2: {  	[smem:$0x3F98] =	sst lr;
	_ =	strace $0xD0000000  }
0x3: {  	_ = 	snop  }
0x4: {  	_ = 	snop  }
0x5: {  	_ = 	snop  }
0x6: {  	_ = 	snop  }
0x7: {  	_ = 	snop  }
__scs_overlays_trampoline_lowered:
0x8: {  	[smem:$0x3FA7] =	sst s0  }
0x9: {  	[smem:$0x3FA8] =	sst s1  }
0xa: {  	[smem:$0x3FA9] =	sst s2  }
0xb: {  	[smem:$0x3FAA] =	sst s3  }
0xc: {  	[smem:$0x3FAB] =	sst s4  }
0xd: {  	[smem:$0x3FAC] =	sst s5  }
0xe: {  	[smem:$0x3FAD] =	sst s6  }
0xf: {  	[smem:$0x3FAE] =	sst s7  }
0x10: {  	[smem:$0x3FAF] =	sst s8  }
0x11: {  	[smem:$0x3FB0] =	sst s9;
	s0 =	simm.s32 @!p0 $0x0  }
0x12: {  	s1 =	sld [smem:$0x3F96];
	s0 =	simm.s32 @p0 $0x1  }
0x13: {  	[smem:$0x3FB1] =	sst s0;
	s0 =	simm.s32 @!p1 $0x0  }
0x14: {  	s2 =	sld [smem:$0x3F95];
	s0 =	simm.s32 @p1 $0x1  }
0x15: {  	[smem:$0x3FB2] =	sst s0;
	s0 =	simm.s32 @!p2 $0x0  }
0x16: {  	s3 =	sld [smem:$0x3FDB];
	s0 =	simm.s32 @p2 $0x1  }
0x17: {  	s4 =	simm.s32 $0x1BF5;
	[smem:$0x3FB4] =	sst s0  }
0x18: {  	s0 =	sld [smem:$0x3F97];
	_ =	swait.ge [sflag:s4], $0x0  }
0x19: {  	s7 =	sld [smem:$0x3F98]  }
0x1a: {  	s8 =	sadd.s32 $0xFFFFE003, lr  }
0x1b: {  	s9 =	sadd.s32 $0xFFFFFEF7, lr;
	s5 =	simm.s32 $0xFFFFFFFF;
	p2 =	slt.u32 s8, $0xFFFFF086  }
0x1c: {  	p1 =	slt.u32 s9, $0xF7A;
	s5 =	simm.s32 @!p2 $0x0  }
0x1d: {  	s5 =	simm.s32 @p1 $0x1;
	p0 =	seq.s32 s7, s2  }
0x1e: {  	s7 =	smul.u32 @!p0 $0xF7A, s2;
	p2 =	seq.s32 @!p0 s5, $0x0  }
0x1f: {  	s9 =	smul.u32 $0xF7A, s1;
	s8 =	simm.s32 @!p0 $0x1BF5;
	p2 =	por !p2, p0  }
0x20: {  	[sflag:s8] =	ssyncset.s32 @!p0 $0xFFFFF086;
	s6 =	sadd.s32 @!p0 s3, s7;
	s7 =	simm.s32 @!p0 $0x108  }
0x21: {  	s3 =	sadd.s32 s3, s9;
	s6 =	sadd.s32 @!p0 $0x88, s6;
	s7 =	simm.s32 @p2 $0x1082  }
0x22: {  	[simem:s7], [sflag:s8] =	dma.local @!p0 [hbm:s6], $0xF7A  }
0x23: {  	s9 =	sor.u32 $0xD0000000, s2;
	s6 =	simm.s32 $0x108;
	_ =	swait.ge @!p0 [sflag:s8], $0x0  }
0x24: {  	s3 =	sadd.s32 $0x88, s3;
	s6 =	simm.s32 @!p1 $0x1082;
	[sflag:s4] =	ssyncset.s32 $0xFFFFF086  }
0x25: {  	[simem:s6], [sflag:s4] =	dma.local [hbm:s3], $0xF7A  }
0x26: {  	[smem:$0x3F98] =	sst s1;
	(tag) =	ssettag s2;
	_ =	strace s9  }
0x27: {  	s1 =	sld [smem:$0x3FA8]  }
0x28: {  	s2 =	sld [smem:$0x3FA9]  }
0x29: {  	s4 =	sld [smem:$0x3FAB]  }
0x2a: {  	p0 =	seq.s32 s5, $0x0;
	s5 =	sld [smem:$0x3FAC]  }
0x2b: {  	s6 =	sld [smem:$0x3FAD]  }
0x2c: {  	s7 =	sld [smem:$0x3FAE]  }
0x2d: {  	s3 =	simm.s32 $0x108;
	s8 =	sld [smem:$0x3FAF]  }
0x2e: {  	s3 =	simm.s32 @!p0 $0x1082;
	s9 =	sld [smem:$0x3FB0]  }
0x2f: {  	lr =	sadd.s32 s0, s3;
	s0 =	sld [smem:$0x3FA7]  }
0x30: {  	s3 =	sld [smem:$0x3FAA]  }
0x31: {  	[smem:$0x3FB3] =	sst s10  }
0x32: {  	s10 =	sld [smem:$0x3FB1];
	_ =	sdelay $0x3  }
0x33: {  	p0 =	seq.s32 s10, $0x1;
	s10 =	sld [smem:$0x3FB3];
	_ =	sdelay $0x3  }
0x34: {  	[smem:$0x3FB3] =	sst s10  }
0x35: {  	s10 =	sld [smem:$0x3FB2];
	_ =	sdelay $0x3  }
0x36: {  	p1 =	seq.s32 s10, $0x1;
	s10 =	sld [smem:$0x3FB3];
	_ =	sdelay $0x3  }
0x37: {  	[smem:$0x3FB3] =	sst s10  }
0x38: {  	s10 =	sld [smem:$0x3FB4]  }
0x39: {  	_ = 	snop;
	(pc) =	sbr.ind lr, $3  }
0x3a: {  	_ = 	snop  }
0x3b: {  	_ = 	snop  }
0x3c: {  	p2 =	seq.s32 s10, $0x1;
	s10 =	sld [smem:$0x3FB3]  }
0x3d: {  	_ =	shalt  }
0x3e: {  	_ =	shalt  }
0x3f: {  	_ =	shalt  }
0x40: {  	_ =	shalt  }
0x41: {  	_ =	shalt  }
0x42: {  	_ =	shalt  }
0x43: {  	_ =	shalt  }
0x44: {  	_ =	shalt  }
0x45: {  	_ =	shalt  }
0x46: {  	_ =	shalt  }
0x47: {  	_ =	shalt  }
0x48: {  	_ =	shalt  }
0x49: {  	_ =	shalt  }
0x4a: {  	_ =	shalt  }
0x4b: {  	_ =	shalt  }
0x4c: {  	_ =	shalt  }
0x4d: {  	_ =	shalt  }
0x4e: {  	_ =	shalt  }
0x4f: {  	_ =	shalt  }
0x50: {  	_ =	shalt  }
0x51: {  	_ =	shalt  }
0x52: {  	_ =	shalt  }
0x53: {  	_ =	shalt  }
0x54: {  	_ =	shalt  }
0x55: {  	_ =	shalt  }
0x56: {  	_ =	shalt  }
0x57: {  	_ =	shalt  }
0x58: {  	_ =	shalt  }
0x59: {  	_ =	shalt  }
0x5a: {  	_ =	shalt  }
0x5b: {  	_ =	shalt  }
0x5c: {  	_ =	shalt  }
0x5d: {  	_ =	shalt  }
0x5e: {  	_ =	shalt  }
0x5f: {  	_ =	shalt  }
0x60: {  	_ =	shalt  }
0x61: {  	_ =	shalt  }
0x62: {  	_ =	shalt  }
0x63: {  	_ =	shalt  }
0x64: {  	_ =	shalt  }
0x65: {  	_ =	shalt  }
0x66: {  	_ =	shalt  }
0x67: {  	_ =	shalt  }
0x68: {  	_ =	shalt  }
0x69: {  	_ =	shalt  }
0x6a: {  	_ =	shalt  }
0x6b: {  	_ =	shalt  }
0x6c: {  	_ =	shalt  }
0x6d: {  	_ =	shalt  }
0x6e: {  	_ =	shalt  }
0x6f: {  	_ =	shalt  }
0x70: {  	_ =	shalt  }
0x71: {  	_ =	shalt  }
0x72: {  	_ =	shalt  }
0x73: {  	_ =	shalt  }
0x74: {  	_ =	shalt  }
0x75: {  	_ =	shalt  }
0x76: {  	_ =	shalt  }
0x77: {  	_ =	shalt  }
0x78: {  	_ =	shalt  }
0x79: {  	_ =	shalt  }
0x7a: {  	_ =	shalt  }
0x7b: {  	_ =	shalt  }
0x7c: {  	_ =	shalt  }
0x7d: {  	_ =	shalt  }
0x7e: {  	_ =	shalt  }
0x7f: {  	_ =	shalt  }
0x80: {  	_ =	shalt  }
0x81: {  	_ =	shalt  }
0x82: {  	_ =	shalt  }
0x83: {  	_ =	shalt  }
0x84: {  	_ =	shalt  }
0x85: {  	_ =	shalt  }
0x86: {  	_ =	shalt  }
0x87: {  	_ =	shalt  }
.Lfunc_end0:
.L_simem_size_0:
called_computation.1_lowered:
.L_overlay_start_0:
0x88: {  	s2 =	sld [smem:$0x3FD9]  }
0x89: {  	s3 =	sld [smem:$0x3FFE];
	_ =	sdelay $0x1  }
0x8a: {  	s1 =	srdreg.scid  }
0x8b: {  	s0 =	sand.u32 $0x1, s1  }
0x8c: {  	s16 =	sshll.u32 s0, $0xA;
	s2 =	sadd.s32 s3, s2  }
0x8d: {  	s2 =	sadd.s32 s2, s16  }
0x8e: {  	[smem:$0x3FBF] =	sst s2  }
0x8f: {  	_ = 	snop  }
0x90: {  	(tm) =	ssettm $0x1  }
0x91: {  	s17 =	sld [smem:$0x3FFB];
	_ =	sdelay $0x3  }
0x92: {  	_ =	strace s17  }
0x93: {  	s2 =	sld [smem:$0x3FFC];
	_ =	sdelay $0x3  }
0x94: {  	_ =	strace s2  }
0x95: {  	s2 =	sld [smem:$0x3FFD];
	_ =	sdelay $0x3  }
0x96: {  	_ =	strace s2  }
0x97: {  	_ =	strace $0x8FFFFFFF  }
0x98: {  	s18 =	sld [smem:$0x3FDB];
	_ =	sdelay $0x1  }
0x99: {  	s19 =	simm.s32 $_scs_section_size  }
0x9a: {  	s4 =	simm.s32 $_size__tile_overlayer_lowered;
	s5 =	simm.s32 $_tile_overlayer_lowered  }
0x9b: {  	s22 =	simm.s32 $0x1BFF;
	s21 =	sshll.u32 s5, $0x1;
	s2 =	sadd.s32 s19, s18  }
0x9c: {  	s6 =	simm.s32 $0x0;
	s20 =	sshll.u32 s4, $0x1;
	s4 =	sadd.s32 s21, s2  }
0x9d: {  	[timem:s6], [sflag:s22] =	dma.local [hbm:s4], s20  }
0x9e: {  	_ =	swait.ge [sflag:s22], s20  }
0x9f: {  	s3 =	ssub.s32 $0x0, s20;
	[sflag:s22] =	ssyncset.done $0x0  }
0xa0: {  	[sflag:s22] =	ssyncadd.s32 s3;
	_ =	sdelay $0x1  }
0xa1: {  	s23 =	simm.s32 $0x1B8B  }
0xa2: {  	_ =	swait.ge [sflag:s23], $0x1  }
0xa3: {  	[sflag:s23] =	ssyncset.done $0x0  }
0xa4: {  	s25 =	simm.s32 $0x1B8E;
	s24 =	sld [smem:$0x3FFE];
	[sflag:s23] =	ssyncadd.s32 $0xFFFFFFFF  }
0xa5: {  	s26 =	simm.s32 $execute0_lowered;
	[smem:$0x3FD2] =	sst s25  }
0xa6: {  	s4 =	sshll.u32 s26, $0x1;
	_ =	strace $0x80000049;
	[dreg:$0x1] =	wrdreg $0xFFFFFFFF  }
0xa7: {  	s28 =	simm.s32 $_size_execute0_lowered;
	s2 =	sadd.s32 s2, s4;
	[dreg:$0x0] =	wrdreg $0x0  }
0xa8: {  	s4 =	sshll.u32 s28, $0x1;
	[dreg:$0x2] =	wrdreg s2  }
0xa9: {  	[dreg:$0x3] =	wrdreg s4  }
0xaa: {  	[dreg:$0x4] =	wrdreg $0xC0  }
0xab: {  	_ =	task [dreg:s6], $0x5FFFF  }
0xac: {  	[dreg:$0x1] =	wrdreg $0xFFFFFFFF  }
0xad: {  	[dreg:$0x0] =	wrdreg $0x60  }
0xae: {  	[dreg:$0x2] =	wrdreg s24  }
0xaf: {  	[dreg:$0x3] =	wrdreg $0xA0000  }
0xb0: {  	[dreg:$0x4] =	wrdreg $0x9  }
0xb1: {  	_ =	task.clear_ibuf [dreg:s6], $0x5FFFF;
	_ =	strace $0x90000049  }
0xb2: {  	s29 =	simm.s32 $0x9;
	_ =	strace $0x8000004B  }
0xb3: {  	_ =	swait.ge [sflag:s29], $0x1  }
0xb4: {  	[sflag:s29] =	ssyncadd.s32 $0xFFFFFFFF  }
0xb5: {  	_ =	strace $0x9000004B  }
0xb6: {  	_ =	sfence  }
0xb7: {  	s30 =	sld [smem:$0x0];
	_ =	sdelay $0x2  }
0xb8: {  	s31 =	sshll.u32 s1, $0xD;
	s1 =	sshrl.u32 s1, $0x2  }
0xb9: {  	s3 =	sand.u32 $0x4000, s31;
	s1 =	sadd.s32 s1, s30  }
0xba: {  	s0 =	sor.u32 s3, s0;
	s1 =	sshll.u32 s1, $0x11  }
0xbb: {  	s0 =	sor.u32 s1, s0  }
0xbc: {  	s0 =	sadd.s32 $0x8F2B, s0  }
0xbd: {  	[sflag:s0] =	ssyncadd.remote.s32 $0x1  }
0xbe: {  	_ =	sfence.sel $0xFFFF  }
0xbf: {  	[dreg:$0x0] =	wrdreg $0xFFFFFFFF;
	(pc) =	sbr.abs _section_cstart, $3  }
0xc0: {  	[dreg:$0x1] =	wrdreg $0xFFFFFFFF  }
0xc1: {  	_ =	task.clear_ibuf [dreg:s6], $0x2FFFF;
	_ =	strace $0x9FFFFFFF  }
0xc2: {  	(tm) =	ssettm $0x7FFFFFFF  }
0xc3: {  	_ =	shalt  }
tec
execute0_lowered:
.L_overlay_start_1:
0x0: {  	(tag) =	ssettag $0x1  }
0x1: {  	s0 =	rddreg [dreg:$0x0]  }
0x2: {  	s2 =	rddreg [dreg:$0x1];
	s3 =	simm.s32 $0x0;
	s11 =	stileid.u32  }
0x3: {  	s1 =	srdreg.scid;
	[smem:$0x7FF] =	sst s3  }
0x4: {  	s6 =	smul.u32 $0xC380, s11;
	s1 =	sand.u32 $0x1, s1;
	s4 =	sadd.s32 $0x495600, s0  }
0x5: {  	s7 =	sadd.s32 $0x1800, s0;
	s9 =	sshll.u32 s11, $0x1;
	s25 =	smul.u32 $0x62000, s11  }
0x6: {  	_ =	strace $0x8000004A;
	s5 =	smul.u32 $0xC3800, s1;
	s17 =	sor.u32 s1, s9  }
0x7: {  	s18 =	ssub.s32 $0x2, s1;
	s1 =	smul.u32 $0x31000, s1;
	s8 =	sshrl.u32 s6, $0x3  }
0x8: {  	p0 =	seq.s32 s17, $0x1F;
	s20 =	sadd.s32 s6, s2;
	s5 =	sadd.s32 s6, s5  }
0x9: {  	s8 =	sadd.s32 s8, s0;
	[dreg:$0x3] =	wrdreg s20;
	s1 =	sadd.s32 s1, s25  }
0xa: {  	s10 =	sshrl.u32 s5, $0x3;
	s5 =	simm.s32 $0x57;
	s22 =	sadd.s32 $0x30EC00, s8  }
0xb: {  	s15 =	sadd.s32 $0x61A800, s1;
	s1 =	sshrl.u32 s1, $0x3;
	s5 =	simm.s32 @!p0 $0x62  }
0xc: {  	s17 =	sadd.s32 s10, s0;
	[dreg:$0x4] =	wrdreg s22;
	s21 =	sxor.u32 $0xFFFFFFFF, s5  }
0xd: {  	s9 =	sshrl.u32 s15, $0x3;
	s1 =	sadd.s32 s1, s7;
	s0 =	sand.u32 $0x1, s21  }
0xe: {  	s9 =	sadd.s32 s9, s7;
	[dreg:$0x10] =	wrdreg s1;
	s24 =	sshll.u32 s0, $0xE  }
0xf: {  	[dreg:$0xf] =	wrdreg s9;
	s26 =	sor.u32 $0x2000, s24  }
0x10: {  	s28 =	sor.u32 $0x2400, s24;
	[dreg:$0x5] =	wrdreg s26  }
0x11: {  	s29 =	sor.u32 $0x2800, s24;
	[dreg:$0x6] =	wrdreg s28  }
0x12: {  	s30 =	sor.u32 $0x2C00, s24;
	[dreg:$0x7] =	wrdreg s29  }
0x13: {  	s31 =	sor.u32 $0x3000, s24;
	[dreg:$0x8] =	wrdreg s30  }
0x14: {  	s23 =	sshll.u32 s11, $0x6;
	s11 =	sor.u32 $0x3400, s24;
	[dreg:$0x9] =	wrdreg s31  }
0x15: {  	s12 =	sor.u32 $0x3800, s24;
	[dreg:$0xa] =	wrdreg s11  }
0x16: {  	s13 =	sor.u32 $0x3C00, s24;
	[dreg:$0xb] =	wrdreg s12  }
0x17: {  	s14 =	sadd.s32 $0x4000, s24;
	[dreg:$0xc] =	wrdreg s13  }
0x18: {  	s19 =	sshrl.u32 s18, $0x1;
	s16 =	sadd.s32 $0x4400, s24;
	[dreg:$0xd] =	wrdreg s14  }
0x19: {  	s18 =	ssub.s32 s18, s19;
	s19 =	sadd.s32 $0x4800, s24;
	[dreg:$0xe] =	wrdreg s16  }
0x1a: {  	s20 =	sadd.s32 $0x4C00, s24;
	[dreg:$0x11] =	wrdreg s19  }
0x1b: {  	s21 =	sadd.s32 $0x5000, s24;
	[dreg:$0x12] =	wrdreg s20  }
0x1c: {  	s22 =	sadd.s32 $0x5400, s24;
	[dreg:$0x13] =	wrdreg s21  }
0x1d: {  	s8 =	sor.u32 $0x1C04, s23;
	s23 =	sadd.s32 $0x5800, s24;
	[dreg:$0x14] =	wrdreg s22  }
0x1e: {  	s18 =	smax.u32 s18, $0x1;
	s24 =	sadd.s32 $0x5C00, s24;
	[dreg:$0x15] =	wrdreg s23  }
0x1f: {  	s17 =	sadd.s32 $0x327400, s17;
	[dreg:$0x16] =	wrdreg s24;
	s16 =	sshll.u32 s0, $0xB  }
0x20: {  	s21 =	simm.s32 $0x4;
	s22 =	simm.s32 $0x3;
	s23 =	simm.s32 $0x2  }
0x21: {  	s19 =	simm.s32 $0x80;
	s24 =	simm.s32 $0x1;
	s20 =	simm.s32 $0x0  }
0x22: {  	s0 =	sor.u32 $0x1000, s16;
	s25 =	sor.u32 $0x1080, s16;
	s26 =	sor.u32 $0x1100, s16  }
0x23: {  	s28 =	sor.u32 $0x1180, s16;
	s29 =	sor.u32 $0x1200, s16;
	[dreg:$0x17] =	wrdreg s0  }
0x24: {  	s30 =	sor.u32 $0x1280, s16;
	s31 =	sor.u32 $0x1300, s16;
	[dreg:$0x18] =	wrdreg s25  }
.Ltmp0:
0x25: {  	s7 =	sor.u32 $0x1380, s16;
	[dreg:$0x19] =	wrdreg s26;
	(pc) =	sbr.rel .LBB2_1-.Ltmp0, $4  }
0x26: {  	s9 =	sor.u32 $0x1400, s16;
	s10 =	sor.u32 $0x1480, s16;
	[dreg:$0x1a] =	wrdreg s28  }
0x27: {  	s11 =	sor.u32 $0x1500, s16;
	s12 =	sor.u32 $0x1580, s16;
	[dreg:$0x1b] =	wrdreg s29  }
0x28: {  	s13 =	sor.u32 $0x1600, s16;
	s14 =	sor.u32 $0x1680, s16;
	[dreg:$0x1c] =	wrdreg s30  }
0x29: {  	s15 =	sor.u32 $0x1700, s16;
	s16 =	sor.u32 $0x1780, s16;
	[dreg:$0x1d] =	wrdreg s31  }
.LBB2_7:
0x2a: {  	_ =	swait.ge [sflag:s22], $0x400  }
0x2b: {  	[sflag:s22] =	ssyncset.done $0x0  }
0x2c: {  	[sflag:s22] =	ssyncadd.s32 $0xFFFFFC00  }
0x2d: {  	_ =	swait.ge [sflag:s22], $0x400  }
0x2e: {  	[sflag:s22] =	ssyncset.done $0x0  }
0x2f: {  	[sflag:s22] =	ssyncadd.s32 $0xFFFFFC00  }
0x30: {  	_ =	swait.ge [sflag:s22], $0x400  }
0x31: {  	[sflag:s22] =	ssyncset.done $0x0  }
0x32: {  	[sflag:s22] =	ssyncadd.s32 $0xFFFFFC00  }
0x33: {  	_ =	swait.ge [sflag:s22], $0x400  }
0x34: {  	[sflag:s22] =	ssyncset.done $0x0  }
0x35: {  	[sflag:s22] =	ssyncadd.s32 $0xFFFFFC00  }
0x36: {  	_ =	swait.ge [sflag:s22], $0x400  }
0x37: {  	[sflag:s22] =	ssyncset.done $0x0  }
0x38: {  	[sflag:s22] =	ssyncadd.s32 $0xFFFFFC00  }
0x39: {  	_ =	swait.ge [sflag:s22], $0x400  }
0x3a: {  	[sflag:s22] =	ssyncset.done $0x0  }
0x3b: {  	[sflag:s22] =	ssyncadd.s32 $0xFFFFFC00  }
0x3c: {  	_ =	swait.ge [sflag:s22], $0x400  }
0x3d: {  	[sflag:s22] =	ssyncset.done $0x0  }
0x3e: {  	[sflag:s22] =	ssyncadd.s32 $0xFFFFFC00  }
0x3f: {  	_ =	swait.ge [sflag:s22], $0x400  }
0x40: {  	[sflag:s22] =	ssyncset.done $0x0  }
0x41: {  	[sflag:s22] =	ssyncadd.s32 $0xFFFFFC00  }
0x42: {  	_ =	swait.ge [sflag:s22], $0x400  }
0x43: {  	[sflag:s22] =	ssyncset.done $0x0  }
0x44: {  	[sflag:s22] =	ssyncadd.s32 $0xFFFFFC00  }
0x45: {  	_ =	swait.ge [sflag:s22], $0x400  }
0x46: {  	[sflag:s22] =	ssyncset.done $0x0  }
0x47: {  	[sflag:s22] =	ssyncadd.s32 $0xFFFFFC00  }
0x48: {  	_ =	swait.ge [sflag:s22], $0x400  }
0x49: {  	[sflag:s22] =	ssyncset.done $0x0  }
0x4a: {  	[sflag:s22] =	ssyncadd.s32 $0xFFFFFC00  }
0x4b: {  	_ =	swait.ge [sflag:s22], $0x400  }
0x4c: {  	[sflag:s22] =	ssyncset.done $0x0  }
0x4d: {  	[sflag:s22] =	ssyncadd.s32 $0xFFFFFC00  }
0x4e: {  	_ =	swait.ge [sflag:s22], $0x400  }
0x4f: {  	[sflag:s22] =	ssyncset.done $0x0  }
0x50: {  	[sflag:s22] =	ssyncadd.s32 $0xFFFFFC00  }
0x51: {  	_ =	swait.ge [sflag:s22], $0x400  }
0x52: {  	[sflag:s22] =	ssyncset.done $0x0  }
0x53: {  	[sflag:s22] =	ssyncadd.s32 $0xFFFFFC00  }
0x54: {  	_ =	swait.ge [sflag:s22], $0x400  }
0x55: {  	[sflag:s22] =	ssyncset.done $0x0  }
0x56: {  	[sflag:s22] =	ssyncadd.s32 $0xFFFFFC00  }
0x57: {  	_ =	swait.ge [sflag:s22], $0x400  }
0x58: {  	[sflag:s22] =	ssyncset.done $0x0  }
0x59: {  	[sflag:s22] =	ssyncadd.s32 $0xFFFFFC00  }
0x5a: {  	_ =	swait.ge [sflag:s23], $0x400  }
0x5b: {  	[sflag:s23] =	ssyncset.done $0x0  }
0x5c: {  	[sflag:s23] =	ssyncadd.s32 $0xFFFFFC00  }
0x5d: {  	_ =	swait.ge [sflag:s23], $0x400  }
0x5e: {  	[sflag:s23] =	ssyncset.done $0x0  }
0x5f: {  	[sflag:s23] =	ssyncadd.s32 $0xFFFFFC00  }
0x60: {  	_ =	swait.ge [sflag:s23], $0x400  }
0x61: {  	[sflag:s23] =	ssyncset.done $0x0  }
0x62: {  	[sflag:s23] =	ssyncadd.s32 $0xFFFFFC00  }
0x63: {  	_ =	swait.ge [sflag:s23], $0x400  }
0x64: {  	[sflag:s23] =	ssyncset.done $0x0  }
0x65: {  	[sflag:s23] =	ssyncadd.s32 $0xFFFFFC00  }
0x66: {  	_ =	swait.ge [sflag:s23], $0x400  }
0x67: {  	[sflag:s23] =	ssyncset.done $0x0  }
0x68: {  	[sflag:s23] =	ssyncadd.s32 $0xFFFFFC00  }
0x69: {  	_ =	swait.ge [sflag:s23], $0x400  }
0x6a: {  	[sflag:s23] =	ssyncset.done $0x0  }
0x6b: {  	[sflag:s23] =	ssyncadd.s32 $0xFFFFFC00  }
0x6c: {  	_ =	swait.ge [sflag:s23], $0x400  }
0x6d: {  	[sflag:s23] =	ssyncset.done $0x0  }
0x6e: {  	[sflag:s23] =	ssyncadd.s32 $0xFFFFFC00  }
0x6f: {  	_ =	swait.ge [sflag:s23], $0x400  }
0x70: {  	[sflag:s23] =	ssyncset.done $0x0  }
0x71: {  	[sflag:s23] =	ssyncadd.s32 $0xFFFFFC00  }
0x72: {  	_ =	swait.ge [sflag:s23], $0x400  }
0x73: {  	[sflag:s23] =	ssyncset.done $0x0  }
0x74: {  	[sflag:s23] =	ssyncadd.s32 $0xFFFFFC00  }
0x75: {  	_ =	swait.ge [sflag:s23], $0x400  }
0x76: {  	[sflag:s23] =	ssyncset.done $0x0  }
0x77: {  	[sflag:s23] =	ssyncadd.s32 $0xFFFFFC00  }
0x78: {  	_ =	swait.ge [sflag:s23], $0x400  }
0x79: {  	[sflag:s23] =	ssyncset.done $0x0  }
0x7a: {  	[sflag:s23] =	ssyncadd.s32 $0xFFFFFC00  }
0x7b: {  	_ =	swait.ge [sflag:s23], $0x400  }
0x7c: {  	[sflag:s23] =	ssyncset.done $0x0  }
0x7d: {  	[sflag:s23] =	ssyncadd.s32 $0xFFFFFC00  }
0x7e: {  	_ =	swait.ge [sflag:s23], $0x400  }
0x7f: {  	[sflag:s23] =	ssyncset.done $0x0  }
0x80: {  	[sflag:s23] =	ssyncadd.s32 $0xFFFFFC00  }
0x81: {  	_ =	swait.ge [sflag:s23], $0x400  }
0x82: {  	[sflag:s23] =	ssyncset.done $0x0  }
0x83: {  	[sflag:s23] =	ssyncadd.s32 $0xFFFFFC00  }
0x84: {  	_ =	swait.ge [sflag:s23], $0x400  }
0x85: {  	[sflag:s23] =	ssyncset.done $0x0  }
0x86: {  	[sflag:s23] =	ssyncadd.s32 $0xFFFFFC00  }
0x87: {  	_ =	swait.ge [sflag:s23], $0x400  }
0x88: {  	s0 =	rddreg [dreg:$0x5]  }
0x89: {  	s1 =	rddreg [dreg:$0x17]  }
0x8a: {  	s30 =	rddreg [dreg:$0x6]  }
0x8b: {  	s31 =	rddreg [dreg:$0x18]  }
0x8c: {  	s6 =	rddreg [dreg:$0x7]  }
0x8d: {  	[sflag:s23] =	ssyncset.done $0x0;
	s26 =	rddreg [dreg:$0x19]  }
0x8e: {  	s28 =	rddreg [dreg:$0x8];
	[sflag:s23] =	ssyncadd.s32 $0xFFFFFC00  }
0x8f: {  	[spmem:s2] =	stream.indirect.scatter.add.f32 [tilespmem:s0], [sflag:$0x3], $0x8, s1, s19, $0xb8;
	[tilespmem:$0x16380] =	vst v63  }
0x90: {  	s29 =	rddreg [dreg:$0x1a]  }
0x91: {  	[spmem:s2] =	stream.indirect.scatter.add.f32 [tilespmem:s30], [sflag:$0x3], $0x8, s31, s19, $0xb8;
	[tilespmem:$0x16380] =	vst v63  }
0x92: {  	s30 =	rddreg [dreg:$0x9]  }
0x93: {  	s31 =	rddreg [dreg:$0x1b]  }
0x94: {  	[spmem:s2] =	stream.indirect.scatter.add.f32 [tilespmem:s6], [sflag:$0x3], $0x8, s26, s19, $0xb8;
	[tilespmem:$0x16380] =	vst v63  }
0x95: {  	s6 =	rddreg [dreg:$0xa]  }
0x96: {  	[spmem:s2] =	stream.indirect.scatter.add.f32 [tilespmem:s28], [sflag:$0x3], $0x8, s29, s19, $0xb8;
	[tilespmem:$0x16380] =	vst v63  }
0x97: {  	s26 =	rddreg [dreg:$0x1c]  }
0x98: {  	[spmem:s2] =	stream.indirect.scatter.add.f32 [tilespmem:s30], [sflag:$0x3], $0x8, s31, s19, $0xb8;
	[tilespmem:$0x16380] =	vst v63  }
0x99: {  	s28 =	rddreg [dreg:$0xb]  }
0x9a: {  	[spmem:s2] =	stream.indirect.scatter.add.f32 [tilespmem:s6], [sflag:$0x3], $0x8, s26, s19, $0xb8;
	[tilespmem:$0x16380] =	vst v63  }
0x9b: {  	s29 =	rddreg [dreg:$0x1d]  }
0x9c: {  	[spmem:s2] =	stream.indirect.scatter.add.f32 [tilespmem:s28], [sflag:$0x3], $0x8, s29, s19, $0xb8;
	[tilespmem:$0x16380] =	vst v63  }
0x9d: {  	s30 =	rddreg [dreg:$0xc]  }
0x9e: {  	[spmem:s2] =	stream.indirect.scatter.add.f32 [tilespmem:s30], [sflag:$0x3], $0x8, s7, s19, $0xb8;
	[tilespmem:$0x16380] =	vst v63  }
0x9f: {  	s31 =	rddreg [dreg:$0xd]  }
0xa0: {  	[spmem:s2] =	stream.indirect.scatter.add.f32 [tilespmem:s31], [sflag:$0x3], $0x8, s9, s19, $0xb8;
	[tilespmem:$0x16380] =	vst v63  }
0xa1: {  	s1 =	rddreg [dreg:$0xe]  }
0xa2: {  	[spmem:s2] =	stream.indirect.scatter.add.f32 [tilespmem:s1], [sflag:$0x3], $0x8, s10, s19, $0xb8;
	[tilespmem:$0x16380] =	vst v63  }
0xa3: {  	s6 =	rddreg [dreg:$0x11]  }
0xa4: {  	[spmem:s2] =	stream.indirect.scatter.add.f32 [tilespmem:s6], [sflag:$0x3], $0x8, s11, s19, $0xb8;
	[tilespmem:$0x16380] =	vst v63  }
0xa5: {  	s26 =	rddreg [dreg:$0x12]  }
0xa6: {  	[spmem:s2] =	stream.indirect.scatter.add.f32 [tilespmem:s26], [sflag:$0x3], $0x8, s12, s19, $0xb8;
	[tilespmem:$0x16380] =	vst v63  }
0xa7: {  	s28 =	rddreg [dreg:$0x13]  }
0xa8: {  	[spmem:s2] =	stream.indirect.scatter.add.f32 [tilespmem:s28], [sflag:$0x3], $0x8, s13, s19, $0xb8;
	[tilespmem:$0x16380] =	vst v63  }
0xa9: {  	s29 =	rddreg [dreg:$0x14]  }
0xaa: {  	[spmem:s2] =	stream.indirect.scatter.add.f32 [tilespmem:s29], [sflag:$0x3], $0x8, s14, s19, $0xb8;
	[tilespmem:$0x16380] =	vst v63  }
0xab: {  	s30 =	rddreg [dreg:$0x15]  }
0xac: {  	[spmem:s2] =	stream.indirect.scatter.add.f32 [tilespmem:s30], [sflag:$0x3], $0x8, s15, s19, $0xb8;
	[tilespmem:$0x16380] =	vst v63  }
0xad: {  	s31 =	rddreg [dreg:$0x16]  }
0xae: {  	[spmem:s2] =	stream.indirect.scatter.add.f32 [tilespmem:s31], [sflag:$0x3], $0x8, s16, s19, $0xb8;
	[tilespmem:$0x16380] =	vst v63  }
0xaf: {  	_ =	swait.ge [sflag:s22], $0x400  }
0xb0: {  	[sflag:s22] =	ssyncset.done $0x0  }
0xb1: {  	[sflag:s22] =	ssyncadd.s32 $0xFFFFFC00  }
0xb2: {  	_ =	swait.ge [sflag:s22], $0x400  }
0xb3: {  	[sflag:s22] =	ssyncset.done $0x0  }
0xb4: {  	[sflag:s22] =	ssyncadd.s32 $0xFFFFFC00  }
0xb5: {  	_ =	swait.ge [sflag:s22], $0x400  }
0xb6: {  	[sflag:s22] =	ssyncset.done $0x0  }
0xb7: {  	[sflag:s22] =	ssyncadd.s32 $0xFFFFFC00  }
0xb8: {  	_ =	swait.ge [sflag:s22], $0x400  }
0xb9: {  	[sflag:s22] =	ssyncset.done $0x0  }
0xba: {  	[sflag:s22] =	ssyncadd.s32 $0xFFFFFC00  }
0xbb: {  	_ =	swait.ge [sflag:s22], $0x400  }
0xbc: {  	[sflag:s22] =	ssyncset.done $0x0  }
0xbd: {  	[sflag:s22] =	ssyncadd.s32 $0xFFFFFC00  }
0xbe: {  	_ =	swait.ge [sflag:s22], $0x400  }
0xbf: {  	[sflag:s22] =	ssyncset.done $0x0  }
0xc0: {  	[sflag:s22] =	ssyncadd.s32 $0xFFFFFC00  }
0xc1: {  	_ =	swait.ge [sflag:s22], $0x400  }
0xc2: {  	[sflag:s22] =	ssyncset.done $0x0  }
0xc3: {  	[sflag:s22] =	ssyncadd.s32 $0xFFFFFC00  }
0xc4: {  	_ =	swait.ge [sflag:s22], $0x400  }
0xc5: {  	[sflag:s22] =	ssyncset.done $0x0  }
0xc6: {  	[sflag:s22] =	ssyncadd.s32 $0xFFFFFC00  }
0xc7: {  	_ =	swait.ge [sflag:s22], $0x400  }
0xc8: {  	[sflag:s22] =	ssyncset.done $0x0  }
0xc9: {  	[sflag:s22] =	ssyncadd.s32 $0xFFFFFC00  }
0xca: {  	_ =	swait.ge [sflag:s22], $0x400  }
0xcb: {  	[sflag:s22] =	ssyncset.done $0x0  }
0xcc: {  	[sflag:s22] =	ssyncadd.s32 $0xFFFFFC00  }
0xcd: {  	_ =	swait.ge [sflag:s22], $0x400  }
0xce: {  	[sflag:s22] =	ssyncset.done $0x0  }
0xcf: {  	[sflag:s22] =	ssyncadd.s32 $0xFFFFFC00  }
0xd0: {  	_ =	swait.ge [sflag:s22], $0x400  }
0xd1: {  	[sflag:s22] =	ssyncset.done $0x0  }
0xd2: {  	[sflag:s22] =	ssyncadd.s32 $0xFFFFFC00  }
0xd3: {  	_ =	swait.ge [sflag:s22], $0x400  }
0xd4: {  	[sflag:s22] =	ssyncset.done $0x0  }
0xd5: {  	[sflag:s22] =	ssyncadd.s32 $0xFFFFFC00  }
0xd6: {  	_ =	swait.ge [sflag:s22], $0x400  }
0xd7: {  	[sflag:s22] =	ssyncset.done $0x0  }
0xd8: {  	[sflag:s22] =	ssyncadd.s32 $0xFFFFFC00  }
0xd9: {  	_ =	swait.ge [sflag:s22], $0x400  }
0xda: {  	[sflag:s22] =	ssyncset.done $0x0  }
0xdb: {  	[sflag:s22] =	ssyncadd.s32 $0xFFFFFC00  }
0xdc: {  	_ =	swait.ge [sflag:s22], $0x400  }
0xdd: {  	s20 =	sadd.s32 $0x1, s20;
	[sflag:s22] =	ssyncset.done $0x0  }
0xde: {  	p0 =	sne.s32 s20, s18;
	[sflag:s22] =	ssyncadd.s32 $0xFFFFFC00  }
.Ltmp1:
0xdf: {  	[bflag:$0x0] =	sbarrier.arrive $0xFFFF;
	(pc) =	sbr.rel @!p0 .LBB2_8-.Ltmp1, $4  }
0xe0: {  	[hbm:s17], [sflag:s8] =	dma.local [spmem:s25], $0x1870  }
0xe1: {  	_ =	swait.ge [sflag:s21], $0x1870  }
0xe2: {  	[sflag:s21] =	ssyncset.done $0x0  }
0xe3: {  	[sflag:s21] =	ssyncadd.s32 $0xFFFFE790  }
.LBB2_1:
0xe4: {  	s0 =	rddreg [dreg:$0x3]  }
0xe5: {  	s31 =	rddreg [dreg:$0x4];
	s25 =	sshrl.u32 s0, $0x3  }
0xe6: {  	[spmem:s25], [sflag:s8] =	dma.local [hbm:s31], $0x1870  }
0xe7: {  	_ =	swait.ge [sflag:s21], $0x1870  }
.Ltmp2:
0xe8: {  	[sflag:s21] =	ssyncset.done $0x0;
	(pc) =	sbr.rel .LBB2_2-.Ltmp2, $4  }
0xe9: {  	[sflag:s21] =	ssyncadd.s32 $0xFFFFE790  }
0xea: {  	[bflag:$0x0] =	sbarrier.arrive $0xFFFF  }
0xeb: {  	s26 =	rddreg [dreg:$0x10]  }
0xec: {  	s29 =	simm.s32 $0x0;
	s28 =	rddreg [dreg:$0xf]  }
.LBB2_3:
0xed: {  	_ =	swait.ge [sflag:s22], $0x400  }
0xee: {  	[sflag:s22] =	ssyncset.done $0x0  }
0xef: {  	[sflag:s22] =	ssyncadd.s32 $0xFFFFFC00  }
0xf0: {  	_ =	swait.ge [sflag:s22], $0x400  }
0xf1: {  	[sflag:s22] =	ssyncset.done $0x0  }
0xf2: {  	[sflag:s22] =	ssyncadd.s32 $0xFFFFFC00  }
0xf3: {  	_ =	swait.ge [sflag:s22], $0x400  }
0xf4: {  	[sflag:s22] =	ssyncset.done $0x0  }
0xf5: {  	[sflag:s22] =	ssyncadd.s32 $0xFFFFFC00  }
0xf6: {  	_ =	swait.ge [sflag:s22], $0x400  }
0xf7: {  	[sflag:s22] =	ssyncset.done $0x0  }
0xf8: {  	[sflag:s22] =	ssyncadd.s32 $0xFFFFFC00  }
0xf9: {  	_ =	swait.ge [sflag:s22], $0x400  }
0xfa: {  	[sflag:s22] =	ssyncset.done $0x0  }
0xfb: {  	[sflag:s22] =	ssyncadd.s32 $0xFFFFFC00  }
0xfc: {  	_ =	swait.ge [sflag:s22], $0x400  }
0xfd: {  	[sflag:s22] =	ssyncset.done $0x0  }
0xfe: {  	[sflag:s22] =	ssyncadd.s32 $0xFFFFFC00  }
0xff: {  	_ =	swait.ge [sflag:s22], $0x400  }
0x100: {  	[sflag:s22] =	ssyncset.done $0x0  }
0x101: {  	[sflag:s22] =	ssyncadd.s32 $0xFFFFFC00  }
0x102: {  	_ =	swait.ge [sflag:s22], $0x400  }
0x103: {  	[sflag:s22] =	ssyncset.done $0x0  }
0x104: {  	[sflag:s22] =	ssyncadd.s32 $0xFFFFFC00  }
0x105: {  	_ =	swait.ge [sflag:s22], $0x400  }
0x106: {  	[sflag:s22] =	ssyncset.done $0x0  }
0x107: {  	[sflag:s22] =	ssyncadd.s32 $0xFFFFFC00  }
0x108: {  	_ =	swait.ge [sflag:s22], $0x400  }
0x109: {  	[sflag:s22] =	ssyncset.done $0x0  }
0x10a: {  	[sflag:s22] =	ssyncadd.s32 $0xFFFFFC00  }
0x10b: {  	_ =	swait.ge [sflag:s22], $0x400  }
0x10c: {  	[sflag:s22] =	ssyncset.done $0x0  }
0x10d: {  	[sflag:s22] =	ssyncadd.s32 $0xFFFFFC00  }
0x10e: {  	_ =	swait.ge [sflag:s22], $0x400  }
0x10f: {  	[sflag:s22] =	ssyncset.done $0x0  }
0x110: {  	[sflag:s22] =	ssyncadd.s32 $0xFFFFFC00  }
0x111: {  	_ =	swait.ge [sflag:s22], $0x400  }
0x112: {  	[sflag:s22] =	ssyncset.done $0x0  }
0x113: {  	[sflag:s22] =	ssyncadd.s32 $0xFFFFFC00  }
0x114: {  	_ =	swait.ge [sflag:s22], $0x400  }
0x115: {  	[sflag:s22] =	ssyncset.done $0x0  }
0x116: {  	[sflag:s22] =	ssyncadd.s32 $0xFFFFFC00  }
0x117: {  	_ =	swait.ge [sflag:s22], $0x400  }
0x118: {  	[sflag:s22] =	ssyncset.done $0x0  }
0x119: {  	[sflag:s22] =	ssyncadd.s32 $0xFFFFFC00  }
0x11a: {  	_ =	swait.ge [sflag:s22], $0x400  }
0x11b: {  	[sflag:s22] =	ssyncset.done $0x0  }
0x11c: {  	[sflag:s22] =	ssyncadd.s32 $0xFFFFFC00  }
.LBB2_5:
0x11d: {  	_ =	swait.ge [sflag:s23], $0x400  }
0x11e: {  	[sflag:s23] =	ssyncset.done $0x0  }
0x11f: {  	[sflag:s23] =	ssyncadd.s32 $0xFFFFFC00  }
0x120: {  	_ =	swait.ge [sflag:s23], $0x400  }
0x121: {  	[sflag:s23] =	ssyncset.done $0x0  }
0x122: {  	[sflag:s23] =	ssyncadd.s32 $0xFFFFFC00  }
0x123: {  	_ =	swait.ge [sflag:s23], $0x400  }
0x124: {  	[sflag:s23] =	ssyncset.done $0x0  }
0x125: {  	[sflag:s23] =	ssyncadd.s32 $0xFFFFFC00  }
0x126: {  	_ =	swait.ge [sflag:s23], $0x400  }
0x127: {  	[sflag:s23] =	ssyncset.done $0x0  }
0x128: {  	[sflag:s23] =	ssyncadd.s32 $0xFFFFFC00  }
0x129: {  	_ =	swait.ge [sflag:s23], $0x400  }
0x12a: {  	[sflag:s23] =	ssyncset.done $0x0  }
0x12b: {  	[sflag:s23] =	ssyncadd.s32 $0xFFFFFC00  }
0x12c: {  	_ =	swait.ge [sflag:s23], $0x400  }
0x12d: {  	[sflag:s23] =	ssyncset.done $0x0  }
0x12e: {  	[sflag:s23] =	ssyncadd.s32 $0xFFFFFC00  }
0x12f: {  	_ =	swait.ge [sflag:s23], $0x400  }
0x130: {  	[sflag:s23] =	ssyncset.done $0x0  }
0x131: {  	[sflag:s23] =	ssyncadd.s32 $0xFFFFFC00  }
0x132: {  	_ =	swait.ge [sflag:s23], $0x400  }
0x133: {  	[sflag:s23] =	ssyncset.done $0x0  }
0x134: {  	[sflag:s23] =	ssyncadd.s32 $0xFFFFFC00  }
0x135: {  	_ =	swait.ge [sflag:s23], $0x400  }
0x136: {  	[sflag:s23] =	ssyncset.done $0x0  }
0x137: {  	[sflag:s23] =	ssyncadd.s32 $0xFFFFFC00  }
0x138: {  	_ =	swait.ge [sflag:s23], $0x400  }
0x139: {  	[sflag:s23] =	ssyncset.done $0x0  }
0x13a: {  	[sflag:s23] =	ssyncadd.s32 $0xFFFFFC00  }
0x13b: {  	_ =	swait.ge [sflag:s23], $0x400  }
0x13c: {  	[sflag:s23] =	ssyncset.done $0x0  }
0x13d: {  	[sflag:s23] =	ssyncadd.s32 $0xFFFFFC00  }
0x13e: {  	_ =	swait.ge [sflag:s23], $0x400  }
0x13f: {  	[sflag:s23] =	ssyncset.done $0x0  }
0x140: {  	[sflag:s23] =	ssyncadd.s32 $0xFFFFFC00  }
0x141: {  	_ =	swait.ge [sflag:s23], $0x400  }
0x142: {  	[sflag:s23] =	ssyncset.done $0x0  }
0x143: {  	[sflag:s23] =	ssyncadd.s32 $0xFFFFFC00  }
0x144: {  	_ =	swait.ge [sflag:s23], $0x400  }
0x145: {  	[sflag:s23] =	ssyncset.done $0x0  }
0x146: {  	[sflag:s23] =	ssyncadd.s32 $0xFFFFFC00  }
0x147: {  	_ =	swait.ge [sflag:s23], $0x400  }
0x148: {  	[sflag:s23] =	ssyncset.done $0x0  }
0x149: {  	[sflag:s23] =	ssyncadd.s32 $0xFFFFFC00  }
0x14a: {  	s31 =	sxor.u32 $0x1, s30;
	_ =	swait.ge [sflag:s23], $0x400  }
0x14b: {  	s0 =	sshll.u32 s31, $0xE;
	s31 =	sshll.u32 s31, $0xB;
	[sflag:s23] =	ssyncset.done $0x0  }
0x14c: {  	s1 =	sor.u32 $0x2000, s0;
	s6 =	sor.u32 $0x1000, s31;
	[sflag:s23] =	ssyncadd.s32 $0xFFFFFC00  }
0x14d: {  	[spmem:s2] =	stream.indirect.scatter.add.f32 [tilespmem:s1], [sflag:$0x3], $0x8, s6, s19, $0xb8;
	[tilespmem:$0x16380] =	vst v63  }
0x14e: {  	s1 =	sor.u32 $0x2400, s0;
	s6 =	sor.u32 $0x1080, s31  }
0x14f: {  	[spmem:s2] =	stream.indirect.scatter.add.f32 [tilespmem:s1], [sflag:$0x3], $0x8, s6, s19, $0xb8;
	[tilespmem:$0x16380] =	vst v63  }
0x150: {  	s1 =	sor.u32 $0x2800, s0;
	s6 =	sor.u32 $0x1100, s31  }
0x151: {  	[spmem:s2] =	stream.indirect.scatter.add.f32 [tilespmem:s1], [sflag:$0x3], $0x8, s6, s19, $0xb8;
	[tilespmem:$0x16380] =	vst v63  }
0x152: {  	s1 =	sor.u32 $0x2C00, s0;
	s6 =	sor.u32 $0x1180, s31  }
0x153: {  	[spmem:s2] =	stream.indirect.scatter.add.f32 [tilespmem:s1], [sflag:$0x3], $0x8, s6, s19, $0xb8;
	[tilespmem:$0x16380] =	vst v63  }
0x154: {  	s1 =	sor.u32 $0x3000, s0;
	s6 =	sor.u32 $0x1200, s31  }
0x155: {  	[spmem:s2] =	stream.indirect.scatter.add.f32 [tilespmem:s1], [sflag:$0x3], $0x8, s6, s19, $0xb8;
	[tilespmem:$0x16380] =	vst v63  }
0x156: {  	s1 =	sor.u32 $0x3400, s0;
	s6 =	sor.u32 $0x1280, s31  }
0x157: {  	[spmem:s2] =	stream.indirect.scatter.add.f32 [tilespmem:s1], [sflag:$0x3], $0x8, s6, s19, $0xb8;
	[tilespmem:$0x16380] =	vst v63  }
0x158: {  	s1 =	sor.u32 $0x3800, s0;
	s6 =	sor.u32 $0x1300, s31  }
0x159: {  	[spmem:s2] =	stream.indirect.scatter.add.f32 [tilespmem:s1], [sflag:$0x3], $0x8, s6, s19, $0xb8;
	[tilespmem:$0x16380] =	vst v63  }
0x15a: {  	s1 =	sor.u32 $0x3C00, s0;
	s6 =	sor.u32 $0x1380, s31  }
0x15b: {  	[spmem:s2] =	stream.indirect.scatter.add.f32 [tilespmem:s1], [sflag:$0x3], $0x8, s6, s19, $0xb8;
	[tilespmem:$0x16380] =	vst v63  }
0x15c: {  	s1 =	sadd.s32 $0x4000, s0;
	s6 =	sor.u32 $0x1400, s31  }
0x15d: {  	[spmem:s2] =	stream.indirect.scatter.add.f32 [tilespmem:s1], [sflag:$0x3], $0x8, s6, s19, $0xb8;
	[tilespmem:$0x16380] =	vst v63  }
0x15e: {  	s1 =	sadd.s32 $0x4400, s0;
	s6 =	sor.u32 $0x1480, s31  }
0x15f: {  	[spmem:s2] =	stream.indirect.scatter.add.f32 [tilespmem:s1], [sflag:$0x3], $0x8, s6, s19, $0xb8;
	[tilespmem:$0x16380] =	vst v63  }
0x160: {  	s1 =	sadd.s32 $0x4800, s0;
	s6 =	sor.u32 $0x1500, s31  }
0x161: {  	[spmem:s2] =	stream.indirect.scatter.add.f32 [tilespmem:s1], [sflag:$0x3], $0x8, s6, s19, $0xb8;
	[tilespmem:$0x16380] =	vst v63  }
0x162: {  	s1 =	sadd.s32 $0x4C00, s0;
	s6 =	sor.u32 $0x1580, s31  }
0x163: {  	[spmem:s2] =	stream.indirect.scatter.add.f32 [tilespmem:s1], [sflag:$0x3], $0x8, s6, s19, $0xb8;
	[tilespmem:$0x16380] =	vst v63  }
0x164: {  	s1 =	sadd.s32 $0x5000, s0;
	s6 =	sor.u32 $0x1600, s31  }
0x165: {  	[spmem:s2] =	stream.indirect.scatter.add.f32 [tilespmem:s1], [sflag:$0x3], $0x8, s6, s19, $0xb8;
	[tilespmem:$0x16380] =	vst v63  }
0x166: {  	s1 =	sadd.s32 $0x5400, s0;
	s6 =	sor.u32 $0x1680, s31  }
0x167: {  	[spmem:s2] =	stream.indirect.scatter.add.f32 [tilespmem:s1], [sflag:$0x3], $0x8, s6, s19, $0xb8;
	[tilespmem:$0x16380] =	vst v63  }
0x168: {  	s1 =	sadd.s32 $0x5800, s0;
	s6 =	sor.u32 $0x1700, s31  }
0x169: {  	[spmem:s2] =	stream.indirect.scatter.add.f32 [tilespmem:s1], [sflag:$0x3], $0x8, s6, s19, $0xb8;
	[tilespmem:$0x16380] =	vst v63  }
0x16a: {  	s0 =	sadd.s32 $0x5C00, s0;
	s31 =	sor.u32 $0x1780, s31  }
0x16b: {  	[spmem:s2] =	stream.indirect.scatter.add.f32 [tilespmem:s0], [sflag:$0x3], $0x8, s31, s19, $0xb8;
	[tilespmem:$0x16380] =	vst v63  }
.LBB2_6:
0x16c: {  	s0 =	sshll.u32 s30, $0xB  }
0x16d: {  	[tilespmem:s0], [sflag:$0x1] =	stream.linear.gather [hbm4b:s26+s3], $0x800, $0x38;
	[tilespmem:$0x16380] =	vst v63  }
0x16e: {  	s1 =	sor.u32 $0x1000, s0  }
0x16f: {  	[tilespmem:s1], [sflag:$0x1] =	stream.linear.gather [hbm4b:s28+s3], $0x800, $0x38;
	[tilespmem:$0x16380] =	vst v63  }
0x170: {  	_ =	swait.ge [sflag:s24], $0x800  }
0x171: {  	[sflag:s24] =	ssyncset.done $0x0  }
0x172: {  	[sflag:s24] =	ssyncadd.s32 $0xFFFFF800  }
0x173: {  	_ =	swait.ge [sflag:s24], $0x800  }
0x174: {  	s1 =	sshll.u32 s30, $0xE;
	[sflag:s24] =	ssyncset.done $0x0  }
0x175: {  	s6 =	sor.u32 $0x2000, s1;
	[sflag:s24] =	ssyncadd.s32 $0xFFFFF800  }
0x176: {  	[tilespmem:s6], [sflag:$0x2] =	stream.indirect.gather [hbm4b:s4+s19], $0x8, s0, s19, $0xb8;
	[tilespmem:$0x16380] =	vst v63  }
0x177: {  	s31 =	sor.u32 $0x80, s0;
	s6 =	sor.u32 $0x2400, s1  }
0x178: {  	[tilespmem:s6], [sflag:$0x2] =	stream.indirect.gather [hbm4b:s4+s19], $0x8, s31, s19, $0xb8;
	[tilespmem:$0x16380] =	vst v63  }
0x179: {  	s6 =	sor.u32 $0x2800, s1;
	s31 =	sor.u32 $0x100, s0  }
0x17a: {  	[tilespmem:s6], [sflag:$0x2] =	stream.indirect.gather [hbm4b:s4+s19], $0x8, s31, s19, $0xb8;
	[tilespmem:$0x16380] =	vst v63  }
0x17b: {  	s6 =	sor.u32 $0x2C00, s1;
	s31 =	sor.u32 $0x180, s0  }
0x17c: {  	[tilespmem:s6], [sflag:$0x2] =	stream.indirect.gather [hbm4b:s4+s19], $0x8, s31, s19, $0xb8;
	[tilespmem:$0x16380] =	vst v63  }
0x17d: {  	s6 =	sor.u32 $0x3000, s1;
	s31 =	sor.u32 $0x200, s0  }
0x17e: {  	[tilespmem:s6], [sflag:$0x2] =	stream.indirect.gather [hbm4b:s4+s19], $0x8, s31, s19, $0xb8;
	[tilespmem:$0x16380] =	vst v63  }
0x17f: {  	s6 =	sor.u32 $0x3400, s1;
	s31 =	sor.u32 $0x280, s0  }
0x180: {  	[tilespmem:s6], [sflag:$0x2] =	stream.indirect.gather [hbm4b:s4+s19], $0x8, s31, s19, $0xb8;
	[tilespmem:$0x16380] =	vst v63  }
0x181: {  	s6 =	sor.u32 $0x3800, s1;
	s31 =	sor.u32 $0x300, s0  }
0x182: {  	[tilespmem:s6], [sflag:$0x2] =	stream.indirect.gather [hbm4b:s4+s19], $0x8, s31, s19, $0xb8;
	[tilespmem:$0x16380] =	vst v63  }
0x183: {  	s6 =	sor.u32 $0x3C00, s1;
	s31 =	sor.u32 $0x380, s0  }
0x184: {  	[tilespmem:s6], [sflag:$0x2] =	stream.indirect.gather [hbm4b:s4+s19], $0x8, s31, s19, $0xb8;
	[tilespmem:$0x16380] =	vst v63  }
0x185: {  	s6 =	sadd.s32 $0x4000, s1;
	s31 =	sor.u32 $0x400, s0  }
0x186: {  	[tilespmem:s6], [sflag:$0x2] =	stream.indirect.gather [hbm4b:s4+s19], $0x8, s31, s19, $0xb8;
	[tilespmem:$0x16380] =	vst v63  }
0x187: {  	s6 =	sadd.s32 $0x4400, s1;
	s31 =	sor.u32 $0x480, s0  }
0x188: {  	[tilespmem:s6], [sflag:$0x2] =	stream.indirect.gather [hbm4b:s4+s19], $0x8, s31, s19, $0xb8;
	[tilespmem:$0x16380] =	vst v63  }
0x189: {  	s6 =	sadd.s32 $0x4800, s1;
	s31 =	sor.u32 $0x500, s0  }
0x18a: {  	[tilespmem:s6], [sflag:$0x2] =	stream.indirect.gather [hbm4b:s4+s19], $0x8, s31, s19, $0xb8;
	[tilespmem:$0x16380] =	vst v63  }
0x18b: {  	s6 =	sadd.s32 $0x4C00, s1;
	s31 =	sor.u32 $0x580, s0  }
0x18c: {  	[tilespmem:s6], [sflag:$0x2] =	stream.indirect.gather [hbm4b:s4+s19], $0x8, s31, s19, $0xb8;
	[tilespmem:$0x16380] =	vst v63  }
0x18d: {  	s29 =	sadd.s32 $0x1, s29;
	s6 =	sadd.s32 $0x5000, s1;
	s31 =	sor.u32 $0x600, s0  }
0x18e: {  	[tilespmem:s6], [sflag:$0x2] =	stream.indirect.gather [hbm4b:s4+s19], $0x8, s31, s19, $0xb8;
	[tilespmem:$0x16380] =	vst v63  }
0x18f: {  	p0 =	sne.s32 s5, s29;
	s6 =	sadd.s32 $0x5400, s1;
	s31 =	sor.u32 $0x680, s0  }
0x190: {  	[tilespmem:s6], [sflag:$0x2] =	stream.indirect.gather [hbm4b:s4+s19], $0x8, s31, s19, $0xb8;
	[tilespmem:$0x16380] =	vst v63  }
.Ltmp3:
0x191: {  	_ = 	snop;
	(pc) =	sbr.rel @!p0 .LBB2_7-.Ltmp3, $4  }
0x192: {  	s26 =	sadd.s32 $0x100, s26;
	s6 =	sadd.s32 $0x5800, s1;
	s31 =	sor.u32 $0x700, s0  }
0x193: {  	[tilespmem:s6], [sflag:$0x2] =	stream.indirect.gather [hbm4b:s4+s19], $0x8, s31, s19, $0xb8;
	[tilespmem:$0x16380] =	vst v63  }
0x194: {  	s28 =	sadd.s32 $0x100, s28;
	s1 =	sadd.s32 $0x5C00, s1;
	s0 =	sor.u32 $0x780, s0  }
0x195: {  	[tilespmem:s1], [sflag:$0x2] =	stream.indirect.gather [hbm4b:s4+s19], $0x8, s0, s19, $0xb8;
	[tilespmem:$0x16380] =	vst v63  }
.LBB2_2:
0x196: {  	p0 =	slt.u32 s29, $0x2  }
.Ltmp4:
0x197: {  	_ = 	snop;
	(pc) =	sbr.rel @!p0 .LBB2_3-.Ltmp4, $2  }
0x198: {  	_ =	sdelay $0x2  }
0x199: {  	s30 =	sand.u32 $0x1, s29  }
0x19a: {  	p0 =	seq.s32 s29, $0x0  }
.Ltmp5:
0x19b: {  	_ = 	snop;
	(pc) =	sbr.rel @!p0 .LBB2_5-.Ltmp5, $4  }
.Ltmp6:
0x19c: {  	_ = 	snop;
	(pc) =	sbr.rel @p0 .LBB2_6-.Ltmp6, $4  }
0x19d: {  	_ = 	snop  }
0x19e: {  	_ = 	snop  }
0x19f: {  	_ = 	snop  }
0x1a0: {  	_ = 	snop  }
.LBB2_8:
0x1a1: {  	_ =	sfence.sel $0x180000  }
0x1a2: {  	[bflag:$0x0] =	sbarrier.arrive $0xFFFF  }
0x1a3: {  	_ =	strace $0x9000004A  }
0x1a4: {  	s0 =	stileid.u32;
	[bflag:$0x2] =	sbarrier.arrive $0xFFFF  }
0x1a5: {  	p0 =	sne.s32 s0, $0x0;
	s0 =	rddreg [dreg:$0x2]  }
0x1a6: {  	s0 =	sadd.s32 @!p0 $0x100000, s0  }
0x1a7: {  	[sflag:s0] =	ssyncadd.tile.s32 @!p0 $0x1;
	_ =	shalt  }
.Lfunc_end2:
_tile_overlayer_lowered:
.L_overlay_start_2:
0x1a8: {  	(tag) =	ssettag $0x2  }
0x1a9: {  	s0 =	rddreg [dreg:$0x0];
	s2 =	stileid.u32  }
0x1aa: {  	s1 =	rddreg [dreg:$0x1];
	p0 =	sne.s32 s2, $0x0  }
0x1ab: {  	s3 =	rddreg [dreg:$0x2];
	[bflag:$0x3] =	sbarrier.arrive $0xFFFF;
	s2 =	simm.s32 @!p0 $0x1C04  }
0x1ac: {  	[timem:s3], [sflag:s2] =	dma.local @!p0 [hbm:s0], s1  }
0x1ad: {  	s0 =	simm.s32 @!p0 $0x4  }
0x1ae: {  	_ =	swait.ge @!p0 [sflag:s0], s1  }
0x1af: {  	s1 =	ssub.s32 @!p0 $0x0, s1;
	[sflag:s0] =	ssyncset.done @!p0 $0x0  }
0x1b0: {  	[sflag:s0] =	ssyncadd.s32 @!p0 s1  }
0x1b1: {  	[bflag:$0x3] =	sbarrier.arrive $0xFFFF  }
0x1b2: {  	_ =	shalt  }

// kernel: sparse-core-data-format-call.cloned.1.call-start
scs
called_computation_lowered:
.L_overlay_start_0:
0x0: {  	s2 =	sld [smem:$0x3FD9]  }
0x1: {  	s3 =	sld [smem:$0x3FFE];
	_ =	sdelay $0x1  }
0x2: {  	s1 =	srdreg.scid  }
0x3: {  	s0 =	sand.u32 $0x1, s1  }
0x4: {  	s18 =	sshll.u32 s0, $0xA;
	s2 =	sadd.s32 s3, s2  }
0x5: {  	s2 =	sadd.s32 s2, s18  }
0x6: {  	[smem:$0x3FBF] =	sst s2  }
0x7: {  	_ = 	snop  }
0x8: {  	s2 =	sld [smem:$0x3FC8];
	(tm) =	ssettm $0x1  }
0x9: {  	s19 =	sld [smem:$0x3FFB];
	_ =	sdelay $0x3  }
0xa: {  	_ =	strace s19  }
0xb: {  	s3 =	sld [smem:$0x3FFC];
	_ =	sdelay $0x3  }
0xc: {  	_ =	strace s3  }
0xd: {  	s3 =	sld [smem:$0x3FFD];
	_ =	sdelay $0x3  }
0xe: {  	_ =	strace s3  }
0xf: {  	_ =	strace $0x8FFFFFFF  }
0x10: {  	s20 =	sld [smem:$0x3FDB];
	_ =	sdelay $0x1  }
0x11: {  	s4 =	simm.s32 $_scs_section_size  }
0x12: {  	s5 =	simm.s32 $_size__tile_overlayer_lowered;
	s6 =	simm.s32 $_tile_overlayer_lowered  }
0x13: {  	s23 =	simm.s32 $0x1BFF;
	s22 =	sshll.u32 s6, $0x1;
	s3 =	sadd.s32 s4, s20  }
0x14: {  	s7 =	simm.s32 $0x0;
	s21 =	sshll.u32 s5, $0x1;
	s5 =	sadd.s32 s22, s3  }
0x15: {  	[timem:s7], [sflag:s23] =	dma.local [hbm:s5], s21  }
0x16: {  	_ =	swait.ge [sflag:s23], s21  }
0x17: {  	s4 =	ssub.s32 $0x0, s21;
	[sflag:s23] =	ssyncset.done $0x0  }
0x18: {  	[sflag:s23] =	ssyncadd.s32 s4;
	_ =	sdelay $0x1  }
0x19: {  	s24 =	simm.s32 $0x1B8B  }
0x1a: {  	_ =	swait.ge [sflag:s24], $0x1  }
0x1b: {  	[sflag:s24] =	ssyncset.done $0x0  }
0x1c: {  	s26 =	simm.s32 $0x1B8E;
	s25 =	sld [smem:$0x3FFE];
	[sflag:s24] =	ssyncadd.s32 $0xFFFFFFFF  }
0x1d: {  	s27 =	simm.s32 $execute0_lowered;
	[smem:$0x3FD2] =	sst s26  }
0x1e: {  	s5 =	sshll.u32 s27, $0x1;
	_ =	strace $0x80000046;
	[dreg:$0x1] =	wrdreg $0xFFFFFFFF  }
0x1f: {  	s28 =	simm.s32 $_size_execute0_lowered;
	s3 =	sadd.s32 s3, s5;
	[dreg:$0x0] =	wrdreg $0x0  }
0x20: {  	s5 =	sshll.u32 s28, $0x1;
	[dreg:$0x2] =	wrdreg s3  }
0x21: {  	[dreg:$0x3] =	wrdreg s5  }
0x22: {  	[dreg:$0x4] =	wrdreg $0xC0  }
0x23: {  	_ =	task [dreg:s7], $0x5FFFF  }
0x24: {  	[dreg:$0x1] =	wrdreg $0xFFFFFFFF  }
0x25: {  	[dreg:$0x0] =	wrdreg $0x60  }
0x26: {  	[dreg:$0x2] =	wrdreg s2  }
0x27: {  	[dreg:$0x3] =	wrdreg s25  }
0x28: {  	[dreg:$0x4] =	wrdreg $0x9  }
0x29: {  	_ =	task.clear_ibuf [dreg:s7], $0x5FFFF;
	_ =	strace $0x90000046  }
0x2a: {  	s29 =	simm.s32 $0x9;
	_ =	strace $0x80000048  }
0x2b: {  	_ =	swait.ge [sflag:s29], $0x1  }
0x2c: {  	[sflag:s29] =	ssyncadd.s32 $0xFFFFFFFF  }
0x2d: {  	_ =	strace $0x90000048  }
0x2e: {  	_ =	sfence  }
0x2f: {  	s30 =	sld [smem:$0x0];
	_ =	sdelay $0x2  }
0x30: {  	s31 =	sshll.u32 s1, $0xD;
	s1 =	sshrl.u32 s1, $0x2  }
0x31: {  	s3 =	sand.u32 $0x4000, s31;
	s1 =	sadd.s32 s1, s30  }
0x32: {  	s0 =	sor.u32 s3, s0;
	s1 =	sshll.u32 s1, $0x11  }
0x33: {  	s0 =	sor.u32 s1, s0  }
0x34: {  	s0 =	sadd.s32 $0x8F2B, s0  }
0x35: {  	[sflag:s0] =	ssyncadd.remote.s32 $0x1  }
0x36: {  	_ =	sfence.sel $0xFFFF  }
0x37: {  	[dreg:$0x0] =	wrdreg $0xFFFFFFFF;
	(pc) =	sbr.abs _section_cstart, $3  }
0x38: {  	[dreg:$0x1] =	wrdreg $0xFFFFFFFF  }
0x39: {  	_ =	task.clear_ibuf [dreg:s7], $0x2FFFF;
	_ =	strace $0x9FFFFFFF  }
0x3a: {  	(tm) =	ssettm $0x7FFFFFFF  }
0x3b: {  	_ =	shalt  }
tec
execute0_lowered:
.L_overlay_start_1:
0x0: {  	(tag) =	ssettag $0x1  }
0x1: {  	s0 =	stileid.u32;
	s7 =	rddreg [dreg:$0x0]  }
0x2: {  	s1 =	srdreg.scid;
	s4 =	rddreg [dreg:$0x1]  }
0x3: {  	s30 =	simm.s32 $0x2;
	s10 =	simm.s32 $0x0;
	s14 =	simm.s32 $0x0  }
0x4: {  	s15 =	simm.s32 $0x0;
	s11 =	simm.s32 $0x0;
	s13 =	simm.s32 $0x0  }
0x5: {  	s2 =	sand.u32 $0x1, s1;
	s3 =	sshll.u32 s0, $0x7;
	s1 =	rddreg [dreg:$0x2]  }
0x6: {  	_ =	strace $0x80000047;
	s5 =	ssub.s32 $0xC300, s3;
	s6 =	ssub.s32 $0x2, s2  }
.Ltmp0:
0x7: {  	s5 =	sshrl.u32 s5, $0xB;
	s8 =	sshrl.u32 s6, $0x1;
	(pc) =	sbr.rel .LBB1_1-.Ltmp0, $4  }
0x8: {  	s4 =	sadd.s32 $0x1800, s4;
	s9 =	sadd.s32 $0x1, s5;
	s6 =	ssub.s32 s6, s8  }
0x9: {  	s31 =	sshll.u32 s2, $0x4;
	s5 =	simm.s32 $0x1;
	s6 =	smul.u32 s9, s6  }
0xa: {  	s12 =	smov.u32 s3;
	s7 =	sadd.s32 s7, s31;
	[sflag:s5] =	ssyncpa.u1 $0x0  }
0xb: {  	s9 =	simm.s32 $0x0;
	[sflag:s30] =	ssyncpa.u1 $0x0;
	s8 =	sadd.s32 $0x1, s6  }
.LBB1_4:
0xc: {  	s21 =	simm.s32 $0x0  }
.LBB1_8:
0xd: {  	_ =	sdelay $0x3  }
0xe: {  	v6 =	vld [tilespmem:s18+$0xFFFFFFC0];
	[tilespmem:v0+s20+$0x30 ss:$0x1] =	vst.idx.msk @p0 $0xffff, v2  }
0xf: {  	v58 =	vld [tilespmem:s18+$0xFFFFFFD0];
	[tilespmem:v0+s20+$0x40 ss:$0x1] =	vst.idx.msk @p0 $0xffff, v3;
	s21 =	sadd.s32 @p0 $0x80, s21  }
0x10: {  	v59 =	vld [tilespmem:s18+$0xFFFFFFE0];
	[tilespmem:v0+s20+$0x50 ss:$0x1] =	vst.idx.msk @p0 $0xffff, v5;
	s19 =	smov.u32 @p0 s21  }
0x11: {  	v60 =	vld [tilespmem:s18+$0xFFFFFFF0];
	[tilespmem:v0+s20+$0x60 ss:$0x1] =	vst.idx.msk @p0 $0xffff, v4;
	s19 =	sand.u32 $0x3F80, s19  }
0x12: {  	v61 =	vld [tilespmem:s18+$0x0];
	[tilespmem:v0+s19+$0x70 ss:$0x1] =	vst.idx.msk $0xffff, v1  }
0x13: {  	v62 =	vld [tilespmem:s18+$0x10];
	[tilespmem:v0+s19+$0x0 ss:$0x1] =	vst.idx.msk $0xffff, v6  }
0x14: {  	v63 =	vld [tilespmem:s18+$0x20];
	[tilespmem:v0+s19+$0x10 ss:$0x1] =	vst.idx.msk $0xffff, v58  }
0x15: {  	[tilespmem:v0+s19+$0x20 ss:$0x1] =	vst.idx.msk $0xffff, v59  }
0x16: {  	[tilespmem:v0+s19+$0x30 ss:$0x1] =	vst.idx.msk $0xffff, v60  }
0x17: {  	[tilespmem:v0+s19+$0x40 ss:$0x1] =	vst.idx.msk $0xffff, v61  }
0x18: {  	[tilespmem:v0+s19+$0x50 ss:$0x1] =	vst.idx.msk $0xffff, v62  }
0x19: {  	[tilespmem:v0+s19+$0x60 ss:$0x1] =	vst.idx.msk $0xffff, v63  }
.LBB1_9:
0x1a: {  	s18 =	sand.u32 $0x1FFFFFF, s11  }
0x1b: {  	s19 =	smulhi.u32 $0x14F8B59, s18;
	_ =	sdelay $0x1  }
0x1c: {  	s19 =	sshrl.u32 s19, $0x8  }
0x1d: {  	s19 =	smul.u32 $0xC350, s19  }
0x1e: {  	s15 =	smul.u32 $0xC3500, s15  }
0x1f: {  	s18 =	ssub.s32 s18, s19  }
0x20: {  	s15 =	sadd.s32 s4, s15;
	s18 =	sshll.u32 s18, $0x4  }
0x21: {  	s15 =	sadd.s32 s18, s15  }
0x22: {  	[hbm4b:s15+s9] =	stream.linear.scatter [tilespmem:s17], [sflag:$0x2], s16, $0x38;
	[tilespmem:$0x10000] =	vst v63  }
.LBB1_10:
0x23: {  	p0 =	slt.u32 s13, $0x2  }
0x24: {  	p1 =	sgt.s32 @!p0 s14, $0xC2D0  }
0x25: {  	s15 =	smov.u32 s14;
	s16 =	sshra.s32 @!p0 s14, $0x1F;
	p1 =	por !p1, p0  }
0x26: {  	s14 =	sand.u32 @!p0 s16, s14;
	s15 =	simm.s32 @p1 $0xC2D0  }
0x27: {  	s14 =	ssub.s32 @!p0 s15, s14  }
0x28: {  	s14 =	sadd.s32 @!p0 $0xFFFF3D30, s14  }
0x29: {  	s15 =	sshll.u32 @!p0 s14, $0x7  }
0x2a: {  	p1 =	sgt.s32 @!p0 s14, $0x7F;
	s14 =	ssub.s32 @!p0 $0x4000, s15  }
0x2b: {  	s16 =	sadd.s32 $0x800, s12;
	p1 =	por !p1, p0;
	s14 =	sand.u32 @!p0 $0x3FFFFF80, s14  }
0x2c: {  	s14 =	simm.s32 @!p1 $0x0;
	p1 =	sgt.s32 s16, $0xC34F  }
0x2d: {  	s16 =	smov.u32 @p1 s3;
	p1 =	sne.s32 s13, s8  }
.Ltmp1:
0x2e: {  	_ = 	snop;
	(pc) =	sbr.rel @!p1 .LBB1_11-.Ltmp1, $4  }
0x2f: {  	s10 =	sadd.s32 $0x4000, s10;
	s15 =	simm.s32 @!p0 $0x2  }
0x30: {  	_ =	swait.ge @!p0 [sflag:s15], s14;
	s17 =	ssub.s32 @!p0 $0x0, s14;
	s14 =	smov.u32 s11  }
0x31: {  	s13 =	sadd.s32 $0x1, s13;
	s11 =	smov.u32 s12;
	[sflag:s15] =	ssyncset.done @!p0 $0x0  }
0x32: {  	s12 =	smov.u32 s16;
	[sflag:s15] =	ssyncadd.s32 @!p0 s17;
	s15 =	smov.u32 s2  }
.LBB1_1:
0x33: {  	p0 =	sge.u32 s13, s6  }
0x34: {  	p1 =	sgt.s32 @!p0 s12, $0xC2D0  }
0x35: {  	s16 =	smov.u32 s12;
	s17 =	sshra.s32 @!p0 s12, $0x1F;
	p1 =	por !p1, p0  }
0x36: {  	s17 =	sand.u32 @!p0 s17, s12;
	s16 =	simm.s32 @p1 $0xC2D0  }
0x37: {  	s16 =	ssub.s32 @!p0 s16, s17  }
0x38: {  	s31 =	sadd.s32 $0xFFFFFFFF, s13;
	s18 =	sxor.u32 @!p0 $0xFFFFFFFF, s13;
	s16 =	sadd.s32 @!p0 $0xFFFF3D30, s16  }
0x39: {  	s19 =	simm.s32 @!p0 $0x80;
	s20 =	simm.s32 @!p0 $0x100;
	s17 =	sshll.u32 @!p0 s16, $0x7  }
0x3a: {  	p1 =	sgt.s32 @!p0 s16, $0x7F;
	s16 =	ssub.s32 @!p0 $0x4000, s17;
	s17 =	sshll.u32 @!p0 s18, $0xE  }
0x3b: {  	p1 =	por !p1, p0;
	s18 =	sshll.u32 @!p0 s12, $0x5;
	s16 =	sand.u32 @!p0 $0x3FFFFF80, s16  }
0x3c: {  	s17 =	sand.u32 @!p0 $0x4000, s17;
	s18 =	sadd.s32 @!p0 s18, s7;
	s16 =	simm.s32 @!p1 $0x0  }
0x3d: {  	[tilespmem:s17], [sflag:$0x1] =	stream.strided.gather @!p0 [hbm4b:s18+s19], s16, s20, s19, $0x38;
	[tilespmem:$0x10000] =	vst v63  }
0x3e: {  	p0 =	sge.u32 s31, s6  }
.Ltmp2:
0x3f: {  	_ = 	snop;
	(pc) =	sbr.rel @p0 .LBB1_10-.Ltmp2, $1  }
0x40: {  	_ =	sdelay $0x3  }
0x41: {  	p0 =	sgt.s32 s11, $0xC2D0;
	s16 =	smov.u32 s11;
	s17 =	sshra.s32 s11, $0x1F  }
0x42: {  	s16 =	simm.s32 @!p0 $0xC2D0;
	s17 =	sand.u32 s17, s11  }
0x43: {  	s16 =	ssub.s32 s16, s17  }
0x44: {  	s16 =	sadd.s32 $0xFFFF3D30, s16  }
0x45: {  	s30 =	sshll.u32 s16, $0x7  }
0x46: {  	s17 =	ssub.s32 $0x4000, s30  }
0x47: {  	p0 =	sgt.s32 s16, $0x7F;
	s16 =	sand.u32 $0x3FFFFF80, s17;
	s17 =	sadd.s32 $0x80, s11  }
0x48: {  	s16 =	simm.s32 @p0 $0x0;
	p0 =	slt.s32 s17, $0xC350  }
0x49: {  	s17 =	simm.s32 @!p0 $0xC350  }
0x4a: {  	s20 =	ssub.s32 s17, s11  }
0x4b: {  	p0 =	slt.s32 s20, $0x1  }
.Ltmp3:
0x4c: {  	_ = 	snop;
	(pc) =	sbr.rel @p0 .LBB1_9-.Ltmp3, $4  }
0x4d: {  	_ = 	snop  }
0x4e: {  	s19 =	sshll.u32 s13, $0xE;
	_ =	swait.ge [sflag:s5], s16  }
0x4f: {  	s31 =	sand.u32 $0x4000, s19;
	s18 =	ssub.s32 $0x0, s16;
	[sflag:s5] =	ssyncset.done $0x0  }
0x50: {  	s17 =	sor.u32 $0x8000, s31;
	[sflag:s5] =	ssyncadd.s32 s18  }
0x51: {  	p1 =	sne.s32 s20, $0x1  }
.Ltmp4:
0x52: {  	v0 =	vmov s17;
	(pc) =	sbr.rel @!p1 .LBB1_4-.Ltmp4, $4  }
0x53: {  	_ = 	snop  }
0x54: {  	s18 =	sand.u32 $0x4000, s10  }
0x55: {  	s18 =	sor.u32 $0x40, s18  }
0x56: {  	s19 =	simm.s32 $0x0;
	s21 =	sadd.s32 $0xFFFFFFFF, s20;
	p0 =	por $0x0, $0x0;
	v1 =	vld [tilespmem:s18+$0x30]  }
0x57: {  	v4 =	vld [tilespmem:s18+$0xFFFFFFC0]  }
0x58: {  	v6 =	vld [tilespmem:s18+$0xFFFFFFD0]  }
0x59: {  	v7 =	vld [tilespmem:s18+$0xFFFFFFE0];
	p1 =	sne.s32 s21, $0x1  }
.Ltmp5:
0x5a: {  	v2 =	vld [tilespmem:s18+$0xFFFFFFF0];
	s20 =	sand.u32 $0x3F80, s19;
	(pc) =	sbr.rel @!p1 .LBB1_6-.Ltmp5, $4  }
0x5b: {  	v3 =	vld [tilespmem:s18+$0x0];
	[tilespmem:v0+s20+$0x70 ss:$0x1] =	vst.idx.msk $0xffff, v1  }
0x5c: {  	v5 =	vld [tilespmem:s18+$0x10];
	[tilespmem:v0+s20+$0x0 ss:$0x1] =	vst.idx.msk $0xffff, v4  }
0x5d: {  	v4 =	vld [tilespmem:s18+$0x20];
	[tilespmem:v0+s20+$0x10 ss:$0x1] =	vst.idx.msk $0xffff, v6;
	s18 =	sadd.s32 $0x80, s18  }
0x5e: {  	s22 =	sadd.s32 $0xFFFFFFFF, s21;
	p0 =	por $0x1, $0x1;
	s21 =	simm.s32 $0x0;
	[tilespmem:v0+s20+$0x20 ss:$0x1] =	vst.idx.msk $0xffff, v7;
	v1 =	vld [tilespmem:s18+$0x30]  }
.LBB1_7:
0x5f: {  	p1 =	sne.s32 s22, $0x1;
	v6 =	vld [tilespmem:s18+$0xFFFFFFC0];
	[tilespmem:v0+s20+$0x30 ss:$0x1] =	vst.idx.msk $0xffff, v2  }
0x60: {  	v7 =	vld [tilespmem:s18+$0xFFFFFFD0];
	[tilespmem:v0+s20+$0x40 ss:$0x1] =	vst.idx.msk $0xffff, v3  }
0x61: {  	s21 =	sadd.s32 $0x80, s21;
	v8 =	vld [tilespmem:s18+$0xFFFFFFE0];
	[tilespmem:v0+s20+$0x50 ss:$0x1] =	vst.idx.msk $0xffff, v5  }
.Ltmp6:
0x62: {  	v2 =	vld [tilespmem:s18+$0xFFFFFFF0];
	[tilespmem:v0+s20+$0x60 ss:$0x1] =	vst.idx.msk $0xffff, v4;
	s20 =	sand.u32 $0x3F80, s21;
	(pc) =	sbr.rel @p1 .LBB1_7-.Ltmp6, $4  }
0x63: {  	v3 =	vld [tilespmem:s18+$0x0];
	[tilespmem:v0+s20+$0x70 ss:$0x1] =	vst.idx.msk $0xffff, v1  }
0x64: {  	[tilespmem:v0+s20+$0x0 ss:$0x1] =	vst.idx.msk $0xffff, v6;
	v5 =	vld [tilespmem:s18+$0x10]  }
0x65: {  	[tilespmem:v0+s20+$0x10 ss:$0x1] =	vst.idx.msk $0xffff, v7;
	v4 =	vld [tilespmem:s18+$0x20];
	s18 =	sadd.s32 $0x80, s18  }
0x66: {  	s22 =	sadd.s32 $0xFFFFFFFF, s22;
	v1 =	vld [tilespmem:s18+$0x30];
	[tilespmem:v0+s20+$0x20 ss:$0x1] =	vst.idx.msk $0xffff, v8  }
.Ltmp7:
0x67: {  	_ = 	snop;
	(pc) =	sbr.rel .LBB1_8-.Ltmp7, $1  }
0x68: {  	_ =	sdelay $0x3  }
.LBB1_6:
.Ltmp8:
0x69: {  	(pc) =	sbr.rel .LBB1_8-.Ltmp8, $2  }
0x6a: {  	_ =	sdelay $0x2  }
0x6b: {  	s21 =	simm.s32 $0x0  }
.LBB1_11:
0x6c: {  	_ =	sfence.sel $0x180000  }
0x6d: {  	s2 =	simm.s32 $0x1;
	[bflag:$0x0] =	sbarrier.arrive $0xFFFF  }
0x6e: {  	s31 =	simm.s32 $0x2;
	[sflag:s2] =	ssyncpa.u1 $0x1  }
0x6f: {  	[sflag:s31] =	ssyncpa.u1 $0x1  }
0x70: {  	p0 =	sne.s32 s0, $0x0;
	_ =	strace $0x90000047  }
0x71: {  	s0 =	sadd.s32 @!p0 $0x100000, s1;
	[bflag:$0x2] =	sbarrier.arrive $0xFFFF  }
0x72: {  	[sflag:s0] =	ssyncadd.tile.s32 @!p0 $0x1;
	_ =	shalt  }
.Lfunc_end1:
_tile_overlayer_lowered:
.L_overlay_start_2:
0x73: {  	(tag) =	ssettag $0x2  }
0x74: {  	s0 =	rddreg [dreg:$0x0];
	s2 =	stileid.u32  }
0x75: {  	s1 =	rddreg [dreg:$0x1];
	p0 =	sne.s32 s2, $0x0  }
0x76: {  	s3 =	rddreg [dreg:$0x2];
	[bflag:$0x3] =	sbarrier.arrive $0xFFFF;
	s2 =	simm.s32 @!p0 $0x1C01  }
0x77: {  	[timem:s3], [sflag:s2] =	dma.local @!p0 [hbm:s0], s1  }
0x78: {  	s0 =	simm.s32 @!p0 $0x1  }
0x79: {  	_ =	swait.ge @!p0 [sflag:s0], s1  }
0x7a: {  	s1 =	ssub.s32 @!p0 $0x0, s1;
	[sflag:s0] =	ssyncset.done @!p0 $0x0  }
0x7b: {  	[sflag:s0] =	ssyncadd.s32 @!p0 s1  }
0x7c: {  	[bflag:$0x3] =	sbarrier.arrive $0xFFFF  }
0x7d: {  	_ =	shalt  }

</sc_bundles>
